<compile_context>
chip_gen: v7x
topology: tpu7x:2x2x1
jax: 0.10.2.dev20260603
libtpu: 0.0.44.dev20260713+nightly
codegen_flags: <defaults>
</compile_context>

<pallas_src>
import functools

import jax
import jax.numpy as jnp
from jax import lax
from jax.experimental import pallas as pl
from jax.experimental.pallas import tpu as pltpu
from jax.experimental.pallas import tpu_sc as plsc

N = 10000
NP = 10240
D = 128
E = 320000
OUT = 10
GRAPHS = 64
HID = 128
NC, NS = 2, 16
NW = NC * NS
CH = 80
ROWS2D = NW * CH
EPAD = ROWS2D * 128
RPT = NP // NS
RB = 2048
GRID = NP // RB
HP = lax.Precision.HIGHEST

_MESH = dict(core_axis_name="c", subcore_axis_name="s",
             num_cores=NC, num_subcores=NS)


def _sc_degree_body(dst2d, out, didx, ones_v, zrow, hist):
    c = lax.axis_index("c")
    s = lax.axis_index("s")
    w = s * NC + c

    def fill_zero(i, carry):
        zrow[pl.ds(i * 16, 16)] = jnp.zeros((16,), jnp.float32)
        return carry

    lax.fori_loop(0, RPT // 16, fill_zero, 0)
    for k in range(8):
        ones_v[pl.ds(k * 16, 16)] = jnp.ones((16,), jnp.float32)
    pltpu.sync_copy(zrow, hist.at[pl.ds(s * RPT, RPT)])
    pltpu.sync_copy(dst2d.at[pl.ds(w * CH, CH)], didx)
    plsc.subcore_barrier()

    def body(j, carry):
        pltpu.sync_copy(ones_v, hist.at[didx.at[j]], add=True)
        return carry

    lax.fori_loop(0, CH, body, 0)
    plsc.subcore_barrier()
    pltpu.sync_copy(hist.at[pl.ds(s * RPT, RPT)], out.at[c, pl.ds(s * RPT, RPT)])


SEGA = 16
NSEGA = CH // SEGA


def _sc_agg_body(g, src2d, dst2d, out, sa, sb, dseg, r0, r1, acc, s0, s1):
    c = lax.axis_index("c")
    s = lax.axis_index("s")
    bufs = (r0, r1)
    sems = (s0, s1)
    ssegs = (sa, sb)
    base = (s * NC + c) * CH

    def run_seg(t, issue_next):
        cur = ssegs[t % 2]
        nxt = ssegs[(t + 1) % 2]
        pltpu.sync_copy(dst2d.at[pl.ds(base + t * SEGA, SEGA)], dseg)
        if issue_next:
            pltpu.sync_copy(src2d.at[pl.ds(base + (t + 1) * SEGA, SEGA)], nxt)

        def pair(p, carry):
            for k in range(2):
                j = p * 2 + k
                pltpu.make_async_copy(g.at[cur.at[j]], bufs[k], sems[k]).wait()
                pltpu.sync_copy(bufs[k], acc.at[dseg.at[j]], add=True)
                pltpu.async_copy(g.at[cur.at[j + 2]], bufs[k], sems[k])
            return carry

        lax.fori_loop(0, SEGA // 2 - 1, pair, 0)
        for k in range(2):
            j = SEGA - 2 + k
            pltpu.make_async_copy(g.at[cur.at[j]], bufs[k], sems[k]).wait()
            pltpu.sync_copy(bufs[k], acc.at[dseg.at[j]], add=True)
            if issue_next:
                pltpu.async_copy(g.at[nxt.at[k]], bufs[k], sems[k])
            else:
                pltpu.async_copy(g.at[cur.at[SEGA - 1]], bufs[k], sems[k])

    def zfill(i, carry):
        r0[i // 8, pl.ds((i % 8) * 16, 16)] = jnp.zeros((16,), jnp.float32)
        return carry

    lax.fori_loop(0, 128 * 8, zfill, 0)
    for t in range(RPT // 128):
        pltpu.sync_copy(r0, acc.at[pl.ds(s * RPT + t * 128, 128)])
    pltpu.sync_copy(src2d.at[pl.ds(base, SEGA)], sa)
    plsc.subcore_barrier()

    pltpu.async_copy(g.at[sa.at[0]], r0, s0)
    pltpu.async_copy(g.at[sa.at[1]], r1, s1)

    for t in range(NSEGA):
        run_seg(t, t < NSEGA - 1)

    pltpu.make_async_copy(g.at[sa.at[0]], r0, s0).wait()
    pltpu.make_async_copy(g.at[sa.at[1]], r1, s1).wait()
    plsc.subcore_barrier()
    pltpu.sync_copy(acc.at[pl.ds(s * RPT, RPT)],
                    out.at[c, pl.ds(s * RPT, RPT)])


@functools.lru_cache(maxsize=None)
def _sc_kernels():
    mesh = plsc.VectorSubcoreMesh(**_MESH)
    sc_degree = pl.kernel(
        _sc_degree_body,
        out_type=jax.ShapeDtypeStruct((NC, NP), jnp.float32),
        mesh=mesh,
        scratch_types=[
            pltpu.VMEM((CH, 128), jnp.int32),
            pltpu.VMEM((128,), jnp.float32),
            pltpu.VMEM((RPT,), jnp.float32),
            pltpu.VMEM_SHARED((NP,), jnp.float32),
        ],
    )
    sc_agg = pl.kernel(
        _sc_agg_body,
        out_type=jax.ShapeDtypeStruct((NC, NP, D), jnp.float32),
        mesh=mesh,
        scratch_types=[
            pltpu.VMEM((SEGA, 128), jnp.int32),
            pltpu.VMEM((SEGA, 128), jnp.int32),
            pltpu.VMEM((SEGA, 128), jnp.int32),
            pltpu.VMEM((128, D), jnp.float32),
            pltpu.VMEM((128, D), jnp.float32),
            pltpu.VMEM_SHARED((NP, D), jnp.float32),
            pltpu.SemaphoreType.DMA,
            pltpu.SemaphoreType.DMA,
        ],
    )
    return sc_degree, sc_agg


def _dinv(deg_ref):
    deg = deg_ref[0, :] + deg_ref[1, :] + 1.0
    return 1.0 / jnp.sqrt(deg)


def _tc_g1(deg_ref, x_ref, w_ref, o_ref):
    dinv = _dinv(deg_ref)
    h = lax.dot_general(x_ref[...], w_ref[...], (((1,), (0,)), ((), ())),
                        precision=HP)
    o_ref[...] = h * dinv[:, None]


def _tc_mid(deg_ref, agg_ref, g_ref, w_ref, b_ref, o_ref):
    dinv = _dinv(deg_ref)
    tot = agg_ref[0] + agg_ref[1] + g_ref[...]
    h1 = jnp.maximum(tot * dinv[:, None] + b_ref[0, :][None, :], 0.0)
    h2 = lax.dot_general(h1, w_ref[...], (((1,), (0,)), ((), ())), precision=HP)
    o_ref[...] = h2 * dinv[:, None]


def _tc_final(deg_ref, agg_ref, g_ref, b2_ref, batch_ref, wv_ref, bv_ref,
              wo_ref, bo_ref, fw_ref, fb_ref, out_ref, acc, cnt):
    i = pl.program_id(0)
    dinv = _dinv(deg_ref)
    tot = agg_ref[0] + agg_ref[1] + g_ref[...]
    h = jnp.maximum(tot * dinv[:, None] + b2_ref[0, :][None, :], 0.0)
    b = batch_ref[0, 0, :]
    gi = lax.broadcasted_iota(jnp.int32, (GRAPHS, RB), 0)
    oh = (gi == b[None, :]).astype(jnp.float32)
    ps = lax.dot_general(oh, h, (((1,), (0,)), ((), ())), precision=HP)
    pc = jnp.broadcast_to(jnp.sum(oh, axis=1)[:, None], (GRAPHS, D))

    @pl.when(i == 0)
    def _():
        acc[...] = ps
        cnt[...] = pc

    @pl.when(i > 0)
    def _():
        acc[...] += ps
        cnt[...] += pc

    @pl.when(i == GRID - 1)
    def _():
        cvals = cnt[...]
        mean = acc[...] / jnp.maximum(cvals, 1.0)
        t = lax.dot_general(mean, wv_ref[...], (((1,), (0,)), ((), ())),
                            precision=HP)
        t = lax.dot_general(t, wo_ref[...], (((1,), (0,)), ((), ())),
                            precision=HP)
        bias2 = lax.dot_general(bv_ref[...], wo_ref[...],
                                (((1,), (0,)), ((), ())), precision=HP) + bo_ref[...]
        nz = jnp.where(cvals > 0.0, 1.0, 0.0)
        h2p = t + nz * bias2
        res = lax.dot_general(h2p, fw_ref[...], (((1,), (0,)), ((), ())),
                              precision=HP) + fb_ref[...]
        out_ref[...] = res


def kernel(x, edge_index, batch, W1, b1, W2, b2, in_proj_w, in_proj_b,
           out_proj_w, out_proj_b, fc_w, fc_b):
    f32 = jnp.float32
    src, dst = edge_index[0], edge_index[1]
    pad_e = EPAD - E
    pidx = jnp.arange(pad_e, dtype=jnp.int32)
    src2d = jnp.concatenate([src, pidx % N]).reshape(ROWS2D, 128)
    dst2d = jnp.concatenate([dst, N + pidx % (NP - N)]).reshape(ROWS2D, 128)
    xp = jnp.zeros((NP, D), f32).at[:N].set(x)
    batch3d = jnp.concatenate(
        [batch, jnp.full((NP - N,), GRAPHS, jnp.int32)]).reshape(GRID, 1, RB)

    _sc_degree, _sc_agg = _sc_kernels()
    degp = _sc_degree(dst2d)

    g1 = pl.pallas_call(
        _tc_g1, grid=(GRID,),
        in_specs=[pl.BlockSpec((2, RB), lambda i: (0, i)),
                  pl.BlockSpec((RB, D), lambda i: (i, 0)),
                  pl.BlockSpec((D, D), lambda i: (0, 0))],
        out_specs=pl.BlockSpec((RB, D), lambda i: (i, 0)),
        out_shape=jax.ShapeDtypeStruct((NP, D), f32),
    )(degp, xp, W1)

    agg1 = _sc_agg(g1, src2d, dst2d)

    g2 = pl.pallas_call(
        _tc_mid, grid=(GRID,),
        in_specs=[pl.BlockSpec((2, RB), lambda i: (0, i)),
                  pl.BlockSpec((2, RB, D), lambda i: (0, i, 0)),
                  pl.BlockSpec((RB, D), lambda i: (i, 0)),
                  pl.BlockSpec((D, D), lambda i: (0, 0)),
                  pl.BlockSpec((1, D), lambda i: (0, 0))],
        out_specs=pl.BlockSpec((RB, D), lambda i: (i, 0)),
        out_shape=jax.ShapeDtypeStruct((NP, D), f32),
    )(degp, agg1, g1, W2, b1.reshape(1, D))

    agg2 = _sc_agg(g2, src2d, dst2d)

    res = pl.pallas_call(
        _tc_final, grid=(GRID,),
        in_specs=[pl.BlockSpec((2, RB), lambda i: (0, i)),
                  pl.BlockSpec((2, RB, D), lambda i: (0, i, 0)),
                  pl.BlockSpec((RB, D), lambda i: (i, 0)),
                  pl.BlockSpec((1, D), lambda i: (0, 0)),
                  pl.BlockSpec((1, 1, RB), lambda i: (i, 0, 0)),
                  pl.BlockSpec((D, D), lambda i: (0, 0)),
                  pl.BlockSpec((1, D), lambda i: (0, 0)),
                  pl.BlockSpec((D, D), lambda i: (0, 0)),
                  pl.BlockSpec((1, D), lambda i: (0, 0)),
                  pl.BlockSpec((D, D), lambda i: (0, 0)),
                  pl.BlockSpec((1, D), lambda i: (0, 0))],
        out_specs=pl.BlockSpec((GRAPHS, D), lambda i: (0, 0)),
        out_shape=jax.ShapeDtypeStruct((GRAPHS, D), f32),
        scratch_shapes=[pltpu.VMEM((GRAPHS, D), f32),
                        pltpu.VMEM((GRAPHS, D), f32)],
    )(degp, agg2, g2, b2.reshape(1, D), batch3d,
      in_proj_w[2 * HID:].T, in_proj_b[2 * HID:].reshape(1, D),
      out_proj_w.T, out_proj_b.reshape(1, D),
      jnp.zeros((D, D), f32).at[:, :OUT].set(fc_w.T),
      jnp.zeros((1, D), f32).at[0, :OUT].set(fc_b))

    return res[:, :OUT]

# --- scband reference (transcript-rebuilt; emitter-appended) ---
"""Pipeline reference for scband-ansgn-90417651515758 (READ-ONLY COPY).

The authoritative reference and input builder live on the scoring server;
editing this copy changes nothing except your own understanding.
"""

import jax, jax.numpy as jnp
import numpy as np

N = 10000
E = 320000
D_IN = 128
HID = 128
OUT = 10
GRAPHS = 64
HEADS = 2


def setup_inputs(seed: int = 0) -> dict:
    key = jax.random.key(seed)
    ks = jax.random.split(key, 14)
    x = jax.random.normal(ks[0], (N, D_IN), dtype=jnp.float32)
    edge_index = jax.random.randint(ks[1], (2, E), 0, N, dtype=jnp.int32)
    batch = jnp.sort(jax.random.randint(ks[2], (N,), 0, GRAPHS, dtype=jnp.int32))
    s = 0.05
    W1 = jax.random.normal(ks[3], (D_IN, HID), dtype=jnp.float32) * s
    b1 = jax.random.normal(ks[4], (HID,), dtype=jnp.float32) * s
    W2 = jax.random.normal(ks[5], (HID, HID), dtype=jnp.float32) * s
    b2 = jax.random.normal(ks[6], (HID,), dtype=jnp.float32) * s
    in_proj_w = jax.random.normal(ks[7], (3 * HID, HID), dtype=jnp.float32) * s
    in_proj_b = jax.random.normal(ks[8], (3 * HID,), dtype=jnp.float32) * s
    out_proj_w = jax.random.normal(ks[9], (HID, HID), dtype=jnp.float32) * s
    out_proj_b = jax.random.normal(ks[10], (HID,), dtype=jnp.float32) * s
    fc_w = jax.random.normal(ks[11], (OUT, HID), dtype=jnp.float32) * s
    fc_b = jax.random.normal(ks[12], (OUT,), dtype=jnp.float32) * s
    return {"x": x, "edge_index": edge_index, "batch": batch,
            "W1": W1, "b1": b1, "W2": W2, "b2": b2,
            "in_proj_w": in_proj_w, "in_proj_b": in_proj_b,
            "out_proj_w": out_proj_w, "out_proj_b": out_proj_b,
            "fc_w": fc_w, "fc_b": fc_b}


def _gcn_conv(x, src, dst, W, b):
    # PyG GCNConv: x' = D^{-1/2}(A+I)D^{-1/2} X W + b, self-loops added
    n = x.shape[0]
    h = x @ W
    loop = jnp.arange(n, dtype=src.dtype)
    s = jnp.concatenate([src, loop])
    d = jnp.concatenate([dst, loop])
    deg = jnp.zeros((n,), h.dtype).at[d].add(1.0)
    dinv = jnp.where(deg > 0, 1.0 / jnp.sqrt(deg), 0.0)
    norm = dinv[s] * dinv[d]
    msg = h[s] * norm[:, None]
    out = jnp.zeros((n, h.shape[1]), h.dtype).at[d].add(msg)
    return out + b


def reference(x, edge_index, batch, W1, b1, W2, b2, in_proj_w, in_proj_b, out_proj_w, out_proj_b, fc_w, fc_b):
    src, dst = edge_index[0], edge_index[1]
    h = jax.nn.relu(_gcn_conv(x, src, dst, W1, b1))
    h = jax.nn.relu(_gcn_conv(h, src, dst, W2, b2))
    # MultiheadAttention with seq_len=1 (x.unsqueeze(1)): softmax over single key
    n = h.shape[0]
    q = h @ in_proj_w[:HID].T + in_proj_b[:HID]
    k = h @ in_proj_w[HID:2 * HID].T + in_proj_b[HID:2 * HID]
    v = h @ in_proj_w[2 * HID:].T + in_proj_b[2 * HID:]
    dh = HID // HEADS
    qh = q.reshape(n, HEADS, dh)
    kh = k.reshape(n, HEADS, dh)
    vh = v.reshape(n, HEADS, dh)
    scores = jnp.sum(qh * kh, axis=-1, keepdims=True) / jnp.sqrt(jnp.asarray(dh, h.dtype))
    attn = jax.nn.softmax(scores[..., None], axis=-1)  # (n, H, 1, 1), identically 1
    attn_out = (attn[..., 0] * vh).reshape(n, HID)
    h2 = attn_out @ out_proj_w.T + out_proj_b
    # global_mean_pool over batch assignment
    sums = jax.ops.segment_sum(h2, batch, num_segments=GRAPHS)
    counts = jax.ops.segment_sum(jnp.ones((n, 1), h2.dtype), batch, num_segments=GRAPHS)
    pooled = sums / jnp.maximum(counts, 1.0)
    return pooled @ fc_w.T + fc_b

if __name__ == "__main__":
    import jax
    _d = setup_inputs()
    print(jax.jit(kernel)(*tuple(_d.values())))

</pallas_src>

<mosaic_0001>
#map = affine_map<(d0, d1) -> (0, 0)>
#map1 = affine_map<(d0, d1) -> (0, 0, 0)>
module attributes {stable_mosaic.version = 14 : i64} {
  func.func @_sc_agg_body(%arg0: i32, %arg1: i32, %arg2: memref<10240x128xf32, #tpu.memory_space<hbm>>, %arg3: memref<2560x128xi32, #tpu.memory_space<hbm>>, %arg4: memref<2560x128xi32, #tpu.memory_space<hbm>>, %arg5: memref<2x10240x128xf32, #tpu.memory_space<hbm>>, %arg6: memref<16x128xi32, #tpu.memory_space<vmem>>, %arg7: memref<16x128xi32, #tpu.memory_space<vmem>>, %arg8: memref<16x128xi32, #tpu.memory_space<vmem>>, %arg9: memref<128x128xf32, #tpu.memory_space<vmem>>, %arg10: memref<128x128xf32, #tpu.memory_space<vmem>>, %arg11: memref<10240x128xf32, #tpu.memory_space<vmem_shared>>, %arg12: memref<!tpu.dma_semaphore, #tpu.memory_space<semaphore_mem>>, %arg13: memref<!tpu.dma_semaphore, #tpu.memory_space<semaphore_mem>>) attributes {dimension_semantics = [#tpu.dimension_semantics<core_parallel>, #tpu.dimension_semantics<subcore_parallel>], iteration_bounds = array<i64: 2, 16>, scalar_prefetch = 0 : i64, scratch_operands = 8 : i64, tpu.core_type = #tpu.core_type<sc_vector_subcore>, window_params = [{transform_indices = #map}, {transform_indices = #map}, {transform_indices = #map}, {transform_indices = #map1}]} {
    %mul3A = arith.constant 2 : i32
    %mul3A_0 = arith.muli %arg1, %mul3A : i32
    %add3A = arith.addi %mul3A_0, %arg0 : i32
    %mul3A_1 = arith.constant 80 : i32
    %mul3A_2 = arith.muli %add3A, %mul3A_1 : i32
    %scan3A = arith.constant 0 : i32
    %scan3A_3 = arith.constant 0 : i32
    %scan3A_4 = arith.constant 1024 : i32
    %scan3A_5 = arith.addi %scan3A_3, %scan3A_4 : i32
    %scan3A_6 = arith.constant 1 : i32
    scf.for %scan3A_256 = %scan3A_3 to %scan3A_5 step %scan3A_6  : i32 {
      %broadcast_in_dim3A = arith.constant 0.000000e+00 : f32
      %broadcast_in_dim3A_257 = vector.broadcast %broadcast_in_dim3A : f32 to vector<16xf32>
      %jit3A = arith.constant 8 : i32
      %div3A = arith.divsi %scan3A_256, %jit3A : i32
      %sign3A = arith.constant 0 : i32
      %sign3A_258 = arith.cmpi sgt, %scan3A_256, %sign3A : i32
      %sign3A_259 = arith.extui %sign3A_258 : i1 to i32
      %sign3A_260 = arith.constant 0 : i32
      %sign3A_261 = arith.cmpi slt, %scan3A_256, %sign3A_260 : i32
      %sign3A_262 = arith.extui %sign3A_261 : i1 to i32
      %sign3A_263 = arith.subi %sign3A_259, %sign3A_262 : i32
      %sign3A_264 = arith.constant 0 : i32
      %sign3A_265 = arith.cmpi sgt, %jit3A, %sign3A_264 : i32
      %sign3A_266 = arith.extui %sign3A_265 : i1 to i32
      %sign3A_267 = arith.constant 0 : i32
      %sign3A_268 = arith.cmpi slt, %jit3A, %sign3A_267 : i32
      %sign3A_269 = arith.extui %sign3A_268 : i1 to i32
      %sign3A_270 = arith.subi %sign3A_266, %sign3A_269 : i32
      %ne3A = arith.cmpi ne, %sign3A_263, %sign3A_270 : i32
      %rem3A = arith.remsi %scan3A_256, %jit3A : i32
      %ne3A_271 = arith.constant 0 : i32
      %ne3A_272 = arith.cmpi ne, %rem3A, %ne3A_271 : i32
      %and3A = arith.andi %ne3A, %ne3A_272 : i1
      %sub3A = arith.constant 1 : i32
      %sub3A_273 = arith.subi %div3A, %sub3A : i32
      %select_n3A = arith.select %and3A, %sub3A_273, %div3A : i32
      %jit3A_274 = arith.constant 8 : i32
      %eq3A = arith.constant 0 : i32
      %eq3A_275 = arith.cmpi eq, %jit3A_274, %eq3A : i32
      %jit3A_276 = arith.constant 1 : i32
      %select_n3A_277 = arith.select %eq3A_275, %jit3A_276, %jit3A_274 : i32
      %rem3A_278 = arith.remsi %scan3A_256, %select_n3A_277 : i32
      %ne3A_279 = arith.constant 0 : i32
      %ne3A_280 = arith.cmpi ne, %rem3A_278, %ne3A_279 : i32
      %lt3A = arith.constant 0 : i32
      %lt3A_281 = arith.cmpi slt, %rem3A_278, %lt3A : i32
      %lt3A_282 = arith.constant 0 : i32
      %lt3A_283 = arith.cmpi slt, %select_n3A_277, %lt3A_282 : i32
      %ne3A_284 = arith.xori %lt3A_281, %lt3A_283 : i1
      %and3A_285 = arith.andi %ne3A_284, %ne3A_280 : i1
      %add3A_286 = arith.addi %rem3A_278, %select_n3A_277 : i32
      %select_n3A_287 = arith.select %and3A_285, %add3A_286, %rem3A_278 : i32
      %mul3A_288 = arith.constant 16 : i32
      %mul3A_289 = arith.muli %select_n3A_287, %mul3A_288 : i32
      %swap3A = arith.index_cast %select_n3A : i32 to index
      %swap3A_290 = arith.index_cast %mul3A_289 : i32 to index
      %swap3A_291 = tpu.vector_load %arg9[%swap3A, %swap3A_290] {strides = array<i32>} : memref<128x128xf32, #tpu.memory_space<vmem>>, vector<1x16xf32>,
      %swap3A_292 = vector.shape_cast %swap3A_291 : vector<1x16xf32> to vector<16xf32>
      %swap3A_293 = vector.shape_cast %broadcast_in_dim3A_257 : vector<16xf32> to vector<1x16xf32>
      tpu.vector_store %arg9[%swap3A, %swap3A_290], %swap3A_293 {strides = array<i32>} : memref<128x128xf32, #tpu.memory_space<vmem>>, vector<1x16xf32>,
    }
    %scan3A_7 = arith.constant 1024 : i32
    %mul3A_8 = arith.constant 640 : i32
    %mul3A_9 = arith.muli %arg1, %mul3A_8 : i32
    %add3A_10 = arith.constant 0 : i32
    %add3A_11 = arith.addi %mul3A_9, %add3A_10 : i32
    "tpu.region"() ({
      %run_scoped3A_256 = tpu.sem_alloc : memref<!tpu.dma_semaphore, #tpu.memory_space<semaphore_mem>>
      %dma_start3A_257 = arith.constant 0 : i32
      %dma_start3A_258 = tpu.memref_slice %arg11[%add3A_11, %dma_start3A_257] : memref<10240x128xf32, #tpu.memory_space<vmem_shared>> -> memref<128x128xf32, #tpu.memory_space<vmem_shared>>
      %dma_start3A_259 = arith.constant 0 : i32
      %dma_start3A_260 = tpu.memref_slice %arg11[%add3A_11, %dma_start3A_259] : memref<10240x128xf32, #tpu.memory_space<vmem_shared>> -> memref<128x128xf32, #tpu.memory_space<vmem_shared>>
      tpu.enqueue_dma source(%arg9 : memref<128x128xf32, #tpu.memory_space<vmem>>) target(%dma_start3A_260 : memref<128x128xf32, #tpu.memory_space<vmem_shared>>) target_semaphore(%run_scoped3A_256 : memref<!tpu.dma_semaphore, #tpu.memory_space<semaphore_mem>>)
      %dma_wait3A_261 = arith.constant 0 : i32
      %dma_wait3A_262 = tpu.memref_slice %arg11[%add3A_11, %dma_wait3A_261] : memref<10240x128xf32, #tpu.memory_space<vmem_shared>> -> memref<128x128xf32, #tpu.memory_space<vmem_shared>>
      %dma_wait3A_263 = arith.constant 0 : i32
      %dma_wait3A_264 = tpu.memref_slice %arg11[%add3A_11, %dma_wait3A_263] : memref<10240x128xf32, #tpu.memory_space<vmem_shared>> -> memref<128x128xf32, #tpu.memory_space<vmem_shared>>
      tpu.wait_dma2 semaphore(%run_scoped3A_256 : memref<!tpu.dma_semaphore, #tpu.memory_space<semaphore_mem>>) src(%arg9 : memref<128x128xf32, #tpu.memory_space<vmem>>) dst(%dma_wait3A_264 : memref<128x128xf32, #tpu.memory_space<vmem_shared>>)
      tpu.yield
    }) : () -> ()
    %mul3A_12 = arith.constant 640 : i32
    %mul3A_13 = arith.muli %arg1, %mul3A_12 : i32
    %add3A_14 = arith.constant 128 : i32
    %add3A_15 = arith.addi %mul3A_13, %add3A_14 : i32
    "tpu.region"() ({
      %run_scoped3A_256 = tpu.sem_alloc : memref<!tpu.dma_semaphore, #tpu.memory_space<semaphore_mem>>
      %dma_start3A_257 = arith.constant 0 : i32
      %dma_start3A_258 = tpu.memref_slice %arg11[%add3A_15, %dma_start3A_257] : memref<10240x128xf32, #tpu.memory_space<vmem_shared>> -> memref<128x128xf32, #tpu.memory_space<vmem_shared>>
      %dma_start3A_259 = arith.constant 0 : i32
      %dma_start3A_260 = tpu.memref_slice %arg11[%add3A_15, %dma_start3A_259] : memref<10240x128xf32, #tpu.memory_space<vmem_shared>> -> memref<128x128xf32, #tpu.memory_space<vmem_shared>>
      tpu.enqueue_dma source(%arg9 : memref<128x128xf32, #tpu.memory_space<vmem>>) target(%dma_start3A_260 : memref<128x128xf32, #tpu.memory_space<vmem_shared>>) target_semaphore(%run_scoped3A_256 : memref<!tpu.dma_semaphore, #tpu.memory_space<semaphore_mem>>)
      %dma_wait3A_261 = arith.constant 0 : i32
      %dma_wait3A_262 = tpu.memref_slice %arg11[%add3A_15, %dma_wait3A_261] : memref<10240x128xf32, #tpu.memory_space<vmem_shared>> -> memref<128x128xf32, #tpu.memory_space<vmem_shared>>
      %dma_wait3A_263 = arith.constant 0 : i32
      %dma_wait3A_264 = tpu.memref_slice %arg11[%add3A_15, %dma_wait3A_263] : memref<10240x128xf32, #tpu.memory_space<vmem_shared>> -> memref<128x128xf32, #tpu.memory_space<vmem_shared>>
      tpu.wait_dma2 semaphore(%run_scoped3A_256 : memref<!tpu.dma_semaphore, #tpu.memory_space<semaphore_mem>>) src(%arg9 : memref<128x128xf32, #tpu.memory_space<vmem>>) dst(%dma_wait3A_264 : memref<128x128xf32, #tpu.memory_space<vmem_shared>>)
      tpu.yield
    }) : () -> ()
    %mul3A_16 = arith.constant 640 : i32
    %mul3A_17 = arith.muli %arg1, %mul3A_16 : i32
    %add3A_18 = arith.constant 256 : i32
    %add3A_19 = arith.addi %mul3A_17, %add3A_18 : i32
    "tpu.region"() ({
      %run_scoped3A_256 = tpu.sem_alloc : memref<!tpu.dma_semaphore, #tpu.memory_space<semaphore_mem>>
      %dma_start3A_257 = arith.constant 0 : i32
      %dma_start3A_258 = tpu.memref_slice %arg11[%add3A_19, %dma_start3A_257] : memref<10240x128xf32, #tpu.memory_space<vmem_shared>> -> memref<128x128xf32, #tpu.memory_space<vmem_shared>>
      %dma_start3A_259 = arith.constant 0 : i32
      %dma_start3A_260 = tpu.memref_slice %arg11[%add3A_19, %dma_start3A_259] : memref<10240x128xf32, #tpu.memory_space<vmem_shared>> -> memref<128x128xf32, #tpu.memory_space<vmem_shared>>
      tpu.enqueue_dma source(%arg9 : memref<128x128xf32, #tpu.memory_space<vmem>>) target(%dma_start3A_260 : memref<128x128xf32, #tpu.memory_space<vmem_shared>>) target_semaphore(%run_scoped3A_256 : memref<!tpu.dma_semaphore, #tpu.memory_space<semaphore_mem>>)
      %dma_wait3A_261 = arith.constant 0 : i32
      %dma_wait3A_262 = tpu.memref_slice %arg11[%add3A_19, %dma_wait3A_261] : memref<10240x128xf32, #tpu.memory_space<vmem_shared>> -> memref<128x128xf32, #tpu.memory_space<vmem_shared>>
      %dma_wait3A_263 = arith.constant 0 : i32
      %dma_wait3A_264 = tpu.memref_slice %arg11[%add3A_19, %dma_wait3A_263] : memref<10240x128xf32, #tpu.memory_space<vmem_shared>> -> memref<128x128xf32, #tpu.memory_space<vmem_shared>>
      tpu.wait_dma2 semaphore(%run_scoped3A_256 : memref<!tpu.dma_semaphore, #tpu.memory_space<semaphore_mem>>) src(%arg9 : memref<128x128xf32, #tpu.memory_space<vmem>>) dst(%dma_wait3A_264 : memref<128x128xf32, #tpu.memory_space<vmem_shared>>)
      tpu.yield
    }) : () -> ()
    %mul3A_20 = arith.constant 640 : i32
    %mul3A_21 = arith.muli %arg1, %mul3A_20 : i32
    %add3A_22 = arith.constant 384 : i32
    %add3A_23 = arith.addi %mul3A_21, %add3A_22 : i32
    "tpu.region"() ({
      %run_scoped3A_256 = tpu.sem_alloc : memref<!tpu.dma_semaphore, #tpu.memory_space<semaphore_mem>>
      %dma_start3A_257 = arith.constant 0 : i32
      %dma_start3A_258 = tpu.memref_slice %arg11[%add3A_23, %dma_start3A_257] : memref<10240x128xf32, #tpu.memory_space<vmem_shared>> -> memref<128x128xf32, #tpu.memory_space<vmem_shared>>
      %dma_start3A_259 = arith.constant 0 : i32
      %dma_start3A_260 = tpu.memref_slice %arg11[%add3A_23, %dma_start3A_259] : memref<10240x128xf32, #tpu.memory_space<vmem_shared>> -> memref<128x128xf32, #tpu.memory_space<vmem_shared>>
      tpu.enqueue_dma source(%arg9 : memref<128x128xf32, #tpu.memory_space<vmem>>) target(%dma_start3A_260 : memref<128x128xf32, #tpu.memory_space<vmem_shared>>) target_semaphore(%run_scoped3A_256 : memref<!tpu.dma_semaphore, #tpu.memory_space<semaphore_mem>>)
      %dma_wait3A_261 = arith.constant 0 : i32
      %dma_wait3A_262 = tpu.memref_slice %arg11[%add3A_23, %dma_wait3A_261] : memref<10240x128xf32, #tpu.memory_space<vmem_shared>> -> memref<128x128xf32, #tpu.memory_space<vmem_shared>>
      %dma_wait3A_263 = arith.constant 0 : i32
      %dma_wait3A_264 = tpu.memref_slice %arg11[%add3A_23, %dma_wait3A_263] : memref<10240x128xf32, #tpu.memory_space<vmem_shared>> -> memref<128x128xf32, #tpu.memory_space<vmem_shared>>
      tpu.wait_dma2 semaphore(%run_scoped3A_256 : memref<!tpu.dma_semaphore, #tpu.memory_space<semaphore_mem>>) src(%arg9 : memref<128x128xf32, #tpu.memory_space<vmem>>) dst(%dma_wait3A_264 : memref<128x128xf32, #tpu.memory_space<vmem_shared>>)
      tpu.yield
    }) : () -> ()
    %mul3A_24 = arith.constant 640 : i32
    %mul3A_25 = arith.muli %arg1, %mul3A_24 : i32
    %add3A_26 = arith.constant 512 : i32
    %add3A_27 = arith.addi %mul3A_25, %add3A_26 : i32
    "tpu.region"() ({
      %run_scoped3A_256 = tpu.sem_alloc : memref<!tpu.dma_semaphore, #tpu.memory_space<semaphore_mem>>
      %dma_start3A_257 = arith.constant 0 : i32
      %dma_start3A_258 = tpu.memref_slice %arg11[%add3A_27, %dma_start3A_257] : memref<10240x128xf32, #tpu.memory_space<vmem_shared>> -> memref<128x128xf32, #tpu.memory_space<vmem_shared>>
      %dma_start3A_259 = arith.constant 0 : i32
      %dma_start3A_260 = tpu.memref_slice %arg11[%add3A_27, %dma_start3A_259] : memref<10240x128xf32, #tpu.memory_space<vmem_shared>> -> memref<128x128xf32, #tpu.memory_space<vmem_shared>>
      tpu.enqueue_dma source(%arg9 : memref<128x128xf32, #tpu.memory_space<vmem>>) target(%dma_start3A_260 : memref<128x128xf32, #tpu.memory_space<vmem_shared>>) target_semaphore(%run_scoped3A_256 : memref<!tpu.dma_semaphore, #tpu.memory_space<semaphore_mem>>)
      %dma_wait3A_261 = arith.constant 0 : i32
      %dma_wait3A_262 = tpu.memref_slice %arg11[%add3A_27, %dma_wait3A_261] : memref<10240x128xf32, #tpu.memory_space<vmem_shared>> -> memref<128x128xf32, #tpu.memory_space<vmem_shared>>
      %dma_wait3A_263 = arith.constant 0 : i32
      %dma_wait3A_264 = tpu.memref_slice %arg11[%add3A_27, %dma_wait3A_263] : memref<10240x128xf32, #tpu.memory_space<vmem_shared>> -> memref<128x128xf32, #tpu.memory_space<vmem_shared>>
      tpu.wait_dma2 semaphore(%run_scoped3A_256 : memref<!tpu.dma_semaphore, #tpu.memory_space<semaphore_mem>>) src(%arg9 : memref<128x128xf32, #tpu.memory_space<vmem>>) dst(%dma_wait3A_264 : memref<128x128xf32, #tpu.memory_space<vmem_shared>>)
      tpu.yield
    }) : () -> ()
    "tpu.region"() ({
      %run_scoped3A_256 = tpu.sem_alloc : memref<!tpu.dma_semaphore, #tpu.memory_space<semaphore_mem>>
      %dma_start3A_257 = arith.constant 0 : i32
      %dma_start3A_258 = tpu.memref_slice %arg3[%mul3A_2, %dma_start3A_257] : memref<2560x128xi32, #tpu.memory_space<hbm>> -> memref<16x128xi32, #tpu.memory_space<hbm>>
      %dma_start3A_259 = arith.constant 0 : i32
      %dma_start3A_260 = tpu.memref_slice %arg3[%mul3A_2, %dma_start3A_259] : memref<2560x128xi32, #tpu.memory_space<hbm>> -> memref<16x128xi32, #tpu.memory_space<hbm>>
      tpu.enqueue_dma source(%dma_start3A_260 : memref<16x128xi32, #tpu.memory_space<hbm>>) target(%arg6 : memref<16x128xi32, #tpu.memory_space<vmem>>) target_semaphore(%run_scoped3A_256 : memref<!tpu.dma_semaphore, #tpu.memory_space<semaphore_mem>>)
      %dma_wait3A_261 = arith.constant 0 : i32
      %dma_wait3A_262 = tpu.memref_slice %arg3[%mul3A_2, %dma_wait3A_261] : memref<2560x128xi32, #tpu.memory_space<hbm>> -> memref<16x128xi32, #tpu.memory_space<hbm>>
      %dma_wait3A_263 = arith.constant 0 : i32
      %dma_wait3A_264 = tpu.memref_slice %arg3[%mul3A_2, %dma_wait3A_263] : memref<2560x128xi32, #tpu.memory_space<hbm>> -> memref<16x128xi32, #tpu.memory_space<hbm>>
      tpu.wait_dma2 semaphore(%run_scoped3A_256 : memref<!tpu.dma_semaphore, #tpu.memory_space<semaphore_mem>>) src(%dma_wait3A_264 : memref<16x128xi32, #tpu.memory_space<hbm>>) dst(%arg6 : memref<16x128xi32, #tpu.memory_space<vmem>>)
      tpu.yield
    }) : () -> ()
    %barrier3A = arith.constant 0 : index
    tpu.barrier barrier_id(%barrier3A)
    %dma_start3A = arith.constant 0 : i32
    %dma_start3A_28 = arith.constant 0 : i32
    %dma_start3A_29 = tpu.memref_slice %arg6[%dma_start3A, %dma_start3A_28] : memref<16x128xi32, #tpu.memory_space<vmem>> -> memref<1x128xi32, #tpu.memory_space<vmem>>
    %dma_start3A_30 = tpu.memref_squeeze %dma_start3A_29 : memref<1x128xi32, #tpu.memory_space<vmem>> -> memref<128xi32, #tpu.memory_space<vmem>>
    %dma_start3A_31 = arith.constant 0 : i32
    %dma_start3A_32 = arith.constant 0 : i32
    %dma_start3A_33 = tpu.memref_slice %arg2[%dma_start3A_31, %dma_start3A_32] : memref<10240x128xf32, #tpu.memory_space<hbm>> -> memref<10240x128xf32, #tpu.memory_space<hbm>>
    tpu.enqueue_indirect_dma source(%dma_start3A_33 : memref<10240x128xf32, #tpu.memory_space<hbm>>) target(%arg9 : memref<128x128xf32, #tpu.memory_space<vmem>>) offsets(%dma_start3A_30 : memref<128xi32, #tpu.memory_space<vmem>>) semaphore(%arg12 : memref<!tpu.dma_semaphore, #tpu.memory_space<semaphore_mem>>)
    %dma_start3A_34 = arith.constant 1 : i32
    %dma_start3A_35 = arith.constant 0 : i32
    %dma_start3A_36 = tpu.memref_slice %arg6[%dma_start3A_34, %dma_start3A_35] : memref<16x128xi32, #tpu.memory_space<vmem>> -> memref<1x128xi32, #tpu.memory_space<vmem>>
    %dma_start3A_37 = tpu.memref_squeeze %dma_start3A_36 : memref<1x128xi32, #tpu.memory_space<vmem>> -> memref<128xi32, #tpu.memory_space<vmem>>
    %dma_start3A_38 = arith.constant 0 : i32
    %dma_start3A_39 = arith.constant 0 : i32
    %dma_start3A_40 = tpu.memref_slice %arg2[%dma_start3A_38, %dma_start3A_39] : memref<10240x128xf32, #tpu.memory_space<hbm>> -> memref<10240x128xf32, #tpu.memory_space<hbm>>
    tpu.enqueue_indirect_dma source(%dma_start3A_40 : memref<10240x128xf32, #tpu.memory_space<hbm>>) target(%arg10 : memref<128x128xf32, #tpu.memory_space<vmem>>) offsets(%dma_start3A_37 : memref<128xi32, #tpu.memory_space<vmem>>) semaphore(%arg13 : memref<!tpu.dma_semaphore, #tpu.memory_space<semaphore_mem>>)
    %add3A_41 = arith.constant 0 : i32
    %add3A_42 = arith.addi %mul3A_2, %add3A_41 : i32
    "tpu.region"() ({
      %run_scoped3A_256 = tpu.sem_alloc : memref<!tpu.dma_semaphore, #tpu.memory_space<semaphore_mem>>
      %dma_start3A_257 = arith.constant 0 : i32
      %dma_start3A_258 = tpu.memref_slice %arg4[%add3A_42, %dma_start3A_257] : memref<2560x128xi32, #tpu.memory_space<hbm>> -> memref<16x128xi32, #tpu.memory_space<hbm>>
      %dma_start3A_259 = arith.constant 0 : i32
      %dma_start3A_260 = tpu.memref_slice %arg4[%add3A_42, %dma_start3A_259] : memref<2560x128xi32, #tpu.memory_space<hbm>> -> memref<16x128xi32, #tpu.memory_space<hbm>>
      tpu.enqueue_dma source(%dma_start3A_260 : memref<16x128xi32, #tpu.memory_space<hbm>>) target(%arg8 : memref<16x128xi32, #tpu.memory_space<vmem>>) target_semaphore(%run_scoped3A_256 : memref<!tpu.dma_semaphore, #tpu.memory_space<semaphore_mem>>)
      %dma_wait3A_261 = arith.constant 0 : i32
      %dma_wait3A_262 = tpu.memref_slice %arg4[%add3A_42, %dma_wait3A_261] : memref<2560x128xi32, #tpu.memory_space<hbm>> -> memref<16x128xi32, #tpu.memory_space<hbm>>
      %dma_wait3A_263 = arith.constant 0 : i32
      %dma_wait3A_264 = tpu.memref_slice %arg4[%add3A_42, %dma_wait3A_263] : memref<2560x128xi32, #tpu.memory_space<hbm>> -> memref<16x128xi32, #tpu.memory_space<hbm>>
      tpu.wait_dma2 semaphore(%run_scoped3A_256 : memref<!tpu.dma_semaphore, #tpu.memory_space<semaphore_mem>>) src(%dma_wait3A_264 : memref<16x128xi32, #tpu.memory_space<hbm>>) dst(%arg8 : memref<16x128xi32, #tpu.memory_space<vmem>>)
      tpu.yield
    }) : () -> ()
    %add3A_43 = arith.constant 16 : i32
    %add3A_44 = arith.addi %mul3A_2, %add3A_43 : i32
    "tpu.region"() ({
      %run_scoped3A_256 = tpu.sem_alloc : memref<!tpu.dma_semaphore, #tpu.memory_space<semaphore_mem>>
      %dma_start3A_257 = arith.constant 0 : i32
      %dma_start3A_258 = tpu.memref_slice %arg3[%add3A_44, %dma_start3A_257] : memref<2560x128xi32, #tpu.memory_space<hbm>> -> memref<16x128xi32, #tpu.memory_space<hbm>>
      %dma_start3A_259 = arith.constant 0 : i32
      %dma_start3A_260 = tpu.memref_slice %arg3[%add3A_44, %dma_start3A_259] : memref<2560x128xi32, #tpu.memory_space<hbm>> -> memref<16x128xi32, #tpu.memory_space<hbm>>
      tpu.enqueue_dma source(%dma_start3A_260 : memref<16x128xi32, #tpu.memory_space<hbm>>) target(%arg7 : memref<16x128xi32, #tpu.memory_space<vmem>>) target_semaphore(%run_scoped3A_256 : memref<!tpu.dma_semaphore, #tpu.memory_space<semaphore_mem>>)
      %dma_wait3A_261 = arith.constant 0 : i32
      %dma_wait3A_262 = tpu.memref_slice %arg3[%add3A_44, %dma_wait3A_261] : memref<2560x128xi32, #tpu.memory_space<hbm>> -> memref<16x128xi32, #tpu.memory_space<hbm>>
      %dma_wait3A_263 = arith.constant 0 : i32
      %dma_wait3A_264 = tpu.memref_slice %arg3[%add3A_44, %dma_wait3A_263] : memref<2560x128xi32, #tpu.memory_space<hbm>> -> memref<16x128xi32, #tpu.memory_space<hbm>>
      tpu.wait_dma2 semaphore(%run_scoped3A_256 : memref<!tpu.dma_semaphore, #tpu.memory_space<semaphore_mem>>) src(%dma_wait3A_264 : memref<16x128xi32, #tpu.memory_space<hbm>>) dst(%arg7 : memref<16x128xi32, #tpu.memory_space<vmem>>)
      tpu.yield
    }) : () -> ()
    %scan3A_45 = arith.constant 0 : i32
    %scan3A_46 = arith.constant 0 : i32
    %scan3A_47 = arith.constant 7 : i32
    %scan3A_48 = arith.addi %scan3A_46, %scan3A_47 : i32
    %scan3A_49 = arith.constant 1 : i32
    scf.for %scan3A_256 = %scan3A_46 to %scan3A_48 step %scan3A_49  : i32 {
      %mul3A_257 = arith.constant 2 : i32
      %mul3A_258 = arith.muli %scan3A_256, %mul3A_257 : i32
      %add3A_259 = arith.constant 0 : i32
      %add3A_260 = arith.addi %mul3A_258, %add3A_259 : i32
      %dma_wait3A_261 = arith.constant 0 : i32
      %dma_wait3A_262 = tpu.memref_slice %arg6[%add3A_260, %dma_wait3A_261] : memref<16x128xi32, #tpu.memory_space<vmem>> -> memref<1x128xi32, #tpu.memory_space<vmem>>
      %dma_wait3A_263 = tpu.memref_squeeze %dma_wait3A_262 : memref<1x128xi32, #tpu.memory_space<vmem>> -> memref<128xi32, #tpu.memory_space<vmem>>
      %dma_wait3A_264 = arith.constant 0 : i32
      %dma_wait3A_265 = arith.constant 0 : i32
      %dma_wait3A_266 = tpu.memref_slice %arg2[%dma_wait3A_264, %dma_wait3A_265] : memref<10240x128xf32, #tpu.memory_space<hbm>> -> memref<10240x128xf32, #tpu.memory_space<hbm>>
      tpu.wait_indirect_dma semaphore(%arg12 : memref<!tpu.dma_semaphore, #tpu.memory_space<semaphore_mem>>) src(%dma_wait3A_266 : memref<10240x128xf32, #tpu.memory_space<hbm>>) dst(%arg9 : memref<128x128xf32, #tpu.memory_space<vmem>>)
      "tpu.region"() ({
        %run_scoped3A_293 = tpu.sem_alloc : memref<!tpu.dma_semaphore, #tpu.memory_space<semaphore_mem>>
        %dma_start3A_294 = arith.constant 0 : i32
        %dma_start3A_295 = tpu.memref_slice %arg8[%add3A_260, %dma_start3A_294] : memref<16x128xi32, #tpu.memory_space<vmem>> -> memref<1x128xi32, #tpu.memory_space<vmem>>
        %dma_start3A_296 = tpu.memref_squeeze %dma_start3A_295 : memref<1x128xi32, #tpu.memory_space<vmem>> -> memref<128xi32, #tpu.memory_space<vmem>>
        %dma_start3A_297 = arith.constant 0 : i32
        %dma_start3A_298 = arith.constant 0 : i32
        %dma_start3A_299 = tpu.memref_slice %arg11[%dma_start3A_297, %dma_start3A_298] : memref<10240x128xf32, #tpu.memory_space<vmem_shared>> -> memref<10240x128xf32, #tpu.memory_space<vmem_shared>>
        tpu.enqueue_indirect_dma source(%arg9 : memref<128x128xf32, #tpu.memory_space<vmem>>) target(%dma_start3A_299 : memref<10240x128xf32, #tpu.memory_space<vmem_shared>>) offsets(%dma_start3A_296 : memref<128xi32, #tpu.memory_space<vmem>>) semaphore(%run_scoped3A_293 : memref<!tpu.dma_semaphore, #tpu.memory_space<semaphore_mem>>) {add = true}
        %dma_wait3A_300 = arith.constant 0 : i32
        %dma_wait3A_301 = tpu.memref_slice %arg8[%add3A_260, %dma_wait3A_300] : memref<16x128xi32, #tpu.memory_space<vmem>> -> memref<1x128xi32, #tpu.memory_space<vmem>>
        %dma_wait3A_302 = tpu.memref_squeeze %dma_wait3A_301 : memref<1x128xi32, #tpu.memory_space<vmem>> -> memref<128xi32, #tpu.memory_space<vmem>>
        %dma_wait3A_303 = arith.constant 0 : i32
        %dma_wait3A_304 = arith.constant 0 : i32
        %dma_wait3A_305 = tpu.memref_slice %arg11[%dma_wait3A_303, %dma_wait3A_304] : memref<10240x128xf32, #tpu.memory_space<vmem_shared>> -> memref<10240x128xf32, #tpu.memory_space<vmem_shared>>
        tpu.wait_indirect_dma semaphore(%run_scoped3A_293 : memref<!tpu.dma_semaphore, #tpu.memory_space<semaphore_mem>>) src(%arg9 : memref<128x128xf32, #tpu.memory_space<vmem>>) dst(%dma_wait3A_305 : memref<10240x128xf32, #tpu.memory_space<vmem_shared>>)
        tpu.yield
      }) : () -> ()
      %add3A_267 = arith.constant 2 : i32
      %add3A_268 = arith.addi %add3A_260, %add3A_267 : i32
      %dma_start3A_269 = arith.constant 0 : i32
      %dma_start3A_270 = tpu.memref_slice %arg6[%add3A_268, %dma_start3A_269] : memref<16x128xi32, #tpu.memory_space<vmem>> -> memref<1x128xi32, #tpu.memory_space<vmem>>
      %dma_start3A_271 = tpu.memref_squeeze %dma_start3A_270 : memref<1x128xi32, #tpu.memory_space<vmem>> -> memref<128xi32, #tpu.memory_space<vmem>>
      %dma_start3A_272 = arith.constant 0 : i32
      %dma_start3A_273 = arith.constant 0 : i32
      %dma_start3A_274 = tpu.memref_slice %arg2[%dma_start3A_272, %dma_start3A_273] : memref<10240x128xf32, #tpu.memory_space<hbm>> -> memref<10240x128xf32, #tpu.memory_space<hbm>>
      tpu.enqueue_indirect_dma source(%dma_start3A_274 : memref<10240x128xf32, #tpu.memory_space<hbm>>) target(%arg9 : memref<128x128xf32, #tpu.memory_space<vmem>>) offsets(%dma_start3A_271 : memref<128xi32, #tpu.memory_space<vmem>>) semaphore(%arg12 : memref<!tpu.dma_semaphore, #tpu.memory_space<semaphore_mem>>)
      %mul3A_275 = arith.constant 2 : i32
      %mul3A_276 = arith.muli %scan3A_256, %mul3A_275 : i32
      %add3A_277 = arith.constant 1 : i32
      %add3A_278 = arith.addi %mul3A_276, %add3A_277 : i32
      %dma_wait3A_279 = arith.constant 0 : i32
      %dma_wait3A_280 = tpu.memref_slice %arg6[%add3A_278, %dma_wait3A_279] : memref<16x128xi32, #tpu.memory_space<vmem>> -> memref<1x128xi32, #tpu.memory_space<vmem>>
      %dma_wait3A_281 = tpu.memref_squeeze %dma_wait3A_280 : memref<1x128xi32, #tpu.memory_space<vmem>> -> memref<128xi32, #tpu.memory_space<vmem>>
      %dma_wait3A_282 = arith.constant 0 : i32
      %dma_wait3A_283 = arith.constant 0 : i32
      %dma_wait3A_284 = tpu.memref_slice %arg2[%dma_wait3A_282, %dma_wait3A_283] : memref<10240x128xf32, #tpu.memory_space<hbm>> -> memref<10240x128xf32, #tpu.memory_space<hbm>>
      tpu.wait_indirect_dma semaphore(%arg13 : memref<!tpu.dma_semaphore, #tpu.memory_space<semaphore_mem>>) src(%dma_wait3A_284 : memref<10240x128xf32, #tpu.memory_space<hbm>>) dst(%arg10 : memref<128x128xf32, #tpu.memory_space<vmem>>)
      "tpu.region"() ({
        %run_scoped3A_293 = tpu.sem_alloc : memref<!tpu.dma_semaphore, #tpu.memory_space<semaphore_mem>>
        %dma_start3A_294 = arith.constant 0 : i32
        %dma_start3A_295 = tpu.memref_slice %arg8[%add3A_278, %dma_start3A_294] : memref<16x128xi32, #tpu.memory_space<vmem>> -> memref<1x128xi32, #tpu.memory_space<vmem>>
        %dma_start3A_296 = tpu.memref_squeeze %dma_start3A_295 : memref<1x128xi32, #tpu.memory_space<vmem>> -> memref<128xi32, #tpu.memory_space<vmem>>
        %dma_start3A_297 = arith.constant 0 : i32
        %dma_start3A_298 = arith.constant 0 : i32
        %dma_start3A_299 = tpu.memref_slice %arg11[%dma_start3A_297, %dma_start3A_298] : memref<10240x128xf32, #tpu.memory_space<vmem_shared>> -> memref<10240x128xf32, #tpu.memory_space<vmem_shared>>
        tpu.enqueue_indirect_dma source(%arg10 : memref<128x128xf32, #tpu.memory_space<vmem>>) target(%dma_start3A_299 : memref<10240x128xf32, #tpu.memory_space<vmem_shared>>) offsets(%dma_start3A_296 : memref<128xi32, #tpu.memory_space<vmem>>) semaphore(%run_scoped3A_293 : memref<!tpu.dma_semaphore, #tpu.memory_space<semaphore_mem>>) {add = true}
        %dma_wait3A_300 = arith.constant 0 : i32
        %dma_wait3A_301 = tpu.memref_slice %arg8[%add3A_278, %dma_wait3A_300] : memref<16x128xi32, #tpu.memory_space<vmem>> -> memref<1x128xi32, #tpu.memory_space<vmem>>
        %dma_wait3A_302 = tpu.memref_squeeze %dma_wait3A_301 : memref<1x128xi32, #tpu.memory_space<vmem>> -> memref<128xi32, #tpu.memory_space<vmem>>
        %dma_wait3A_303 = arith.constant 0 : i32
        %dma_wait3A_304 = arith.constant 0 : i32
        %dma_wait3A_305 = tpu.memref_slice %arg11[%dma_wait3A_303, %dma_wait3A_304] : memref<10240x128xf32, #tpu.memory_space<vmem_shared>> -> memref<10240x128xf32, #tpu.memory_space<vmem_shared>>
        tpu.wait_indirect_dma semaphore(%run_scoped3A_293 : memref<!tpu.dma_semaphore, #tpu.memory_space<semaphore_mem>>) src(%arg10 : memref<128x128xf32, #tpu.memory_space<vmem>>) dst(%dma_wait3A_305 : memref<10240x128xf32, #tpu.memory_space<vmem_shared>>)
        tpu.yield
      }) : () -> ()
      %add3A_285 = arith.constant 2 : i32
      %add3A_286 = arith.addi %add3A_278, %add3A_285 : i32
      %dma_start3A_287 = arith.constant 0 : i32
      %dma_start3A_288 = tpu.memref_slice %arg6[%add3A_286, %dma_start3A_287] : memref<16x128xi32, #tpu.memory_space<vmem>> -> memref<1x128xi32, #tpu.memory_space<vmem>>
      %dma_start3A_289 = tpu.memref_squeeze %dma_start3A_288 : memref<1x128xi32, #tpu.memory_space<vmem>> -> memref<128xi32, #tpu.memory_space<vmem>>
      %dma_start3A_290 = arith.constant 0 : i32
      %dma_start3A_291 = arith.constant 0 : i32
      %dma_start3A_292 = tpu.memref_slice %arg2[%dma_start3A_290, %dma_start3A_291] : memref<10240x128xf32, #tpu.memory_space<hbm>> -> memref<10240x128xf32, #tpu.memory_space<hbm>>
      tpu.enqueue_indirect_dma source(%dma_start3A_292 : memref<10240x128xf32, #tpu.memory_space<hbm>>) target(%arg10 : memref<128x128xf32, #tpu.memory_space<vmem>>) offsets(%dma_start3A_289 : memref<128xi32, #tpu.memory_space<vmem>>) semaphore(%arg13 : memref<!tpu.dma_semaphore, #tpu.memory_space<semaphore_mem>>)
    }
    %scan3A_50 = arith.constant 7 : i32
    %dma_wait3A = arith.constant 14 : i32
    %dma_wait3A_51 = arith.constant 0 : i32
    %dma_wait3A_52 = tpu.memref_slice %arg6[%dma_wait3A, %dma_wait3A_51] : memref<16x128xi32, #tpu.memory_space<vmem>> -> memref<1x128xi32, #tpu.memory_space<vmem>>
    %dma_wait3A_53 = tpu.memref_squeeze %dma_wait3A_52 : memref<1x128xi32, #tpu.memory_space<vmem>> -> memref<128xi32, #tpu.memory_space<vmem>>
    %dma_wait3A_54 = arith.constant 0 : i32
    %dma_wait3A_55 = arith.constant 0 : i32
    %dma_wait3A_56 = tpu.memref_slice %arg2[%dma_wait3A_54, %dma_wait3A_55] : memref<10240x128xf32, #tpu.memory_space<hbm>> -> memref<10240x128xf32, #tpu.memory_space<hbm>>
    tpu.wait_indirect_dma semaphore(%arg12 : memref<!tpu.dma_semaphore, #tpu.memory_space<semaphore_mem>>) src(%dma_wait3A_56 : memref<10240x128xf32, #tpu.memory_space<hbm>>) dst(%arg9 : memref<128x128xf32, #tpu.memory_space<vmem>>)
    %run_scoped3A = arith.constant 14 : i32
    "tpu.region"() ({
      %run_scoped3A_256 = tpu.sem_alloc : memref<!tpu.dma_semaphore, #tpu.memory_space<semaphore_mem>>
      %dma_start3A_257 = arith.constant 0 : i32
      %dma_start3A_258 = tpu.memref_slice %arg8[%run_scoped3A, %dma_start3A_257] : memref<16x128xi32, #tpu.memory_space<vmem>> -> memref<1x128xi32, #tpu.memory_space<vmem>>
      %dma_start3A_259 = tpu.memref_squeeze %dma_start3A_258 : memref<1x128xi32, #tpu.memory_space<vmem>> -> memref<128xi32, #tpu.memory_space<vmem>>
      %dma_start3A_260 = arith.constant 0 : i32
      %dma_start3A_261 = arith.constant 0 : i32
      %dma_start3A_262 = tpu.memref_slice %arg11[%dma_start3A_260, %dma_start3A_261] : memref<10240x128xf32, #tpu.memory_space<vmem_shared>> -> memref<10240x128xf32, #tpu.memory_space<vmem_shared>>
      tpu.enqueue_indirect_dma source(%arg9 : memref<128x128xf32, #tpu.memory_space<vmem>>) target(%dma_start3A_262 : memref<10240x128xf32, #tpu.memory_space<vmem_shared>>) offsets(%dma_start3A_259 : memref<128xi32, #tpu.memory_space<vmem>>) semaphore(%run_scoped3A_256 : memref<!tpu.dma_semaphore, #tpu.memory_space<semaphore_mem>>) {add = true}
      %dma_wait3A_263 = arith.constant 0 : i32
      %dma_wait3A_264 = tpu.memref_slice %arg8[%run_scoped3A, %dma_wait3A_263] : memref<16x128xi32, #tpu.memory_space<vmem>> -> memref<1x128xi32, #tpu.memory_space<vmem>>
      %dma_wait3A_265 = tpu.memref_squeeze %dma_wait3A_264 : memref<1x128xi32, #tpu.memory_space<vmem>> -> memref<128xi32, #tpu.memory_space<vmem>>
      %dma_wait3A_266 = arith.constant 0 : i32
      %dma_wait3A_267 = arith.constant 0 : i32
      %dma_wait3A_268 = tpu.memref_slice %arg11[%dma_wait3A_266, %dma_wait3A_267] : memref<10240x128xf32, #tpu.memory_space<vmem_shared>> -> memref<10240x128xf32, #tpu.memory_space<vmem_shared>>
      tpu.wait_indirect_dma semaphore(%run_scoped3A_256 : memref<!tpu.dma_semaphore, #tpu.memory_space<semaphore_mem>>) src(%arg9 : memref<128x128xf32, #tpu.memory_space<vmem>>) dst(%dma_wait3A_268 : memref<10240x128xf32, #tpu.memory_space<vmem_shared>>)
      tpu.yield
    }) : () -> ()
    %dma_start3A_57 = arith.constant 0 : i32
    %dma_start3A_58 = arith.constant 0 : i32
    %dma_start3A_59 = tpu.memref_slice %arg7[%dma_start3A_57, %dma_start3A_58] : memref<16x128xi32, #tpu.memory_space<vmem>> -> memref<1x128xi32, #tpu.memory_space<vmem>>
    %dma_start3A_60 = tpu.memref_squeeze %dma_start3A_59 : memref<1x128xi32, #tpu.memory_space<vmem>> -> memref<128xi32, #tpu.memory_space<vmem>>
    %dma_start3A_61 = arith.constant 0 : i32
    %dma_start3A_62 = arith.constant 0 : i32
    %dma_start3A_63 = tpu.memref_slice %arg2[%dma_start3A_61, %dma_start3A_62] : memref<10240x128xf32, #tpu.memory_space<hbm>> -> memref<10240x128xf32, #tpu.memory_space<hbm>>
    tpu.enqueue_indirect_dma source(%dma_start3A_63 : memref<10240x128xf32, #tpu.memory_space<hbm>>) target(%arg9 : memref<128x128xf32, #tpu.memory_space<vmem>>) offsets(%dma_start3A_60 : memref<128xi32, #tpu.memory_space<vmem>>) semaphore(%arg12 : memref<!tpu.dma_semaphore, #tpu.memory_space<semaphore_mem>>)
    %dma_wait3A_64 = arith.constant 15 : i32
    %dma_wait3A_65 = arith.constant 0 : i32
    %dma_wait3A_66 = tpu.memref_slice %arg6[%dma_wait3A_64, %dma_wait3A_65] : memref<16x128xi32, #tpu.memory_space<vmem>> -> memref<1x128xi32, #tpu.memory_space<vmem>>
    %dma_wait3A_67 = tpu.memref_squeeze %dma_wait3A_66 : memref<1x128xi32, #tpu.memory_space<vmem>> -> memref<128xi32, #tpu.memory_space<vmem>>
    %dma_wait3A_68 = arith.constant 0 : i32
    %dma_wait3A_69 = arith.constant 0 : i32
    %dma_wait3A_70 = tpu.memref_slice %arg2[%dma_wait3A_68, %dma_wait3A_69] : memref<10240x128xf32, #tpu.memory_space<hbm>> -> memref<10240x128xf32, #tpu.memory_space<hbm>>
    tpu.wait_indirect_dma semaphore(%arg13 : memref<!tpu.dma_semaphore, #tpu.memory_space<semaphore_mem>>) src(%dma_wait3A_70 : memref<10240x128xf32, #tpu.memory_space<hbm>>) dst(%arg10 : memref<128x128xf32, #tpu.memory_space<vmem>>)
    %run_scoped3A_71 = arith.constant 15 : i32
    "tpu.region"() ({
      %run_scoped3A_256 = tpu.sem_alloc : memref<!tpu.dma_semaphore, #tpu.memory_space<semaphore_mem>>
      %dma_start3A_257 = arith.constant 0 : i32
      %dma_start3A_258 = tpu.memref_slice %arg8[%run_scoped3A_71, %dma_start3A_257] : memref<16x128xi32, #tpu.memory_space<vmem>> -> memref<1x128xi32, #tpu.memory_space<vmem>>
      %dma_start3A_259 = tpu.memref_squeeze %dma_start3A_258 : memref<1x128xi32, #tpu.memory_space<vmem>> -> memref<128xi32, #tpu.memory_space<vmem>>
      %dma_start3A_260 = arith.constant 0 : i32
      %dma_start3A_261 = arith.constant 0 : i32
      %dma_start3A_262 = tpu.memref_slice %arg11[%dma_start3A_260, %dma_start3A_261] : memref<10240x128xf32, #tpu.memory_space<vmem_shared>> -> memref<10240x128xf32, #tpu.memory_space<vmem_shared>>
      tpu.enqueue_indirect_dma source(%arg10 : memref<128x128xf32, #tpu.memory_space<vmem>>) target(%dma_start3A_262 : memref<10240x128xf32, #tpu.memory_space<vmem_shared>>) offsets(%dma_start3A_259 : memref<128xi32, #tpu.memory_space<vmem>>) semaphore(%run_scoped3A_256 : memref<!tpu.dma_semaphore, #tpu.memory_space<semaphore_mem>>) {add = true}
      %dma_wait3A_263 = arith.constant 0 : i32
      %dma_wait3A_264 = tpu.memref_slice %arg8[%run_scoped3A_71, %dma_wait3A_263] : memref<16x128xi32, #tpu.memory_space<vmem>> -> memref<1x128xi32, #tpu.memory_space<vmem>>
      %dma_wait3A_265 = tpu.memref_squeeze %dma_wait3A_264 : memref<1x128xi32, #tpu.memory_space<vmem>> -> memref<128xi32, #tpu.memory_space<vmem>>
      %dma_wait3A_266 = arith.constant 0 : i32
      %dma_wait3A_267 = arith.constant 0 : i32
      %dma_wait3A_268 = tpu.memref_slice %arg11[%dma_wait3A_266, %dma_wait3A_267] : memref<10240x128xf32, #tpu.memory_space<vmem_shared>> -> memref<10240x128xf32, #tpu.memory_space<vmem_shared>>
      tpu.wait_indirect_dma semaphore(%run_scoped3A_256 : memref<!tpu.dma_semaphore, #tpu.memory_space<semaphore_mem>>) src(%arg10 : memref<128x128xf32, #tpu.memory_space<vmem>>) dst(%dma_wait3A_268 : memref<10240x128xf32, #tpu.memory_space<vmem_shared>>)
      tpu.yield
    }) : () -> ()
    %dma_start3A_72 = arith.constant 1 : i32
    %dma_start3A_73 = arith.constant 0 : i32
    %dma_start3A_74 = tpu.memref_slice %arg7[%dma_start3A_72, %dma_start3A_73] : memref<16x128xi32, #tpu.memory_space<vmem>> -> memref<1x128xi32, #tpu.memory_space<vmem>>
    %dma_start3A_75 = tpu.memref_squeeze %dma_start3A_74 : memref<1x128xi32, #tpu.memory_space<vmem>> -> memref<128xi32, #tpu.memory_space<vmem>>
    %dma_start3A_76 = arith.constant 0 : i32
    %dma_start3A_77 = arith.constant 0 : i32
    %dma_start3A_78 = tpu.memref_slice %arg2[%dma_start3A_76, %dma_start3A_77] : memref<10240x128xf32, #tpu.memory_space<hbm>> -> memref<10240x128xf32, #tpu.memory_space<hbm>>
    tpu.enqueue_indirect_dma source(%dma_start3A_78 : memref<10240x128xf32, #tpu.memory_space<hbm>>) target(%arg10 : memref<128x128xf32, #tpu.memory_space<vmem>>) offsets(%dma_start3A_75 : memref<128xi32, #tpu.memory_space<vmem>>) semaphore(%arg13 : memref<!tpu.dma_semaphore, #tpu.memory_space<semaphore_mem>>)
    %add3A_79 = arith.constant 16 : i32
    %add3A_80 = arith.addi %mul3A_2, %add3A_79 : i32
    "tpu.region"() ({
      %run_scoped3A_256 = tpu.sem_alloc : memref<!tpu.dma_semaphore, #tpu.memory_space<semaphore_mem>>
      %dma_start3A_257 = arith.constant 0 : i32
      %dma_start3A_258 = tpu.memref_slice %arg4[%add3A_80, %dma_start3A_257] : memref<2560x128xi32, #tpu.memory_space<hbm>> -> memref<16x128xi32, #tpu.memory_space<hbm>>
      %dma_start3A_259 = arith.constant 0 : i32
      %dma_start3A_260 = tpu.memref_slice %arg4[%add3A_80, %dma_start3A_259] : memref<2560x128xi32, #tpu.memory_space<hbm>> -> memref<16x128xi32, #tpu.memory_space<hbm>>
      tpu.enqueue_dma source(%dma_start3A_260 : memref<16x128xi32, #tpu.memory_space<hbm>>) target(%arg8 : memref<16x128xi32, #tpu.memory_space<vmem>>) target_semaphore(%run_scoped3A_256 : memref<!tpu.dma_semaphore, #tpu.memory_space<semaphore_mem>>)
      %dma_wait3A_261 = arith.constant 0 : i32
      %dma_wait3A_262 = tpu.memref_slice %arg4[%add3A_80, %dma_wait3A_261] : memref<2560x128xi32, #tpu.memory_space<hbm>> -> memref<16x128xi32, #tpu.memory_space<hbm>>
      %dma_wait3A_263 = arith.constant 0 : i32
      %dma_wait3A_264 = tpu.memref_slice %arg4[%add3A_80, %dma_wait3A_263] : memref<2560x128xi32, #tpu.memory_space<hbm>> -> memref<16x128xi32, #tpu.memory_space<hbm>>
      tpu.wait_dma2 semaphore(%run_scoped3A_256 : memref<!tpu.dma_semaphore, #tpu.memory_space<semaphore_mem>>) src(%dma_wait3A_264 : memref<16x128xi32, #tpu.memory_space<hbm>>) dst(%arg8 : memref<16x128xi32, #tpu.memory_space<vmem>>)
      tpu.yield
    }) : () -> ()
    %add3A_81 = arith.constant 32 : i32
    %add3A_82 = arith.addi %mul3A_2, %add3A_81 : i32
    "tpu.region"() ({
      %run_scoped3A_256 = tpu.sem_alloc : memref<!tpu.dma_semaphore, #tpu.memory_space<semaphore_mem>>
      %dma_start3A_257 = arith.constant 0 : i32
      %dma_start3A_258 = tpu.memref_slice %arg3[%add3A_82, %dma_start3A_257] : memref<2560x128xi32, #tpu.memory_space<hbm>> -> memref<16x128xi32, #tpu.memory_space<hbm>>
      %dma_start3A_259 = arith.constant 0 : i32
      %dma_start3A_260 = tpu.memref_slice %arg3[%add3A_82, %dma_start3A_259] : memref<2560x128xi32, #tpu.memory_space<hbm>> -> memref<16x128xi32, #tpu.memory_space<hbm>>
      tpu.enqueue_dma source(%dma_start3A_260 : memref<16x128xi32, #tpu.memory_space<hbm>>) target(%arg6 : memref<16x128xi32, #tpu.memory_space<vmem>>) target_semaphore(%run_scoped3A_256 : memref<!tpu.dma_semaphore, #tpu.memory_space<semaphore_mem>>)
      %dma_wait3A_261 = arith.constant 0 : i32
      %dma_wait3A_262 = tpu.memref_slice %arg3[%add3A_82, %dma_wait3A_261] : memref<2560x128xi32, #tpu.memory_space<hbm>> -> memref<16x128xi32, #tpu.memory_space<hbm>>
      %dma_wait3A_263 = arith.constant 0 : i32
      %dma_wait3A_264 = tpu.memref_slice %arg3[%add3A_82, %dma_wait3A_263] : memref<2560x128xi32, #tpu.memory_space<hbm>> -> memref<16x128xi32, #tpu.memory_space<hbm>>
      tpu.wait_dma2 semaphore(%run_scoped3A_256 : memref<!tpu.dma_semaphore, #tpu.memory_space<semaphore_mem>>) src(%dma_wait3A_264 : memref<16x128xi32, #tpu.memory_space<hbm>>) dst(%arg6 : memref<16x128xi32, #tpu.memory_space<vmem>>)
      tpu.yield
    }) : () -> ()
    %scan3A_83 = arith.constant 0 : i32
    %scan3A_84 = arith.constant 0 : i32
    %scan3A_85 = arith.constant 7 : i32
    %scan3A_86 = arith.addi %scan3A_84, %scan3A_85 : i32
    %scan3A_87 = arith.constant 1 : i32
    scf.for %scan3A_256 = %scan3A_84 to %scan3A_86 step %scan3A_87  : i32 {
      %mul3A_257 = arith.constant 2 : i32
      %mul3A_258 = arith.muli %scan3A_256, %mul3A_257 : i32
      %add3A_259 = arith.constant 0 : i32
      %add3A_260 = arith.addi %mul3A_258, %add3A_259 : i32
      %dma_wait3A_261 = arith.constant 0 : i32
      %dma_wait3A_262 = tpu.memref_slice %arg7[%add3A_260, %dma_wait3A_261] : memref<16x128xi32, #tpu.memory_space<vmem>> -> memref<1x128xi32, #tpu.memory_space<vmem>>
      %dma_wait3A_263 = tpu.memref_squeeze %dma_wait3A_262 : memref<1x128xi32, #tpu.memory_space<vmem>> -> memref<128xi32, #tpu.memory_space<vmem>>
      %dma_wait3A_264 = arith.constant 0 : i32
      %dma_wait3A_265 = arith.constant 0 : i32
      %dma_wait3A_266 = tpu.memref_slice %arg2[%dma_wait3A_264, %dma_wait3A_265] : memref<10240x128xf32, #tpu.memory_space<hbm>> -> memref<10240x128xf32, #tpu.memory_space<hbm>>
      tpu.wait_indirect_dma semaphore(%arg12 : memref<!tpu.dma_semaphore, #tpu.memory_space<semaphore_mem>>) src(%dma_wait3A_266 : memref<10240x128xf32, #tpu.memory_space<hbm>>) dst(%arg9 : memref<128x128xf32, #tpu.memory_space<vmem>>)
      "tpu.region"() ({
        %run_scoped3A_293 = tpu.sem_alloc : memref<!tpu.dma_semaphore, #tpu.memory_space<semaphore_mem>>
        %dma_start3A_294 = arith.constant 0 : i32
        %dma_start3A_295 = tpu.memref_slice %arg8[%add3A_260, %dma_start3A_294] : memref<16x128xi32, #tpu.memory_space<vmem>> -> memref<1x128xi32, #tpu.memory_space<vmem>>
        %dma_start3A_296 = tpu.memref_squeeze %dma_start3A_295 : memref<1x128xi32, #tpu.memory_space<vmem>> -> memref<128xi32, #tpu.memory_space<vmem>>
        %dma_start3A_297 = arith.constant 0 : i32
        %dma_start3A_298 = arith.constant 0 : i32
        %dma_start3A_299 = tpu.memref_slice %arg11[%dma_start3A_297, %dma_start3A_298] : memref<10240x128xf32, #tpu.memory_space<vmem_shared>> -> memref<10240x128xf32, #tpu.memory_space<vmem_shared>>
        tpu.enqueue_indirect_dma source(%arg9 : memref<128x128xf32, #tpu.memory_space<vmem>>) target(%dma_start3A_299 : memref<10240x128xf32, #tpu.memory_space<vmem_shared>>) offsets(%dma_start3A_296 : memref<128xi32, #tpu.memory_space<vmem>>) semaphore(%run_scoped3A_293 : memref<!tpu.dma_semaphore, #tpu.memory_space<semaphore_mem>>) {add = true}
        %dma_wait3A_300 = arith.constant 0 : i32
        %dma_wait3A_301 = tpu.memref_slice %arg8[%add3A_260, %dma_wait3A_300] : memref<16x128xi32, #tpu.memory_space<vmem>> -> memref<1x128xi32, #tpu.memory_space<vmem>>
        %dma_wait3A_302 = tpu.memref_squeeze %dma_wait3A_301 : memref<1x128xi32, #tpu.memory_space<vmem>> -> memref<128xi32, #tpu.memory_space<vmem>>
        %dma_wait3A_303 = arith.constant 0 : i32
        %dma_wait3A_304 = arith.constant 0 : i32
        %dma_wait3A_305 = tpu.memref_slice %arg11[%dma_wait3A_303, %dma_wait3A_304] : memref<10240x128xf32, #tpu.memory_space<vmem_shared>> -> memref<10240x128xf32, #tpu.memory_space<vmem_shared>>
        tpu.wait_indirect_dma semaphore(%run_scoped3A_293 : memref<!tpu.dma_semaphore, #tpu.memory_space<semaphore_mem>>) src(%arg9 : memref<128x128xf32, #tpu.memory_space<vmem>>) dst(%dma_wait3A_305 : memref<10240x128xf32, #tpu.memory_space<vmem_shared>>)
        tpu.yield
      }) : () -> ()
      %add3A_267 = arith.constant 2 : i32
      %add3A_268 = arith.addi %add3A_260, %add3A_267 : i32
      %dma_start3A_269 = arith.constant 0 : i32
      %dma_start3A_270 = tpu.memref_slice %arg7[%add3A_268, %dma_start3A_269] : memref<16x128xi32, #tpu.memory_space<vmem>> -> memref<1x128xi32, #tpu.memory_space<vmem>>
      %dma_start3A_271 = tpu.memref_squeeze %dma_start3A_270 : memref<1x128xi32, #tpu.memory_space<vmem>> -> memref<128xi32, #tpu.memory_space<vmem>>
      %dma_start3A_272 = arith.constant 0 : i32
      %dma_start3A_273 = arith.constant 0 : i32
      %dma_start3A_274 = tpu.memref_slice %arg2[%dma_start3A_272, %dma_start3A_273] : memref<10240x128xf32, #tpu.memory_space<hbm>> -> memref<10240x128xf32, #tpu.memory_space<hbm>>
      tpu.enqueue_indirect_dma source(%dma_start3A_274 : memref<10240x128xf32, #tpu.memory_space<hbm>>) target(%arg9 : memref<128x128xf32, #tpu.memory_space<vmem>>) offsets(%dma_start3A_271 : memref<128xi32, #tpu.memory_space<vmem>>) semaphore(%arg12 : memref<!tpu.dma_semaphore, #tpu.memory_space<semaphore_mem>>)
      %mul3A_275 = arith.constant 2 : i32
      %mul3A_276 = arith.muli %scan3A_256, %mul3A_275 : i32
      %add3A_277 = arith.constant 1 : i32
      %add3A_278 = arith.addi %mul3A_276, %add3A_277 : i32
      %dma_wait3A_279 = arith.constant 0 : i32
      %dma_wait3A_280 = tpu.memref_slice %arg7[%add3A_278, %dma_wait3A_279] : memref<16x128xi32, #tpu.memory_space<vmem>> -> memref<1x128xi32, #tpu.memory_space<vmem>>
      %dma_wait3A_281 = tpu.memref_squeeze %dma_wait3A_280 : memref<1x128xi32, #tpu.memory_space<vmem>> -> memref<128xi32, #tpu.memory_space<vmem>>
      %dma_wait3A_282 = arith.constant 0 : i32
      %dma_wait3A_283 = arith.constant 0 : i32
      %dma_wait3A_284 = tpu.memref_slice %arg2[%dma_wait3A_282, %dma_wait3A_283] : memref<10240x128xf32, #tpu.memory_space<hbm>> -> memref<10240x128xf32, #tpu.memory_space<hbm>>
      tpu.wait_indirect_dma semaphore(%arg13 : memref<!tpu.dma_semaphore, #tpu.memory_space<semaphore_mem>>) src(%dma_wait3A_284 : memref<10240x128xf32, #tpu.memory_space<hbm>>) dst(%arg10 : memref<128x128xf32, #tpu.memory_space<vmem>>)
      "tpu.region"() ({
        %run_scoped3A_293 = tpu.sem_alloc : memref<!tpu.dma_semaphore, #tpu.memory_space<semaphore_mem>>
        %dma_start3A_294 = arith.constant 0 : i32
        %dma_start3A_295 = tpu.memref_slice %arg8[%add3A_278, %dma_start3A_294] : memref<16x128xi32, #tpu.memory_space<vmem>> -> memref<1x128xi32, #tpu.memory_space<vmem>>
        %dma_start3A_296 = tpu.memref_squeeze %dma_start3A_295 : memref<1x128xi32, #tpu.memory_space<vmem>> -> memref<128xi32, #tpu.memory_space<vmem>>
        %dma_start3A_297 = arith.constant 0 : i32
        %dma_start3A_298 = arith.constant 0 : i32
        %dma_start3A_299 = tpu.memref_slice %arg11[%dma_start3A_297, %dma_start3A_298] : memref<10240x128xf32, #tpu.memory_space<vmem_shared>> -> memref<10240x128xf32, #tpu.memory_space<vmem_shared>>
        tpu.enqueue_indirect_dma source(%arg10 : memref<128x128xf32, #tpu.memory_space<vmem>>) target(%dma_start3A_299 : memref<10240x128xf32, #tpu.memory_space<vmem_shared>>) offsets(%dma_start3A_296 : memref<128xi32, #tpu.memory_space<vmem>>) semaphore(%run_scoped3A_293 : memref<!tpu.dma_semaphore, #tpu.memory_space<semaphore_mem>>) {add = true}
        %dma_wait3A_300 = arith.constant 0 : i32
        %dma_wait3A_301 = tpu.memref_slice %arg8[%add3A_278, %dma_wait3A_300] : memref<16x128xi32, #tpu.memory_space<vmem>> -> memref<1x128xi32, #tpu.memory_space<vmem>>
        %dma_wait3A_302 = tpu.memref_squeeze %dma_wait3A_301 : memref<1x128xi32, #tpu.memory_space<vmem>> -> memref<128xi32, #tpu.memory_space<vmem>>
        %dma_wait3A_303 = arith.constant 0 : i32
        %dma_wait3A_304 = arith.constant 0 : i32
        %dma_wait3A_305 = tpu.memref_slice %arg11[%dma_wait3A_303, %dma_wait3A_304] : memref<10240x128xf32, #tpu.memory_space<vmem_shared>> -> memref<10240x128xf32, #tpu.memory_space<vmem_shared>>
        tpu.wait_indirect_dma semaphore(%run_scoped3A_293 : memref<!tpu.dma_semaphore, #tpu.memory_space<semaphore_mem>>) src(%arg10 : memref<128x128xf32, #tpu.memory_space<vmem>>) dst(%dma_wait3A_305 : memref<10240x128xf32, #tpu.memory_space<vmem_shared>>)
        tpu.yield
      }) : () -> ()
      %add3A_285 = arith.constant 2 : i32
      %add3A_286 = arith.addi %add3A_278, %add3A_285 : i32
      %dma_start3A_287 = arith.constant 0 : i32
      %dma_start3A_288 = tpu.memref_slice %arg7[%add3A_286, %dma_start3A_287] : memref<16x128xi32, #tpu.memory_space<vmem>> -> memref<1x128xi32, #tpu.memory_space<vmem>>
      %dma_start3A_289 = tpu.memref_squeeze %dma_start3A_288 : memref<1x128xi32, #tpu.memory_space<vmem>> -> memref<128xi32, #tpu.memory_space<vmem>>
      %dma_start3A_290 = arith.constant 0 : i32
      %dma_start3A_291 = arith.constant 0 : i32
      %dma_start3A_292 = tpu.memref_slice %arg2[%dma_start3A_290, %dma_start3A_291] : memref<10240x128xf32, #tpu.memory_space<hbm>> -> memref<10240x128xf32, #tpu.memory_space<hbm>>
      tpu.enqueue_indirect_dma source(%dma_start3A_292 : memref<10240x128xf32, #tpu.memory_space<hbm>>) target(%arg10 : memref<128x128xf32, #tpu.memory_space<vmem>>) offsets(%dma_start3A_289 : memref<128xi32, #tpu.memory_space<vmem>>) semaphore(%arg13 : memref<!tpu.dma_semaphore, #tpu.memory_space<semaphore_mem>>)
    }
    %scan3A_88 = arith.constant 7 : i32
    %dma_wait3A_89 = arith.constant 14 : i32
    %dma_wait3A_90 = arith.constant 0 : i32
    %dma_wait3A_91 = tpu.memref_slice %arg7[%dma_wait3A_89, %dma_wait3A_90] : memref<16x128xi32, #tpu.memory_space<vmem>> -> memref<1x128xi32, #tpu.memory_space<vmem>>
    %dma_wait3A_92 = tpu.memref_squeeze %dma_wait3A_91 : memref<1x128xi32, #tpu.memory_space<vmem>> -> memref<128xi32, #tpu.memory_space<vmem>>
    %dma_wait3A_93 = arith.constant 0 : i32
    %dma_wait3A_94 = arith.constant 0 : i32
    %dma_wait3A_95 = tpu.memref_slice %arg2[%dma_wait3A_93, %dma_wait3A_94] : memref<10240x128xf32, #tpu.memory_space<hbm>> -> memref<10240x128xf32, #tpu.memory_space<hbm>>
    tpu.wait_indirect_dma semaphore(%arg12 : memref<!tpu.dma_semaphore, #tpu.memory_space<semaphore_mem>>) src(%dma_wait3A_95 : memref<10240x128xf32, #tpu.memory_space<hbm>>) dst(%arg9 : memref<128x128xf32, #tpu.memory_space<vmem>>)
    %run_scoped3A_96 = arith.constant 14 : i32
    "tpu.region"() ({
      %run_scoped3A_256 = tpu.sem_alloc : memref<!tpu.dma_semaphore, #tpu.memory_space<semaphore_mem>>
      %dma_start3A_257 = arith.constant 0 : i32
      %dma_start3A_258 = tpu.memref_slice %arg8[%run_scoped3A_96, %dma_start3A_257] : memref<16x128xi32, #tpu.memory_space<vmem>> -> memref<1x128xi32, #tpu.memory_space<vmem>>
      %dma_start3A_259 = tpu.memref_squeeze %dma_start3A_258 : memref<1x128xi32, #tpu.memory_space<vmem>> -> memref<128xi32, #tpu.memory_space<vmem>>
      %dma_start3A_260 = arith.constant 0 : i32
      %dma_start3A_261 = arith.constant 0 : i32
      %dma_start3A_262 = tpu.memref_slice %arg11[%dma_start3A_260, %dma_start3A_261] : memref<10240x128xf32, #tpu.memory_space<vmem_shared>> -> memref<10240x128xf32, #tpu.memory_space<vmem_shared>>
      tpu.enqueue_indirect_dma source(%arg9 : memref<128x128xf32, #tpu.memory_space<vmem>>) target(%dma_start3A_262 : memref<10240x128xf32, #tpu.memory_space<vmem_shared>>) offsets(%dma_start3A_259 : memref<128xi32, #tpu.memory_space<vmem>>) semaphore(%run_scoped3A_256 : memref<!tpu.dma_semaphore, #tpu.memory_space<semaphore_mem>>) {add = true}
      %dma_wait3A_263 = arith.constant 0 : i32
      %dma_wait3A_264 = tpu.memref_slice %arg8[%run_scoped3A_96, %dma_wait3A_263] : memref<16x128xi32, #tpu.memory_space<vmem>> -> memref<1x128xi32, #tpu.memory_space<vmem>>
      %dma_wait3A_265 = tpu.memref_squeeze %dma_wait3A_264 : memref<1x128xi32, #tpu.memory_space<vmem>> -> memref<128xi32, #tpu.memory_space<vmem>>
      %dma_wait3A_266 = arith.constant 0 : i32
      %dma_wait3A_267 = arith.constant 0 : i32
      %dma_wait3A_268 = tpu.memref_slice %arg11[%dma_wait3A_266, %dma_wait3A_267] : memref<10240x128xf32, #tpu.memory_space<vmem_shared>> -> memref<10240x128xf32, #tpu.memory_space<vmem_shared>>
      tpu.wait_indirect_dma semaphore(%run_scoped3A_256 : memref<!tpu.dma_semaphore, #tpu.memory_space<semaphore_mem>>) src(%arg9 : memref<128x128xf32, #tpu.memory_space<vmem>>) dst(%dma_wait3A_268 : memref<10240x128xf32, #tpu.memory_space<vmem_shared>>)
      tpu.yield
    }) : () -> ()
    %dma_start3A_97 = arith.constant 0 : i32
    %dma_start3A_98 = arith.constant 0 : i32
    %dma_start3A_99 = tpu.memref_slice %arg6[%dma_start3A_97, %dma_start3A_98] : memref<16x128xi32, #tpu.memory_space<vmem>> -> memref<1x128xi32, #tpu.memory_space<vmem>>
    %dma_start3A_100 = tpu.memref_squeeze %dma_start3A_99 : memref<1x128xi32, #tpu.memory_space<vmem>> -> memref<128xi32, #tpu.memory_space<vmem>>
    %dma_start3A_101 = arith.constant 0 : i32
    %dma_start3A_102 = arith.constant 0 : i32
    %dma_start3A_103 = tpu.memref_slice %arg2[%dma_start3A_101, %dma_start3A_102] : memref<10240x128xf32, #tpu.memory_space<hbm>> -> memref<10240x128xf32, #tpu.memory_space<hbm>>
    tpu.enqueue_indirect_dma source(%dma_start3A_103 : memref<10240x128xf32, #tpu.memory_space<hbm>>) target(%arg9 : memref<128x128xf32, #tpu.memory_space<vmem>>) offsets(%dma_start3A_100 : memref<128xi32, #tpu.memory_space<vmem>>) semaphore(%arg12 : memref<!tpu.dma_semaphore, #tpu.memory_space<semaphore_mem>>)
    %dma_wait3A_104 = arith.constant 15 : i32
    %dma_wait3A_105 = arith.constant 0 : i32
    %dma_wait3A_106 = tpu.memref_slice %arg7[%dma_wait3A_104, %dma_wait3A_105] : memref<16x128xi32, #tpu.memory_space<vmem>> -> memref<1x128xi32, #tpu.memory_space<vmem>>
    %dma_wait3A_107 = tpu.memref_squeeze %dma_wait3A_106 : memref<1x128xi32, #tpu.memory_space<vmem>> -> memref<128xi32, #tpu.memory_space<vmem>>
    %dma_wait3A_108 = arith.constant 0 : i32
    %dma_wait3A_109 = arith.constant 0 : i32
    %dma_wait3A_110 = tpu.memref_slice %arg2[%dma_wait3A_108, %dma_wait3A_109] : memref<10240x128xf32, #tpu.memory_space<hbm>> -> memref<10240x128xf32, #tpu.memory_space<hbm>>
    tpu.wait_indirect_dma semaphore(%arg13 : memref<!tpu.dma_semaphore, #tpu.memory_space<semaphore_mem>>) src(%dma_wait3A_110 : memref<10240x128xf32, #tpu.memory_space<hbm>>) dst(%arg10 : memref<128x128xf32, #tpu.memory_space<vmem>>)
    %run_scoped3A_111 = arith.constant 15 : i32
    "tpu.region"() ({
      %run_scoped3A_256 = tpu.sem_alloc : memref<!tpu.dma_semaphore, #tpu.memory_space<semaphore_mem>>
      %dma_start3A_257 = arith.constant 0 : i32
      %dma_start3A_258 = tpu.memref_slice %arg8[%run_scoped3A_111, %dma_start3A_257] : memref<16x128xi32, #tpu.memory_space<vmem>> -> memref<1x128xi32, #tpu.memory_space<vmem>>
      %dma_start3A_259 = tpu.memref_squeeze %dma_start3A_258 : memref<1x128xi32, #tpu.memory_space<vmem>> -> memref<128xi32, #tpu.memory_space<vmem>>
      %dma_start3A_260 = arith.constant 0 : i32
      %dma_start3A_261 = arith.constant 0 : i32
      %dma_start3A_262 = tpu.memref_slice %arg11[%dma_start3A_260, %dma_start3A_261] : memref<10240x128xf32, #tpu.memory_space<vmem_shared>> -> memref<10240x128xf32, #tpu.memory_space<vmem_shared>>
      tpu.enqueue_indirect_dma source(%arg10 : memref<128x128xf32, #tpu.memory_space<vmem>>) target(%dma_start3A_262 : memref<10240x128xf32, #tpu.memory_space<vmem_shared>>) offsets(%dma_start3A_259 : memref<128xi32, #tpu.memory_space<vmem>>) semaphore(%run_scoped3A_256 : memref<!tpu.dma_semaphore, #tpu.memory_space<semaphore_mem>>) {add = true}
      %dma_wait3A_263 = arith.constant 0 : i32
      %dma_wait3A_264 = tpu.memref_slice %arg8[%run_scoped3A_111, %dma_wait3A_263] : memref<16x128xi32, #tpu.memory_space<vmem>> -> memref<1x128xi32, #tpu.memory_space<vmem>>
      %dma_wait3A_265 = tpu.memref_squeeze %dma_wait3A_264 : memref<1x128xi32, #tpu.memory_space<vmem>> -> memref<128xi32, #tpu.memory_space<vmem>>
      %dma_wait3A_266 = arith.constant 0 : i32
      %dma_wait3A_267 = arith.constant 0 : i32
      %dma_wait3A_268 = tpu.memref_slice %arg11[%dma_wait3A_266, %dma_wait3A_267] : memref<10240x128xf32, #tpu.memory_space<vmem_shared>> -> memref<10240x128xf32, #tpu.memory_space<vmem_shared>>
      tpu.wait_indirect_dma semaphore(%run_scoped3A_256 : memref<!tpu.dma_semaphore, #tpu.memory_space<semaphore_mem>>) src(%arg10 : memref<128x128xf32, #tpu.memory_space<vmem>>) dst(%dma_wait3A_268 : memref<10240x128xf32, #tpu.memory_space<vmem_shared>>)
      tpu.yield
    }) : () -> ()
    %dma_start3A_112 = arith.constant 1 : i32
    %dma_start3A_113 = arith.constant 0 : i32
    %dma_start3A_114 = tpu.memref_slice %arg6[%dma_start3A_112, %dma_start3A_113] : memref<16x128xi32, #tpu.memory_space<vmem>> -> memref<1x128xi32, #tpu.memory_space<vmem>>
    %dma_start3A_115 = tpu.memref_squeeze %dma_start3A_114 : memref<1x128xi32, #tpu.memory_space<vmem>> -> memref<128xi32, #tpu.memory_space<vmem>>
    %dma_start3A_116 = arith.constant 0 : i32
    %dma_start3A_117 = arith.constant 0 : i32
    %dma_start3A_118 = tpu.memref_slice %arg2[%dma_start3A_116, %dma_start3A_117] : memref<10240x128xf32, #tpu.memory_space<hbm>> -> memref<10240x128xf32, #tpu.memory_space<hbm>>
    tpu.enqueue_indirect_dma source(%dma_start3A_118 : memref<10240x128xf32, #tpu.memory_space<hbm>>) target(%arg10 : memref<128x128xf32, #tpu.memory_space<vmem>>) offsets(%dma_start3A_115 : memref<128xi32, #tpu.memory_space<vmem>>) semaphore(%arg13 : memref<!tpu.dma_semaphore, #tpu.memory_space<semaphore_mem>>)
    %add3A_119 = arith.constant 32 : i32
    %add3A_120 = arith.addi %mul3A_2, %add3A_119 : i32
    "tpu.region"() ({
      %run_scoped3A_256 = tpu.sem_alloc : memref<!tpu.dma_semaphore, #tpu.memory_space<semaphore_mem>>
      %dma_start3A_257 = arith.constant 0 : i32
      %dma_start3A_258 = tpu.memref_slice %arg4[%add3A_120, %dma_start3A_257] : memref<2560x128xi32, #tpu.memory_space<hbm>> -> memref<16x128xi32, #tpu.memory_space<hbm>>
      %dma_start3A_259 = arith.constant 0 : i32
      %dma_start3A_260 = tpu.memref_slice %arg4[%add3A_120, %dma_start3A_259] : memref<2560x128xi32, #tpu.memory_space<hbm>> -> memref<16x128xi32, #tpu.memory_space<hbm>>
      tpu.enqueue_dma source(%dma_start3A_260 : memref<16x128xi32, #tpu.memory_space<hbm>>) target(%arg8 : memref<16x128xi32, #tpu.memory_space<vmem>>) target_semaphore(%run_scoped3A_256 : memref<!tpu.dma_semaphore, #tpu.memory_space<semaphore_mem>>)
      %dma_wait3A_261 = arith.constant 0 : i32
      %dma_wait3A_262 = tpu.memref_slice %arg4[%add3A_120, %dma_wait3A_261] : memref<2560x128xi32, #tpu.memory_space<hbm>> -> memref<16x128xi32, #tpu.memory_space<hbm>>
      %dma_wait3A_263 = arith.constant 0 : i32
      %dma_wait3A_264 = tpu.memref_slice %arg4[%add3A_120, %dma_wait3A_263] : memref<2560x128xi32, #tpu.memory_space<hbm>> -> memref<16x128xi32, #tpu.memory_space<hbm>>
      tpu.wait_dma2 semaphore(%run_scoped3A_256 : memref<!tpu.dma_semaphore, #tpu.memory_space<semaphore_mem>>) src(%dma_wait3A_264 : memref<16x128xi32, #tpu.memory_space<hbm>>) dst(%arg8 : memref<16x128xi32, #tpu.memory_space<vmem>>)
      tpu.yield
    }) : () -> ()
    %add3A_121 = arith.constant 48 : i32
    %add3A_122 = arith.addi %mul3A_2, %add3A_121 : i32
    "tpu.region"() ({
      %run_scoped3A_256 = tpu.sem_alloc : memref<!tpu.dma_semaphore, #tpu.memory_space<semaphore_mem>>
      %dma_start3A_257 = arith.constant 0 : i32
      %dma_start3A_258 = tpu.memref_slice %arg3[%add3A_122, %dma_start3A_257] : memref<2560x128xi32, #tpu.memory_space<hbm>> -> memref<16x128xi32, #tpu.memory_space<hbm>>
      %dma_start3A_259 = arith.constant 0 : i32
      %dma_start3A_260 = tpu.memref_slice %arg3[%add3A_122, %dma_start3A_259] : memref<2560x128xi32, #tpu.memory_space<hbm>> -> memref<16x128xi32, #tpu.memory_space<hbm>>
      tpu.enqueue_dma source(%dma_start3A_260 : memref<16x128xi32, #tpu.memory_space<hbm>>) target(%arg7 : memref<16x128xi32, #tpu.memory_space<vmem>>) target_semaphore(%run_scoped3A_256 : memref<!tpu.dma_semaphore, #tpu.memory_space<semaphore_mem>>)
      %dma_wait3A_261 = arith.constant 0 : i32
      %dma_wait3A_262 = tpu.memref_slice %arg3[%add3A_122, %dma_wait3A_261] : memref<2560x128xi32, #tpu.memory_space<hbm>> -> memref<16x128xi32, #tpu.memory_space<hbm>>
      %dma_wait3A_263 = arith.constant 0 : i32
      %dma_wait3A_264 = tpu.memref_slice %arg3[%add3A_122, %dma_wait3A_263] : memref<2560x128xi32, #tpu.memory_space<hbm>> -> memref<16x128xi32, #tpu.memory_space<hbm>>
      tpu.wait_dma2 semaphore(%run_scoped3A_256 : memref<!tpu.dma_semaphore, #tpu.memory_space<semaphore_mem>>) src(%dma_wait3A_264 : memref<16x128xi32, #tpu.memory_space<hbm>>) dst(%arg7 : memref<16x128xi32, #tpu.memory_space<vmem>>)
      tpu.yield
    }) : () -> ()
    %scan3A_123 = arith.constant 0 : i32
    %scan3A_124 = arith.constant 0 : i32
    %scan3A_125 = arith.constant 7 : i32
    %scan3A_126 = arith.addi %scan3A_124, %scan3A_125 : i32
    %scan3A_127 = arith.constant 1 : i32
    scf.for %scan3A_256 = %scan3A_124 to %scan3A_126 step %scan3A_127  : i32 {
      %mul3A_257 = arith.constant 2 : i32
      %mul3A_258 = arith.muli %scan3A_256, %mul3A_257 : i32
      %add3A_259 = arith.constant 0 : i32
      %add3A_260 = arith.addi %mul3A_258, %add3A_259 : i32
      %dma_wait3A_261 = arith.constant 0 : i32
      %dma_wait3A_262 = tpu.memref_slice %arg6[%add3A_260, %dma_wait3A_261] : memref<16x128xi32, #tpu.memory_space<vmem>> -> memref<1x128xi32, #tpu.memory_space<vmem>>
      %dma_wait3A_263 = tpu.memref_squeeze %dma_wait3A_262 : memref<1x128xi32, #tpu.memory_space<vmem>> -> memref<128xi32, #tpu.memory_space<vmem>>
      %dma_wait3A_264 = arith.constant 0 : i32
      %dma_wait3A_265 = arith.constant 0 : i32
      %dma_wait3A_266 = tpu.memref_slice %arg2[%dma_wait3A_264, %dma_wait3A_265] : memref<10240x128xf32, #tpu.memory_space<hbm>> -> memref<10240x128xf32, #tpu.memory_space<hbm>>
      tpu.wait_indirect_dma semaphore(%arg12 : memref<!tpu.dma_semaphore, #tpu.memory_space<semaphore_mem>>) src(%dma_wait3A_266 : memref<10240x128xf32, #tpu.memory_space<hbm>>) dst(%arg9 : memref<128x128xf32, #tpu.memory_space<vmem>>)
      "tpu.region"() ({
        %run_scoped3A_293 = tpu.sem_alloc : memref<!tpu.dma_semaphore, #tpu.memory_space<semaphore_mem>>
        %dma_start3A_294 = arith.constant 0 : i32
        %dma_start3A_295 = tpu.memref_slice %arg8[%add3A_260, %dma_start3A_294] : memref<16x128xi32, #tpu.memory_space<vmem>> -> memref<1x128xi32, #tpu.memory_space<vmem>>
        %dma_start3A_296 = tpu.memref_squeeze %dma_start3A_295 : memref<1x128xi32, #tpu.memory_space<vmem>> -> memref<128xi32, #tpu.memory_space<vmem>>
        %dma_start3A_297 = arith.constant 0 : i32
        %dma_start3A_298 = arith.constant 0 : i32
        %dma_start3A_299 = tpu.memref_slice %arg11[%dma_start3A_297, %dma_start3A_298] : memref<10240x128xf32, #tpu.memory_space<vmem_shared>> -> memref<10240x128xf32, #tpu.memory_space<vmem_shared>>
        tpu.enqueue_indirect_dma source(%arg9 : memref<128x128xf32, #tpu.memory_space<vmem>>) target(%dma_start3A_299 : memref<10240x128xf32, #tpu.memory_space<vmem_shared>>) offsets(%dma_start3A_296 : memref<128xi32, #tpu.memory_space<vmem>>) semaphore(%run_scoped3A_293 : memref<!tpu.dma_semaphore, #tpu.memory_space<semaphore_mem>>) {add = true}
        %dma_wait3A_300 = arith.constant 0 : i32
        %dma_wait3A_301 = tpu.memref_slice %arg8[%add3A_260, %dma_wait3A_300] : memref<16x128xi32, #tpu.memory_space<vmem>> -> memref<1x128xi32, #tpu.memory_space<vmem>>
        %dma_wait3A_302 = tpu.memref_squeeze %dma_wait3A_301 : memref<1x128xi32, #tpu.memory_space<vmem>> -> memref<128xi32, #tpu.memory_space<vmem>>
        %dma_wait3A_303 = arith.constant 0 : i32
        %dma_wait3A_304 = arith.constant 0 : i32
        %dma_wait3A_305 = tpu.memref_slice %arg11[%dma_wait3A_303, %dma_wait3A_304] : memref<10240x128xf32, #tpu.memory_space<vmem_shared>> -> memref<10240x128xf32, #tpu.memory_space<vmem_shared>>
        tpu.wait_indirect_dma semaphore(%run_scoped3A_293 : memref<!tpu.dma_semaphore, #tpu.memory_space<semaphore_mem>>) src(%arg9 : memref<128x128xf32, #tpu.memory_space<vmem>>) dst(%dma_wait3A_305 : memref<10240x128xf32, #tpu.memory_space<vmem_shared>>)
        tpu.yield
      }) : () -> ()
      %add3A_267 = arith.constant 2 : i32
      %add3A_268 = arith.addi %add3A_260, %add3A_267 : i32
      %dma_start3A_269 = arith.constant 0 : i32
      %dma_start3A_270 = tpu.memref_slice %arg6[%add3A_268, %dma_start3A_269] : memref<16x128xi32, #tpu.memory_space<vmem>> -> memref<1x128xi32, #tpu.memory_space<vmem>>
      %dma_start3A_271 = tpu.memref_squeeze %dma_start3A_270 : memref<1x128xi32, #tpu.memory_space<vmem>> -> memref<128xi32, #tpu.memory_space<vmem>>
      %dma_start3A_272 = arith.constant 0 : i32
      %dma_start3A_273 = arith.constant 0 : i32
      %dma_start3A_274 = tpu.memref_slice %arg2[%dma_start3A_272, %dma_start3A_273] : memref<10240x128xf32, #tpu.memory_space<hbm>> -> memref<10240x128xf32, #tpu.memory_space<hbm>>
      tpu.enqueue_indirect_dma source(%dma_start3A_274 : memref<10240x128xf32, #tpu.memory_space<hbm>>) target(%arg9 : memref<128x128xf32, #tpu.memory_space<vmem>>) offsets(%dma_start3A_271 : memref<128xi32, #tpu.memory_space<vmem>>) semaphore(%arg12 : memref<!tpu.dma_semaphore, #tpu.memory_space<semaphore_mem>>)
      %mul3A_275 = arith.constant 2 : i32
      %mul3A_276 = arith.muli %scan3A_256, %mul3A_275 : i32
      %add3A_277 = arith.constant 1 : i32
      %add3A_278 = arith.addi %mul3A_276, %add3A_277 : i32
      %dma_wait3A_279 = arith.constant 0 : i32
      %dma_wait3A_280 = tpu.memref_slice %arg6[%add3A_278, %dma_wait3A_279] : memref<16x128xi32, #tpu.memory_space<vmem>> -> memref<1x128xi32, #tpu.memory_space<vmem>>
      %dma_wait3A_281 = tpu.memref_squeeze %dma_wait3A_280 : memref<1x128xi32, #tpu.memory_space<vmem>> -> memref<128xi32, #tpu.memory_space<vmem>>
      %dma_wait3A_282 = arith.constant 0 : i32
      %dma_wait3A_283 = arith.constant 0 : i32
      %dma_wait3A_284 = tpu.memref_slice %arg2[%dma_wait3A_282, %dma_wait3A_283] : memref<10240x128xf32, #tpu.memory_space<hbm>> -> memref<10240x128xf32, #tpu.memory_space<hbm>>
      tpu.wait_indirect_dma semaphore(%arg13 : memref<!tpu.dma_semaphore, #tpu.memory_space<semaphore_mem>>) src(%dma_wait3A_284 : memref<10240x128xf32, #tpu.memory_space<hbm>>) dst(%arg10 : memref<128x128xf32, #tpu.memory_space<vmem>>)
      "tpu.region"() ({
        %run_scoped3A_293 = tpu.sem_alloc : memref<!tpu.dma_semaphore, #tpu.memory_space<semaphore_mem>>
        %dma_start3A_294 = arith.constant 0 : i32
        %dma_start3A_295 = tpu.memref_slice %arg8[%add3A_278, %dma_start3A_294] : memref<16x128xi32, #tpu.memory_space<vmem>> -> memref<1x128xi32, #tpu.memory_space<vmem>>
        %dma_start3A_296 = tpu.memref_squeeze %dma_start3A_295 : memref<1x128xi32, #tpu.memory_space<vmem>> -> memref<128xi32, #tpu.memory_space<vmem>>
        %dma_start3A_297 = arith.constant 0 : i32
        %dma_start3A_298 = arith.constant 0 : i32
        %dma_start3A_299 = tpu.memref_slice %arg11[%dma_start3A_297, %dma_start3A_298] : memref<10240x128xf32, #tpu.memory_space<vmem_shared>> -> memref<10240x128xf32, #tpu.memory_space<vmem_shared>>
        tpu.enqueue_indirect_dma source(%arg10 : memref<128x128xf32, #tpu.memory_space<vmem>>) target(%dma_start3A_299 : memref<10240x128xf32, #tpu.memory_space<vmem_shared>>) offsets(%dma_start3A_296 : memref<128xi32, #tpu.memory_space<vmem>>) semaphore(%run_scoped3A_293 : memref<!tpu.dma_semaphore, #tpu.memory_space<semaphore_mem>>) {add = true}
        %dma_wait3A_300 = arith.constant 0 : i32
        %dma_wait3A_301 = tpu.memref_slice %arg8[%add3A_278, %dma_wait3A_300] : memref<16x128xi32, #tpu.memory_space<vmem>> -> memref<1x128xi32, #tpu.memory_space<vmem>>
        %dma_wait3A_302 = tpu.memref_squeeze %dma_wait3A_301 : memref<1x128xi32, #tpu.memory_space<vmem>> -> memref<128xi32, #tpu.memory_space<vmem>>
        %dma_wait3A_303 = arith.constant 0 : i32
        %dma_wait3A_304 = arith.constant 0 : i32
        %dma_wait3A_305 = tpu.memref_slice %arg11[%dma_wait3A_303, %dma_wait3A_304] : memref<10240x128xf32, #tpu.memory_space<vmem_shared>> -> memref<10240x128xf32, #tpu.memory_space<vmem_shared>>
        tpu.wait_indirect_dma semaphore(%run_scoped3A_293 : memref<!tpu.dma_semaphore, #tpu.memory_space<semaphore_mem>>) src(%arg10 : memref<128x128xf32, #tpu.memory_space<vmem>>) dst(%dma_wait3A_305 : memref<10240x128xf32, #tpu.memory_space<vmem_shared>>)
        tpu.yield
      }) : () -> ()
      %add3A_285 = arith.constant 2 : i32
      %add3A_286 = arith.addi %add3A_278, %add3A_285 : i32
      %dma_start3A_287 = arith.constant 0 : i32
      %dma_start3A_288 = tpu.memref_slice %arg6[%add3A_286, %dma_start3A_287] : memref<16x128xi32, #tpu.memory_space<vmem>> -> memref<1x128xi32, #tpu.memory_space<vmem>>
      %dma_start3A_289 = tpu.memref_squeeze %dma_start3A_288 : memref<1x128xi32, #tpu.memory_space<vmem>> -> memref<128xi32, #tpu.memory_space<vmem>>
      %dma_start3A_290 = arith.constant 0 : i32
      %dma_start3A_291 = arith.constant 0 : i32
      %dma_start3A_292 = tpu.memref_slice %arg2[%dma_start3A_290, %dma_start3A_291] : memref<10240x128xf32, #tpu.memory_space<hbm>> -> memref<10240x128xf32, #tpu.memory_space<hbm>>
      tpu.enqueue_indirect_dma source(%dma_start3A_292 : memref<10240x128xf32, #tpu.memory_space<hbm>>) target(%arg10 : memref<128x128xf32, #tpu.memory_space<vmem>>) offsets(%dma_start3A_289 : memref<128xi32, #tpu.memory_space<vmem>>) semaphore(%arg13 : memref<!tpu.dma_semaphore, #tpu.memory_space<semaphore_mem>>)
    }
    %scan3A_128 = arith.constant 7 : i32
    %dma_wait3A_129 = arith.constant 14 : i32
    %dma_wait3A_130 = arith.constant 0 : i32
    %dma_wait3A_131 = tpu.memref_slice %arg6[%dma_wait3A_129, %dma_wait3A_130] : memref<16x128xi32, #tpu.memory_space<vmem>> -> memref<1x128xi32, #tpu.memory_space<vmem>>
    %dma_wait3A_132 = tpu.memref_squeeze %dma_wait3A_131 : memref<1x128xi32, #tpu.memory_space<vmem>> -> memref<128xi32, #tpu.memory_space<vmem>>
    %dma_wait3A_133 = arith.constant 0 : i32
    %dma_wait3A_134 = arith.constant 0 : i32
    %dma_wait3A_135 = tpu.memref_slice %arg2[%dma_wait3A_133, %dma_wait3A_134] : memref<10240x128xf32, #tpu.memory_space<hbm>> -> memref<10240x128xf32, #tpu.memory_space<hbm>>
    tpu.wait_indirect_dma semaphore(%arg12 : memref<!tpu.dma_semaphore, #tpu.memory_space<semaphore_mem>>) src(%dma_wait3A_135 : memref<10240x128xf32, #tpu.memory_space<hbm>>) dst(%arg9 : memref<128x128xf32, #tpu.memory_space<vmem>>)
    %run_scoped3A_136 = arith.constant 14 : i32
    "tpu.region"() ({
      %run_scoped3A_256 = tpu.sem_alloc : memref<!tpu.dma_semaphore, #tpu.memory_space<semaphore_mem>>
      %dma_start3A_257 = arith.constant 0 : i32
      %dma_start3A_258 = tpu.memref_slice %arg8[%run_scoped3A_136, %dma_start3A_257] : memref<16x128xi32, #tpu.memory_space<vmem>> -> memref<1x128xi32, #tpu.memory_space<vmem>>
      %dma_start3A_259 = tpu.memref_squeeze %dma_start3A_258 : memref<1x128xi32, #tpu.memory_space<vmem>> -> memref<128xi32, #tpu.memory_space<vmem>>
      %dma_start3A_260 = arith.constant 0 : i32
      %dma_start3A_261 = arith.constant 0 : i32
      %dma_start3A_262 = tpu.memref_slice %arg11[%dma_start3A_260, %dma_start3A_261] : memref<10240x128xf32, #tpu.memory_space<vmem_shared>> -> memref<10240x128xf32, #tpu.memory_space<vmem_shared>>
      tpu.enqueue_indirect_dma source(%arg9 : memref<128x128xf32, #tpu.memory_space<vmem>>) target(%dma_start3A_262 : memref<10240x128xf32, #tpu.memory_space<vmem_shared>>) offsets(%dma_start3A_259 : memref<128xi32, #tpu.memory_space<vmem>>) semaphore(%run_scoped3A_256 : memref<!tpu.dma_semaphore, #tpu.memory_space<semaphore_mem>>) {add = true}
      %dma_wait3A_263 = arith.constant 0 : i32
      %dma_wait3A_264 = tpu.memref_slice %arg8[%run_scoped3A_136, %dma_wait3A_263] : memref<16x128xi32, #tpu.memory_space<vmem>> -> memref<1x128xi32, #tpu.memory_space<vmem>>
      %dma_wait3A_265 = tpu.memref_squeeze %dma_wait3A_264 : memref<1x128xi32, #tpu.memory_space<vmem>> -> memref<128xi32, #tpu.memory_space<vmem>>
      %dma_wait3A_266 = arith.constant 0 : i32
      %dma_wait3A_267 = arith.constant 0 : i32
      %dma_wait3A_268 = tpu.memref_slice %arg11[%dma_wait3A_266, %dma_wait3A_267] : memref<10240x128xf32, #tpu.memory_space<vmem_shared>> -> memref<10240x128xf32, #tpu.memory_space<vmem_shared>>
      tpu.wait_indirect_dma semaphore(%run_scoped3A_256 : memref<!tpu.dma_semaphore, #tpu.memory_space<semaphore_mem>>) src(%arg9 : memref<128x128xf32, #tpu.memory_space<vmem>>) dst(%dma_wait3A_268 : memref<10240x128xf32, #tpu.memory_space<vmem_shared>>)
      tpu.yield
    }) : () -> ()
    %dma_start3A_137 = arith.constant 0 : i32
    %dma_start3A_138 = arith.constant 0 : i32
    %dma_start3A_139 = tpu.memref_slice %arg7[%dma_start3A_137, %dma_start3A_138] : memref<16x128xi32, #tpu.memory_space<vmem>> -> memref<1x128xi32, #tpu.memory_space<vmem>>
    %dma_start3A_140 = tpu.memref_squeeze %dma_start3A_139 : memref<1x128xi32, #tpu.memory_space<vmem>> -> memref<128xi32, #tpu.memory_space<vmem>>
    %dma_start3A_141 = arith.constant 0 : i32
    %dma_start3A_142 = arith.constant 0 : i32
    %dma_start3A_143 = tpu.memref_slice %arg2[%dma_start3A_141, %dma_start3A_142] : memref<10240x128xf32, #tpu.memory_space<hbm>> -> memref<10240x128xf32, #tpu.memory_space<hbm>>
    tpu.enqueue_indirect_dma source(%dma_start3A_143 : memref<10240x128xf32, #tpu.memory_space<hbm>>) target(%arg9 : memref<128x128xf32, #tpu.memory_space<vmem>>) offsets(%dma_start3A_140 : memref<128xi32, #tpu.memory_space<vmem>>) semaphore(%arg12 : memref<!tpu.dma_semaphore, #tpu.memory_space<semaphore_mem>>)
    %dma_wait3A_144 = arith.constant 15 : i32
    %dma_wait3A_145 = arith.constant 0 : i32
    %dma_wait3A_146 = tpu.memref_slice %arg6[%dma_wait3A_144, %dma_wait3A_145] : memref<16x128xi32, #tpu.memory_space<vmem>> -> memref<1x128xi32, #tpu.memory_space<vmem>>
    %dma_wait3A_147 = tpu.memref_squeeze %dma_wait3A_146 : memref<1x128xi32, #tpu.memory_space<vmem>> -> memref<128xi32, #tpu.memory_space<vmem>>
    %dma_wait3A_148 = arith.constant 0 : i32
    %dma_wait3A_149 = arith.constant 0 : i32
    %dma_wait3A_150 = tpu.memref_slice %arg2[%dma_wait3A_148, %dma_wait3A_149] : memref<10240x128xf32, #tpu.memory_space<hbm>> -> memref<10240x128xf32, #tpu.memory_space<hbm>>
    tpu.wait_indirect_dma semaphore(%arg13 : memref<!tpu.dma_semaphore, #tpu.memory_space<semaphore_mem>>) src(%dma_wait3A_150 : memref<10240x128xf32, #tpu.memory_space<hbm>>) dst(%arg10 : memref<128x128xf32, #tpu.memory_space<vmem>>)
    %run_scoped3A_151 = arith.constant 15 : i32
    "tpu.region"() ({
      %run_scoped3A_256 = tpu.sem_alloc : memref<!tpu.dma_semaphore, #tpu.memory_space<semaphore_mem>>
      %dma_start3A_257 = arith.constant 0 : i32
      %dma_start3A_258 = tpu.memref_slice %arg8[%run_scoped3A_151, %dma_start3A_257] : memref<16x128xi32, #tpu.memory_space<vmem>> -> memref<1x128xi32, #tpu.memory_space<vmem>>
      %dma_start3A_259 = tpu.memref_squeeze %dma_start3A_258 : memref<1x128xi32, #tpu.memory_space<vmem>> -> memref<128xi32, #tpu.memory_space<vmem>>
      %dma_start3A_260 = arith.constant 0 : i32
      %dma_start3A_261 = arith.constant 0 : i32
      %dma_start3A_262 = tpu.memref_slice %arg11[%dma_start3A_260, %dma_start3A_261] : memref<10240x128xf32, #tpu.memory_space<vmem_shared>> -> memref<10240x128xf32, #tpu.memory_space<vmem_shared>>
      tpu.enqueue_indirect_dma source(%arg10 : memref<128x128xf32, #tpu.memory_space<vmem>>) target(%dma_start3A_262 : memref<10240x128xf32, #tpu.memory_space<vmem_shared>>) offsets(%dma_start3A_259 : memref<128xi32, #tpu.memory_space<vmem>>) semaphore(%run_scoped3A_256 : memref<!tpu.dma_semaphore, #tpu.memory_space<semaphore_mem>>) {add = true}
      %dma_wait3A_263 = arith.constant 0 : i32
      %dma_wait3A_264 = tpu.memref_slice %arg8[%run_scoped3A_151, %dma_wait3A_263] : memref<16x128xi32, #tpu.memory_space<vmem>> -> memref<1x128xi32, #tpu.memory_space<vmem>>
      %dma_wait3A_265 = tpu.memref_squeeze %dma_wait3A_264 : memref<1x128xi32, #tpu.memory_space<vmem>> -> memref<128xi32, #tpu.memory_space<vmem>>
      %dma_wait3A_266 = arith.constant 0 : i32
      %dma_wait3A_267 = arith.constant 0 : i32
      %dma_wait3A_268 = tpu.memref_slice %arg11[%dma_wait3A_266, %dma_wait3A_267] : memref<10240x128xf32, #tpu.memory_space<vmem_shared>> -> memref<10240x128xf32, #tpu.memory_space<vmem_shared>>
      tpu.wait_indirect_dma semaphore(%run_scoped3A_256 : memref<!tpu.dma_semaphore, #tpu.memory_space<semaphore_mem>>) src(%arg10 : memref<128x128xf32, #tpu.memory_space<vmem>>) dst(%dma_wait3A_268 : memref<10240x128xf32, #tpu.memory_space<vmem_shared>>)
      tpu.yield
    }) : () -> ()
    %dma_start3A_152 = arith.constant 1 : i32
    %dma_start3A_153 = arith.constant 0 : i32
    %dma_start3A_154 = tpu.memref_slice %arg7[%dma_start3A_152, %dma_start3A_153] : memref<16x128xi32, #tpu.memory_space<vmem>> -> memref<1x128xi32, #tpu.memory_space<vmem>>
    %dma_start3A_155 = tpu.memref_squeeze %dma_start3A_154 : memref<1x128xi32, #tpu.memory_space<vmem>> -> memref<128xi32, #tpu.memory_space<vmem>>
    %dma_start3A_156 = arith.constant 0 : i32
    %dma_start3A_157 = arith.constant 0 : i32
    %dma_start3A_158 = tpu.memref_slice %arg2[%dma_start3A_156, %dma_start3A_157] : memref<10240x128xf32, #tpu.memory_space<hbm>> -> memref<10240x128xf32, #tpu.memory_space<hbm>>
    tpu.enqueue_indirect_dma source(%dma_start3A_158 : memref<10240x128xf32, #tpu.memory_space<hbm>>) target(%arg10 : memref<128x128xf32, #tpu.memory_space<vmem>>) offsets(%dma_start3A_155 : memref<128xi32, #tpu.memory_space<vmem>>) semaphore(%arg13 : memref<!tpu.dma_semaphore, #tpu.memory_space<semaphore_mem>>)
    %add3A_159 = arith.constant 48 : i32
    %add3A_160 = arith.addi %mul3A_2, %add3A_159 : i32
    "tpu.region"() ({
      %run_scoped3A_256 = tpu.sem_alloc : memref<!tpu.dma_semaphore, #tpu.memory_space<semaphore_mem>>
      %dma_start3A_257 = arith.constant 0 : i32
      %dma_start3A_258 = tpu.memref_slice %arg4[%add3A_160, %dma_start3A_257] : memref<2560x128xi32, #tpu.memory_space<hbm>> -> memref<16x128xi32, #tpu.memory_space<hbm>>
      %dma_start3A_259 = arith.constant 0 : i32
      %dma_start3A_260 = tpu.memref_slice %arg4[%add3A_160, %dma_start3A_259] : memref<2560x128xi32, #tpu.memory_space<hbm>> -> memref<16x128xi32, #tpu.memory_space<hbm>>
      tpu.enqueue_dma source(%dma_start3A_260 : memref<16x128xi32, #tpu.memory_space<hbm>>) target(%arg8 : memref<16x128xi32, #tpu.memory_space<vmem>>) target_semaphore(%run_scoped3A_256 : memref<!tpu.dma_semaphore, #tpu.memory_space<semaphore_mem>>)
      %dma_wait3A_261 = arith.constant 0 : i32
      %dma_wait3A_262 = tpu.memref_slice %arg4[%add3A_160, %dma_wait3A_261] : memref<2560x128xi32, #tpu.memory_space<hbm>> -> memref<16x128xi32, #tpu.memory_space<hbm>>
      %dma_wait3A_263 = arith.constant 0 : i32
      %dma_wait3A_264 = tpu.memref_slice %arg4[%add3A_160, %dma_wait3A_263] : memref<2560x128xi32, #tpu.memory_space<hbm>> -> memref<16x128xi32, #tpu.memory_space<hbm>>
      tpu.wait_dma2 semaphore(%run_scoped3A_256 : memref<!tpu.dma_semaphore, #tpu.memory_space<semaphore_mem>>) src(%dma_wait3A_264 : memref<16x128xi32, #tpu.memory_space<hbm>>) dst(%arg8 : memref<16x128xi32, #tpu.memory_space<vmem>>)
      tpu.yield
    }) : () -> ()
    %add3A_161 = arith.constant 64 : i32
    %add3A_162 = arith.addi %mul3A_2, %add3A_161 : i32
    "tpu.region"() ({
      %run_scoped3A_256 = tpu.sem_alloc : memref<!tpu.dma_semaphore, #tpu.memory_space<semaphore_mem>>
      %dma_start3A_257 = arith.constant 0 : i32
      %dma_start3A_258 = tpu.memref_slice %arg3[%add3A_162, %dma_start3A_257] : memref<2560x128xi32, #tpu.memory_space<hbm>> -> memref<16x128xi32, #tpu.memory_space<hbm>>
      %dma_start3A_259 = arith.constant 0 : i32
      %dma_start3A_260 = tpu.memref_slice %arg3[%add3A_162, %dma_start3A_259] : memref<2560x128xi32, #tpu.memory_space<hbm>> -> memref<16x128xi32, #tpu.memory_space<hbm>>
      tpu.enqueue_dma source(%dma_start3A_260 : memref<16x128xi32, #tpu.memory_space<hbm>>) target(%arg6 : memref<16x128xi32, #tpu.memory_space<vmem>>) target_semaphore(%run_scoped3A_256 : memref<!tpu.dma_semaphore, #tpu.memory_space<semaphore_mem>>)
      %dma_wait3A_261 = arith.constant 0 : i32
      %dma_wait3A_262 = tpu.memref_slice %arg3[%add3A_162, %dma_wait3A_261] : memref<2560x128xi32, #tpu.memory_space<hbm>> -> memref<16x128xi32, #tpu.memory_space<hbm>>
      %dma_wait3A_263 = arith.constant 0 : i32
      %dma_wait3A_264 = tpu.memref_slice %arg3[%add3A_162, %dma_wait3A_263] : memref<2560x128xi32, #tpu.memory_space<hbm>> -> memref<16x128xi32, #tpu.memory_space<hbm>>
      tpu.wait_dma2 semaphore(%run_scoped3A_256 : memref<!tpu.dma_semaphore, #tpu.memory_space<semaphore_mem>>) src(%dma_wait3A_264 : memref<16x128xi32, #tpu.memory_space<hbm>>) dst(%arg6 : memref<16x128xi32, #tpu.memory_space<vmem>>)
      tpu.yield
    }) : () -> ()
    %scan3A_163 = arith.constant 0 : i32
    %scan3A_164 = arith.constant 0 : i32
    %scan3A_165 = arith.constant 7 : i32
    %scan3A_166 = arith.addi %scan3A_164, %scan3A_165 : i32
    %scan3A_167 = arith.constant 1 : i32
    scf.for %scan3A_256 = %scan3A_164 to %scan3A_166 step %scan3A_167  : i32 {
      %mul3A_257 = arith.constant 2 : i32
      %mul3A_258 = arith.muli %scan3A_256, %mul3A_257 : i32
      %add3A_259 = arith.constant 0 : i32
      %add3A_260 = arith.addi %mul3A_258, %add3A_259 : i32
      %dma_wait3A_261 = arith.constant 0 : i32
      %dma_wait3A_262 = tpu.memref_slice %arg7[%add3A_260, %dma_wait3A_261] : memref<16x128xi32, #tpu.memory_space<vmem>> -> memref<1x128xi32, #tpu.memory_space<vmem>>
      %dma_wait3A_263 = tpu.memref_squeeze %dma_wait3A_262 : memref<1x128xi32, #tpu.memory_space<vmem>> -> memref<128xi32, #tpu.memory_space<vmem>>
      %dma_wait3A_264 = arith.constant 0 : i32
      %dma_wait3A_265 = arith.constant 0 : i32
      %dma_wait3A_266 = tpu.memref_slice %arg2[%dma_wait3A_264, %dma_wait3A_265] : memref<10240x128xf32, #tpu.memory_space<hbm>> -> memref<10240x128xf32, #tpu.memory_space<hbm>>
      tpu.wait_indirect_dma semaphore(%arg12 : memref<!tpu.dma_semaphore, #tpu.memory_space<semaphore_mem>>) src(%dma_wait3A_266 : memref<10240x128xf32, #tpu.memory_space<hbm>>) dst(%arg9 : memref<128x128xf32, #tpu.memory_space<vmem>>)
      "tpu.region"() ({
        %run_scoped3A_293 = tpu.sem_alloc : memref<!tpu.dma_semaphore, #tpu.memory_space<semaphore_mem>>
        %dma_start3A_294 = arith.constant 0 : i32
        %dma_start3A_295 = tpu.memref_slice %arg8[%add3A_260, %dma_start3A_294] : memref<16x128xi32, #tpu.memory_space<vmem>> -> memref<1x128xi32, #tpu.memory_space<vmem>>
        %dma_start3A_296 = tpu.memref_squeeze %dma_start3A_295 : memref<1x128xi32, #tpu.memory_space<vmem>> -> memref<128xi32, #tpu.memory_space<vmem>>
        %dma_start3A_297 = arith.constant 0 : i32
        %dma_start3A_298 = arith.constant 0 : i32
        %dma_start3A_299 = tpu.memref_slice %arg11[%dma_start3A_297, %dma_start3A_298] : memref<10240x128xf32, #tpu.memory_space<vmem_shared>> -> memref<10240x128xf32, #tpu.memory_space<vmem_shared>>
        tpu.enqueue_indirect_dma source(%arg9 : memref<128x128xf32, #tpu.memory_space<vmem>>) target(%dma_start3A_299 : memref<10240x128xf32, #tpu.memory_space<vmem_shared>>) offsets(%dma_start3A_296 : memref<128xi32, #tpu.memory_space<vmem>>) semaphore(%run_scoped3A_293 : memref<!tpu.dma_semaphore, #tpu.memory_space<semaphore_mem>>) {add = true}
        %dma_wait3A_300 = arith.constant 0 : i32
        %dma_wait3A_301 = tpu.memref_slice %arg8[%add3A_260, %dma_wait3A_300] : memref<16x128xi32, #tpu.memory_space<vmem>> -> memref<1x128xi32, #tpu.memory_space<vmem>>
        %dma_wait3A_302 = tpu.memref_squeeze %dma_wait3A_301 : memref<1x128xi32, #tpu.memory_space<vmem>> -> memref<128xi32, #tpu.memory_space<vmem>>
        %dma_wait3A_303 = arith.constant 0 : i32
        %dma_wait3A_304 = arith.constant 0 : i32
        %dma_wait3A_305 = tpu.memref_slice %arg11[%dma_wait3A_303, %dma_wait3A_304] : memref<10240x128xf32, #tpu.memory_space<vmem_shared>> -> memref<10240x128xf32, #tpu.memory_space<vmem_shared>>
        tpu.wait_indirect_dma semaphore(%run_scoped3A_293 : memref<!tpu.dma_semaphore, #tpu.memory_space<semaphore_mem>>) src(%arg9 : memref<128x128xf32, #tpu.memory_space<vmem>>) dst(%dma_wait3A_305 : memref<10240x128xf32, #tpu.memory_space<vmem_shared>>)
        tpu.yield
      }) : () -> ()
      %add3A_267 = arith.constant 2 : i32
      %add3A_268 = arith.addi %add3A_260, %add3A_267 : i32
      %dma_start3A_269 = arith.constant 0 : i32
      %dma_start3A_270 = tpu.memref_slice %arg7[%add3A_268, %dma_start3A_269] : memref<16x128xi32, #tpu.memory_space<vmem>> -> memref<1x128xi32, #tpu.memory_space<vmem>>
      %dma_start3A_271 = tpu.memref_squeeze %dma_start3A_270 : memref<1x128xi32, #tpu.memory_space<vmem>> -> memref<128xi32, #tpu.memory_space<vmem>>
      %dma_start3A_272 = arith.constant 0 : i32
      %dma_start3A_273 = arith.constant 0 : i32
      %dma_start3A_274 = tpu.memref_slice %arg2[%dma_start3A_272, %dma_start3A_273] : memref<10240x128xf32, #tpu.memory_space<hbm>> -> memref<10240x128xf32, #tpu.memory_space<hbm>>
      tpu.enqueue_indirect_dma source(%dma_start3A_274 : memref<10240x128xf32, #tpu.memory_space<hbm>>) target(%arg9 : memref<128x128xf32, #tpu.memory_space<vmem>>) offsets(%dma_start3A_271 : memref<128xi32, #tpu.memory_space<vmem>>) semaphore(%arg12 : memref<!tpu.dma_semaphore, #tpu.memory_space<semaphore_mem>>)
      %mul3A_275 = arith.constant 2 : i32
      %mul3A_276 = arith.muli %scan3A_256, %mul3A_275 : i32
      %add3A_277 = arith.constant 1 : i32
      %add3A_278 = arith.addi %mul3A_276, %add3A_277 : i32
      %dma_wait3A_279 = arith.constant 0 : i32
      %dma_wait3A_280 = tpu.memref_slice %arg7[%add3A_278, %dma_wait3A_279] : memref<16x128xi32, #tpu.memory_space<vmem>> -> memref<1x128xi32, #tpu.memory_space<vmem>>
      %dma_wait3A_281 = tpu.memref_squeeze %dma_wait3A_280 : memref<1x128xi32, #tpu.memory_space<vmem>> -> memref<128xi32, #tpu.memory_space<vmem>>
      %dma_wait3A_282 = arith.constant 0 : i32
      %dma_wait3A_283 = arith.constant 0 : i32
      %dma_wait3A_284 = tpu.memref_slice %arg2[%dma_wait3A_282, %dma_wait3A_283] : memref<10240x128xf32, #tpu.memory_space<hbm>> -> memref<10240x128xf32, #tpu.memory_space<hbm>>
      tpu.wait_indirect_dma semaphore(%arg13 : memref<!tpu.dma_semaphore, #tpu.memory_space<semaphore_mem>>) src(%dma_wait3A_284 : memref<10240x128xf32, #tpu.memory_space<hbm>>) dst(%arg10 : memref<128x128xf32, #tpu.memory_space<vmem>>)
      "tpu.region"() ({
        %run_scoped3A_293 = tpu.sem_alloc : memref<!tpu.dma_semaphore, #tpu.memory_space<semaphore_mem>>
        %dma_start3A_294 = arith.constant 0 : i32
        %dma_start3A_295 = tpu.memref_slice %arg8[%add3A_278, %dma_start3A_294] : memref<16x128xi32, #tpu.memory_space<vmem>> -> memref<1x128xi32, #tpu.memory_space<vmem>>
        %dma_start3A_296 = tpu.memref_squeeze %dma_start3A_295 : memref<1x128xi32, #tpu.memory_space<vmem>> -> memref<128xi32, #tpu.memory_space<vmem>>
        %dma_start3A_297 = arith.constant 0 : i32
        %dma_start3A_298 = arith.constant 0 : i32
        %dma_start3A_299 = tpu.memref_slice %arg11[%dma_start3A_297, %dma_start3A_298] : memref<10240x128xf32, #tpu.memory_space<vmem_shared>> -> memref<10240x128xf32, #tpu.memory_space<vmem_shared>>
        tpu.enqueue_indirect_dma source(%arg10 : memref<128x128xf32, #tpu.memory_space<vmem>>) target(%dma_start3A_299 : memref<10240x128xf32, #tpu.memory_space<vmem_shared>>) offsets(%dma_start3A_296 : memref<128xi32, #tpu.memory_space<vmem>>) semaphore(%run_scoped3A_293 : memref<!tpu.dma_semaphore, #tpu.memory_space<semaphore_mem>>) {add = true}
        %dma_wait3A_300 = arith.constant 0 : i32
        %dma_wait3A_301 = tpu.memref_slice %arg8[%add3A_278, %dma_wait3A_300] : memref<16x128xi32, #tpu.memory_space<vmem>> -> memref<1x128xi32, #tpu.memory_space<vmem>>
        %dma_wait3A_302 = tpu.memref_squeeze %dma_wait3A_301 : memref<1x128xi32, #tpu.memory_space<vmem>> -> memref<128xi32, #tpu.memory_space<vmem>>
        %dma_wait3A_303 = arith.constant 0 : i32
        %dma_wait3A_304 = arith.constant 0 : i32
        %dma_wait3A_305 = tpu.memref_slice %arg11[%dma_wait3A_303, %dma_wait3A_304] : memref<10240x128xf32, #tpu.memory_space<vmem_shared>> -> memref<10240x128xf32, #tpu.memory_space<vmem_shared>>
        tpu.wait_indirect_dma semaphore(%run_scoped3A_293 : memref<!tpu.dma_semaphore, #tpu.memory_space<semaphore_mem>>) src(%arg10 : memref<128x128xf32, #tpu.memory_space<vmem>>) dst(%dma_wait3A_305 : memref<10240x128xf32, #tpu.memory_space<vmem_shared>>)
        tpu.yield
      }) : () -> ()
      %add3A_285 = arith.constant 2 : i32
      %add3A_286 = arith.addi %add3A_278, %add3A_285 : i32
      %dma_start3A_287 = arith.constant 0 : i32
      %dma_start3A_288 = tpu.memref_slice %arg7[%add3A_286, %dma_start3A_287] : memref<16x128xi32, #tpu.memory_space<vmem>> -> memref<1x128xi32, #tpu.memory_space<vmem>>
      %dma_start3A_289 = tpu.memref_squeeze %dma_start3A_288 : memref<1x128xi32, #tpu.memory_space<vmem>> -> memref<128xi32, #tpu.memory_space<vmem>>
      %dma_start3A_290 = arith.constant 0 : i32
      %dma_start3A_291 = arith.constant 0 : i32
      %dma_start3A_292 = tpu.memref_slice %arg2[%dma_start3A_290, %dma_start3A_291] : memref<10240x128xf32, #tpu.memory_space<hbm>> -> memref<10240x128xf32, #tpu.memory_space<hbm>>
      tpu.enqueue_indirect_dma source(%dma_start3A_292 : memref<10240x128xf32, #tpu.memory_space<hbm>>) target(%arg10 : memref<128x128xf32, #tpu.memory_space<vmem>>) offsets(%dma_start3A_289 : memref<128xi32, #tpu.memory_space<vmem>>) semaphore(%arg13 : memref<!tpu.dma_semaphore, #tpu.memory_space<semaphore_mem>>)
    }
    %scan3A_168 = arith.constant 7 : i32
    %dma_wait3A_169 = arith.constant 14 : i32
    %dma_wait3A_170 = arith.constant 0 : i32
    %dma_wait3A_171 = tpu.memref_slice %arg7[%dma_wait3A_169, %dma_wait3A_170] : memref<16x128xi32, #tpu.memory_space<vmem>> -> memref<1x128xi32, #tpu.memory_space<vmem>>
    %dma_wait3A_172 = tpu.memref_squeeze %dma_wait3A_171 : memref<1x128xi32, #tpu.memory_space<vmem>> -> memref<128xi32, #tpu.memory_space<vmem>>
    %dma_wait3A_173 = arith.constant 0 : i32
    %dma_wait3A_174 = arith.constant 0 : i32
    %dma_wait3A_175 = tpu.memref_slice %arg2[%dma_wait3A_173, %dma_wait3A_174] : memref<10240x128xf32, #tpu.memory_space<hbm>> -> memref<10240x128xf32, #tpu.memory_space<hbm>>
    tpu.wait_indirect_dma semaphore(%arg12 : memref<!tpu.dma_semaphore, #tpu.memory_space<semaphore_mem>>) src(%dma_wait3A_175 : memref<10240x128xf32, #tpu.memory_space<hbm>>) dst(%arg9 : memref<128x128xf32, #tpu.memory_space<vmem>>)
    %run_scoped3A_176 = arith.constant 14 : i32
    "tpu.region"() ({
      %run_scoped3A_256 = tpu.sem_alloc : memref<!tpu.dma_semaphore, #tpu.memory_space<semaphore_mem>>
      %dma_start3A_257 = arith.constant 0 : i32
      %dma_start3A_258 = tpu.memref_slice %arg8[%run_scoped3A_176, %dma_start3A_257] : memref<16x128xi32, #tpu.memory_space<vmem>> -> memref<1x128xi32, #tpu.memory_space<vmem>>
      %dma_start3A_259 = tpu.memref_squeeze %dma_start3A_258 : memref<1x128xi32, #tpu.memory_space<vmem>> -> memref<128xi32, #tpu.memory_space<vmem>>
      %dma_start3A_260 = arith.constant 0 : i32
      %dma_start3A_261 = arith.constant 0 : i32
      %dma_start3A_262 = tpu.memref_slice %arg11[%dma_start3A_260, %dma_start3A_261] : memref<10240x128xf32, #tpu.memory_space<vmem_shared>> -> memref<10240x128xf32, #tpu.memory_space<vmem_shared>>
      tpu.enqueue_indirect_dma source(%arg9 : memref<128x128xf32, #tpu.memory_space<vmem>>) target(%dma_start3A_262 : memref<10240x128xf32, #tpu.memory_space<vmem_shared>>) offsets(%dma_start3A_259 : memref<128xi32, #tpu.memory_space<vmem>>) semaphore(%run_scoped3A_256 : memref<!tpu.dma_semaphore, #tpu.memory_space<semaphore_mem>>) {add = true}
      %dma_wait3A_263 = arith.constant 0 : i32
      %dma_wait3A_264 = tpu.memref_slice %arg8[%run_scoped3A_176, %dma_wait3A_263] : memref<16x128xi32, #tpu.memory_space<vmem>> -> memref<1x128xi32, #tpu.memory_space<vmem>>
      %dma_wait3A_265 = tpu.memref_squeeze %dma_wait3A_264 : memref<1x128xi32, #tpu.memory_space<vmem>> -> memref<128xi32, #tpu.memory_space<vmem>>
      %dma_wait3A_266 = arith.constant 0 : i32
      %dma_wait3A_267 = arith.constant 0 : i32
      %dma_wait3A_268 = tpu.memref_slice %arg11[%dma_wait3A_266, %dma_wait3A_267] : memref<10240x128xf32, #tpu.memory_space<vmem_shared>> -> memref<10240x128xf32, #tpu.memory_space<vmem_shared>>
      tpu.wait_indirect_dma semaphore(%run_scoped3A_256 : memref<!tpu.dma_semaphore, #tpu.memory_space<semaphore_mem>>) src(%arg9 : memref<128x128xf32, #tpu.memory_space<vmem>>) dst(%dma_wait3A_268 : memref<10240x128xf32, #tpu.memory_space<vmem_shared>>)
      tpu.yield
    }) : () -> ()
    %dma_start3A_177 = arith.constant 0 : i32
    %dma_start3A_178 = arith.constant 0 : i32
    %dma_start3A_179 = tpu.memref_slice %arg6[%dma_start3A_177, %dma_start3A_178] : memref<16x128xi32, #tpu.memory_space<vmem>> -> memref<1x128xi32, #tpu.memory_space<vmem>>
    %dma_start3A_180 = tpu.memref_squeeze %dma_start3A_179 : memref<1x128xi32, #tpu.memory_space<vmem>> -> memref<128xi32, #tpu.memory_space<vmem>>
    %dma_start3A_181 = arith.constant 0 : i32
    %dma_start3A_182 = arith.constant 0 : i32
    %dma_start3A_183 = tpu.memref_slice %arg2[%dma_start3A_181, %dma_start3A_182] : memref<10240x128xf32, #tpu.memory_space<hbm>> -> memref<10240x128xf32, #tpu.memory_space<hbm>>
    tpu.enqueue_indirect_dma source(%dma_start3A_183 : memref<10240x128xf32, #tpu.memory_space<hbm>>) target(%arg9 : memref<128x128xf32, #tpu.memory_space<vmem>>) offsets(%dma_start3A_180 : memref<128xi32, #tpu.memory_space<vmem>>) semaphore(%arg12 : memref<!tpu.dma_semaphore, #tpu.memory_space<semaphore_mem>>)
    %dma_wait3A_184 = arith.constant 15 : i32
    %dma_wait3A_185 = arith.constant 0 : i32
    %dma_wait3A_186 = tpu.memref_slice %arg7[%dma_wait3A_184, %dma_wait3A_185] : memref<16x128xi32, #tpu.memory_space<vmem>> -> memref<1x128xi32, #tpu.memory_space<vmem>>
    %dma_wait3A_187 = tpu.memref_squeeze %dma_wait3A_186 : memref<1x128xi32, #tpu.memory_space<vmem>> -> memref<128xi32, #tpu.memory_space<vmem>>
    %dma_wait3A_188 = arith.constant 0 : i32
    %dma_wait3A_189 = arith.constant 0 : i32
    %dma_wait3A_190 = tpu.memref_slice %arg2[%dma_wait3A_188, %dma_wait3A_189] : memref<10240x128xf32, #tpu.memory_space<hbm>> -> memref<10240x128xf32, #tpu.memory_space<hbm>>
    tpu.wait_indirect_dma semaphore(%arg13 : memref<!tpu.dma_semaphore, #tpu.memory_space<semaphore_mem>>) src(%dma_wait3A_190 : memref<10240x128xf32, #tpu.memory_space<hbm>>) dst(%arg10 : memref<128x128xf32, #tpu.memory_space<vmem>>)
    %run_scoped3A_191 = arith.constant 15 : i32
    "tpu.region"() ({
      %run_scoped3A_256 = tpu.sem_alloc : memref<!tpu.dma_semaphore, #tpu.memory_space<semaphore_mem>>
      %dma_start3A_257 = arith.constant 0 : i32
      %dma_start3A_258 = tpu.memref_slice %arg8[%run_scoped3A_191, %dma_start3A_257] : memref<16x128xi32, #tpu.memory_space<vmem>> -> memref<1x128xi32, #tpu.memory_space<vmem>>
      %dma_start3A_259 = tpu.memref_squeeze %dma_start3A_258 : memref<1x128xi32, #tpu.memory_space<vmem>> -> memref<128xi32, #tpu.memory_space<vmem>>
      %dma_start3A_260 = arith.constant 0 : i32
      %dma_start3A_261 = arith.constant 0 : i32
      %dma_start3A_262 = tpu.memref_slice %arg11[%dma_start3A_260, %dma_start3A_261] : memref<10240x128xf32, #tpu.memory_space<vmem_shared>> -> memref<10240x128xf32, #tpu.memory_space<vmem_shared>>
      tpu.enqueue_indirect_dma source(%arg10 : memref<128x128xf32, #tpu.memory_space<vmem>>) target(%dma_start3A_262 : memref<10240x128xf32, #tpu.memory_space<vmem_shared>>) offsets(%dma_start3A_259 : memref<128xi32, #tpu.memory_space<vmem>>) semaphore(%run_scoped3A_256 : memref<!tpu.dma_semaphore, #tpu.memory_space<semaphore_mem>>) {add = true}
      %dma_wait3A_263 = arith.constant 0 : i32
      %dma_wait3A_264 = tpu.memref_slice %arg8[%run_scoped3A_191, %dma_wait3A_263] : memref<16x128xi32, #tpu.memory_space<vmem>> -> memref<1x128xi32, #tpu.memory_space<vmem>>
      %dma_wait3A_265 = tpu.memref_squeeze %dma_wait3A_264 : memref<1x128xi32, #tpu.memory_space<vmem>> -> memref<128xi32, #tpu.memory_space<vmem>>
      %dma_wait3A_266 = arith.constant 0 : i32
      %dma_wait3A_267 = arith.constant 0 : i32
      %dma_wait3A_268 = tpu.memref_slice %arg11[%dma_wait3A_266, %dma_wait3A_267] : memref<10240x128xf32, #tpu.memory_space<vmem_shared>> -> memref<10240x128xf32, #tpu.memory_space<vmem_shared>>
      tpu.wait_indirect_dma semaphore(%run_scoped3A_256 : memref<!tpu.dma_semaphore, #tpu.memory_space<semaphore_mem>>) src(%arg10 : memref<128x128xf32, #tpu.memory_space<vmem>>) dst(%dma_wait3A_268 : memref<10240x128xf32, #tpu.memory_space<vmem_shared>>)
      tpu.yield
    }) : () -> ()
    %dma_start3A_192 = arith.constant 1 : i32
    %dma_start3A_193 = arith.constant 0 : i32
    %dma_start3A_194 = tpu.memref_slice %arg6[%dma_start3A_192, %dma_start3A_193] : memref<16x128xi32, #tpu.memory_space<vmem>> -> memref<1x128xi32, #tpu.memory_space<vmem>>
    %dma_start3A_195 = tpu.memref_squeeze %dma_start3A_194 : memref<1x128xi32, #tpu.memory_space<vmem>> -> memref<128xi32, #tpu.memory_space<vmem>>
    %dma_start3A_196 = arith.constant 0 : i32
    %dma_start3A_197 = arith.constant 0 : i32
    %dma_start3A_198 = tpu.memref_slice %arg2[%dma_start3A_196, %dma_start3A_197] : memref<10240x128xf32, #tpu.memory_space<hbm>> -> memref<10240x128xf32, #tpu.memory_space<hbm>>
    tpu.enqueue_indirect_dma source(%dma_start3A_198 : memref<10240x128xf32, #tpu.memory_space<hbm>>) target(%arg10 : memref<128x128xf32, #tpu.memory_space<vmem>>) offsets(%dma_start3A_195 : memref<128xi32, #tpu.memory_space<vmem>>) semaphore(%arg13 : memref<!tpu.dma_semaphore, #tpu.memory_space<semaphore_mem>>)
    %add3A_199 = arith.constant 64 : i32
    %add3A_200 = arith.addi %mul3A_2, %add3A_199 : i32
    "tpu.region"() ({
      %run_scoped3A_256 = tpu.sem_alloc : memref<!tpu.dma_semaphore, #tpu.memory_space<semaphore_mem>>
      %dma_start3A_257 = arith.constant 0 : i32
      %dma_start3A_258 = tpu.memref_slice %arg4[%add3A_200, %dma_start3A_257] : memref<2560x128xi32, #tpu.memory_space<hbm>> -> memref<16x128xi32, #tpu.memory_space<hbm>>
      %dma_start3A_259 = arith.constant 0 : i32
      %dma_start3A_260 = tpu.memref_slice %arg4[%add3A_200, %dma_start3A_259] : memref<2560x128xi32, #tpu.memory_space<hbm>> -> memref<16x128xi32, #tpu.memory_space<hbm>>
      tpu.enqueue_dma source(%dma_start3A_260 : memref<16x128xi32, #tpu.memory_space<hbm>>) target(%arg8 : memref<16x128xi32, #tpu.memory_space<vmem>>) target_semaphore(%run_scoped3A_256 : memref<!tpu.dma_semaphore, #tpu.memory_space<semaphore_mem>>)
      %dma_wait3A_261 = arith.constant 0 : i32
      %dma_wait3A_262 = tpu.memref_slice %arg4[%add3A_200, %dma_wait3A_261] : memref<2560x128xi32, #tpu.memory_space<hbm>> -> memref<16x128xi32, #tpu.memory_space<hbm>>
      %dma_wait3A_263 = arith.constant 0 : i32
      %dma_wait3A_264 = tpu.memref_slice %arg4[%add3A_200, %dma_wait3A_263] : memref<2560x128xi32, #tpu.memory_space<hbm>> -> memref<16x128xi32, #tpu.memory_space<hbm>>
      tpu.wait_dma2 semaphore(%run_scoped3A_256 : memref<!tpu.dma_semaphore, #tpu.memory_space<semaphore_mem>>) src(%dma_wait3A_264 : memref<16x128xi32, #tpu.memory_space<hbm>>) dst(%arg8 : memref<16x128xi32, #tpu.memory_space<vmem>>)
      tpu.yield
    }) : () -> ()
    %scan3A_201 = arith.constant 0 : i32
    %scan3A_202 = arith.constant 0 : i32
    %scan3A_203 = arith.constant 7 : i32
    %scan3A_204 = arith.addi %scan3A_202, %scan3A_203 : i32
    %scan3A_205 = arith.constant 1 : i32
    scf.for %scan3A_256 = %scan3A_202 to %scan3A_204 step %scan3A_205  : i32 {
      %mul3A_257 = arith.constant 2 : i32
      %mul3A_258 = arith.muli %scan3A_256, %mul3A_257 : i32
      %add3A_259 = arith.constant 0 : i32
      %add3A_260 = arith.addi %mul3A_258, %add3A_259 : i32
      %dma_wait3A_261 = arith.constant 0 : i32
      %dma_wait3A_262 = tpu.memref_slice %arg6[%add3A_260, %dma_wait3A_261] : memref<16x128xi32, #tpu.memory_space<vmem>> -> memref<1x128xi32, #tpu.memory_space<vmem>>
      %dma_wait3A_263 = tpu.memref_squeeze %dma_wait3A_262 : memref<1x128xi32, #tpu.memory_space<vmem>> -> memref<128xi32, #tpu.memory_space<vmem>>
      %dma_wait3A_264 = arith.constant 0 : i32
      %dma_wait3A_265 = arith.constant 0 : i32
      %dma_wait3A_266 = tpu.memref_slice %arg2[%dma_wait3A_264, %dma_wait3A_265] : memref<10240x128xf32, #tpu.memory_space<hbm>> -> memref<10240x128xf32, #tpu.memory_space<hbm>>
      tpu.wait_indirect_dma semaphore(%arg12 : memref<!tpu.dma_semaphore, #tpu.memory_space<semaphore_mem>>) src(%dma_wait3A_266 : memref<10240x128xf32, #tpu.memory_space<hbm>>) dst(%arg9 : memref<128x128xf32, #tpu.memory_space<vmem>>)
      "tpu.region"() ({
        %run_scoped3A_293 = tpu.sem_alloc : memref<!tpu.dma_semaphore, #tpu.memory_space<semaphore_mem>>
        %dma_start3A_294 = arith.constant 0 : i32
        %dma_start3A_295 = tpu.memref_slice %arg8[%add3A_260, %dma_start3A_294] : memref<16x128xi32, #tpu.memory_space<vmem>> -> memref<1x128xi32, #tpu.memory_space<vmem>>
        %dma_start3A_296 = tpu.memref_squeeze %dma_start3A_295 : memref<1x128xi32, #tpu.memory_space<vmem>> -> memref<128xi32, #tpu.memory_space<vmem>>
        %dma_start3A_297 = arith.constant 0 : i32
        %dma_start3A_298 = arith.constant 0 : i32
        %dma_start3A_299 = tpu.memref_slice %arg11[%dma_start3A_297, %dma_start3A_298] : memref<10240x128xf32, #tpu.memory_space<vmem_shared>> -> memref<10240x128xf32, #tpu.memory_space<vmem_shared>>
        tpu.enqueue_indirect_dma source(%arg9 : memref<128x128xf32, #tpu.memory_space<vmem>>) target(%dma_start3A_299 : memref<10240x128xf32, #tpu.memory_space<vmem_shared>>) offsets(%dma_start3A_296 : memref<128xi32, #tpu.memory_space<vmem>>) semaphore(%run_scoped3A_293 : memref<!tpu.dma_semaphore, #tpu.memory_space<semaphore_mem>>) {add = true}
        %dma_wait3A_300 = arith.constant 0 : i32
        %dma_wait3A_301 = tpu.memref_slice %arg8[%add3A_260, %dma_wait3A_300] : memref<16x128xi32, #tpu.memory_space<vmem>> -> memref<1x128xi32, #tpu.memory_space<vmem>>
        %dma_wait3A_302 = tpu.memref_squeeze %dma_wait3A_301 : memref<1x128xi32, #tpu.memory_space<vmem>> -> memref<128xi32, #tpu.memory_space<vmem>>
        %dma_wait3A_303 = arith.constant 0 : i32
        %dma_wait3A_304 = arith.constant 0 : i32
        %dma_wait3A_305 = tpu.memref_slice %arg11[%dma_wait3A_303, %dma_wait3A_304] : memref<10240x128xf32, #tpu.memory_space<vmem_shared>> -> memref<10240x128xf32, #tpu.memory_space<vmem_shared>>
        tpu.wait_indirect_dma semaphore(%run_scoped3A_293 : memref<!tpu.dma_semaphore, #tpu.memory_space<semaphore_mem>>) src(%arg9 : memref<128x128xf32, #tpu.memory_space<vmem>>) dst(%dma_wait3A_305 : memref<10240x128xf32, #tpu.memory_space<vmem_shared>>)
        tpu.yield
      }) : () -> ()
      %add3A_267 = arith.constant 2 : i32
      %add3A_268 = arith.addi %add3A_260, %add3A_267 : i32
      %dma_start3A_269 = arith.constant 0 : i32
      %dma_start3A_270 = tpu.memref_slice %arg6[%add3A_268, %dma_start3A_269] : memref<16x128xi32, #tpu.memory_space<vmem>> -> memref<1x128xi32, #tpu.memory_space<vmem>>
      %dma_start3A_271 = tpu.memref_squeeze %dma_start3A_270 : memref<1x128xi32, #tpu.memory_space<vmem>> -> memref<128xi32, #tpu.memory_space<vmem>>
      %dma_start3A_272 = arith.constant 0 : i32
      %dma_start3A_273 = arith.constant 0 : i32
      %dma_start3A_274 = tpu.memref_slice %arg2[%dma_start3A_272, %dma_start3A_273] : memref<10240x128xf32, #tpu.memory_space<hbm>> -> memref<10240x128xf32, #tpu.memory_space<hbm>>
      tpu.enqueue_indirect_dma source(%dma_start3A_274 : memref<10240x128xf32, #tpu.memory_space<hbm>>) target(%arg9 : memref<128x128xf32, #tpu.memory_space<vmem>>) offsets(%dma_start3A_271 : memref<128xi32, #tpu.memory_space<vmem>>) semaphore(%arg12 : memref<!tpu.dma_semaphore, #tpu.memory_space<semaphore_mem>>)
      %mul3A_275 = arith.constant 2 : i32
      %mul3A_276 = arith.muli %scan3A_256, %mul3A_275 : i32
      %add3A_277 = arith.constant 1 : i32
      %add3A_278 = arith.addi %mul3A_276, %add3A_277 : i32
      %dma_wait3A_279 = arith.constant 0 : i32
      %dma_wait3A_280 = tpu.memref_slice %arg6[%add3A_278, %dma_wait3A_279] : memref<16x128xi32, #tpu.memory_space<vmem>> -> memref<1x128xi32, #tpu.memory_space<vmem>>
      %dma_wait3A_281 = tpu.memref_squeeze %dma_wait3A_280 : memref<1x128xi32, #tpu.memory_space<vmem>> -> memref<128xi32, #tpu.memory_space<vmem>>
      %dma_wait3A_282 = arith.constant 0 : i32
      %dma_wait3A_283 = arith.constant 0 : i32
      %dma_wait3A_284 = tpu.memref_slice %arg2[%dma_wait3A_282, %dma_wait3A_283] : memref<10240x128xf32, #tpu.memory_space<hbm>> -> memref<10240x128xf32, #tpu.memory_space<hbm>>
      tpu.wait_indirect_dma semaphore(%arg13 : memref<!tpu.dma_semaphore, #tpu.memory_space<semaphore_mem>>) src(%dma_wait3A_284 : memref<10240x128xf32, #tpu.memory_space<hbm>>) dst(%arg10 : memref<128x128xf32, #tpu.memory_space<vmem>>)
      "tpu.region"() ({
        %run_scoped3A_293 = tpu.sem_alloc : memref<!tpu.dma_semaphore, #tpu.memory_space<semaphore_mem>>
        %dma_start3A_294 = arith.constant 0 : i32
        %dma_start3A_295 = tpu.memref_slice %arg8[%add3A_278, %dma_start3A_294] : memref<16x128xi32, #tpu.memory_space<vmem>> -> memref<1x128xi32, #tpu.memory_space<vmem>>
        %dma_start3A_296 = tpu.memref_squeeze %dma_start3A_295 : memref<1x128xi32, #tpu.memory_space<vmem>> -> memref<128xi32, #tpu.memory_space<vmem>>
        %dma_start3A_297 = arith.constant 0 : i32
        %dma_start3A_298 = arith.constant 0 : i32
        %dma_start3A_299 = tpu.memref_slice %arg11[%dma_start3A_297, %dma_start3A_298] : memref<10240x128xf32, #tpu.memory_space<vmem_shared>> -> memref<10240x128xf32, #tpu.memory_space<vmem_shared>>
        tpu.enqueue_indirect_dma source(%arg10 : memref<128x128xf32, #tpu.memory_space<vmem>>) target(%dma_start3A_299 : memref<10240x128xf32, #tpu.memory_space<vmem_shared>>) offsets(%dma_start3A_296 : memref<128xi32, #tpu.memory_space<vmem>>) semaphore(%run_scoped3A_293 : memref<!tpu.dma_semaphore, #tpu.memory_space<semaphore_mem>>) {add = true}
        %dma_wait3A_300 = arith.constant 0 : i32
        %dma_wait3A_301 = tpu.memref_slice %arg8[%add3A_278, %dma_wait3A_300] : memref<16x128xi32, #tpu.memory_space<vmem>> -> memref<1x128xi32, #tpu.memory_space<vmem>>
        %dma_wait3A_302 = tpu.memref_squeeze %dma_wait3A_301 : memref<1x128xi32, #tpu.memory_space<vmem>> -> memref<128xi32, #tpu.memory_space<vmem>>
        %dma_wait3A_303 = arith.constant 0 : i32
        %dma_wait3A_304 = arith.constant 0 : i32
        %dma_wait3A_305 = tpu.memref_slice %arg11[%dma_wait3A_303, %dma_wait3A_304] : memref<10240x128xf32, #tpu.memory_space<vmem_shared>> -> memref<10240x128xf32, #tpu.memory_space<vmem_shared>>
        tpu.wait_indirect_dma semaphore(%run_scoped3A_293 : memref<!tpu.dma_semaphore, #tpu.memory_space<semaphore_mem>>) src(%arg10 : memref<128x128xf32, #tpu.memory_space<vmem>>) dst(%dma_wait3A_305 : memref<10240x128xf32, #tpu.memory_space<vmem_shared>>)
        tpu.yield
      }) : () -> ()
      %add3A_285 = arith.constant 2 : i32
      %add3A_286 = arith.addi %add3A_278, %add3A_285 : i32
      %dma_start3A_287 = arith.constant 0 : i32
      %dma_start3A_288 = tpu.memref_slice %arg6[%add3A_286, %dma_start3A_287] : memref<16x128xi32, #tpu.memory_space<vmem>> -> memref<1x128xi32, #tpu.memory_space<vmem>>
      %dma_start3A_289 = tpu.memref_squeeze %dma_start3A_288 : memref<1x128xi32, #tpu.memory_space<vmem>> -> memref<128xi32, #tpu.memory_space<vmem>>
      %dma_start3A_290 = arith.constant 0 : i32
      %dma_start3A_291 = arith.constant 0 : i32
      %dma_start3A_292 = tpu.memref_slice %arg2[%dma_start3A_290, %dma_start3A_291] : memref<10240x128xf32, #tpu.memory_space<hbm>> -> memref<10240x128xf32, #tpu.memory_space<hbm>>
      tpu.enqueue_indirect_dma source(%dma_start3A_292 : memref<10240x128xf32, #tpu.memory_space<hbm>>) target(%arg10 : memref<128x128xf32, #tpu.memory_space<vmem>>) offsets(%dma_start3A_289 : memref<128xi32, #tpu.memory_space<vmem>>) semaphore(%arg13 : memref<!tpu.dma_semaphore, #tpu.memory_space<semaphore_mem>>)
    }
    %scan3A_206 = arith.constant 7 : i32
    %dma_wait3A_207 = arith.constant 14 : i32
    %dma_wait3A_208 = arith.constant 0 : i32
    %dma_wait3A_209 = tpu.memref_slice %arg6[%dma_wait3A_207, %dma_wait3A_208] : memref<16x128xi32, #tpu.memory_space<vmem>> -> memref<1x128xi32, #tpu.memory_space<vmem>>
    %dma_wait3A_210 = tpu.memref_squeeze %dma_wait3A_209 : memref<1x128xi32, #tpu.memory_space<vmem>> -> memref<128xi32, #tpu.memory_space<vmem>>
    %dma_wait3A_211 = arith.constant 0 : i32
    %dma_wait3A_212 = arith.constant 0 : i32
    %dma_wait3A_213 = tpu.memref_slice %arg2[%dma_wait3A_211, %dma_wait3A_212] : memref<10240x128xf32, #tpu.memory_space<hbm>> -> memref<10240x128xf32, #tpu.memory_space<hbm>>
    tpu.wait_indirect_dma semaphore(%arg12 : memref<!tpu.dma_semaphore, #tpu.memory_space<semaphore_mem>>) src(%dma_wait3A_213 : memref<10240x128xf32, #tpu.memory_space<hbm>>) dst(%arg9 : memref<128x128xf32, #tpu.memory_space<vmem>>)
    %run_scoped3A_214 = arith.constant 14 : i32
    "tpu.region"() ({
      %run_scoped3A_256 = tpu.sem_alloc : memref<!tpu.dma_semaphore, #tpu.memory_space<semaphore_mem>>
      %dma_start3A_257 = arith.constant 0 : i32
      %dma_start3A_258 = tpu.memref_slice %arg8[%run_scoped3A_214, %dma_start3A_257] : memref<16x128xi32, #tpu.memory_space<vmem>> -> memref<1x128xi32, #tpu.memory_space<vmem>>
      %dma_start3A_259 = tpu.memref_squeeze %dma_start3A_258 : memref<1x128xi32, #tpu.memory_space<vmem>> -> memref<128xi32, #tpu.memory_space<vmem>>
      %dma_start3A_260 = arith.constant 0 : i32
      %dma_start3A_261 = arith.constant 0 : i32
      %dma_start3A_262 = tpu.memref_slice %arg11[%dma_start3A_260, %dma_start3A_261] : memref<10240x128xf32, #tpu.memory_space<vmem_shared>> -> memref<10240x128xf32, #tpu.memory_space<vmem_shared>>
      tpu.enqueue_indirect_dma source(%arg9 : memref<128x128xf32, #tpu.memory_space<vmem>>) target(%dma_start3A_262 : memref<10240x128xf32, #tpu.memory_space<vmem_shared>>) offsets(%dma_start3A_259 : memref<128xi32, #tpu.memory_space<vmem>>) semaphore(%run_scoped3A_256 : memref<!tpu.dma_semaphore, #tpu.memory_space<semaphore_mem>>) {add = true}
      %dma_wait3A_263 = arith.constant 0 : i32
      %dma_wait3A_264 = tpu.memref_slice %arg8[%run_scoped3A_214, %dma_wait3A_263] : memref<16x128xi32, #tpu.memory_space<vmem>> -> memref<1x128xi32, #tpu.memory_space<vmem>>
      %dma_wait3A_265 = tpu.memref_squeeze %dma_wait3A_264 : memref<1x128xi32, #tpu.memory_space<vmem>> -> memref<128xi32, #tpu.memory_space<vmem>>
      %dma_wait3A_266 = arith.constant 0 : i32
      %dma_wait3A_267 = arith.constant 0 : i32
      %dma_wait3A_268 = tpu.memref_slice %arg11[%dma_wait3A_266, %dma_wait3A_267] : memref<10240x128xf32, #tpu.memory_space<vmem_shared>> -> memref<10240x128xf32, #tpu.memory_space<vmem_shared>>
      tpu.wait_indirect_dma semaphore(%run_scoped3A_256 : memref<!tpu.dma_semaphore, #tpu.memory_space<semaphore_mem>>) src(%arg9 : memref<128x128xf32, #tpu.memory_space<vmem>>) dst(%dma_wait3A_268 : memref<10240x128xf32, #tpu.memory_space<vmem_shared>>)
      tpu.yield
    }) : () -> ()
    %dma_start3A_215 = arith.constant 15 : i32
    %dma_start3A_216 = arith.constant 0 : i32
    %dma_start3A_217 = tpu.memref_slice %arg6[%dma_start3A_215, %dma_start3A_216] : memref<16x128xi32, #tpu.memory_space<vmem>> -> memref<1x128xi32, #tpu.memory_space<vmem>>
    %dma_start3A_218 = tpu.memref_squeeze %dma_start3A_217 : memref<1x128xi32, #tpu.memory_space<vmem>> -> memref<128xi32, #tpu.memory_space<vmem>>
    %dma_start3A_219 = arith.constant 0 : i32
    %dma_start3A_220 = arith.constant 0 : i32
    %dma_start3A_221 = tpu.memref_slice %arg2[%dma_start3A_219, %dma_start3A_220] : memref<10240x128xf32, #tpu.memory_space<hbm>> -> memref<10240x128xf32, #tpu.memory_space<hbm>>
    tpu.enqueue_indirect_dma source(%dma_start3A_221 : memref<10240x128xf32, #tpu.memory_space<hbm>>) target(%arg9 : memref<128x128xf32, #tpu.memory_space<vmem>>) offsets(%dma_start3A_218 : memref<128xi32, #tpu.memory_space<vmem>>) semaphore(%arg12 : memref<!tpu.dma_semaphore, #tpu.memory_space<semaphore_mem>>)
    %dma_wait3A_222 = arith.constant 15 : i32
    %dma_wait3A_223 = arith.constant 0 : i32
    %dma_wait3A_224 = tpu.memref_slice %arg6[%dma_wait3A_222, %dma_wait3A_223] : memref<16x128xi32, #tpu.memory_space<vmem>> -> memref<1x128xi32, #tpu.memory_space<vmem>>
    %dma_wait3A_225 = tpu.memref_squeeze %dma_wait3A_224 : memref<1x128xi32, #tpu.memory_space<vmem>> -> memref<128xi32, #tpu.memory_space<vmem>>
    %dma_wait3A_226 = arith.constant 0 : i32
    %dma_wait3A_227 = arith.constant 0 : i32
    %dma_wait3A_228 = tpu.memref_slice %arg2[%dma_wait3A_226, %dma_wait3A_227] : memref<10240x128xf32, #tpu.memory_space<hbm>> -> memref<10240x128xf32, #tpu.memory_space<hbm>>
    tpu.wait_indirect_dma semaphore(%arg13 : memref<!tpu.dma_semaphore, #tpu.memory_space<semaphore_mem>>) src(%dma_wait3A_228 : memref<10240x128xf32, #tpu.memory_space<hbm>>) dst(%arg10 : memref<128x128xf32, #tpu.memory_space<vmem>>)
    %run_scoped3A_229 = arith.constant 15 : i32
    "tpu.region"() ({
      %run_scoped3A_256 = tpu.sem_alloc : memref<!tpu.dma_semaphore, #tpu.memory_space<semaphore_mem>>
      %dma_start3A_257 = arith.constant 0 : i32
      %dma_start3A_258 = tpu.memref_slice %arg8[%run_scoped3A_229, %dma_start3A_257] : memref<16x128xi32, #tpu.memory_space<vmem>> -> memref<1x128xi32, #tpu.memory_space<vmem>>
      %dma_start3A_259 = tpu.memref_squeeze %dma_start3A_258 : memref<1x128xi32, #tpu.memory_space<vmem>> -> memref<128xi32, #tpu.memory_space<vmem>>
      %dma_start3A_260 = arith.constant 0 : i32
      %dma_start3A_261 = arith.constant 0 : i32
      %dma_start3A_262 = tpu.memref_slice %arg11[%dma_start3A_260, %dma_start3A_261] : memref<10240x128xf32, #tpu.memory_space<vmem_shared>> -> memref<10240x128xf32, #tpu.memory_space<vmem_shared>>
      tpu.enqueue_indirect_dma source(%arg10 : memref<128x128xf32, #tpu.memory_space<vmem>>) target(%dma_start3A_262 : memref<10240x128xf32, #tpu.memory_space<vmem_shared>>) offsets(%dma_start3A_259 : memref<128xi32, #tpu.memory_space<vmem>>) semaphore(%run_scoped3A_256 : memref<!tpu.dma_semaphore, #tpu.memory_space<semaphore_mem>>) {add = true}
      %dma_wait3A_263 = arith.constant 0 : i32
      %dma_wait3A_264 = tpu.memref_slice %arg8[%run_scoped3A_229, %dma_wait3A_263] : memref<16x128xi32, #tpu.memory_space<vmem>> -> memref<1x128xi32, #tpu.memory_space<vmem>>
      %dma_wait3A_265 = tpu.memref_squeeze %dma_wait3A_264 : memref<1x128xi32, #tpu.memory_space<vmem>> -> memref<128xi32, #tpu.memory_space<vmem>>
      %dma_wait3A_266 = arith.constant 0 : i32
      %dma_wait3A_267 = arith.constant 0 : i32
      %dma_wait3A_268 = tpu.memref_slice %arg11[%dma_wait3A_266, %dma_wait3A_267] : memref<10240x128xf32, #tpu.memory_space<vmem_shared>> -> memref<10240x128xf32, #tpu.memory_space<vmem_shared>>
      tpu.wait_indirect_dma semaphore(%run_scoped3A_256 : memref<!tpu.dma_semaphore, #tpu.memory_space<semaphore_mem>>) src(%arg10 : memref<128x128xf32, #tpu.memory_space<vmem>>) dst(%dma_wait3A_268 : memref<10240x128xf32, #tpu.memory_space<vmem_shared>>)
      tpu.yield
    }) : () -> ()
    %dma_start3A_230 = arith.constant 15 : i32
    %dma_start3A_231 = arith.constant 0 : i32
    %dma_start3A_232 = tpu.memref_slice %arg6[%dma_start3A_230, %dma_start3A_231] : memref<16x128xi32, #tpu.memory_space<vmem>> -> memref<1x128xi32, #tpu.memory_space<vmem>>
    %dma_start3A_233 = tpu.memref_squeeze %dma_start3A_232 : memref<1x128xi32, #tpu.memory_space<vmem>> -> memref<128xi32, #tpu.memory_space<vmem>>
    %dma_start3A_234 = arith.constant 0 : i32
    %dma_start3A_235 = arith.constant 0 : i32
    %dma_start3A_236 = tpu.memref_slice %arg2[%dma_start3A_234, %dma_start3A_235] : memref<10240x128xf32, #tpu.memory_space<hbm>> -> memref<10240x128xf32, #tpu.memory_space<hbm>>
    tpu.enqueue_indirect_dma source(%dma_start3A_236 : memref<10240x128xf32, #tpu.memory_space<hbm>>) target(%arg10 : memref<128x128xf32, #tpu.memory_space<vmem>>) offsets(%dma_start3A_233 : memref<128xi32, #tpu.memory_space<vmem>>) semaphore(%arg13 : memref<!tpu.dma_semaphore, #tpu.memory_space<semaphore_mem>>)
    %dma_wait3A_237 = arith.constant 0 : i32
    %dma_wait3A_238 = arith.constant 0 : i32
    %dma_wait3A_239 = tpu.memref_slice %arg6[%dma_wait3A_237, %dma_wait3A_238] : memref<16x128xi32, #tpu.memory_space<vmem>> -> memref<1x128xi32, #tpu.memory_space<vmem>>
    %dma_wait3A_240 = tpu.memref_squeeze %dma_wait3A_239 : memref<1x128xi32, #tpu.memory_space<vmem>> -> memref<128xi32, #tpu.memory_space<vmem>>
    %dma_wait3A_241 = arith.constant 0 : i32
    %dma_wait3A_242 = arith.constant 0 : i32
    %dma_wait3A_243 = tpu.memref_slice %arg2[%dma_wait3A_241, %dma_wait3A_242] : memref<10240x128xf32, #tpu.memory_space<hbm>> -> memref<10240x128xf32, #tpu.memory_space<hbm>>
    tpu.wait_indirect_dma semaphore(%arg12 : memref<!tpu.dma_semaphore, #tpu.memory_space<semaphore_mem>>) src(%dma_wait3A_243 : memref<10240x128xf32, #tpu.memory_space<hbm>>) dst(%arg9 : memref<128x128xf32, #tpu.memory_space<vmem>>)
    %dma_wait3A_244 = arith.constant 1 : i32
    %dma_wait3A_245 = arith.constant 0 : i32
    %dma_wait3A_246 = tpu.memref_slice %arg6[%dma_wait3A_244, %dma_wait3A_245] : memref<16x128xi32, #tpu.memory_space<vmem>> -> memref<1x128xi32, #tpu.memory_space<vmem>>
    %dma_wait3A_247 = tpu.memref_squeeze %dma_wait3A_246 : memref<1x128xi32, #tpu.memory_space<vmem>> -> memref<128xi32, #tpu.memory_space<vmem>>
    %dma_wait3A_248 = arith.constant 0 : i32
    %dma_wait3A_249 = arith.constant 0 : i32
    %dma_wait3A_250 = tpu.memref_slice %arg2[%dma_wait3A_248, %dma_wait3A_249] : memref<10240x128xf32, #tpu.memory_space<hbm>> -> memref<10240x128xf32, #tpu.memory_space<hbm>>
    tpu.wait_indirect_dma semaphore(%arg13 : memref<!tpu.dma_semaphore, #tpu.memory_space<semaphore_mem>>) src(%dma_wait3A_250 : memref<10240x128xf32, #tpu.memory_space<hbm>>) dst(%arg10 : memref<128x128xf32, #tpu.memory_space<vmem>>)
    %barrier3A_251 = arith.constant 0 : index
    tpu.barrier barrier_id(%barrier3A_251)
    %mul3A_252 = arith.constant 640 : i32
    %mul3A_253 = arith.muli %arg1, %mul3A_252 : i32
    %mul3A_254 = arith.constant 640 : i32
    %mul3A_255 = arith.muli %arg1, %mul3A_254 : i32
    "tpu.region"() ({
      %run_scoped3A_256 = tpu.sem_alloc : memref<!tpu.dma_semaphore, #tpu.memory_space<semaphore_mem>>
      %dma_start3A_257 = arith.constant 0 : i32
      %dma_start3A_258 = tpu.memref_slice %arg5[%arg0, %mul3A_255, %dma_start3A_257] : memref<2x10240x128xf32, #tpu.memory_space<hbm>> -> memref<1x640x128xf32, #tpu.memory_space<hbm>>
      %dma_start3A_259 = tpu.memref_squeeze %dma_start3A_258 : memref<1x640x128xf32, #tpu.memory_space<hbm>> -> memref<640x128xf32, #tpu.memory_space<hbm>>
      %dma_start3A_260 = arith.constant 0 : i32
      %dma_start3A_261 = tpu.memref_slice %arg11[%mul3A_253, %dma_start3A_260] : memref<10240x128xf32, #tpu.memory_space<vmem_shared>> -> memref<640x128xf32, #tpu.memory_space<vmem_shared>>
      tpu.enqueue_dma source(%dma_start3A_261 : memref<640x128xf32, #tpu.memory_space<vmem_shared>>) target(%dma_start3A_259 : memref<640x128xf32, #tpu.memory_space<hbm>>) target_semaphore(%run_scoped3A_256 : memref<!tpu.dma_semaphore, #tpu.memory_space<semaphore_mem>>)
      %dma_wait3A_262 = arith.constant 0 : i32
      %dma_wait3A_263 = tpu.memref_slice %arg5[%arg0, %mul3A_255, %dma_wait3A_262] : memref<2x10240x128xf32, #tpu.memory_space<hbm>> -> memref<1x640x128xf32, #tpu.memory_space<hbm>>
      %dma_wait3A_264 = tpu.memref_squeeze %dma_wait3A_263 : memref<1x640x128xf32, #tpu.memory_space<hbm>> -> memref<640x128xf32, #tpu.memory_space<hbm>>
      %dma_wait3A_265 = arith.constant 0 : i32
      %dma_wait3A_266 = tpu.memref_slice %arg11[%mul3A_253, %dma_wait3A_265] : memref<10240x128xf32, #tpu.memory_space<vmem_shared>> -> memref<640x128xf32, #tpu.memory_space<vmem_shared>>
      tpu.wait_dma2 semaphore(%run_scoped3A_256 : memref<!tpu.dma_semaphore, #tpu.memory_space<semaphore_mem>>) src(%dma_wait3A_266 : memref<640x128xf32, #tpu.memory_space<vmem_shared>>) dst(%dma_wait3A_264 : memref<640x128xf32, #tpu.memory_space<hbm>>)
      tpu.yield
    }) : () -> ()
    return
  }
}

#map = affine_map<(d0, d1) -> (0, 0)>
module attributes {stable_mosaic.version = 14 : i64} {
  func.func @_sc_degree_body(%arg0: i32, %arg1: i32, %arg2: memref<2560x128xi32, #tpu.memory_space<hbm>>, %arg3: memref<2x10240xf32, #tpu.memory_space<hbm>>, %arg4: memref<80x128xi32, #tpu.memory_space<vmem>>, %arg5: memref<128xf32, #tpu.memory_space<vmem>>, %arg6: memref<640xf32, #tpu.memory_space<vmem>>, %arg7: memref<10240xf32, #tpu.memory_space<vmem_shared>>) attributes {dimension_semantics = [#tpu.dimension_semantics<core_parallel>, #tpu.dimension_semantics<subcore_parallel>], iteration_bounds = array<i64: 2, 16>, scalar_prefetch = 0 : i64, scratch_operands = 4 : i64, tpu.core_type = #tpu.core_type<sc_vector_subcore>, window_params = [{transform_indices = #map}, {transform_indices = #map}]} {
    %mul3A = arith.constant 2 : i32
    %mul3A_0 = arith.muli %arg1, %mul3A : i32
    %add3A = arith.addi %mul3A_0, %arg0 : i32
    %scan3A = arith.constant 0 : i32
    %scan3A_1 = arith.constant 0 : i32
    %scan3A_2 = arith.constant 40 : i32
    %scan3A_3 = arith.addi %scan3A_1, %scan3A_2 : i32
    %scan3A_4 = arith.constant 1 : i32
    scf.for %scan3A_67 = %scan3A_1 to %scan3A_3 step %scan3A_4  : i32 {
      %broadcast_in_dim3A_68 = arith.constant 0.000000e+00 : f32
      %broadcast_in_dim3A_69 = vector.broadcast %broadcast_in_dim3A_68 : f32 to vector<16xf32>
      %mul3A_70 = arith.constant 16 : i32
      %mul3A_71 = arith.muli %scan3A_67, %mul3A_70 : i32
      %swap3A_72 = arith.index_cast %mul3A_71 : i32 to index
      %swap3A_73 = tpu.vector_load %arg6[%swap3A_72] {strides = array<i32>} : memref<640xf32, #tpu.memory_space<vmem>>, vector<16xf32>,
      %swap3A_74 = vector.shape_cast %swap3A_73 : vector<16xf32> to vector<16xf32>
      %swap3A_75 = vector.shape_cast %broadcast_in_dim3A_69 : vector<16xf32> to vector<16xf32>
      tpu.vector_store %arg6[%swap3A_72], %swap3A_75 {strides = array<i32>} : memref<640xf32, #tpu.memory_space<vmem>>, vector<16xf32>,
    }
    %scan3A_5 = arith.constant 40 : i32
    %broadcast_in_dim3A = arith.constant 1.000000e+00 : f32
    %broadcast_in_dim3A_6 = vector.broadcast %broadcast_in_dim3A : f32 to vector<16xf32>
    %swap3A = arith.constant 0 : index
    %swap3A_7 = tpu.vector_load %arg5[%swap3A] {strides = array<i32>} : memref<128xf32, #tpu.memory_space<vmem>>, vector<16xf32>,
    %swap3A_8 = vector.shape_cast %swap3A_7 : vector<16xf32> to vector<16xf32>
    %swap3A_9 = vector.shape_cast %broadcast_in_dim3A_6 : vector<16xf32> to vector<16xf32>
    tpu.vector_store %arg5[%swap3A], %swap3A_9 {strides = array<i32>} : memref<128xf32, #tpu.memory_space<vmem>>, vector<16xf32>,
    %broadcast_in_dim3A_10 = arith.constant 1.000000e+00 : f32
    %broadcast_in_dim3A_11 = vector.broadcast %broadcast_in_dim3A_10 : f32 to vector<16xf32>
    %swap3A_12 = arith.constant 16 : index
    %swap3A_13 = tpu.vector_load %arg5[%swap3A_12] {strides = array<i32>} : memref<128xf32, #tpu.memory_space<vmem>>, vector<16xf32>,
    %swap3A_14 = vector.shape_cast %swap3A_13 : vector<16xf32> to vector<16xf32>
    %swap3A_15 = vector.shape_cast %broadcast_in_dim3A_11 : vector<16xf32> to vector<16xf32>
    tpu.vector_store %arg5[%swap3A_12], %swap3A_15 {strides = array<i32>} : memref<128xf32, #tpu.memory_space<vmem>>, vector<16xf32>,
    %broadcast_in_dim3A_16 = arith.constant 1.000000e+00 : f32
    %broadcast_in_dim3A_17 = vector.broadcast %broadcast_in_dim3A_16 : f32 to vector<16xf32>
    %swap3A_18 = arith.constant 32 : index
    %swap3A_19 = tpu.vector_load %arg5[%swap3A_18] {strides = array<i32>} : memref<128xf32, #tpu.memory_space<vmem>>, vector<16xf32>,
    %swap3A_20 = vector.shape_cast %swap3A_19 : vector<16xf32> to vector<16xf32>
    %swap3A_21 = vector.shape_cast %broadcast_in_dim3A_17 : vector<16xf32> to vector<16xf32>
    tpu.vector_store %arg5[%swap3A_18], %swap3A_21 {strides = array<i32>} : memref<128xf32, #tpu.memory_space<vmem>>, vector<16xf32>,
    %broadcast_in_dim3A_22 = arith.constant 1.000000e+00 : f32
    %broadcast_in_dim3A_23 = vector.broadcast %broadcast_in_dim3A_22 : f32 to vector<16xf32>
    %swap3A_24 = arith.constant 48 : index
    %swap3A_25 = tpu.vector_load %arg5[%swap3A_24] {strides = array<i32>} : memref<128xf32, #tpu.memory_space<vmem>>, vector<16xf32>,
    %swap3A_26 = vector.shape_cast %swap3A_25 : vector<16xf32> to vector<16xf32>
    %swap3A_27 = vector.shape_cast %broadcast_in_dim3A_23 : vector<16xf32> to vector<16xf32>
    tpu.vector_store %arg5[%swap3A_24], %swap3A_27 {strides = array<i32>} : memref<128xf32, #tpu.memory_space<vmem>>, vector<16xf32>,
    %broadcast_in_dim3A_28 = arith.constant 1.000000e+00 : f32
    %broadcast_in_dim3A_29 = vector.broadcast %broadcast_in_dim3A_28 : f32 to vector<16xf32>
    %swap3A_30 = arith.constant 64 : index
    %swap3A_31 = tpu.vector_load %arg5[%swap3A_30] {strides = array<i32>} : memref<128xf32, #tpu.memory_space<vmem>>, vector<16xf32>,
    %swap3A_32 = vector.shape_cast %swap3A_31 : vector<16xf32> to vector<16xf32>
    %swap3A_33 = vector.shape_cast %broadcast_in_dim3A_29 : vector<16xf32> to vector<16xf32>
    tpu.vector_store %arg5[%swap3A_30], %swap3A_33 {strides = array<i32>} : memref<128xf32, #tpu.memory_space<vmem>>, vector<16xf32>,
    %broadcast_in_dim3A_34 = arith.constant 1.000000e+00 : f32
    %broadcast_in_dim3A_35 = vector.broadcast %broadcast_in_dim3A_34 : f32 to vector<16xf32>
    %swap3A_36 = arith.constant 80 : index
    %swap3A_37 = tpu.vector_load %arg5[%swap3A_36] {strides = array<i32>} : memref<128xf32, #tpu.memory_space<vmem>>, vector<16xf32>,
    %swap3A_38 = vector.shape_cast %swap3A_37 : vector<16xf32> to vector<16xf32>
    %swap3A_39 = vector.shape_cast %broadcast_in_dim3A_35 : vector<16xf32> to vector<16xf32>
    tpu.vector_store %arg5[%swap3A_36], %swap3A_39 {strides = array<i32>} : memref<128xf32, #tpu.memory_space<vmem>>, vector<16xf32>,
    %broadcast_in_dim3A_40 = arith.constant 1.000000e+00 : f32
    %broadcast_in_dim3A_41 = vector.broadcast %broadcast_in_dim3A_40 : f32 to vector<16xf32>
    %swap3A_42 = arith.constant 96 : index
    %swap3A_43 = tpu.vector_load %arg5[%swap3A_42] {strides = array<i32>} : memref<128xf32, #tpu.memory_space<vmem>>, vector<16xf32>,
    %swap3A_44 = vector.shape_cast %swap3A_43 : vector<16xf32> to vector<16xf32>
    %swap3A_45 = vector.shape_cast %broadcast_in_dim3A_41 : vector<16xf32> to vector<16xf32>
    tpu.vector_store %arg5[%swap3A_42], %swap3A_45 {strides = array<i32>} : memref<128xf32, #tpu.memory_space<vmem>>, vector<16xf32>,
    %broadcast_in_dim3A_46 = arith.constant 1.000000e+00 : f32
    %broadcast_in_dim3A_47 = vector.broadcast %broadcast_in_dim3A_46 : f32 to vector<16xf32>
    %swap3A_48 = arith.constant 112 : index
    %swap3A_49 = tpu.vector_load %arg5[%swap3A_48] {strides = array<i32>} : memref<128xf32, #tpu.memory_space<vmem>>, vector<16xf32>,
    %swap3A_50 = vector.shape_cast %swap3A_49 : vector<16xf32> to vector<16xf32>
    %swap3A_51 = vector.shape_cast %broadcast_in_dim3A_47 : vector<16xf32> to vector<16xf32>
    tpu.vector_store %arg5[%swap3A_48], %swap3A_51 {strides = array<i32>} : memref<128xf32, #tpu.memory_space<vmem>>, vector<16xf32>,
    %mul3A_52 = arith.constant 640 : i32
    %mul3A_53 = arith.muli %arg1, %mul3A_52 : i32
    "tpu.region"() ({
      %run_scoped3A = tpu.sem_alloc : memref<!tpu.dma_semaphore, #tpu.memory_space<semaphore_mem>>
      %dma_start3A = tpu.memref_slice %arg7[%mul3A_53] : memref<10240xf32, #tpu.memory_space<vmem_shared>> -> memref<640xf32, #tpu.memory_space<vmem_shared>>
      %dma_start3A_67 = tpu.memref_slice %arg7[%mul3A_53] : memref<10240xf32, #tpu.memory_space<vmem_shared>> -> memref<640xf32, #tpu.memory_space<vmem_shared>>
      tpu.enqueue_dma source(%arg6 : memref<640xf32, #tpu.memory_space<vmem>>) target(%dma_start3A_67 : memref<640xf32, #tpu.memory_space<vmem_shared>>) target_semaphore(%run_scoped3A : memref<!tpu.dma_semaphore, #tpu.memory_space<semaphore_mem>>)
      %dma_wait3A = tpu.memref_slice %arg7[%mul3A_53] : memref<10240xf32, #tpu.memory_space<vmem_shared>> -> memref<640xf32, #tpu.memory_space<vmem_shared>>
      %dma_wait3A_68 = tpu.memref_slice %arg7[%mul3A_53] : memref<10240xf32, #tpu.memory_space<vmem_shared>> -> memref<640xf32, #tpu.memory_space<vmem_shared>>
      tpu.wait_dma2 semaphore(%run_scoped3A : memref<!tpu.dma_semaphore, #tpu.memory_space<semaphore_mem>>) src(%arg6 : memref<640xf32, #tpu.memory_space<vmem>>) dst(%dma_wait3A_68 : memref<640xf32, #tpu.memory_space<vmem_shared>>)
      tpu.yield
    }) : () -> ()
    %mul3A_54 = arith.constant 80 : i32
    %mul3A_55 = arith.muli %add3A, %mul3A_54 : i32
    "tpu.region"() ({
      %run_scoped3A = tpu.sem_alloc : memref<!tpu.dma_semaphore, #tpu.memory_space<semaphore_mem>>
      %dma_start3A = arith.constant 0 : i32
      %dma_start3A_67 = tpu.memref_slice %arg2[%mul3A_55, %dma_start3A] : memref<2560x128xi32, #tpu.memory_space<hbm>> -> memref<80x128xi32, #tpu.memory_space<hbm>>
      %dma_start3A_68 = arith.constant 0 : i32
      %dma_start3A_69 = tpu.memref_slice %arg2[%mul3A_55, %dma_start3A_68] : memref<2560x128xi32, #tpu.memory_space<hbm>> -> memref<80x128xi32, #tpu.memory_space<hbm>>
      tpu.enqueue_dma source(%dma_start3A_69 : memref<80x128xi32, #tpu.memory_space<hbm>>) target(%arg4 : memref<80x128xi32, #tpu.memory_space<vmem>>) target_semaphore(%run_scoped3A : memref<!tpu.dma_semaphore, #tpu.memory_space<semaphore_mem>>)
      %dma_wait3A = arith.constant 0 : i32
      %dma_wait3A_70 = tpu.memref_slice %arg2[%mul3A_55, %dma_wait3A] : memref<2560x128xi32, #tpu.memory_space<hbm>> -> memref<80x128xi32, #tpu.memory_space<hbm>>
      %dma_wait3A_71 = arith.constant 0 : i32
      %dma_wait3A_72 = tpu.memref_slice %arg2[%mul3A_55, %dma_wait3A_71] : memref<2560x128xi32, #tpu.memory_space<hbm>> -> memref<80x128xi32, #tpu.memory_space<hbm>>
      tpu.wait_dma2 semaphore(%run_scoped3A : memref<!tpu.dma_semaphore, #tpu.memory_space<semaphore_mem>>) src(%dma_wait3A_72 : memref<80x128xi32, #tpu.memory_space<hbm>>) dst(%arg4 : memref<80x128xi32, #tpu.memory_space<vmem>>)
      tpu.yield
    }) : () -> ()
    %barrier3A = arith.constant 0 : index
    tpu.barrier barrier_id(%barrier3A)
    %scan3A_56 = arith.constant 0 : i32
    %scan3A_57 = arith.constant 0 : i32
    %scan3A_58 = arith.constant 80 : i32
    %scan3A_59 = arith.addi %scan3A_57, %scan3A_58 : i32
    %scan3A_60 = arith.constant 1 : i32
    scf.for %scan3A_67 = %scan3A_57 to %scan3A_59 step %scan3A_60  : i32 {
      "tpu.region"() ({
        %run_scoped3A = tpu.sem_alloc : memref<!tpu.dma_semaphore, #tpu.memory_space<semaphore_mem>>
        %dma_start3A = arith.constant 0 : i32
        %dma_start3A_68 = tpu.memref_slice %arg4[%scan3A_67, %dma_start3A] : memref<80x128xi32, #tpu.memory_space<vmem>> -> memref<1x128xi32, #tpu.memory_space<vmem>>
        %dma_start3A_69 = tpu.memref_squeeze %dma_start3A_68 : memref<1x128xi32, #tpu.memory_space<vmem>> -> memref<128xi32, #tpu.memory_space<vmem>>
        %dma_start3A_70 = arith.constant 0 : i32
        %dma_start3A_71 = tpu.memref_slice %arg7[%dma_start3A_70] : memref<10240xf32, #tpu.memory_space<vmem_shared>> -> memref<10240xf32, #tpu.memory_space<vmem_shared>>
        tpu.enqueue_indirect_dma source(%arg5 : memref<128xf32, #tpu.memory_space<vmem>>) target(%dma_start3A_71 : memref<10240xf32, #tpu.memory_space<vmem_shared>>) offsets(%dma_start3A_69 : memref<128xi32, #tpu.memory_space<vmem>>) semaphore(%run_scoped3A : memref<!tpu.dma_semaphore, #tpu.memory_space<semaphore_mem>>) {add = true}
        %dma_wait3A = arith.constant 0 : i32
        %dma_wait3A_72 = tpu.memref_slice %arg4[%scan3A_67, %dma_wait3A] : memref<80x128xi32, #tpu.memory_space<vmem>> -> memref<1x128xi32, #tpu.memory_space<vmem>>
        %dma_wait3A_73 = tpu.memref_squeeze %dma_wait3A_72 : memref<1x128xi32, #tpu.memory_space<vmem>> -> memref<128xi32, #tpu.memory_space<vmem>>
        %dma_wait3A_74 = arith.constant 0 : i32
        %dma_wait3A_75 = tpu.memref_slice %arg7[%dma_wait3A_74] : memref<10240xf32, #tpu.memory_space<vmem_shared>> -> memref<10240xf32, #tpu.memory_space<vmem_shared>>
        tpu.wait_indirect_dma semaphore(%run_scoped3A : memref<!tpu.dma_semaphore, #tpu.memory_space<semaphore_mem>>) src(%arg5 : memref<128xf32, #tpu.memory_space<vmem>>) dst(%dma_wait3A_75 : memref<10240xf32, #tpu.memory_space<vmem_shared>>)
        tpu.yield
      }) : () -> ()
    }
    %scan3A_61 = arith.constant 80 : i32
    %barrier3A_62 = arith.constant 0 : index
    tpu.barrier barrier_id(%barrier3A_62)
    %mul3A_63 = arith.constant 640 : i32
    %mul3A_64 = arith.muli %arg1, %mul3A_63 : i32
    %mul3A_65 = arith.constant 640 : i32
    %mul3A_66 = arith.muli %arg1, %mul3A_65 : i32
    "tpu.region"() ({
      %run_scoped3A = tpu.sem_alloc : memref<!tpu.dma_semaphore, #tpu.memory_space<semaphore_mem>>
      %dma_start3A = tpu.memref_slice %arg3[%arg0, %mul3A_66] : memref<2x10240xf32, #tpu.memory_space<hbm>> -> memref<1x640xf32, #tpu.memory_space<hbm>>
      %dma_start3A_67 = tpu.memref_squeeze %dma_start3A : memref<1x640xf32, #tpu.memory_space<hbm>> -> memref<640xf32, #tpu.memory_space<hbm>>
      %dma_start3A_68 = tpu.memref_slice %arg7[%mul3A_64] : memref<10240xf32, #tpu.memory_space<vmem_shared>> -> memref<640xf32, #tpu.memory_space<vmem_shared>>
      tpu.enqueue_dma source(%dma_start3A_68 : memref<640xf32, #tpu.memory_space<vmem_shared>>) target(%dma_start3A_67 : memref<640xf32, #tpu.memory_space<hbm>>) target_semaphore(%run_scoped3A : memref<!tpu.dma_semaphore, #tpu.memory_space<semaphore_mem>>)
      %dma_wait3A = tpu.memref_slice %arg3[%arg0, %mul3A_66] : memref<2x10240xf32, #tpu.memory_space<hbm>> -> memref<1x640xf32, #tpu.memory_space<hbm>>
      %dma_wait3A_69 = tpu.memref_squeeze %dma_wait3A : memref<1x640xf32, #tpu.memory_space<hbm>> -> memref<640xf32, #tpu.memory_space<hbm>>
      %dma_wait3A_70 = tpu.memref_slice %arg7[%mul3A_64] : memref<10240xf32, #tpu.memory_space<vmem_shared>> -> memref<640xf32, #tpu.memory_space<vmem_shared>>
      tpu.wait_dma2 semaphore(%run_scoped3A : memref<!tpu.dma_semaphore, #tpu.memory_space<semaphore_mem>>) src(%dma_wait3A_70 : memref<640xf32, #tpu.memory_space<vmem_shared>>) dst(%dma_wait3A_69 : memref<640xf32, #tpu.memory_space<hbm>>)
      tpu.yield
    }) : () -> ()
    return
  }
}

#map = affine_map<(d0, d1) -> (0, 0)>
#map1 = affine_map<(d0, d1) -> (0, 0, 0)>
module attributes {stable_mosaic.version = 14 : i64} {
  func.func @_sc_agg_body(%arg0: i32, %arg1: i32, %arg2: memref<10240x128xf32, #tpu.memory_space<hbm>>, %arg3: memref<2560x128xi32, #tpu.memory_space<hbm>>, %arg4: memref<2560x128xi32, #tpu.memory_space<hbm>>, %arg5: memref<2x10240x128xf32, #tpu.memory_space<hbm>>, %arg6: memref<16x128xi32, #tpu.memory_space<vmem>>, %arg7: memref<16x128xi32, #tpu.memory_space<vmem>>, %arg8: memref<16x128xi32, #tpu.memory_space<vmem>>, %arg9: memref<128x128xf32, #tpu.memory_space<vmem>>, %arg10: memref<128x128xf32, #tpu.memory_space<vmem>>, %arg11: memref<10240x128xf32, #tpu.memory_space<vmem_shared>>, %arg12: memref<!tpu.dma_semaphore, #tpu.memory_space<semaphore_mem>>, %arg13: memref<!tpu.dma_semaphore, #tpu.memory_space<semaphore_mem>>) attributes {dimension_semantics = [#tpu.dimension_semantics<core_parallel>, #tpu.dimension_semantics<subcore_parallel>], iteration_bounds = array<i64: 2, 16>, scalar_prefetch = 0 : i64, scratch_operands = 8 : i64, tpu.core_type = #tpu.core_type<sc_vector_subcore>, window_params = [{transform_indices = #map}, {transform_indices = #map}, {transform_indices = #map}, {transform_indices = #map1}]} {
    %mul3A = arith.constant 2 : i32
    %mul3A_0 = arith.muli %arg1, %mul3A : i32
    %add3A = arith.addi %mul3A_0, %arg0 : i32
    %mul3A_1 = arith.constant 80 : i32
    %mul3A_2 = arith.muli %add3A, %mul3A_1 : i32
    %scan3A = arith.constant 0 : i32
    %scan3A_3 = arith.constant 0 : i32
    %scan3A_4 = arith.constant 1024 : i32
    %scan3A_5 = arith.addi %scan3A_3, %scan3A_4 : i32
    %scan3A_6 = arith.constant 1 : i32
    scf.for %scan3A_256 = %scan3A_3 to %scan3A_5 step %scan3A_6  : i32 {
      %broadcast_in_dim3A = arith.constant 0.000000e+00 : f32
      %broadcast_in_dim3A_257 = vector.broadcast %broadcast_in_dim3A : f32 to vector<16xf32>
      %jit3A = arith.constant 8 : i32
      %div3A = arith.divsi %scan3A_256, %jit3A : i32
      %sign3A = arith.constant 0 : i32
      %sign3A_258 = arith.cmpi sgt, %scan3A_256, %sign3A : i32
      %sign3A_259 = arith.extui %sign3A_258 : i1 to i32
      %sign3A_260 = arith.constant 0 : i32
      %sign3A_261 = arith.cmpi slt, %scan3A_256, %sign3A_260 : i32
      %sign3A_262 = arith.extui %sign3A_261 : i1 to i32
      %sign3A_263 = arith.subi %sign3A_259, %sign3A_262 : i32
      %sign3A_264 = arith.constant 0 : i32
      %sign3A_265 = arith.cmpi sgt, %jit3A, %sign3A_264 : i32
      %sign3A_266 = arith.extui %sign3A_265 : i1 to i32
      %sign3A_267 = arith.constant 0 : i32
      %sign3A_268 = arith.cmpi slt, %jit3A, %sign3A_267 : i32
      %sign3A_269 = arith.extui %sign3A_268 : i1 to i32
      %sign3A_270 = arith.subi %sign3A_266, %sign3A_269 : i32
      %ne3A = arith.cmpi ne, %sign3A_263, %sign3A_270 : i32
      %rem3A = arith.remsi %scan3A_256, %jit3A : i32
      %ne3A_271 = arith.constant 0 : i32
      %ne3A_272 = arith.cmpi ne, %rem3A, %ne3A_271 : i32
      %and3A = arith.andi %ne3A, %ne3A_272 : i1
      %sub3A = arith.constant 1 : i32
      %sub3A_273 = arith.subi %div3A, %sub3A : i32
      %select_n3A = arith.select %and3A, %sub3A_273, %div3A : i32
      %jit3A_274 = arith.constant 8 : i32
      %eq3A = arith.constant 0 : i32
      %eq3A_275 = arith.cmpi eq, %jit3A_274, %eq3A : i32
      %jit3A_276 = arith.constant 1 : i32
      %select_n3A_277 = arith.select %eq3A_275, %jit3A_276, %jit3A_274 : i32
      %rem3A_278 = arith.remsi %scan3A_256, %select_n3A_277 : i32
      %ne3A_279 = arith.constant 0 : i32
      %ne3A_280 = arith.cmpi ne, %rem3A_278, %ne3A_279 : i32
      %lt3A = arith.constant 0 : i32
      %lt3A_281 = arith.cmpi slt, %rem3A_278, %lt3A : i32
      %lt3A_282 = arith.constant 0 : i32
      %lt3A_283 = arith.cmpi slt, %select_n3A_277, %lt3A_282 : i32
      %ne3A_284 = arith.xori %lt3A_281, %lt3A_283 : i1
      %and3A_285 = arith.andi %ne3A_284, %ne3A_280 : i1
      %add3A_286 = arith.addi %rem3A_278, %select_n3A_277 : i32
      %select_n3A_287 = arith.select %and3A_285, %add3A_286, %rem3A_278 : i32
      %mul3A_288 = arith.constant 16 : i32
      %mul3A_289 = arith.muli %select_n3A_287, %mul3A_288 : i32
      %swap3A = arith.index_cast %select_n3A : i32 to index
      %swap3A_290 = arith.index_cast %mul3A_289 : i32 to index
      %swap3A_291 = tpu.vector_load %arg9[%swap3A, %swap3A_290] {strides = array<i32>} : memref<128x128xf32, #tpu.memory_space<vmem>>, vector<1x16xf32>,
      %swap3A_292 = vector.shape_cast %swap3A_291 : vector<1x16xf32> to vector<16xf32>
      %swap3A_293 = vector.shape_cast %broadcast_in_dim3A_257 : vector<16xf32> to vector<1x16xf32>
      tpu.vector_store %arg9[%swap3A, %swap3A_290], %swap3A_293 {strides = array<i32>} : memref<128x128xf32, #tpu.memory_space<vmem>>, vector<1x16xf32>,
    }
    %scan3A_7 = arith.constant 1024 : i32
    %mul3A_8 = arith.constant 640 : i32
    %mul3A_9 = arith.muli %arg1, %mul3A_8 : i32
    %add3A_10 = arith.constant 0 : i32
    %add3A_11 = arith.addi %mul3A_9, %add3A_10 : i32
    "tpu.region"() ({
      %run_scoped3A_256 = tpu.sem_alloc : memref<!tpu.dma_semaphore, #tpu.memory_space<semaphore_mem>>
      %dma_start3A_257 = arith.constant 0 : i32
      %dma_start3A_258 = tpu.memref_slice %arg11[%add3A_11, %dma_start3A_257] : memref<10240x128xf32, #tpu.memory_space<vmem_shared>> -> memref<128x128xf32, #tpu.memory_space<vmem_shared>>
      %dma_start3A_259 = arith.constant 0 : i32
      %dma_start3A_260 = tpu.memref_slice %arg11[%add3A_11, %dma_start3A_259] : memref<10240x128xf32, #tpu.memory_space<vmem_shared>> -> memref<128x128xf32, #tpu.memory_space<vmem_shared>>
      tpu.enqueue_dma source(%arg9 : memref<128x128xf32, #tpu.memory_space<vmem>>) target(%dma_start3A_260 : memref<128x128xf32, #tpu.memory_space<vmem_shared>>) target_semaphore(%run_scoped3A_256 : memref<!tpu.dma_semaphore, #tpu.memory_space<semaphore_mem>>)
      %dma_wait3A_261 = arith.constant 0 : i32
      %dma_wait3A_262 = tpu.memref_slice %arg11[%add3A_11, %dma_wait3A_261] : memref<10240x128xf32, #tpu.memory_space<vmem_shared>> -> memref<128x128xf32, #tpu.memory_space<vmem_shared>>
      %dma_wait3A_263 = arith.constant 0 : i32
      %dma_wait3A_264 = tpu.memref_slice %arg11[%add3A_11, %dma_wait3A_263] : memref<10240x128xf32, #tpu.memory_space<vmem_shared>> -> memref<128x128xf32, #tpu.memory_space<vmem_shared>>
      tpu.wait_dma2 semaphore(%run_scoped3A_256 : memref<!tpu.dma_semaphore, #tpu.memory_space<semaphore_mem>>) src(%arg9 : memref<128x128xf32, #tpu.memory_space<vmem>>) dst(%dma_wait3A_264 : memref<128x128xf32, #tpu.memory_space<vmem_shared>>)
      tpu.yield
    }) : () -> ()
    %mul3A_12 = arith.constant 640 : i32
    %mul3A_13 = arith.muli %arg1, %mul3A_12 : i32
    %add3A_14 = arith.constant 128 : i32
    %add3A_15 = arith.addi %mul3A_13, %add3A_14 : i32
    "tpu.region"() ({
      %run_scoped3A_256 = tpu.sem_alloc : memref<!tpu.dma_semaphore, #tpu.memory_space<semaphore_mem>>
      %dma_start3A_257 = arith.constant 0 : i32
      %dma_start3A_258 = tpu.memref_slice %arg11[%add3A_15, %dma_start3A_257] : memref<10240x128xf32, #tpu.memory_space<vmem_shared>> -> memref<128x128xf32, #tpu.memory_space<vmem_shared>>
      %dma_start3A_259 = arith.constant 0 : i32
      %dma_start3A_260 = tpu.memref_slice %arg11[%add3A_15, %dma_start3A_259] : memref<10240x128xf32, #tpu.memory_space<vmem_shared>> -> memref<128x128xf32, #tpu.memory_space<vmem_shared>>
      tpu.enqueue_dma source(%arg9 : memref<128x128xf32, #tpu.memory_space<vmem>>) target(%dma_start3A_260 : memref<128x128xf32, #tpu.memory_space<vmem_shared>>) target_semaphore(%run_scoped3A_256 : memref<!tpu.dma_semaphore, #tpu.memory_space<semaphore_mem>>)
      %dma_wait3A_261 = arith.constant 0 : i32
      %dma_wait3A_262 = tpu.memref_slice %arg11[%add3A_15, %dma_wait3A_261] : memref<10240x128xf32, #tpu.memory_space<vmem_shared>> -> memref<128x128xf32, #tpu.memory_space<vmem_shared>>
      %dma_wait3A_263 = arith.constant 0 : i32
      %dma_wait3A_264 = tpu.memref_slice %arg11[%add3A_15, %dma_wait3A_263] : memref<10240x128xf32, #tpu.memory_space<vmem_shared>> -> memref<128x128xf32, #tpu.memory_space<vmem_shared>>
      tpu.wait_dma2 semaphore(%run_scoped3A_256 : memref<!tpu.dma_semaphore, #tpu.memory_space<semaphore_mem>>) src(%arg9 : memref<128x128xf32, #tpu.memory_space<vmem>>) dst(%dma_wait3A_264 : memref<128x128xf32, #tpu.memory_space<vmem_shared>>)
      tpu.yield
    }) : () -> ()
    %mul3A_16 = arith.constant 640 : i32
    %mul3A_17 = arith.muli %arg1, %mul3A_16 : i32
    %add3A_18 = arith.constant 256 : i32
    %add3A_19 = arith.addi %mul3A_17, %add3A_18 : i32
    "tpu.region"() ({
      %run_scoped3A_256 = tpu.sem_alloc : memref<!tpu.dma_semaphore, #tpu.memory_space<semaphore_mem>>
      %dma_start3A_257 = arith.constant 0 : i32
      %dma_start3A_258 = tpu.memref_slice %arg11[%add3A_19, %dma_start3A_257] : memref<10240x128xf32, #tpu.memory_space<vmem_shared>> -> memref<128x128xf32, #tpu.memory_space<vmem_shared>>
      %dma_start3A_259 = arith.constant 0 : i32
      %dma_start3A_260 = tpu.memref_slice %arg11[%add3A_19, %dma_start3A_259] : memref<10240x128xf32, #tpu.memory_space<vmem_shared>> -> memref<128x128xf32, #tpu.memory_space<vmem_shared>>
      tpu.enqueue_dma source(%arg9 : memref<128x128xf32, #tpu.memory_space<vmem>>) target(%dma_start3A_260 : memref<128x128xf32, #tpu.memory_space<vmem_shared>>) target_semaphore(%run_scoped3A_256 : memref<!tpu.dma_semaphore, #tpu.memory_space<semaphore_mem>>)
      %dma_wait3A_261 = arith.constant 0 : i32
      %dma_wait3A_262 = tpu.memref_slice %arg11[%add3A_19, %dma_wait3A_261] : memref<10240x128xf32, #tpu.memory_space<vmem_shared>> -> memref<128x128xf32, #tpu.memory_space<vmem_shared>>
      %dma_wait3A_263 = arith.constant 0 : i32
      %dma_wait3A_264 = tpu.memref_slice %arg11[%add3A_19, %dma_wait3A_263] : memref<10240x128xf32, #tpu.memory_space<vmem_shared>> -> memref<128x128xf32, #tpu.memory_space<vmem_shared>>
      tpu.wait_dma2 semaphore(%run_scoped3A_256 : memref<!tpu.dma_semaphore, #tpu.memory_space<semaphore_mem>>) src(%arg9 : memref<128x128xf32, #tpu.memory_space<vmem>>) dst(%dma_wait3A_264 : memref<128x128xf32, #tpu.memory_space<vmem_shared>>)
      tpu.yield
    }) : () -> ()
    %mul3A_20 = arith.constant 640 : i32
    %mul3A_21 = arith.muli %arg1, %mul3A_20 : i32
    %add3A_22 = arith.constant 384 : i32
    %add3A_23 = arith.addi %mul3A_21, %add3A_22 : i32
    "tpu.region"() ({
      %run_scoped3A_256 = tpu.sem_alloc : memref<!tpu.dma_semaphore, #tpu.memory_space<semaphore_mem>>
      %dma_start3A_257 = arith.constant 0 : i32
      %dma_start3A_258 = tpu.memref_slice %arg11[%add3A_23, %dma_start3A_257] : memref<10240x128xf32, #tpu.memory_space<vmem_shared>> -> memref<128x128xf32, #tpu.memory_space<vmem_shared>>
      %dma_start3A_259 = arith.constant 0 : i32
      %dma_start3A_260 = tpu.memref_slice %arg11[%add3A_23, %dma_start3A_259] : memref<10240x128xf32, #tpu.memory_space<vmem_shared>> -> memref<128x128xf32, #tpu.memory_space<vmem_shared>>
      tpu.enqueue_dma source(%arg9 : memref<128x128xf32, #tpu.memory_space<vmem>>) target(%dma_start3A_260 : memref<128x128xf32, #tpu.memory_space<vmem_shared>>) target_semaphore(%run_scoped3A_256 : memref<!tpu.dma_semaphore, #tpu.memory_space<semaphore_mem>>)
      %dma_wait3A_261 = arith.constant 0 : i32
      %dma_wait3A_262 = tpu.memref_slice %arg11[%add3A_23, %dma_wait3A_261] : memref<10240x128xf32, #tpu.memory_space<vmem_shared>> -> memref<128x128xf32, #tpu.memory_space<vmem_shared>>
      %dma_wait3A_263 = arith.constant 0 : i32
      %dma_wait3A_264 = tpu.memref_slice %arg11[%add3A_23, %dma_wait3A_263] : memref<10240x128xf32, #tpu.memory_space<vmem_shared>> -> memref<128x128xf32, #tpu.memory_space<vmem_shared>>
      tpu.wait_dma2 semaphore(%run_scoped3A_256 : memref<!tpu.dma_semaphore, #tpu.memory_space<semaphore_mem>>) src(%arg9 : memref<128x128xf32, #tpu.memory_space<vmem>>) dst(%dma_wait3A_264 : memref<128x128xf32, #tpu.memory_space<vmem_shared>>)
      tpu.yield
    }) : () -> ()
    %mul3A_24 = arith.constant 640 : i32
    %mul3A_25 = arith.muli %arg1, %mul3A_24 : i32
    %add3A_26 = arith.constant 512 : i32
    %add3A_27 = arith.addi %mul3A_25, %add3A_26 : i32
    "tpu.region"() ({
      %run_scoped3A_256 = tpu.sem_alloc : memref<!tpu.dma_semaphore, #tpu.memory_space<semaphore_mem>>
      %dma_start3A_257 = arith.constant 0 : i32
      %dma_start3A_258 = tpu.memref_slice %arg11[%add3A_27, %dma_start3A_257] : memref<10240x128xf32, #tpu.memory_space<vmem_shared>> -> memref<128x128xf32, #tpu.memory_space<vmem_shared>>
      %dma_start3A_259 = arith.constant 0 : i32
      %dma_start3A_260 = tpu.memref_slice %arg11[%add3A_27, %dma_start3A_259] : memref<10240x128xf32, #tpu.memory_space<vmem_shared>> -> memref<128x128xf32, #tpu.memory_space<vmem_shared>>
      tpu.enqueue_dma source(%arg9 : memref<128x128xf32, #tpu.memory_space<vmem>>) target(%dma_start3A_260 : memref<128x128xf32, #tpu.memory_space<vmem_shared>>) target_semaphore(%run_scoped3A_256 : memref<!tpu.dma_semaphore, #tpu.memory_space<semaphore_mem>>)
      %dma_wait3A_261 = arith.constant 0 : i32
      %dma_wait3A_262 = tpu.memref_slice %arg11[%add3A_27, %dma_wait3A_261] : memref<10240x128xf32, #tpu.memory_space<vmem_shared>> -> memref<128x128xf32, #tpu.memory_space<vmem_shared>>
      %dma_wait3A_263 = arith.constant 0 : i32
      %dma_wait3A_264 = tpu.memref_slice %arg11[%add3A_27, %dma_wait3A_263] : memref<10240x128xf32, #tpu.memory_space<vmem_shared>> -> memref<128x128xf32, #tpu.memory_space<vmem_shared>>
      tpu.wait_dma2 semaphore(%run_scoped3A_256 : memref<!tpu.dma_semaphore, #tpu.memory_space<semaphore_mem>>) src(%arg9 : memref<128x128xf32, #tpu.memory_space<vmem>>) dst(%dma_wait3A_264 : memref<128x128xf32, #tpu.memory_space<vmem_shared>>)
      tpu.yield
    }) : () -> ()
    "tpu.region"() ({
      %run_scoped3A_256 = tpu.sem_alloc : memref<!tpu.dma_semaphore, #tpu.memory_space<semaphore_mem>>
      %dma_start3A_257 = arith.constant 0 : i32
      %dma_start3A_258 = tpu.memref_slice %arg3[%mul3A_2, %dma_start3A_257] : memref<2560x128xi32, #tpu.memory_space<hbm>> -> memref<16x128xi32, #tpu.memory_space<hbm>>
      %dma_start3A_259 = arith.constant 0 : i32
      %dma_start3A_260 = tpu.memref_slice %arg3[%mul3A_2, %dma_start3A_259] : memref<2560x128xi32, #tpu.memory_space<hbm>> -> memref<16x128xi32, #tpu.memory_space<hbm>>
      tpu.enqueue_dma source(%dma_start3A_260 : memref<16x128xi32, #tpu.memory_space<hbm>>) target(%arg6 : memref<16x128xi32, #tpu.memory_space<vmem>>) target_semaphore(%run_scoped3A_256 : memref<!tpu.dma_semaphore, #tpu.memory_space<semaphore_mem>>)
      %dma_wait3A_261 = arith.constant 0 : i32
      %dma_wait3A_262 = tpu.memref_slice %arg3[%mul3A_2, %dma_wait3A_261] : memref<2560x128xi32, #tpu.memory_space<hbm>> -> memref<16x128xi32, #tpu.memory_space<hbm>>
      %dma_wait3A_263 = arith.constant 0 : i32
      %dma_wait3A_264 = tpu.memref_slice %arg3[%mul3A_2, %dma_wait3A_263] : memref<2560x128xi32, #tpu.memory_space<hbm>> -> memref<16x128xi32, #tpu.memory_space<hbm>>
      tpu.wait_dma2 semaphore(%run_scoped3A_256 : memref<!tpu.dma_semaphore, #tpu.memory_space<semaphore_mem>>) src(%dma_wait3A_264 : memref<16x128xi32, #tpu.memory_space<hbm>>) dst(%arg6 : memref<16x128xi32, #tpu.memory_space<vmem>>)
      tpu.yield
    }) : () -> ()
    %barrier3A = arith.constant 0 : index
    tpu.barrier barrier_id(%barrier3A)
    %dma_start3A = arith.constant 0 : i32
    %dma_start3A_28 = arith.constant 0 : i32
    %dma_start3A_29 = tpu.memref_slice %arg6[%dma_start3A, %dma_start3A_28] : memref<16x128xi32, #tpu.memory_space<vmem>> -> memref<1x128xi32, #tpu.memory_space<vmem>>
    %dma_start3A_30 = tpu.memref_squeeze %dma_start3A_29 : memref<1x128xi32, #tpu.memory_space<vmem>> -> memref<128xi32, #tpu.memory_space<vmem>>
    %dma_start3A_31 = arith.constant 0 : i32
    %dma_start3A_32 = arith.constant 0 : i32
    %dma_start3A_33 = tpu.memref_slice %arg2[%dma_start3A_31, %dma_start3A_32] : memref<10240x128xf32, #tpu.memory_space<hbm>> -> memref<10240x128xf32, #tpu.memory_space<hbm>>
    tpu.enqueue_indirect_dma source(%dma_start3A_33 : memref<10240x128xf32, #tpu.memory_space<hbm>>) target(%arg9 : memref<128x128xf32, #tpu.memory_space<vmem>>) offsets(%dma_start3A_30 : memref<128xi32, #tpu.memory_space<vmem>>) semaphore(%arg12 : memref<!tpu.dma_semaphore, #tpu.memory_space<semaphore_mem>>)
    %dma_start3A_34 = arith.constant 1 : i32
    %dma_start3A_35 = arith.constant 0 : i32
    %dma_start3A_36 = tpu.memref_slice %arg6[%dma_start3A_34, %dma_start3A_35] : memref<16x128xi32, #tpu.memory_space<vmem>> -> memref<1x128xi32, #tpu.memory_space<vmem>>
    %dma_start3A_37 = tpu.memref_squeeze %dma_start3A_36 : memref<1x128xi32, #tpu.memory_space<vmem>> -> memref<128xi32, #tpu.memory_space<vmem>>
    %dma_start3A_38 = arith.constant 0 : i32
    %dma_start3A_39 = arith.constant 0 : i32
    %dma_start3A_40 = tpu.memref_slice %arg2[%dma_start3A_38, %dma_start3A_39] : memref<10240x128xf32, #tpu.memory_space<hbm>> -> memref<10240x128xf32, #tpu.memory_space<hbm>>
    tpu.enqueue_indirect_dma source(%dma_start3A_40 : memref<10240x128xf32, #tpu.memory_space<hbm>>) target(%arg10 : memref<128x128xf32, #tpu.memory_space<vmem>>) offsets(%dma_start3A_37 : memref<128xi32, #tpu.memory_space<vmem>>) semaphore(%arg13 : memref<!tpu.dma_semaphore, #tpu.memory_space<semaphore_mem>>)
    %add3A_41 = arith.constant 0 : i32
    %add3A_42 = arith.addi %mul3A_2, %add3A_41 : i32
    "tpu.region"() ({
      %run_scoped3A_256 = tpu.sem_alloc : memref<!tpu.dma_semaphore, #tpu.memory_space<semaphore_mem>>
      %dma_start3A_257 = arith.constant 0 : i32
      %dma_start3A_258 = tpu.memref_slice %arg4[%add3A_42, %dma_start3A_257] : memref<2560x128xi32, #tpu.memory_space<hbm>> -> memref<16x128xi32, #tpu.memory_space<hbm>>
      %dma_start3A_259 = arith.constant 0 : i32
      %dma_start3A_260 = tpu.memref_slice %arg4[%add3A_42, %dma_start3A_259] : memref<2560x128xi32, #tpu.memory_space<hbm>> -> memref<16x128xi32, #tpu.memory_space<hbm>>
      tpu.enqueue_dma source(%dma_start3A_260 : memref<16x128xi32, #tpu.memory_space<hbm>>) target(%arg8 : memref<16x128xi32, #tpu.memory_space<vmem>>) target_semaphore(%run_scoped3A_256 : memref<!tpu.dma_semaphore, #tpu.memory_space<semaphore_mem>>)
      %dma_wait3A_261 = arith.constant 0 : i32
      %dma_wait3A_262 = tpu.memref_slice %arg4[%add3A_42, %dma_wait3A_261] : memref<2560x128xi32, #tpu.memory_space<hbm>> -> memref<16x128xi32, #tpu.memory_space<hbm>>
      %dma_wait3A_263 = arith.constant 0 : i32
      %dma_wait3A_264 = tpu.memref_slice %arg4[%add3A_42, %dma_wait3A_263] : memref<2560x128xi32, #tpu.memory_space<hbm>> -> memref<16x128xi32, #tpu.memory_space<hbm>>
      tpu.wait_dma2 semaphore(%run_scoped3A_256 : memref<!tpu.dma_semaphore, #tpu.memory_space<semaphore_mem>>) src(%dma_wait3A_264 : memref<16x128xi32, #tpu.memory_space<hbm>>) dst(%arg8 : memref<16x128xi32, #tpu.memory_space<vmem>>)
      tpu.yield
    }) : () -> ()
    %add3A_43 = arith.constant 16 : i32
    %add3A_44 = arith.addi %mul3A_2, %add3A_43 : i32
    "tpu.region"() ({
      %run_scoped3A_256 = tpu.sem_alloc : memref<!tpu.dma_semaphore, #tpu.memory_space<semaphore_mem>>
      %dma_start3A_257 = arith.constant 0 : i32
      %dma_start3A_258 = tpu.memref_slice %arg3[%add3A_44, %dma_start3A_257] : memref<2560x128xi32, #tpu.memory_space<hbm>> -> memref<16x128xi32, #tpu.memory_space<hbm>>
      %dma_start3A_259 = arith.constant 0 : i32
      %dma_start3A_260 = tpu.memref_slice %arg3[%add3A_44, %dma_start3A_259] : memref<2560x128xi32, #tpu.memory_space<hbm>> -> memref<16x128xi32, #tpu.memory_space<hbm>>
      tpu.enqueue_dma source(%dma_start3A_260 : memref<16x128xi32, #tpu.memory_space<hbm>>) target(%arg7 : memref<16x128xi32, #tpu.memory_space<vmem>>) target_semaphore(%run_scoped3A_256 : memref<!tpu.dma_semaphore, #tpu.memory_space<semaphore_mem>>)
      %dma_wait3A_261 = arith.constant 0 : i32
      %dma_wait3A_262 = tpu.memref_slice %arg3[%add3A_44, %dma_wait3A_261] : memref<2560x128xi32, #tpu.memory_space<hbm>> -> memref<16x128xi32, #tpu.memory_space<hbm>>
      %dma_wait3A_263 = arith.constant 0 : i32
      %dma_wait3A_264 = tpu.memref_slice %arg3[%add3A_44, %dma_wait3A_263] : memref<2560x128xi32, #tpu.memory_space<hbm>> -> memref<16x128xi32, #tpu.memory_space<hbm>>
      tpu.wait_dma2 semaphore(%run_scoped3A_256 : memref<!tpu.dma_semaphore, #tpu.memory_space<semaphore_mem>>) src(%dma_wait3A_264 : memref<16x128xi32, #tpu.memory_space<hbm>>) dst(%arg7 : memref<16x128xi32, #tpu.memory_space<vmem>>)
      tpu.yield
    }) : () -> ()
    %scan3A_45 = arith.constant 0 : i32
    %scan3A_46 = arith.constant 0 : i32
    %scan3A_47 = arith.constant 7 : i32
    %scan3A_48 = arith.addi %scan3A_46, %scan3A_47 : i32
    %scan3A_49 = arith.constant 1 : i32
    scf.for %scan3A_256 = %scan3A_46 to %scan3A_48 step %scan3A_49  : i32 {
      %mul3A_257 = arith.constant 2 : i32
      %mul3A_258 = arith.muli %scan3A_256, %mul3A_257 : i32
      %add3A_259 = arith.constant 0 : i32
      %add3A_260 = arith.addi %mul3A_258, %add3A_259 : i32
      %dma_wait3A_261 = arith.constant 0 : i32
      %dma_wait3A_262 = tpu.memref_slice %arg6[%add3A_260, %dma_wait3A_261] : memref<16x128xi32, #tpu.memory_space<vmem>> -> memref<1x128xi32, #tpu.memory_space<vmem>>
      %dma_wait3A_263 = tpu.memref_squeeze %dma_wait3A_262 : memref<1x128xi32, #tpu.memory_space<vmem>> -> memref<128xi32, #tpu.memory_space<vmem>>
      %dma_wait3A_264 = arith.constant 0 : i32
      %dma_wait3A_265 = arith.constant 0 : i32
      %dma_wait3A_266 = tpu.memref_slice %arg2[%dma_wait3A_264, %dma_wait3A_265] : memref<10240x128xf32, #tpu.memory_space<hbm>> -> memref<10240x128xf32, #tpu.memory_space<hbm>>
      tpu.wait_indirect_dma semaphore(%arg12 : memref<!tpu.dma_semaphore, #tpu.memory_space<semaphore_mem>>) src(%dma_wait3A_266 : memref<10240x128xf32, #tpu.memory_space<hbm>>) dst(%arg9 : memref<128x128xf32, #tpu.memory_space<vmem>>)
      "tpu.region"() ({
        %run_scoped3A_293 = tpu.sem_alloc : memref<!tpu.dma_semaphore, #tpu.memory_space<semaphore_mem>>
        %dma_start3A_294 = arith.constant 0 : i32
        %dma_start3A_295 = tpu.memref_slice %arg8[%add3A_260, %dma_start3A_294] : memref<16x128xi32, #tpu.memory_space<vmem>> -> memref<1x128xi32, #tpu.memory_space<vmem>>
        %dma_start3A_296 = tpu.memref_squeeze %dma_start3A_295 : memref<1x128xi32, #tpu.memory_space<vmem>> -> memref<128xi32, #tpu.memory_space<vmem>>
        %dma_start3A_297 = arith.constant 0 : i32
        %dma_start3A_298 = arith.constant 0 : i32
        %dma_start3A_299 = tpu.memref_slice %arg11[%dma_start3A_297, %dma_start3A_298] : memref<10240x128xf32, #tpu.memory_space<vmem_shared>> -> memref<10240x128xf32, #tpu.memory_space<vmem_shared>>
        tpu.enqueue_indirect_dma source(%arg9 : memref<128x128xf32, #tpu.memory_space<vmem>>) target(%dma_start3A_299 : memref<10240x128xf32, #tpu.memory_space<vmem_shared>>) offsets(%dma_start3A_296 : memref<128xi32, #tpu.memory_space<vmem>>) semaphore(%run_scoped3A_293 : memref<!tpu.dma_semaphore, #tpu.memory_space<semaphore_mem>>) {add = true}
        %dma_wait3A_300 = arith.constant 0 : i32
        %dma_wait3A_301 = tpu.memref_slice %arg8[%add3A_260, %dma_wait3A_300] : memref<16x128xi32, #tpu.memory_space<vmem>> -> memref<1x128xi32, #tpu.memory_space<vmem>>
        %dma_wait3A_302 = tpu.memref_squeeze %dma_wait3A_301 : memref<1x128xi32, #tpu.memory_space<vmem>> -> memref<128xi32, #tpu.memory_space<vmem>>
        %dma_wait3A_303 = arith.constant 0 : i32
        %dma_wait3A_304 = arith.constant 0 : i32
        %dma_wait3A_305 = tpu.memref_slice %arg11[%dma_wait3A_303, %dma_wait3A_304] : memref<10240x128xf32, #tpu.memory_space<vmem_shared>> -> memref<10240x128xf32, #tpu.memory_space<vmem_shared>>
        tpu.wait_indirect_dma semaphore(%run_scoped3A_293 : memref<!tpu.dma_semaphore, #tpu.memory_space<semaphore_mem>>) src(%arg9 : memref<128x128xf32, #tpu.memory_space<vmem>>) dst(%dma_wait3A_305 : memref<10240x128xf32, #tpu.memory_space<vmem_shared>>)
        tpu.yield
      }) : () -> ()
      %add3A_267 = arith.constant 2 : i32
      %add3A_268 = arith.addi %add3A_260, %add3A_267 : i32
      %dma_start3A_269 = arith.constant 0 : i32
      %dma_start3A_270 = tpu.memref_slice %arg6[%add3A_268, %dma_start3A_269] : memref<16x128xi32, #tpu.memory_space<vmem>> -> memref<1x128xi32, #tpu.memory_space<vmem>>
      %dma_start3A_271 = tpu.memref_squeeze %dma_start3A_270 : memref<1x128xi32, #tpu.memory_space<vmem>> -> memref<128xi32, #tpu.memory_space<vmem>>
      %dma_start3A_272 = arith.constant 0 : i32
      %dma_start3A_273 = arith.constant 0 : i32
      %dma_start3A_274 = tpu.memref_slice %arg2[%dma_start3A_272, %dma_start3A_273] : memref<10240x128xf32, #tpu.memory_space<hbm>> -> memref<10240x128xf32, #tpu.memory_space<hbm>>
      tpu.enqueue_indirect_dma source(%dma_start3A_274 : memref<10240x128xf32, #tpu.memory_space<hbm>>) target(%arg9 : memref<128x128xf32, #tpu.memory_space<vmem>>) offsets(%dma_start3A_271 : memref<128xi32, #tpu.memory_space<vmem>>) semaphore(%arg12 : memref<!tpu.dma_semaphore, #tpu.memory_space<semaphore_mem>>)
      %mul3A_275 = arith.constant 2 : i32
      %mul3A_276 = arith.muli %scan3A_256, %mul3A_275 : i32
      %add3A_277 = arith.constant 1 : i32
      %add3A_278 = arith.addi %mul3A_276, %add3A_277 : i32
      %dma_wait3A_279 = arith.constant 0 : i32
      %dma_wait3A_280 = tpu.memref_slice %arg6[%add3A_278, %dma_wait3A_279] : memref<16x128xi32, #tpu.memory_space<vmem>> -> memref<1x128xi32, #tpu.memory_space<vmem>>
      %dma_wait3A_281 = tpu.memref_squeeze %dma_wait3A_280 : memref<1x128xi32, #tpu.memory_space<vmem>> -> memref<128xi32, #tpu.memory_space<vmem>>
      %dma_wait3A_282 = arith.constant 0 : i32
      %dma_wait3A_283 = arith.constant 0 : i32
      %dma_wait3A_284 = tpu.memref_slice %arg2[%dma_wait3A_282, %dma_wait3A_283] : memref<10240x128xf32, #tpu.memory_space<hbm>> -> memref<10240x128xf32, #tpu.memory_space<hbm>>
      tpu.wait_indirect_dma semaphore(%arg13 : memref<!tpu.dma_semaphore, #tpu.memory_space<semaphore_mem>>) src(%dma_wait3A_284 : memref<10240x128xf32, #tpu.memory_space<hbm>>) dst(%arg10 : memref<128x128xf32, #tpu.memory_space<vmem>>)
      "tpu.region"() ({
        %run_scoped3A_293 = tpu.sem_alloc : memref<!tpu.dma_semaphore, #tpu.memory_space<semaphore_mem>>
        %dma_start3A_294 = arith.constant 0 : i32
        %dma_start3A_295 = tpu.memref_slice %arg8[%add3A_278, %dma_start3A_294] : memref<16x128xi32, #tpu.memory_space<vmem>> -> memref<1x128xi32, #tpu.memory_space<vmem>>
        %dma_start3A_296 = tpu.memref_squeeze %dma_start3A_295 : memref<1x128xi32, #tpu.memory_space<vmem>> -> memref<128xi32, #tpu.memory_space<vmem>>
        %dma_start3A_297 = arith.constant 0 : i32
        %dma_start3A_298 = arith.constant 0 : i32
        %dma_start3A_299 = tpu.memref_slice %arg11[%dma_start3A_297, %dma_start3A_298] : memref<10240x128xf32, #tpu.memory_space<vmem_shared>> -> memref<10240x128xf32, #tpu.memory_space<vmem_shared>>
        tpu.enqueue_indirect_dma source(%arg10 : memref<128x128xf32, #tpu.memory_space<vmem>>) target(%dma_start3A_299 : memref<10240x128xf32, #tpu.memory_space<vmem_shared>>) offsets(%dma_start3A_296 : memref<128xi32, #tpu.memory_space<vmem>>) semaphore(%run_scoped3A_293 : memref<!tpu.dma_semaphore, #tpu.memory_space<semaphore_mem>>) {add = true}
        %dma_wait3A_300 = arith.constant 0 : i32
        %dma_wait3A_301 = tpu.memref_slice %arg8[%add3A_278, %dma_wait3A_300] : memref<16x128xi32, #tpu.memory_space<vmem>> -> memref<1x128xi32, #tpu.memory_space<vmem>>
        %dma_wait3A_302 = tpu.memref_squeeze %dma_wait3A_301 : memref<1x128xi32, #tpu.memory_space<vmem>> -> memref<128xi32, #tpu.memory_space<vmem>>
        %dma_wait3A_303 = arith.constant 0 : i32
        %dma_wait3A_304 = arith.constant 0 : i32
        %dma_wait3A_305 = tpu.memref_slice %arg11[%dma_wait3A_303, %dma_wait3A_304] : memref<10240x128xf32, #tpu.memory_space<vmem_shared>> -> memref<10240x128xf32, #tpu.memory_space<vmem_shared>>
        tpu.wait_indirect_dma semaphore(%run_scoped3A_293 : memref<!tpu.dma_semaphore, #tpu.memory_space<semaphore_mem>>) src(%arg10 : memref<128x128xf32, #tpu.memory_space<vmem>>) dst(%dma_wait3A_305 : memref<10240x128xf32, #tpu.memory_space<vmem_shared>>)
        tpu.yield
      }) : () -> ()
      %add3A_285 = arith.constant 2 : i32
      %add3A_286 = arith.addi %add3A_278, %add3A_285 : i32
      %dma_start3A_287 = arith.constant 0 : i32
      %dma_start3A_288 = tpu.memref_slice %arg6[%add3A_286, %dma_start3A_287] : memref<16x128xi32, #tpu.memory_space<vmem>> -> memref<1x128xi32, #tpu.memory_space<vmem>>
      %dma_start3A_289 = tpu.memref_squeeze %dma_start3A_288 : memref<1x128xi32, #tpu.memory_space<vmem>> -> memref<128xi32, #tpu.memory_space<vmem>>
      %dma_start3A_290 = arith.constant 0 : i32
      %dma_start3A_291 = arith.constant 0 : i32
      %dma_start3A_292 = tpu.memref_slice %arg2[%dma_start3A_290, %dma_start3A_291] : memref<10240x128xf32, #tpu.memory_space<hbm>> -> memref<10240x128xf32, #tpu.memory_space<hbm>>
      tpu.enqueue_indirect_dma source(%dma_start3A_292 : memref<10240x128xf32, #tpu.memory_space<hbm>>) target(%arg10 : memref<128x128xf32, #tpu.memory_space<vmem>>) offsets(%dma_start3A_289 : memref<128xi32, #tpu.memory_space<vmem>>) semaphore(%arg13 : memref<!tpu.dma_semaphore, #tpu.memory_space<semaphore_mem>>)
    }
    %scan3A_50 = arith.constant 7 : i32
    %dma_wait3A = arith.constant 14 : i32
    %dma_wait3A_51 = arith.constant 0 : i32
    %dma_wait3A_52 = tpu.memref_slice %arg6[%dma_wait3A, %dma_wait3A_51] : memref<16x128xi32, #tpu.memory_space<vmem>> -> memref<1x128xi32, #tpu.memory_space<vmem>>
    %dma_wait3A_53 = tpu.memref_squeeze %dma_wait3A_52 : memref<1x128xi32, #tpu.memory_space<vmem>> -> memref<128xi32, #tpu.memory_space<vmem>>
    %dma_wait3A_54 = arith.constant 0 : i32
    %dma_wait3A_55 = arith.constant 0 : i32
    %dma_wait3A_56 = tpu.memref_slice %arg2[%dma_wait3A_54, %dma_wait3A_55] : memref<10240x128xf32, #tpu.memory_space<hbm>> -> memref<10240x128xf32, #tpu.memory_space<hbm>>
    tpu.wait_indirect_dma semaphore(%arg12 : memref<!tpu.dma_semaphore, #tpu.memory_space<semaphore_mem>>) src(%dma_wait3A_56 : memref<10240x128xf32, #tpu.memory_space<hbm>>) dst(%arg9 : memref<128x128xf32, #tpu.memory_space<vmem>>)
    %run_scoped3A = arith.constant 14 : i32
    "tpu.region"() ({
      %run_scoped3A_256 = tpu.sem_alloc : memref<!tpu.dma_semaphore, #tpu.memory_space<semaphore_mem>>
      %dma_start3A_257 = arith.constant 0 : i32
      %dma_start3A_258 = tpu.memref_slice %arg8[%run_scoped3A, %dma_start3A_257] : memref<16x128xi32, #tpu.memory_space<vmem>> -> memref<1x128xi32, #tpu.memory_space<vmem>>
      %dma_start3A_259 = tpu.memref_squeeze %dma_start3A_258 : memref<1x128xi32, #tpu.memory_space<vmem>> -> memref<128xi32, #tpu.memory_space<vmem>>
      %dma_start3A_260 = arith.constant 0 : i32
      %dma_start3A_261 = arith.constant 0 : i32
      %dma_start3A_262 = tpu.memref_slice %arg11[%dma_start3A_260, %dma_start3A_261] : memref<10240x128xf32, #tpu.memory_space<vmem_shared>> -> memref<10240x128xf32, #tpu.memory_space<vmem_shared>>
      tpu.enqueue_indirect_dma source(%arg9 : memref<128x128xf32, #tpu.memory_space<vmem>>) target(%dma_start3A_262 : memref<10240x128xf32, #tpu.memory_space<vmem_shared>>) offsets(%dma_start3A_259 : memref<128xi32, #tpu.memory_space<vmem>>) semaphore(%run_scoped3A_256 : memref<!tpu.dma_semaphore, #tpu.memory_space<semaphore_mem>>) {add = true}
      %dma_wait3A_263 = arith.constant 0 : i32
      %dma_wait3A_264 = tpu.memref_slice %arg8[%run_scoped3A, %dma_wait3A_263] : memref<16x128xi32, #tpu.memory_space<vmem>> -> memref<1x128xi32, #tpu.memory_space<vmem>>
      %dma_wait3A_265 = tpu.memref_squeeze %dma_wait3A_264 : memref<1x128xi32, #tpu.memory_space<vmem>> -> memref<128xi32, #tpu.memory_space<vmem>>
      %dma_wait3A_266 = arith.constant 0 : i32
      %dma_wait3A_267 = arith.constant 0 : i32
      %dma_wait3A_268 = tpu.memref_slice %arg11[%dma_wait3A_266, %dma_wait3A_267] : memref<10240x128xf32, #tpu.memory_space<vmem_shared>> -> memref<10240x128xf32, #tpu.memory_space<vmem_shared>>
      tpu.wait_indirect_dma semaphore(%run_scoped3A_256 : memref<!tpu.dma_semaphore, #tpu.memory_space<semaphore_mem>>) src(%arg9 : memref<128x128xf32, #tpu.memory_space<vmem>>) dst(%dma_wait3A_268 : memref<10240x128xf32, #tpu.memory_space<vmem_shared>>)
      tpu.yield
    }) : () -> ()
    %dma_start3A_57 = arith.constant 0 : i32
    %dma_start3A_58 = arith.constant 0 : i32
    %dma_start3A_59 = tpu.memref_slice %arg7[%dma_start3A_57, %dma_start3A_58] : memref<16x128xi32, #tpu.memory_space<vmem>> -> memref<1x128xi32, #tpu.memory_space<vmem>>
    %dma_start3A_60 = tpu.memref_squeeze %dma_start3A_59 : memref<1x128xi32, #tpu.memory_space<vmem>> -> memref<128xi32, #tpu.memory_space<vmem>>
    %dma_start3A_61 = arith.constant 0 : i32
    %dma_start3A_62 = arith.constant 0 : i32
    %dma_start3A_63 = tpu.memref_slice %arg2[%dma_start3A_61, %dma_start3A_62] : memref<10240x128xf32, #tpu.memory_space<hbm>> -> memref<10240x128xf32, #tpu.memory_space<hbm>>
    tpu.enqueue_indirect_dma source(%dma_start3A_63 : memref<10240x128xf32, #tpu.memory_space<hbm>>) target(%arg9 : memref<128x128xf32, #tpu.memory_space<vmem>>) offsets(%dma_start3A_60 : memref<128xi32, #tpu.memory_space<vmem>>) semaphore(%arg12 : memref<!tpu.dma_semaphore, #tpu.memory_space<semaphore_mem>>)
    %dma_wait3A_64 = arith.constant 15 : i32
    %dma_wait3A_65 = arith.constant 0 : i32
    %dma_wait3A_66 = tpu.memref_slice %arg6[%dma_wait3A_64, %dma_wait3A_65] : memref<16x128xi32, #tpu.memory_space<vmem>> -> memref<1x128xi32, #tpu.memory_space<vmem>>
    %dma_wait3A_67 = tpu.memref_squeeze %dma_wait3A_66 : memref<1x128xi32, #tpu.memory_space<vmem>> -> memref<128xi32, #tpu.memory_space<vmem>>
    %dma_wait3A_68 = arith.constant 0 : i32
    %dma_wait3A_69 = arith.constant 0 : i32
    %dma_wait3A_70 = tpu.memref_slice %arg2[%dma_wait3A_68, %dma_wait3A_69] : memref<10240x128xf32, #tpu.memory_space<hbm>> -> memref<10240x128xf32, #tpu.memory_space<hbm>>
    tpu.wait_indirect_dma semaphore(%arg13 : memref<!tpu.dma_semaphore, #tpu.memory_space<semaphore_mem>>) src(%dma_wait3A_70 : memref<10240x128xf32, #tpu.memory_space<hbm>>) dst(%arg10 : memref<128x128xf32, #tpu.memory_space<vmem>>)
    %run_scoped3A_71 = arith.constant 15 : i32
    "tpu.region"() ({
      %run_scoped3A_256 = tpu.sem_alloc : memref<!tpu.dma_semaphore, #tpu.memory_space<semaphore_mem>>
      %dma_start3A_257 = arith.constant 0 : i32
      %dma_start3A_258 = tpu.memref_slice %arg8[%run_scoped3A_71, %dma_start3A_257] : memref<16x128xi32, #tpu.memory_space<vmem>> -> memref<1x128xi32, #tpu.memory_space<vmem>>
      %dma_start3A_259 = tpu.memref_squeeze %dma_start3A_258 : memref<1x128xi32, #tpu.memory_space<vmem>> -> memref<128xi32, #tpu.memory_space<vmem>>
      %dma_start3A_260 = arith.constant 0 : i32
      %dma_start3A_261 = arith.constant 0 : i32
      %dma_start3A_262 = tpu.memref_slice %arg11[%dma_start3A_260, %dma_start3A_261] : memref<10240x128xf32, #tpu.memory_space<vmem_shared>> -> memref<10240x128xf32, #tpu.memory_space<vmem_shared>>
      tpu.enqueue_indirect_dma source(%arg10 : memref<128x128xf32, #tpu.memory_space<vmem>>) target(%dma_start3A_262 : memref<10240x128xf32, #tpu.memory_space<vmem_shared>>) offsets(%dma_start3A_259 : memref<128xi32, #tpu.memory_space<vmem>>) semaphore(%run_scoped3A_256 : memref<!tpu.dma_semaphore, #tpu.memory_space<semaphore_mem>>) {add = true}
      %dma_wait3A_263 = arith.constant 0 : i32
      %dma_wait3A_264 = tpu.memref_slice %arg8[%run_scoped3A_71, %dma_wait3A_263] : memref<16x128xi32, #tpu.memory_space<vmem>> -> memref<1x128xi32, #tpu.memory_space<vmem>>
      %dma_wait3A_265 = tpu.memref_squeeze %dma_wait3A_264 : memref<1x128xi32, #tpu.memory_space<vmem>> -> memref<128xi32, #tpu.memory_space<vmem>>
      %dma_wait3A_266 = arith.constant 0 : i32
      %dma_wait3A_267 = arith.constant 0 : i32
      %dma_wait3A_268 = tpu.memref_slice %arg11[%dma_wait3A_266, %dma_wait3A_267] : memref<10240x128xf32, #tpu.memory_space<vmem_shared>> -> memref<10240x128xf32, #tpu.memory_space<vmem_shared>>
      tpu.wait_indirect_dma semaphore(%run_scoped3A_256 : memref<!tpu.dma_semaphore, #tpu.memory_space<semaphore_mem>>) src(%arg10 : memref<128x128xf32, #tpu.memory_space<vmem>>) dst(%dma_wait3A_268 : memref<10240x128xf32, #tpu.memory_space<vmem_shared>>)
      tpu.yield
    }) : () -> ()
    %dma_start3A_72 = arith.constant 1 : i32
    %dma_start3A_73 = arith.constant 0 : i32
    %dma_start3A_74 = tpu.memref_slice %arg7[%dma_start3A_72, %dma_start3A_73] : memref<16x128xi32, #tpu.memory_space<vmem>> -> memref<1x128xi32, #tpu.memory_space<vmem>>
    %dma_start3A_75 = tpu.memref_squeeze %dma_start3A_74 : memref<1x128xi32, #tpu.memory_space<vmem>> -> memref<128xi32, #tpu.memory_space<vmem>>
    %dma_start3A_76 = arith.constant 0 : i32
    %dma_start3A_77 = arith.constant 0 : i32
    %dma_start3A_78 = tpu.memref_slice %arg2[%dma_start3A_76, %dma_start3A_77] : memref<10240x128xf32, #tpu.memory_space<hbm>> -> memref<10240x128xf32, #tpu.memory_space<hbm>>
    tpu.enqueue_indirect_dma source(%dma_start3A_78 : memref<10240x128xf32, #tpu.memory_space<hbm>>) target(%arg10 : memref<128x128xf32, #tpu.memory_space<vmem>>) offsets(%dma_start3A_75 : memref<128xi32, #tpu.memory_space<vmem>>) semaphore(%arg13 : memref<!tpu.dma_semaphore, #tpu.memory_space<semaphore_mem>>)
    %add3A_79 = arith.constant 16 : i32
    %add3A_80 = arith.addi %mul3A_2, %add3A_79 : i32
    "tpu.region"() ({
      %run_scoped3A_256 = tpu.sem_alloc : memref<!tpu.dma_semaphore, #tpu.memory_space<semaphore_mem>>
      %dma_start3A_257 = arith.constant 0 : i32
      %dma_start3A_258 = tpu.memref_slice %arg4[%add3A_80, %dma_start3A_257] : memref<2560x128xi32, #tpu.memory_space<hbm>> -> memref<16x128xi32, #tpu.memory_space<hbm>>
      %dma_start3A_259 = arith.constant 0 : i32
      %dma_start3A_260 = tpu.memref_slice %arg4[%add3A_80, %dma_start3A_259] : memref<2560x128xi32, #tpu.memory_space<hbm>> -> memref<16x128xi32, #tpu.memory_space<hbm>>
      tpu.enqueue_dma source(%dma_start3A_260 : memref<16x128xi32, #tpu.memory_space<hbm>>) target(%arg8 : memref<16x128xi32, #tpu.memory_space<vmem>>) target_semaphore(%run_scoped3A_256 : memref<!tpu.dma_semaphore, #tpu.memory_space<semaphore_mem>>)
      %dma_wait3A_261 = arith.constant 0 : i32
      %dma_wait3A_262 = tpu.memref_slice %arg4[%add3A_80, %dma_wait3A_261] : memref<2560x128xi32, #tpu.memory_space<hbm>> -> memref<16x128xi32, #tpu.memory_space<hbm>>
      %dma_wait3A_263 = arith.constant 0 : i32
      %dma_wait3A_264 = tpu.memref_slice %arg4[%add3A_80, %dma_wait3A_263] : memref<2560x128xi32, #tpu.memory_space<hbm>> -> memref<16x128xi32, #tpu.memory_space<hbm>>
      tpu.wait_dma2 semaphore(%run_scoped3A_256 : memref<!tpu.dma_semaphore, #tpu.memory_space<semaphore_mem>>) src(%dma_wait3A_264 : memref<16x128xi32, #tpu.memory_space<hbm>>) dst(%arg8 : memref<16x128xi32, #tpu.memory_space<vmem>>)
      tpu.yield
    }) : () -> ()
    %add3A_81 = arith.constant 32 : i32
    %add3A_82 = arith.addi %mul3A_2, %add3A_81 : i32
    "tpu.region"() ({
      %run_scoped3A_256 = tpu.sem_alloc : memref<!tpu.dma_semaphore, #tpu.memory_space<semaphore_mem>>
      %dma_start3A_257 = arith.constant 0 : i32
      %dma_start3A_258 = tpu.memref_slice %arg3[%add3A_82, %dma_start3A_257] : memref<2560x128xi32, #tpu.memory_space<hbm>> -> memref<16x128xi32, #tpu.memory_space<hbm>>
      %dma_start3A_259 = arith.constant 0 : i32
      %dma_start3A_260 = tpu.memref_slice %arg3[%add3A_82, %dma_start3A_259] : memref<2560x128xi32, #tpu.memory_space<hbm>> -> memref<16x128xi32, #tpu.memory_space<hbm>>
      tpu.enqueue_dma source(%dma_start3A_260 : memref<16x128xi32, #tpu.memory_space<hbm>>) target(%arg6 : memref<16x128xi32, #tpu.memory_space<vmem>>) target_semaphore(%run_scoped3A_256 : memref<!tpu.dma_semaphore, #tpu.memory_space<semaphore_mem>>)
      %dma_wait3A_261 = arith.constant 0 : i32
      %dma_wait3A_262 = tpu.memref_slice %arg3[%add3A_82, %dma_wait3A_261] : memref<2560x128xi32, #tpu.memory_space<hbm>> -> memref<16x128xi32, #tpu.memory_space<hbm>>
      %dma_wait3A_263 = arith.constant 0 : i32
      %dma_wait3A_264 = tpu.memref_slice %arg3[%add3A_82, %dma_wait3A_263] : memref<2560x128xi32, #tpu.memory_space<hbm>> -> memref<16x128xi32, #tpu.memory_space<hbm>>
      tpu.wait_dma2 semaphore(%run_scoped3A_256 : memref<!tpu.dma_semaphore, #tpu.memory_space<semaphore_mem>>) src(%dma_wait3A_264 : memref<16x128xi32, #tpu.memory_space<hbm>>) dst(%arg6 : memref<16x128xi32, #tpu.memory_space<vmem>>)
      tpu.yield
    }) : () -> ()
    %scan3A_83 = arith.constant 0 : i32
    %scan3A_84 = arith.constant 0 : i32
    %scan3A_85 = arith.constant 7 : i32
    %scan3A_86 = arith.addi %scan3A_84, %scan3A_85 : i32
    %scan3A_87 = arith.constant 1 : i32
    scf.for %scan3A_256 = %scan3A_84 to %scan3A_86 step %scan3A_87  : i32 {
      %mul3A_257 = arith.constant 2 : i32
      %mul3A_258 = arith.muli %scan3A_256, %mul3A_257 : i32
      %add3A_259 = arith.constant 0 : i32
      %add3A_260 = arith.addi %mul3A_258, %add3A_259 : i32
      %dma_wait3A_261 = arith.constant 0 : i32
      %dma_wait3A_262 = tpu.memref_slice %arg7[%add3A_260, %dma_wait3A_261] : memref<16x128xi32, #tpu.memory_space<vmem>> -> memref<1x128xi32, #tpu.memory_space<vmem>>
      %dma_wait3A_263 = tpu.memref_squeeze %dma_wait3A_262 : memref<1x128xi32, #tpu.memory_space<vmem>> -> memref<128xi32, #tpu.memory_space<vmem>>
      %dma_wait3A_264 = arith.constant 0 : i32
      %dma_wait3A_265 = arith.constant 0 : i32
      %dma_wait3A_266 = tpu.memref_slice %arg2[%dma_wait3A_264, %dma_wait3A_265] : memref<10240x128xf32, #tpu.memory_space<hbm>> -> memref<10240x128xf32, #tpu.memory_space<hbm>>
      tpu.wait_indirect_dma semaphore(%arg12 : memref<!tpu.dma_semaphore, #tpu.memory_space<semaphore_mem>>) src(%dma_wait3A_266 : memref<10240x128xf32, #tpu.memory_space<hbm>>) dst(%arg9 : memref<128x128xf32, #tpu.memory_space<vmem>>)
      "tpu.region"() ({
        %run_scoped3A_293 = tpu.sem_alloc : memref<!tpu.dma_semaphore, #tpu.memory_space<semaphore_mem>>
        %dma_start3A_294 = arith.constant 0 : i32
        %dma_start3A_295 = tpu.memref_slice %arg8[%add3A_260, %dma_start3A_294] : memref<16x128xi32, #tpu.memory_space<vmem>> -> memref<1x128xi32, #tpu.memory_space<vmem>>
        %dma_start3A_296 = tpu.memref_squeeze %dma_start3A_295 : memref<1x128xi32, #tpu.memory_space<vmem>> -> memref<128xi32, #tpu.memory_space<vmem>>
        %dma_start3A_297 = arith.constant 0 : i32
        %dma_start3A_298 = arith.constant 0 : i32
        %dma_start3A_299 = tpu.memref_slice %arg11[%dma_start3A_297, %dma_start3A_298] : memref<10240x128xf32, #tpu.memory_space<vmem_shared>> -> memref<10240x128xf32, #tpu.memory_space<vmem_shared>>
        tpu.enqueue_indirect_dma source(%arg9 : memref<128x128xf32, #tpu.memory_space<vmem>>) target(%dma_start3A_299 : memref<10240x128xf32, #tpu.memory_space<vmem_shared>>) offsets(%dma_start3A_296 : memref<128xi32, #tpu.memory_space<vmem>>) semaphore(%run_scoped3A_293 : memref<!tpu.dma_semaphore, #tpu.memory_space<semaphore_mem>>) {add = true}
        %dma_wait3A_300 = arith.constant 0 : i32
        %dma_wait3A_301 = tpu.memref_slice %arg8[%add3A_260, %dma_wait3A_300] : memref<16x128xi32, #tpu.memory_space<vmem>> -> memref<1x128xi32, #tpu.memory_space<vmem>>
        %dma_wait3A_302 = tpu.memref_squeeze %dma_wait3A_301 : memref<1x128xi32, #tpu.memory_space<vmem>> -> memref<128xi32, #tpu.memory_space<vmem>>
        %dma_wait3A_303 = arith.constant 0 : i32
        %dma_wait3A_304 = arith.constant 0 : i32
        %dma_wait3A_305 = tpu.memref_slice %arg11[%dma_wait3A_303, %dma_wait3A_304] : memref<10240x128xf32, #tpu.memory_space<vmem_shared>> -> memref<10240x128xf32, #tpu.memory_space<vmem_shared>>
        tpu.wait_indirect_dma semaphore(%run_scoped3A_293 : memref<!tpu.dma_semaphore, #tpu.memory_space<semaphore_mem>>) src(%arg9 : memref<128x128xf32, #tpu.memory_space<vmem>>) dst(%dma_wait3A_305 : memref<10240x128xf32, #tpu.memory_space<vmem_shared>>)
        tpu.yield
      }) : () -> ()
      %add3A_267 = arith.constant 2 : i32
      %add3A_268 = arith.addi %add3A_260, %add3A_267 : i32
      %dma_start3A_269 = arith.constant 0 : i32
      %dma_start3A_270 = tpu.memref_slice %arg7[%add3A_268, %dma_start3A_269] : memref<16x128xi32, #tpu.memory_space<vmem>> -> memref<1x128xi32, #tpu.memory_space<vmem>>
      %dma_start3A_271 = tpu.memref_squeeze %dma_start3A_270 : memref<1x128xi32, #tpu.memory_space<vmem>> -> memref<128xi32, #tpu.memory_space<vmem>>
      %dma_start3A_272 = arith.constant 0 : i32
      %dma_start3A_273 = arith.constant 0 : i32
      %dma_start3A_274 = tpu.memref_slice %arg2[%dma_start3A_272, %dma_start3A_273] : memref<10240x128xf32, #tpu.memory_space<hbm>> -> memref<10240x128xf32, #tpu.memory_space<hbm>>
      tpu.enqueue_indirect_dma source(%dma_start3A_274 : memref<10240x128xf32, #tpu.memory_space<hbm>>) target(%arg9 : memref<128x128xf32, #tpu.memory_space<vmem>>) offsets(%dma_start3A_271 : memref<128xi32, #tpu.memory_space<vmem>>) semaphore(%arg12 : memref<!tpu.dma_semaphore, #tpu.memory_space<semaphore_mem>>)
      %mul3A_275 = arith.constant 2 : i32
      %mul3A_276 = arith.muli %scan3A_256, %mul3A_275 : i32
      %add3A_277 = arith.constant 1 : i32
      %add3A_278 = arith.addi %mul3A_276, %add3A_277 : i32
      %dma_wait3A_279 = arith.constant 0 : i32
      %dma_wait3A_280 = tpu.memref_slice %arg7[%add3A_278, %dma_wait3A_279] : memref<16x128xi32, #tpu.memory_space<vmem>> -> memref<1x128xi32, #tpu.memory_space<vmem>>
      %dma_wait3A_281 = tpu.memref_squeeze %dma_wait3A_280 : memref<1x128xi32, #tpu.memory_space<vmem>> -> memref<128xi32, #tpu.memory_space<vmem>>
      %dma_wait3A_282 = arith.constant 0 : i32
      %dma_wait3A_283 = arith.constant 0 : i32
      %dma_wait3A_284 = tpu.memref_slice %arg2[%dma_wait3A_282, %dma_wait3A_283] : memref<10240x128xf32, #tpu.memory_space<hbm>> -> memref<10240x128xf32, #tpu.memory_space<hbm>>
      tpu.wait_indirect_dma semaphore(%arg13 : memref<!tpu.dma_semaphore, #tpu.memory_space<semaphore_mem>>) src(%dma_wait3A_284 : memref<10240x128xf32, #tpu.memory_space<hbm>>) dst(%arg10 : memref<128x128xf32, #tpu.memory_space<vmem>>)
      "tpu.region"() ({
        %run_scoped3A_293 = tpu.sem_alloc : memref<!tpu.dma_semaphore, #tpu.memory_space<semaphore_mem>>
        %dma_start3A_294 = arith.constant 0 : i32
        %dma_start3A_295 = tpu.memref_slice %arg8[%add3A_278, %dma_start3A_294] : memref<16x128xi32, #tpu.memory_space<vmem>> -> memref<1x128xi32, #tpu.memory_space<vmem>>
        %dma_start3A_296 = tpu.memref_squeeze %dma_start3A_295 : memref<1x128xi32, #tpu.memory_space<vmem>> -> memref<128xi32, #tpu.memory_space<vmem>>
        %dma_start3A_297 = arith.constant 0 : i32
        %dma_start3A_298 = arith.constant 0 : i32
        %dma_start3A_299 = tpu.memref_slice %arg11[%dma_start3A_297, %dma_start3A_298] : memref<10240x128xf32, #tpu.memory_space<vmem_shared>> -> memref<10240x128xf32, #tpu.memory_space<vmem_shared>>
        tpu.enqueue_indirect_dma source(%arg10 : memref<128x128xf32, #tpu.memory_space<vmem>>) target(%dma_start3A_299 : memref<10240x128xf32, #tpu.memory_space<vmem_shared>>) offsets(%dma_start3A_296 : memref<128xi32, #tpu.memory_space<vmem>>) semaphore(%run_scoped3A_293 : memref<!tpu.dma_semaphore, #tpu.memory_space<semaphore_mem>>) {add = true}
        %dma_wait3A_300 = arith.constant 0 : i32
        %dma_wait3A_301 = tpu.memref_slice %arg8[%add3A_278, %dma_wait3A_300] : memref<16x128xi32, #tpu.memory_space<vmem>> -> memref<1x128xi32, #tpu.memory_space<vmem>>
        %dma_wait3A_302 = tpu.memref_squeeze %dma_wait3A_301 : memref<1x128xi32, #tpu.memory_space<vmem>> -> memref<128xi32, #tpu.memory_space<vmem>>
        %dma_wait3A_303 = arith.constant 0 : i32
        %dma_wait3A_304 = arith.constant 0 : i32
        %dma_wait3A_305 = tpu.memref_slice %arg11[%dma_wait3A_303, %dma_wait3A_304] : memref<10240x128xf32, #tpu.memory_space<vmem_shared>> -> memref<10240x128xf32, #tpu.memory_space<vmem_shared>>
        tpu.wait_indirect_dma semaphore(%run_scoped3A_293 : memref<!tpu.dma_semaphore, #tpu.memory_space<semaphore_mem>>) src(%arg10 : memref<128x128xf32, #tpu.memory_space<vmem>>) dst(%dma_wait3A_305 : memref<10240x128xf32, #tpu.memory_space<vmem_shared>>)
        tpu.yield
      }) : () -> ()
      %add3A_285 = arith.constant 2 : i32
      %add3A_286 = arith.addi %add3A_278, %add3A_285 : i32
      %dma_start3A_287 = arith.constant 0 : i32
      %dma_start3A_288 = tpu.memref_slice %arg7[%add3A_286, %dma_start3A_287] : memref<16x128xi32, #tpu.memory_space<vmem>> -> memref<1x128xi32, #tpu.memory_space<vmem>>
      %dma_start3A_289 = tpu.memref_squeeze %dma_start3A_288 : memref<1x128xi32, #tpu.memory_space<vmem>> -> memref<128xi32, #tpu.memory_space<vmem>>
      %dma_start3A_290 = arith.constant 0 : i32
      %dma_start3A_291 = arith.constant 0 : i32
      %dma_start3A_292 = tpu.memref_slice %arg2[%dma_start3A_290, %dma_start3A_291] : memref<10240x128xf32, #tpu.memory_space<hbm>> -> memref<10240x128xf32, #tpu.memory_space<hbm>>
      tpu.enqueue_indirect_dma source(%dma_start3A_292 : memref<10240x128xf32, #tpu.memory_space<hbm>>) target(%arg10 : memref<128x128xf32, #tpu.memory_space<vmem>>) offsets(%dma_start3A_289 : memref<128xi32, #tpu.memory_space<vmem>>) semaphore(%arg13 : memref<!tpu.dma_semaphore, #tpu.memory_space<semaphore_mem>>)
    }
    %scan3A_88 = arith.constant 7 : i32
    %dma_wait3A_89 = arith.constant 14 : i32
    %dma_wait3A_90 = arith.constant 0 : i32
    %dma_wait3A_91 = tpu.memref_slice %arg7[%dma_wait3A_89, %dma_wait3A_90] : memref<16x128xi32, #tpu.memory_space<vmem>> -> memref<1x128xi32, #tpu.memory_space<vmem>>
    %dma_wait3A_92 = tpu.memref_squeeze %dma_wait3A_91 : memref<1x128xi32, #tpu.memory_space<vmem>> -> memref<128xi32, #tpu.memory_space<vmem>>
    %dma_wait3A_93 = arith.constant 0 : i32
    %dma_wait3A_94 = arith.constant 0 : i32
    %dma_wait3A_95 = tpu.memref_slice %arg2[%dma_wait3A_93, %dma_wait3A_94] : memref<10240x128xf32, #tpu.memory_space<hbm>> -> memref<10240x128xf32, #tpu.memory_space<hbm>>
    tpu.wait_indirect_dma semaphore(%arg12 : memref<!tpu.dma_semaphore, #tpu.memory_space<semaphore_mem>>) src(%dma_wait3A_95 : memref<10240x128xf32, #tpu.memory_space<hbm>>) dst(%arg9 : memref<128x128xf32, #tpu.memory_space<vmem>>)
    %run_scoped3A_96 = arith.constant 14 : i32
    "tpu.region"() ({
      %run_scoped3A_256 = tpu.sem_alloc : memref<!tpu.dma_semaphore, #tpu.memory_space<semaphore_mem>>
      %dma_start3A_257 = arith.constant 0 : i32
      %dma_start3A_258 = tpu.memref_slice %arg8[%run_scoped3A_96, %dma_start3A_257] : memref<16x128xi32, #tpu.memory_space<vmem>> -> memref<1x128xi32, #tpu.memory_space<vmem>>
      %dma_start3A_259 = tpu.memref_squeeze %dma_start3A_258 : memref<1x128xi32, #tpu.memory_space<vmem>> -> memref<128xi32, #tpu.memory_space<vmem>>
      %dma_start3A_260 = arith.constant 0 : i32
      %dma_start3A_261 = arith.constant 0 : i32
      %dma_start3A_262 = tpu.memref_slice %arg11[%dma_start3A_260, %dma_start3A_261] : memref<10240x128xf32, #tpu.memory_space<vmem_shared>> -> memref<10240x128xf32, #tpu.memory_space<vmem_shared>>
      tpu.enqueue_indirect_dma source(%arg9 : memref<128x128xf32, #tpu.memory_space<vmem>>) target(%dma_start3A_262 : memref<10240x128xf32, #tpu.memory_space<vmem_shared>>) offsets(%dma_start3A_259 : memref<128xi32, #tpu.memory_space<vmem>>) semaphore(%run_scoped3A_256 : memref<!tpu.dma_semaphore, #tpu.memory_space<semaphore_mem>>) {add = true}
      %dma_wait3A_263 = arith.constant 0 : i32
      %dma_wait3A_264 = tpu.memref_slice %arg8[%run_scoped3A_96, %dma_wait3A_263] : memref<16x128xi32, #tpu.memory_space<vmem>> -> memref<1x128xi32, #tpu.memory_space<vmem>>
      %dma_wait3A_265 = tpu.memref_squeeze %dma_wait3A_264 : memref<1x128xi32, #tpu.memory_space<vmem>> -> memref<128xi32, #tpu.memory_space<vmem>>
      %dma_wait3A_266 = arith.constant 0 : i32
      %dma_wait3A_267 = arith.constant 0 : i32
      %dma_wait3A_268 = tpu.memref_slice %arg11[%dma_wait3A_266, %dma_wait3A_267] : memref<10240x128xf32, #tpu.memory_space<vmem_shared>> -> memref<10240x128xf32, #tpu.memory_space<vmem_shared>>
      tpu.wait_indirect_dma semaphore(%run_scoped3A_256 : memref<!tpu.dma_semaphore, #tpu.memory_space<semaphore_mem>>) src(%arg9 : memref<128x128xf32, #tpu.memory_space<vmem>>) dst(%dma_wait3A_268 : memref<10240x128xf32, #tpu.memory_space<vmem_shared>>)
      tpu.yield
    }) : () -> ()
    %dma_start3A_97 = arith.constant 0 : i32
    %dma_start3A_98 = arith.constant 0 : i32
    %dma_start3A_99 = tpu.memref_slice %arg6[%dma_start3A_97, %dma_start3A_98] : memref<16x128xi32, #tpu.memory_space<vmem>> -> memref<1x128xi32, #tpu.memory_space<vmem>>
    %dma_start3A_100 = tpu.memref_squeeze %dma_start3A_99 : memref<1x128xi32, #tpu.memory_space<vmem>> -> memref<128xi32, #tpu.memory_space<vmem>>
    %dma_start3A_101 = arith.constant 0 : i32
    %dma_start3A_102 = arith.constant 0 : i32
    %dma_start3A_103 = tpu.memref_slice %arg2[%dma_start3A_101, %dma_start3A_102] : memref<10240x128xf32, #tpu.memory_space<hbm>> -> memref<10240x128xf32, #tpu.memory_space<hbm>>
    tpu.enqueue_indirect_dma source(%dma_start3A_103 : memref<10240x128xf32, #tpu.memory_space<hbm>>) target(%arg9 : memref<128x128xf32, #tpu.memory_space<vmem>>) offsets(%dma_start3A_100 : memref<128xi32, #tpu.memory_space<vmem>>) semaphore(%arg12 : memref<!tpu.dma_semaphore, #tpu.memory_space<semaphore_mem>>)
    %dma_wait3A_104 = arith.constant 15 : i32
    %dma_wait3A_105 = arith.constant 0 : i32
    %dma_wait3A_106 = tpu.memref_slice %arg7[%dma_wait3A_104, %dma_wait3A_105] : memref<16x128xi32, #tpu.memory_space<vmem>> -> memref<1x128xi32, #tpu.memory_space<vmem>>
    %dma_wait3A_107 = tpu.memref_squeeze %dma_wait3A_106 : memref<1x128xi32, #tpu.memory_space<vmem>> -> memref<128xi32, #tpu.memory_space<vmem>>
    %dma_wait3A_108 = arith.constant 0 : i32
    %dma_wait3A_109 = arith.constant 0 : i32
    %dma_wait3A_110 = tpu.memref_slice %arg2[%dma_wait3A_108, %dma_wait3A_109] : memref<10240x128xf32, #tpu.memory_space<hbm>> -> memref<10240x128xf32, #tpu.memory_space<hbm>>
    tpu.wait_indirect_dma semaphore(%arg13 : memref<!tpu.dma_semaphore, #tpu.memory_space<semaphore_mem>>) src(%dma_wait3A_110 : memref<10240x128xf32, #tpu.memory_space<hbm>>) dst(%arg10 : memref<128x128xf32, #tpu.memory_space<vmem>>)
    %run_scoped3A_111 = arith.constant 15 : i32
    "tpu.region"() ({
      %run_scoped3A_256 = tpu.sem_alloc : memref<!tpu.dma_semaphore, #tpu.memory_space<semaphore_mem>>
      %dma_start3A_257 = arith.constant 0 : i32
      %dma_start3A_258 = tpu.memref_slice %arg8[%run_scoped3A_111, %dma_start3A_257] : memref<16x128xi32, #tpu.memory_space<vmem>> -> memref<1x128xi32, #tpu.memory_space<vmem>>
      %dma_start3A_259 = tpu.memref_squeeze %dma_start3A_258 : memref<1x128xi32, #tpu.memory_space<vmem>> -> memref<128xi32, #tpu.memory_space<vmem>>
      %dma_start3A_260 = arith.constant 0 : i32
      %dma_start3A_261 = arith.constant 0 : i32
      %dma_start3A_262 = tpu.memref_slice %arg11[%dma_start3A_260, %dma_start3A_261] : memref<10240x128xf32, #tpu.memory_space<vmem_shared>> -> memref<10240x128xf32, #tpu.memory_space<vmem_shared>>
      tpu.enqueue_indirect_dma source(%arg10 : memref<128x128xf32, #tpu.memory_space<vmem>>) target(%dma_start3A_262 : memref<10240x128xf32, #tpu.memory_space<vmem_shared>>) offsets(%dma_start3A_259 : memref<128xi32, #tpu.memory_space<vmem>>) semaphore(%run_scoped3A_256 : memref<!tpu.dma_semaphore, #tpu.memory_space<semaphore_mem>>) {add = true}
      %dma_wait3A_263 = arith.constant 0 : i32
      %dma_wait3A_264 = tpu.memref_slice %arg8[%run_scoped3A_111, %dma_wait3A_263] : memref<16x128xi32, #tpu.memory_space<vmem>> -> memref<1x128xi32, #tpu.memory_space<vmem>>
      %dma_wait3A_265 = tpu.memref_squeeze %dma_wait3A_264 : memref<1x128xi32, #tpu.memory_space<vmem>> -> memref<128xi32, #tpu.memory_space<vmem>>
      %dma_wait3A_266 = arith.constant 0 : i32
      %dma_wait3A_267 = arith.constant 0 : i32
      %dma_wait3A_268 = tpu.memref_slice %arg11[%dma_wait3A_266, %dma_wait3A_267] : memref<10240x128xf32, #tpu.memory_space<vmem_shared>> -> memref<10240x128xf32, #tpu.memory_space<vmem_shared>>
      tpu.wait_indirect_dma semaphore(%run_scoped3A_256 : memref<!tpu.dma_semaphore, #tpu.memory_space<semaphore_mem>>) src(%arg10 : memref<128x128xf32, #tpu.memory_space<vmem>>) dst(%dma_wait3A_268 : memref<10240x128xf32, #tpu.memory_space<vmem_shared>>)
      tpu.yield
    }) : () -> ()
    %dma_start3A_112 = arith.constant 1 : i32
    %dma_start3A_113 = arith.constant 0 : i32
    %dma_start3A_114 = tpu.memref_slice %arg6[%dma_start3A_112, %dma_start3A_113] : memref<16x128xi32, #tpu.memory_space<vmem>> -> memref<1x128xi32, #tpu.memory_space<vmem>>
    %dma_start3A_115 = tpu.memref_squeeze %dma_start3A_114 : memref<1x128xi32, #tpu.memory_space<vmem>> -> memref<128xi32, #tpu.memory_space<vmem>>
    %dma_start3A_116 = arith.constant 0 : i32
    %dma_start3A_117 = arith.constant 0 : i32
    %dma_start3A_118 = tpu.memref_slice %arg2[%dma_start3A_116, %dma_start3A_117] : memref<10240x128xf32, #tpu.memory_space<hbm>> -> memref<10240x128xf32, #tpu.memory_space<hbm>>
    tpu.enqueue_indirect_dma source(%dma_start3A_118 : memref<10240x128xf32, #tpu.memory_space<hbm>>) target(%arg10 : memref<128x128xf32, #tpu.memory_space<vmem>>) offsets(%dma_start3A_115 : memref<128xi32, #tpu.memory_space<vmem>>) semaphore(%arg13 : memref<!tpu.dma_semaphore, #tpu.memory_space<semaphore_mem>>)
    %add3A_119 = arith.constant 32 : i32
    %add3A_120 = arith.addi %mul3A_2, %add3A_119 : i32
    "tpu.region"() ({
      %run_scoped3A_256 = tpu.sem_alloc : memref<!tpu.dma_semaphore, #tpu.memory_space<semaphore_mem>>
      %dma_start3A_257 = arith.constant 0 : i32
      %dma_start3A_258 = tpu.memref_slice %arg4[%add3A_120, %dma_start3A_257] : memref<2560x128xi32, #tpu.memory_space<hbm>> -> memref<16x128xi32, #tpu.memory_space<hbm>>
      %dma_start3A_259 = arith.constant 0 : i32
      %dma_start3A_260 = tpu.memref_slice %arg4[%add3A_120, %dma_start3A_259] : memref<2560x128xi32, #tpu.memory_space<hbm>> -> memref<16x128xi32, #tpu.memory_space<hbm>>
      tpu.enqueue_dma source(%dma_start3A_260 : memref<16x128xi32, #tpu.memory_space<hbm>>) target(%arg8 : memref<16x128xi32, #tpu.memory_space<vmem>>) target_semaphore(%run_scoped3A_256 : memref<!tpu.dma_semaphore, #tpu.memory_space<semaphore_mem>>)
      %dma_wait3A_261 = arith.constant 0 : i32
      %dma_wait3A_262 = tpu.memref_slice %arg4[%add3A_120, %dma_wait3A_261] : memref<2560x128xi32, #tpu.memory_space<hbm>> -> memref<16x128xi32, #tpu.memory_space<hbm>>
      %dma_wait3A_263 = arith.constant 0 : i32
      %dma_wait3A_264 = tpu.memref_slice %arg4[%add3A_120, %dma_wait3A_263] : memref<2560x128xi32, #tpu.memory_space<hbm>> -> memref<16x128xi32, #tpu.memory_space<hbm>>
      tpu.wait_dma2 semaphore(%run_scoped3A_256 : memref<!tpu.dma_semaphore, #tpu.memory_space<semaphore_mem>>) src(%dma_wait3A_264 : memref<16x128xi32, #tpu.memory_space<hbm>>) dst(%arg8 : memref<16x128xi32, #tpu.memory_space<vmem>>)
      tpu.yield
    }) : () -> ()
    %add3A_121 = arith.constant 48 : i32
    %add3A_122 = arith.addi %mul3A_2, %add3A_121 : i32
    "tpu.region"() ({
      %run_scoped3A_256 = tpu.sem_alloc : memref<!tpu.dma_semaphore, #tpu.memory_space<semaphore_mem>>
      %dma_start3A_257 = arith.constant 0 : i32
      %dma_start3A_258 = tpu.memref_slice %arg3[%add3A_122, %dma_start3A_257] : memref<2560x128xi32, #tpu.memory_space<hbm>> -> memref<16x128xi32, #tpu.memory_space<hbm>>
      %dma_start3A_259 = arith.constant 0 : i32
      %dma_start3A_260 = tpu.memref_slice %arg3[%add3A_122, %dma_start3A_259] : memref<2560x128xi32, #tpu.memory_space<hbm>> -> memref<16x128xi32, #tpu.memory_space<hbm>>
      tpu.enqueue_dma source(%dma_start3A_260 : memref<16x128xi32, #tpu.memory_space<hbm>>) target(%arg7 : memref<16x128xi32, #tpu.memory_space<vmem>>) target_semaphore(%run_scoped3A_256 : memref<!tpu.dma_semaphore, #tpu.memory_space<semaphore_mem>>)
      %dma_wait3A_261 = arith.constant 0 : i32
      %dma_wait3A_262 = tpu.memref_slice %arg3[%add3A_122, %dma_wait3A_261] : memref<2560x128xi32, #tpu.memory_space<hbm>> -> memref<16x128xi32, #tpu.memory_space<hbm>>
      %dma_wait3A_263 = arith.constant 0 : i32
      %dma_wait3A_264 = tpu.memref_slice %arg3[%add3A_122, %dma_wait3A_263] : memref<2560x128xi32, #tpu.memory_space<hbm>> -> memref<16x128xi32, #tpu.memory_space<hbm>>
      tpu.wait_dma2 semaphore(%run_scoped3A_256 : memref<!tpu.dma_semaphore, #tpu.memory_space<semaphore_mem>>) src(%dma_wait3A_264 : memref<16x128xi32, #tpu.memory_space<hbm>>) dst(%arg7 : memref<16x128xi32, #tpu.memory_space<vmem>>)
      tpu.yield
    }) : () -> ()
    %scan3A_123 = arith.constant 0 : i32
    %scan3A_124 = arith.constant 0 : i32
    %scan3A_125 = arith.constant 7 : i32
    %scan3A_126 = arith.addi %scan3A_124, %scan3A_125 : i32
    %scan3A_127 = arith.constant 1 : i32
    scf.for %scan3A_256 = %scan3A_124 to %scan3A_126 step %scan3A_127  : i32 {
      %mul3A_257 = arith.constant 2 : i32
      %mul3A_258 = arith.muli %scan3A_256, %mul3A_257 : i32
      %add3A_259 = arith.constant 0 : i32
      %add3A_260 = arith.addi %mul3A_258, %add3A_259 : i32
      %dma_wait3A_261 = arith.constant 0 : i32
      %dma_wait3A_262 = tpu.memref_slice %arg6[%add3A_260, %dma_wait3A_261] : memref<16x128xi32, #tpu.memory_space<vmem>> -> memref<1x128xi32, #tpu.memory_space<vmem>>
      %dma_wait3A_263 = tpu.memref_squeeze %dma_wait3A_262 : memref<1x128xi32, #tpu.memory_space<vmem>> -> memref<128xi32, #tpu.memory_space<vmem>>
      %dma_wait3A_264 = arith.constant 0 : i32
      %dma_wait3A_265 = arith.constant 0 : i32
      %dma_wait3A_266 = tpu.memref_slice %arg2[%dma_wait3A_264, %dma_wait3A_265] : memref<10240x128xf32, #tpu.memory_space<hbm>> -> memref<10240x128xf32, #tpu.memory_space<hbm>>
      tpu.wait_indirect_dma semaphore(%arg12 : memref<!tpu.dma_semaphore, #tpu.memory_space<semaphore_mem>>) src(%dma_wait3A_266 : memref<10240x128xf32, #tpu.memory_space<hbm>>) dst(%arg9 : memref<128x128xf32, #tpu.memory_space<vmem>>)
      "tpu.region"() ({
        %run_scoped3A_293 = tpu.sem_alloc : memref<!tpu.dma_semaphore, #tpu.memory_space<semaphore_mem>>
        %dma_start3A_294 = arith.constant 0 : i32
        %dma_start3A_295 = tpu.memref_slice %arg8[%add3A_260, %dma_start3A_294] : memref<16x128xi32, #tpu.memory_space<vmem>> -> memref<1x128xi32, #tpu.memory_space<vmem>>
        %dma_start3A_296 = tpu.memref_squeeze %dma_start3A_295 : memref<1x128xi32, #tpu.memory_space<vmem>> -> memref<128xi32, #tpu.memory_space<vmem>>
        %dma_start3A_297 = arith.constant 0 : i32
        %dma_start3A_298 = arith.constant 0 : i32
        %dma_start3A_299 = tpu.memref_slice %arg11[%dma_start3A_297, %dma_start3A_298] : memref<10240x128xf32, #tpu.memory_space<vmem_shared>> -> memref<10240x128xf32, #tpu.memory_space<vmem_shared>>
        tpu.enqueue_indirect_dma source(%arg9 : memref<128x128xf32, #tpu.memory_space<vmem>>) target(%dma_start3A_299 : memref<10240x128xf32, #tpu.memory_space<vmem_shared>>) offsets(%dma_start3A_296 : memref<128xi32, #tpu.memory_space<vmem>>) semaphore(%run_scoped3A_293 : memref<!tpu.dma_semaphore, #tpu.memory_space<semaphore_mem>>) {add = true}
        %dma_wait3A_300 = arith.constant 0 : i32
        %dma_wait3A_301 = tpu.memref_slice %arg8[%add3A_260, %dma_wait3A_300] : memref<16x128xi32, #tpu.memory_space<vmem>> -> memref<1x128xi32, #tpu.memory_space<vmem>>
        %dma_wait3A_302 = tpu.memref_squeeze %dma_wait3A_301 : memref<1x128xi32, #tpu.memory_space<vmem>> -> memref<128xi32, #tpu.memory_space<vmem>>
        %dma_wait3A_303 = arith.constant 0 : i32
        %dma_wait3A_304 = arith.constant 0 : i32
        %dma_wait3A_305 = tpu.memref_slice %arg11[%dma_wait3A_303, %dma_wait3A_304] : memref<10240x128xf32, #tpu.memory_space<vmem_shared>> -> memref<10240x128xf32, #tpu.memory_space<vmem_shared>>
        tpu.wait_indirect_dma semaphore(%run_scoped3A_293 : memref<!tpu.dma_semaphore, #tpu.memory_space<semaphore_mem>>) src(%arg9 : memref<128x128xf32, #tpu.memory_space<vmem>>) dst(%dma_wait3A_305 : memref<10240x128xf32, #tpu.memory_space<vmem_shared>>)
        tpu.yield
      }) : () -> ()
      %add3A_267 = arith.constant 2 : i32
      %add3A_268 = arith.addi %add3A_260, %add3A_267 : i32
      %dma_start3A_269 = arith.constant 0 : i32
      %dma_start3A_270 = tpu.memref_slice %arg6[%add3A_268, %dma_start3A_269] : memref<16x128xi32, #tpu.memory_space<vmem>> -> memref<1x128xi32, #tpu.memory_space<vmem>>
      %dma_start3A_271 = tpu.memref_squeeze %dma_start3A_270 : memref<1x128xi32, #tpu.memory_space<vmem>> -> memref<128xi32, #tpu.memory_space<vmem>>
      %dma_start3A_272 = arith.constant 0 : i32
      %dma_start3A_273 = arith.constant 0 : i32
      %dma_start3A_274 = tpu.memref_slice %arg2[%dma_start3A_272, %dma_start3A_273] : memref<10240x128xf32, #tpu.memory_space<hbm>> -> memref<10240x128xf32, #tpu.memory_space<hbm>>
      tpu.enqueue_indirect_dma source(%dma_start3A_274 : memref<10240x128xf32, #tpu.memory_space<hbm>>) target(%arg9 : memref<128x128xf32, #tpu.memory_space<vmem>>) offsets(%dma_start3A_271 : memref<128xi32, #tpu.memory_space<vmem>>) semaphore(%arg12 : memref<!tpu.dma_semaphore, #tpu.memory_space<semaphore_mem>>)
      %mul3A_275 = arith.constant 2 : i32
      %mul3A_276 = arith.muli %scan3A_256, %mul3A_275 : i32
      %add3A_277 = arith.constant 1 : i32
      %add3A_278 = arith.addi %mul3A_276, %add3A_277 : i32
      %dma_wait3A_279 = arith.constant 0 : i32
      %dma_wait3A_280 = tpu.memref_slice %arg6[%add3A_278, %dma_wait3A_279] : memref<16x128xi32, #tpu.memory_space<vmem>> -> memref<1x128xi32, #tpu.memory_space<vmem>>
      %dma_wait3A_281 = tpu.memref_squeeze %dma_wait3A_280 : memref<1x128xi32, #tpu.memory_space<vmem>> -> memref<128xi32, #tpu.memory_space<vmem>>
      %dma_wait3A_282 = arith.constant 0 : i32
      %dma_wait3A_283 = arith.constant 0 : i32
      %dma_wait3A_284 = tpu.memref_slice %arg2[%dma_wait3A_282, %dma_wait3A_283] : memref<10240x128xf32, #tpu.memory_space<hbm>> -> memref<10240x128xf32, #tpu.memory_space<hbm>>
      tpu.wait_indirect_dma semaphore(%arg13 : memref<!tpu.dma_semaphore, #tpu.memory_space<semaphore_mem>>) src(%dma_wait3A_284 : memref<10240x128xf32, #tpu.memory_space<hbm>>) dst(%arg10 : memref<128x128xf32, #tpu.memory_space<vmem>>)
      "tpu.region"() ({
        %run_scoped3A_293 = tpu.sem_alloc : memref<!tpu.dma_semaphore, #tpu.memory_space<semaphore_mem>>
        %dma_start3A_294 = arith.constant 0 : i32
        %dma_start3A_295 = tpu.memref_slice %arg8[%add3A_278, %dma_start3A_294] : memref<16x128xi32, #tpu.memory_space<vmem>> -> memref<1x128xi32, #tpu.memory_space<vmem>>
        %dma_start3A_296 = tpu.memref_squeeze %dma_start3A_295 : memref<1x128xi32, #tpu.memory_space<vmem>> -> memref<128xi32, #tpu.memory_space<vmem>>
        %dma_start3A_297 = arith.constant 0 : i32
        %dma_start3A_298 = arith.constant 0 : i32
        %dma_start3A_299 = tpu.memref_slice %arg11[%dma_start3A_297, %dma_start3A_298] : memref<10240x128xf32, #tpu.memory_space<vmem_shared>> -> memref<10240x128xf32, #tpu.memory_space<vmem_shared>>
        tpu.enqueue_indirect_dma source(%arg10 : memref<128x128xf32, #tpu.memory_space<vmem>>) target(%dma_start3A_299 : memref<10240x128xf32, #tpu.memory_space<vmem_shared>>) offsets(%dma_start3A_296 : memref<128xi32, #tpu.memory_space<vmem>>) semaphore(%run_scoped3A_293 : memref<!tpu.dma_semaphore, #tpu.memory_space<semaphore_mem>>) {add = true}
        %dma_wait3A_300 = arith.constant 0 : i32
        %dma_wait3A_301 = tpu.memref_slice %arg8[%add3A_278, %dma_wait3A_300] : memref<16x128xi32, #tpu.memory_space<vmem>> -> memref<1x128xi32, #tpu.memory_space<vmem>>
        %dma_wait3A_302 = tpu.memref_squeeze %dma_wait3A_301 : memref<1x128xi32, #tpu.memory_space<vmem>> -> memref<128xi32, #tpu.memory_space<vmem>>
        %dma_wait3A_303 = arith.constant 0 : i32
        %dma_wait3A_304 = arith.constant 0 : i32
        %dma_wait3A_305 = tpu.memref_slice %arg11[%dma_wait3A_303, %dma_wait3A_304] : memref<10240x128xf32, #tpu.memory_space<vmem_shared>> -> memref<10240x128xf32, #tpu.memory_space<vmem_shared>>
        tpu.wait_indirect_dma semaphore(%run_scoped3A_293 : memref<!tpu.dma_semaphore, #tpu.memory_space<semaphore_mem>>) src(%arg10 : memref<128x128xf32, #tpu.memory_space<vmem>>) dst(%dma_wait3A_305 : memref<10240x128xf32, #tpu.memory_space<vmem_shared>>)
        tpu.yield
      }) : () -> ()
      %add3A_285 = arith.constant 2 : i32
      %add3A_286 = arith.addi %add3A_278, %add3A_285 : i32
      %dma_start3A_287 = arith.constant 0 : i32
      %dma_start3A_288 = tpu.memref_slice %arg6[%add3A_286, %dma_start3A_287] : memref<16x128xi32, #tpu.memory_space<vmem>> -> memref<1x128xi32, #tpu.memory_space<vmem>>
      %dma_start3A_289 = tpu.memref_squeeze %dma_start3A_288 : memref<1x128xi32, #tpu.memory_space<vmem>> -> memref<128xi32, #tpu.memory_space<vmem>>
      %dma_start3A_290 = arith.constant 0 : i32
      %dma_start3A_291 = arith.constant 0 : i32
      %dma_start3A_292 = tpu.memref_slice %arg2[%dma_start3A_290, %dma_start3A_291] : memref<10240x128xf32, #tpu.memory_space<hbm>> -> memref<10240x128xf32, #tpu.memory_space<hbm>>
      tpu.enqueue_indirect_dma source(%dma_start3A_292 : memref<10240x128xf32, #tpu.memory_space<hbm>>) target(%arg10 : memref<128x128xf32, #tpu.memory_space<vmem>>) offsets(%dma_start3A_289 : memref<128xi32, #tpu.memory_space<vmem>>) semaphore(%arg13 : memref<!tpu.dma_semaphore, #tpu.memory_space<semaphore_mem>>)
    }
    %scan3A_128 = arith.constant 7 : i32
    %dma_wait3A_129 = arith.constant 14 : i32
    %dma_wait3A_130 = arith.constant 0 : i32
    %dma_wait3A_131 = tpu.memref_slice %arg6[%dma_wait3A_129, %dma_wait3A_130] : memref<16x128xi32, #tpu.memory_space<vmem>> -> memref<1x128xi32, #tpu.memory_space<vmem>>
    %dma_wait3A_132 = tpu.memref_squeeze %dma_wait3A_131 : memref<1x128xi32, #tpu.memory_space<vmem>> -> memref<128xi32, #tpu.memory_space<vmem>>
    %dma_wait3A_133 = arith.constant 0 : i32
    %dma_wait3A_134 = arith.constant 0 : i32
    %dma_wait3A_135 = tpu.memref_slice %arg2[%dma_wait3A_133, %dma_wait3A_134] : memref<10240x128xf32, #tpu.memory_space<hbm>> -> memref<10240x128xf32, #tpu.memory_space<hbm>>
    tpu.wait_indirect_dma semaphore(%arg12 : memref<!tpu.dma_semaphore, #tpu.memory_space<semaphore_mem>>) src(%dma_wait3A_135 : memref<10240x128xf32, #tpu.memory_space<hbm>>) dst(%arg9 : memref<128x128xf32, #tpu.memory_space<vmem>>)
    %run_scoped3A_136 = arith.constant 14 : i32
    "tpu.region"() ({
      %run_scoped3A_256 = tpu.sem_alloc : memref<!tpu.dma_semaphore, #tpu.memory_space<semaphore_mem>>
      %dma_start3A_257 = arith.constant 0 : i32
      %dma_start3A_258 = tpu.memref_slice %arg8[%run_scoped3A_136, %dma_start3A_257] : memref<16x128xi32, #tpu.memory_space<vmem>> -> memref<1x128xi32, #tpu.memory_space<vmem>>
      %dma_start3A_259 = tpu.memref_squeeze %dma_start3A_258 : memref<1x128xi32, #tpu.memory_space<vmem>> -> memref<128xi32, #tpu.memory_space<vmem>>
      %dma_start3A_260 = arith.constant 0 : i32
      %dma_start3A_261 = arith.constant 0 : i32
      %dma_start3A_262 = tpu.memref_slice %arg11[%dma_start3A_260, %dma_start3A_261] : memref<10240x128xf32, #tpu.memory_space<vmem_shared>> -> memref<10240x128xf32, #tpu.memory_space<vmem_shared>>
      tpu.enqueue_indirect_dma source(%arg9 : memref<128x128xf32, #tpu.memory_space<vmem>>) target(%dma_start3A_262 : memref<10240x128xf32, #tpu.memory_space<vmem_shared>>) offsets(%dma_start3A_259 : memref<128xi32, #tpu.memory_space<vmem>>) semaphore(%run_scoped3A_256 : memref<!tpu.dma_semaphore, #tpu.memory_space<semaphore_mem>>) {add = true}
      %dma_wait3A_263 = arith.constant 0 : i32
      %dma_wait3A_264 = tpu.memref_slice %arg8[%run_scoped3A_136, %dma_wait3A_263] : memref<16x128xi32, #tpu.memory_space<vmem>> -> memref<1x128xi32, #tpu.memory_space<vmem>>
      %dma_wait3A_265 = tpu.memref_squeeze %dma_wait3A_264 : memref<1x128xi32, #tpu.memory_space<vmem>> -> memref<128xi32, #tpu.memory_space<vmem>>
      %dma_wait3A_266 = arith.constant 0 : i32
      %dma_wait3A_267 = arith.constant 0 : i32
      %dma_wait3A_268 = tpu.memref_slice %arg11[%dma_wait3A_266, %dma_wait3A_267] : memref<10240x128xf32, #tpu.memory_space<vmem_shared>> -> memref<10240x128xf32, #tpu.memory_space<vmem_shared>>
      tpu.wait_indirect_dma semaphore(%run_scoped3A_256 : memref<!tpu.dma_semaphore, #tpu.memory_space<semaphore_mem>>) src(%arg9 : memref<128x128xf32, #tpu.memory_space<vmem>>) dst(%dma_wait3A_268 : memref<10240x128xf32, #tpu.memory_space<vmem_shared>>)
      tpu.yield
    }) : () -> ()
    %dma_start3A_137 = arith.constant 0 : i32
    %dma_start3A_138 = arith.constant 0 : i32
    %dma_start3A_139 = tpu.memref_slice %arg7[%dma_start3A_137, %dma_start3A_138] : memref<16x128xi32, #tpu.memory_space<vmem>> -> memref<1x128xi32, #tpu.memory_space<vmem>>
    %dma_start3A_140 = tpu.memref_squeeze %dma_start3A_139 : memref<1x128xi32, #tpu.memory_space<vmem>> -> memref<128xi32, #tpu.memory_space<vmem>>
    %dma_start3A_141 = arith.constant 0 : i32
    %dma_start3A_142 = arith.constant 0 : i32
    %dma_start3A_143 = tpu.memref_slice %arg2[%dma_start3A_141, %dma_start3A_142] : memref<10240x128xf32, #tpu.memory_space<hbm>> -> memref<10240x128xf32, #tpu.memory_space<hbm>>
    tpu.enqueue_indirect_dma source(%dma_start3A_143 : memref<10240x128xf32, #tpu.memory_space<hbm>>) target(%arg9 : memref<128x128xf32, #tpu.memory_space<vmem>>) offsets(%dma_start3A_140 : memref<128xi32, #tpu.memory_space<vmem>>) semaphore(%arg12 : memref<!tpu.dma_semaphore, #tpu.memory_space<semaphore_mem>>)
    %dma_wait3A_144 = arith.constant 15 : i32
    %dma_wait3A_145 = arith.constant 0 : i32
    %dma_wait3A_146 = tpu.memref_slice %arg6[%dma_wait3A_144, %dma_wait3A_145] : memref<16x128xi32, #tpu.memory_space<vmem>> -> memref<1x128xi32, #tpu.memory_space<vmem>>
    %dma_wait3A_147 = tpu.memref_squeeze %dma_wait3A_146 : memref<1x128xi32, #tpu.memory_space<vmem>> -> memref<128xi32, #tpu.memory_space<vmem>>
    %dma_wait3A_148 = arith.constant 0 : i32
    %dma_wait3A_149 = arith.constant 0 : i32
    %dma_wait3A_150 = tpu.memref_slice %arg2[%dma_wait3A_148, %dma_wait3A_149] : memref<10240x128xf32, #tpu.memory_space<hbm>> -> memref<10240x128xf32, #tpu.memory_space<hbm>>
    tpu.wait_indirect_dma semaphore(%arg13 : memref<!tpu.dma_semaphore, #tpu.memory_space<semaphore_mem>>) src(%dma_wait3A_150 : memref<10240x128xf32, #tpu.memory_space<hbm>>) dst(%arg10 : memref<128x128xf32, #tpu.memory_space<vmem>>)
    %run_scoped3A_151 = arith.constant 15 : i32
    "tpu.region"() ({
      %run_scoped3A_256 = tpu.sem_alloc : memref<!tpu.dma_semaphore, #tpu.memory_space<semaphore_mem>>
      %dma_start3A_257 = arith.constant 0 : i32
      %dma_start3A_258 = tpu.memref_slice %arg8[%run_scoped3A_151, %dma_start3A_257] : memref<16x128xi32, #tpu.memory_space<vmem>> -> memref<1x128xi32, #tpu.memory_space<vmem>>
      %dma_start3A_259 = tpu.memref_squeeze %dma_start3A_258 : memref<1x128xi32, #tpu.memory_space<vmem>> -> memref<128xi32, #tpu.memory_space<vmem>>
      %dma_start3A_260 = arith.constant 0 : i32
      %dma_start3A_261 = arith.constant 0 : i32
      %dma_start3A_262 = tpu.memref_slice %arg11[%dma_start3A_260, %dma_start3A_261] : memref<10240x128xf32, #tpu.memory_space<vmem_shared>> -> memref<10240x128xf32, #tpu.memory_space<vmem_shared>>
      tpu.enqueue_indirect_dma source(%arg10 : memref<128x128xf32, #tpu.memory_space<vmem>>) target(%dma_start3A_262 : memref<10240x128xf32, #tpu.memory_space<vmem_shared>>) offsets(%dma_start3A_259 : memref<128xi32, #tpu.memory_space<vmem>>) semaphore(%run_scoped3A_256 : memref<!tpu.dma_semaphore, #tpu.memory_space<semaphore_mem>>) {add = true}
      %dma_wait3A_263 = arith.constant 0 : i32
      %dma_wait3A_264 = tpu.memref_slice %arg8[%run_scoped3A_151, %dma_wait3A_263] : memref<16x128xi32, #tpu.memory_space<vmem>> -> memref<1x128xi32, #tpu.memory_space<vmem>>
      %dma_wait3A_265 = tpu.memref_squeeze %dma_wait3A_264 : memref<1x128xi32, #tpu.memory_space<vmem>> -> memref<128xi32, #tpu.memory_space<vmem>>
      %dma_wait3A_266 = arith.constant 0 : i32
      %dma_wait3A_267 = arith.constant 0 : i32
      %dma_wait3A_268 = tpu.memref_slice %arg11[%dma_wait3A_266, %dma_wait3A_267] : memref<10240x128xf32, #tpu.memory_space<vmem_shared>> -> memref<10240x128xf32, #tpu.memory_space<vmem_shared>>
      tpu.wait_indirect_dma semaphore(%run_scoped3A_256 : memref<!tpu.dma_semaphore, #tpu.memory_space<semaphore_mem>>) src(%arg10 : memref<128x128xf32, #tpu.memory_space<vmem>>) dst(%dma_wait3A_268 : memref<10240x128xf32, #tpu.memory_space<vmem_shared>>)
      tpu.yield
    }) : () -> ()
    %dma_start3A_152 = arith.constant 1 : i32
    %dma_start3A_153 = arith.constant 0 : i32
    %dma_start3A_154 = tpu.memref_slice %arg7[%dma_start3A_152, %dma_start3A_153] : memref<16x128xi32, #tpu.memory_space<vmem>> -> memref<1x128xi32, #tpu.memory_space<vmem>>
    %dma_start3A_155 = tpu.memref_squeeze %dma_start3A_154 : memref<1x128xi32, #tpu.memory_space<vmem>> -> memref<128xi32, #tpu.memory_space<vmem>>
    %dma_start3A_156 = arith.constant 0 : i32
    %dma_start3A_157 = arith.constant 0 : i32
    %dma_start3A_158 = tpu.memref_slice %arg2[%dma_start3A_156, %dma_start3A_157] : memref<10240x128xf32, #tpu.memory_space<hbm>> -> memref<10240x128xf32, #tpu.memory_space<hbm>>
    tpu.enqueue_indirect_dma source(%dma_start3A_158 : memref<10240x128xf32, #tpu.memory_space<hbm>>) target(%arg10 : memref<128x128xf32, #tpu.memory_space<vmem>>) offsets(%dma_start3A_155 : memref<128xi32, #tpu.memory_space<vmem>>) semaphore(%arg13 : memref<!tpu.dma_semaphore, #tpu.memory_space<semaphore_mem>>)
    %add3A_159 = arith.constant 48 : i32
    %add3A_160 = arith.addi %mul3A_2, %add3A_159 : i32
    "tpu.region"() ({
      %run_scoped3A_256 = tpu.sem_alloc : memref<!tpu.dma_semaphore, #tpu.memory_space<semaphore_mem>>
      %dma_start3A_257 = arith.constant 0 : i32
      %dma_start3A_258 = tpu.memref_slice %arg4[%add3A_160, %dma_start3A_257] : memref<2560x128xi32, #tpu.memory_space<hbm>> -> memref<16x128xi32, #tpu.memory_space<hbm>>
      %dma_start3A_259 = arith.constant 0 : i32
      %dma_start3A_260 = tpu.memref_slice %arg4[%add3A_160, %dma_start3A_259] : memref<2560x128xi32, #tpu.memory_space<hbm>> -> memref<16x128xi32, #tpu.memory_space<hbm>>
      tpu.enqueue_dma source(%dma_start3A_260 : memref<16x128xi32, #tpu.memory_space<hbm>>) target(%arg8 : memref<16x128xi32, #tpu.memory_space<vmem>>) target_semaphore(%run_scoped3A_256 : memref<!tpu.dma_semaphore, #tpu.memory_space<semaphore_mem>>)
      %dma_wait3A_261 = arith.constant 0 : i32
      %dma_wait3A_262 = tpu.memref_slice %arg4[%add3A_160, %dma_wait3A_261] : memref<2560x128xi32, #tpu.memory_space<hbm>> -> memref<16x128xi32, #tpu.memory_space<hbm>>
      %dma_wait3A_263 = arith.constant 0 : i32
      %dma_wait3A_264 = tpu.memref_slice %arg4[%add3A_160, %dma_wait3A_263] : memref<2560x128xi32, #tpu.memory_space<hbm>> -> memref<16x128xi32, #tpu.memory_space<hbm>>
      tpu.wait_dma2 semaphore(%run_scoped3A_256 : memref<!tpu.dma_semaphore, #tpu.memory_space<semaphore_mem>>) src(%dma_wait3A_264 : memref<16x128xi32, #tpu.memory_space<hbm>>) dst(%arg8 : memref<16x128xi32, #tpu.memory_space<vmem>>)
      tpu.yield
    }) : () -> ()
    %add3A_161 = arith.constant 64 : i32
    %add3A_162 = arith.addi %mul3A_2, %add3A_161 : i32
    "tpu.region"() ({
      %run_scoped3A_256 = tpu.sem_alloc : memref<!tpu.dma_semaphore, #tpu.memory_space<semaphore_mem>>
      %dma_start3A_257 = arith.constant 0 : i32
      %dma_start3A_258 = tpu.memref_slice %arg3[%add3A_162, %dma_start3A_257] : memref<2560x128xi32, #tpu.memory_space<hbm>> -> memref<16x128xi32, #tpu.memory_space<hbm>>
      %dma_start3A_259 = arith.constant 0 : i32
      %dma_start3A_260 = tpu.memref_slice %arg3[%add3A_162, %dma_start3A_259] : memref<2560x128xi32, #tpu.memory_space<hbm>> -> memref<16x128xi32, #tpu.memory_space<hbm>>
      tpu.enqueue_dma source(%dma_start3A_260 : memref<16x128xi32, #tpu.memory_space<hbm>>) target(%arg6 : memref<16x128xi32, #tpu.memory_space<vmem>>) target_semaphore(%run_scoped3A_256 : memref<!tpu.dma_semaphore, #tpu.memory_space<semaphore_mem>>)
      %dma_wait3A_261 = arith.constant 0 : i32
      %dma_wait3A_262 = tpu.memref_slice %arg3[%add3A_162, %dma_wait3A_261] : memref<2560x128xi32, #tpu.memory_space<hbm>> -> memref<16x128xi32, #tpu.memory_space<hbm>>
      %dma_wait3A_263 = arith.constant 0 : i32
      %dma_wait3A_264 = tpu.memref_slice %arg3[%add3A_162, %dma_wait3A_263] : memref<2560x128xi32, #tpu.memory_space<hbm>> -> memref<16x128xi32, #tpu.memory_space<hbm>>
      tpu.wait_dma2 semaphore(%run_scoped3A_256 : memref<!tpu.dma_semaphore, #tpu.memory_space<semaphore_mem>>) src(%dma_wait3A_264 : memref<16x128xi32, #tpu.memory_space<hbm>>) dst(%arg6 : memref<16x128xi32, #tpu.memory_space<vmem>>)
      tpu.yield
    }) : () -> ()
    %scan3A_163 = arith.constant 0 : i32
    %scan3A_164 = arith.constant 0 : i32
    %scan3A_165 = arith.constant 7 : i32
    %scan3A_166 = arith.addi %scan3A_164, %scan3A_165 : i32
    %scan3A_167 = arith.constant 1 : i32
    scf.for %scan3A_256 = %scan3A_164 to %scan3A_166 step %scan3A_167  : i32 {
      %mul3A_257 = arith.constant 2 : i32
      %mul3A_258 = arith.muli %scan3A_256, %mul3A_257 : i32
      %add3A_259 = arith.constant 0 : i32
      %add3A_260 = arith.addi %mul3A_258, %add3A_259 : i32
      %dma_wait3A_261 = arith.constant 0 : i32
      %dma_wait3A_262 = tpu.memref_slice %arg7[%add3A_260, %dma_wait3A_261] : memref<16x128xi32, #tpu.memory_space<vmem>> -> memref<1x128xi32, #tpu.memory_space<vmem>>
      %dma_wait3A_263 = tpu.memref_squeeze %dma_wait3A_262 : memref<1x128xi32, #tpu.memory_space<vmem>> -> memref<128xi32, #tpu.memory_space<vmem>>
      %dma_wait3A_264 = arith.constant 0 : i32
      %dma_wait3A_265 = arith.constant 0 : i32
      %dma_wait3A_266 = tpu.memref_slice %arg2[%dma_wait3A_264, %dma_wait3A_265] : memref<10240x128xf32, #tpu.memory_space<hbm>> -> memref<10240x128xf32, #tpu.memory_space<hbm>>
      tpu.wait_indirect_dma semaphore(%arg12 : memref<!tpu.dma_semaphore, #tpu.memory_space<semaphore_mem>>) src(%dma_wait3A_266 : memref<10240x128xf32, #tpu.memory_space<hbm>>) dst(%arg9 : memref<128x128xf32, #tpu.memory_space<vmem>>)
      "tpu.region"() ({
        %run_scoped3A_293 = tpu.sem_alloc : memref<!tpu.dma_semaphore, #tpu.memory_space<semaphore_mem>>
        %dma_start3A_294 = arith.constant 0 : i32
        %dma_start3A_295 = tpu.memref_slice %arg8[%add3A_260, %dma_start3A_294] : memref<16x128xi32, #tpu.memory_space<vmem>> -> memref<1x128xi32, #tpu.memory_space<vmem>>
        %dma_start3A_296 = tpu.memref_squeeze %dma_start3A_295 : memref<1x128xi32, #tpu.memory_space<vmem>> -> memref<128xi32, #tpu.memory_space<vmem>>
        %dma_start3A_297 = arith.constant 0 : i32
        %dma_start3A_298 = arith.constant 0 : i32
        %dma_start3A_299 = tpu.memref_slice %arg11[%dma_start3A_297, %dma_start3A_298] : memref<10240x128xf32, #tpu.memory_space<vmem_shared>> -> memref<10240x128xf32, #tpu.memory_space<vmem_shared>>
        tpu.enqueue_indirect_dma source(%arg9 : memref<128x128xf32, #tpu.memory_space<vmem>>) target(%dma_start3A_299 : memref<10240x128xf32, #tpu.memory_space<vmem_shared>>) offsets(%dma_start3A_296 : memref<128xi32, #tpu.memory_space<vmem>>) semaphore(%run_scoped3A_293 : memref<!tpu.dma_semaphore, #tpu.memory_space<semaphore_mem>>) {add = true}
        %dma_wait3A_300 = arith.constant 0 : i32
        %dma_wait3A_301 = tpu.memref_slice %arg8[%add3A_260, %dma_wait3A_300] : memref<16x128xi32, #tpu.memory_space<vmem>> -> memref<1x128xi32, #tpu.memory_space<vmem>>
        %dma_wait3A_302 = tpu.memref_squeeze %dma_wait3A_301 : memref<1x128xi32, #tpu.memory_space<vmem>> -> memref<128xi32, #tpu.memory_space<vmem>>
        %dma_wait3A_303 = arith.constant 0 : i32
        %dma_wait3A_304 = arith.constant 0 : i32
        %dma_wait3A_305 = tpu.memref_slice %arg11[%dma_wait3A_303, %dma_wait3A_304] : memref<10240x128xf32, #tpu.memory_space<vmem_shared>> -> memref<10240x128xf32, #tpu.memory_space<vmem_shared>>
        tpu.wait_indirect_dma semaphore(%run_scoped3A_293 : memref<!tpu.dma_semaphore, #tpu.memory_space<semaphore_mem>>) src(%arg9 : memref<128x128xf32, #tpu.memory_space<vmem>>) dst(%dma_wait3A_305 : memref<10240x128xf32, #tpu.memory_space<vmem_shared>>)
        tpu.yield
      }) : () -> ()
      %add3A_267 = arith.constant 2 : i32
      %add3A_268 = arith.addi %add3A_260, %add3A_267 : i32
      %dma_start3A_269 = arith.constant 0 : i32
      %dma_start3A_270 = tpu.memref_slice %arg7[%add3A_268, %dma_start3A_269] : memref<16x128xi32, #tpu.memory_space<vmem>> -> memref<1x128xi32, #tpu.memory_space<vmem>>
      %dma_start3A_271 = tpu.memref_squeeze %dma_start3A_270 : memref<1x128xi32, #tpu.memory_space<vmem>> -> memref<128xi32, #tpu.memory_space<vmem>>
      %dma_start3A_272 = arith.constant 0 : i32
      %dma_start3A_273 = arith.constant 0 : i32
      %dma_start3A_274 = tpu.memref_slice %arg2[%dma_start3A_272, %dma_start3A_273] : memref<10240x128xf32, #tpu.memory_space<hbm>> -> memref<10240x128xf32, #tpu.memory_space<hbm>>
      tpu.enqueue_indirect_dma source(%dma_start3A_274 : memref<10240x128xf32, #tpu.memory_space<hbm>>) target(%arg9 : memref<128x128xf32, #tpu.memory_space<vmem>>) offsets(%dma_start3A_271 : memref<128xi32, #tpu.memory_space<vmem>>) semaphore(%arg12 : memref<!tpu.dma_semaphore, #tpu.memory_space<semaphore_mem>>)
      %mul3A_275 = arith.constant 2 : i32
      %mul3A_276 = arith.muli %scan3A_256, %mul3A_275 : i32
      %add3A_277 = arith.constant 1 : i32
      %add3A_278 = arith.addi %mul3A_276, %add3A_277 : i32
      %dma_wait3A_279 = arith.constant 0 : i32
      %dma_wait3A_280 = tpu.memref_slice %arg7[%add3A_278, %dma_wait3A_279] : memref<16x128xi32, #tpu.memory_space<vmem>> -> memref<1x128xi32, #tpu.memory_space<vmem>>
      %dma_wait3A_281 = tpu.memref_squeeze %dma_wait3A_280 : memref<1x128xi32, #tpu.memory_space<vmem>> -> memref<128xi32, #tpu.memory_space<vmem>>
      %dma_wait3A_282 = arith.constant 0 : i32
      %dma_wait3A_283 = arith.constant 0 : i32
      %dma_wait3A_284 = tpu.memref_slice %arg2[%dma_wait3A_282, %dma_wait3A_283] : memref<10240x128xf32, #tpu.memory_space<hbm>> -> memref<10240x128xf32, #tpu.memory_space<hbm>>
      tpu.wait_indirect_dma semaphore(%arg13 : memref<!tpu.dma_semaphore, #tpu.memory_space<semaphore_mem>>) src(%dma_wait3A_284 : memref<10240x128xf32, #tpu.memory_space<hbm>>) dst(%arg10 : memref<128x128xf32, #tpu.memory_space<vmem>>)
      "tpu.region"() ({
        %run_scoped3A_293 = tpu.sem_alloc : memref<!tpu.dma_semaphore, #tpu.memory_space<semaphore_mem>>
        %dma_start3A_294 = arith.constant 0 : i32
        %dma_start3A_295 = tpu.memref_slice %arg8[%add3A_278, %dma_start3A_294] : memref<16x128xi32, #tpu.memory_space<vmem>> -> memref<1x128xi32, #tpu.memory_space<vmem>>
        %dma_start3A_296 = tpu.memref_squeeze %dma_start3A_295 : memref<1x128xi32, #tpu.memory_space<vmem>> -> memref<128xi32, #tpu.memory_space<vmem>>
        %dma_start3A_297 = arith.constant 0 : i32
        %dma_start3A_298 = arith.constant 0 : i32
        %dma_start3A_299 = tpu.memref_slice %arg11[%dma_start3A_297, %dma_start3A_298] : memref<10240x128xf32, #tpu.memory_space<vmem_shared>> -> memref<10240x128xf32, #tpu.memory_space<vmem_shared>>
        tpu.enqueue_indirect_dma source(%arg10 : memref<128x128xf32, #tpu.memory_space<vmem>>) target(%dma_start3A_299 : memref<10240x128xf32, #tpu.memory_space<vmem_shared>>) offsets(%dma_start3A_296 : memref<128xi32, #tpu.memory_space<vmem>>) semaphore(%run_scoped3A_293 : memref<!tpu.dma_semaphore, #tpu.memory_space<semaphore_mem>>) {add = true}
        %dma_wait3A_300 = arith.constant 0 : i32
        %dma_wait3A_301 = tpu.memref_slice %arg8[%add3A_278, %dma_wait3A_300] : memref<16x128xi32, #tpu.memory_space<vmem>> -> memref<1x128xi32, #tpu.memory_space<vmem>>
        %dma_wait3A_302 = tpu.memref_squeeze %dma_wait3A_301 : memref<1x128xi32, #tpu.memory_space<vmem>> -> memref<128xi32, #tpu.memory_space<vmem>>
        %dma_wait3A_303 = arith.constant 0 : i32
        %dma_wait3A_304 = arith.constant 0 : i32
        %dma_wait3A_305 = tpu.memref_slice %arg11[%dma_wait3A_303, %dma_wait3A_304] : memref<10240x128xf32, #tpu.memory_space<vmem_shared>> -> memref<10240x128xf32, #tpu.memory_space<vmem_shared>>
        tpu.wait_indirect_dma semaphore(%run_scoped3A_293 : memref<!tpu.dma_semaphore, #tpu.memory_space<semaphore_mem>>) src(%arg10 : memref<128x128xf32, #tpu.memory_space<vmem>>) dst(%dma_wait3A_305 : memref<10240x128xf32, #tpu.memory_space<vmem_shared>>)
        tpu.yield
      }) : () -> ()
      %add3A_285 = arith.constant 2 : i32
      %add3A_286 = arith.addi %add3A_278, %add3A_285 : i32
      %dma_start3A_287 = arith.constant 0 : i32
      %dma_start3A_288 = tpu.memref_slice %arg7[%add3A_286, %dma_start3A_287] : memref<16x128xi32, #tpu.memory_space<vmem>> -> memref<1x128xi32, #tpu.memory_space<vmem>>
      %dma_start3A_289 = tpu.memref_squeeze %dma_start3A_288 : memref<1x128xi32, #tpu.memory_space<vmem>> -> memref<128xi32, #tpu.memory_space<vmem>>
      %dma_start3A_290 = arith.constant 0 : i32
      %dma_start3A_291 = arith.constant 0 : i32
      %dma_start3A_292 = tpu.memref_slice %arg2[%dma_start3A_290, %dma_start3A_291] : memref<10240x128xf32, #tpu.memory_space<hbm>> -> memref<10240x128xf32, #tpu.memory_space<hbm>>
      tpu.enqueue_indirect_dma source(%dma_start3A_292 : memref<10240x128xf32, #tpu.memory_space<hbm>>) target(%arg10 : memref<128x128xf32, #tpu.memory_space<vmem>>) offsets(%dma_start3A_289 : memref<128xi32, #tpu.memory_space<vmem>>) semaphore(%arg13 : memref<!tpu.dma_semaphore, #tpu.memory_space<semaphore_mem>>)
    }
    %scan3A_168 = arith.constant 7 : i32
    %dma_wait3A_169 = arith.constant 14 : i32
    %dma_wait3A_170 = arith.constant 0 : i32
    %dma_wait3A_171 = tpu.memref_slice %arg7[%dma_wait3A_169, %dma_wait3A_170] : memref<16x128xi32, #tpu.memory_space<vmem>> -> memref<1x128xi32, #tpu.memory_space<vmem>>
    %dma_wait3A_172 = tpu.memref_squeeze %dma_wait3A_171 : memref<1x128xi32, #tpu.memory_space<vmem>> -> memref<128xi32, #tpu.memory_space<vmem>>
    %dma_wait3A_173 = arith.constant 0 : i32
    %dma_wait3A_174 = arith.constant 0 : i32
    %dma_wait3A_175 = tpu.memref_slice %arg2[%dma_wait3A_173, %dma_wait3A_174] : memref<10240x128xf32, #tpu.memory_space<hbm>> -> memref<10240x128xf32, #tpu.memory_space<hbm>>
    tpu.wait_indirect_dma semaphore(%arg12 : memref<!tpu.dma_semaphore, #tpu.memory_space<semaphore_mem>>) src(%dma_wait3A_175 : memref<10240x128xf32, #tpu.memory_space<hbm>>) dst(%arg9 : memref<128x128xf32, #tpu.memory_space<vmem>>)
    %run_scoped3A_176 = arith.constant 14 : i32
    "tpu.region"() ({
      %run_scoped3A_256 = tpu.sem_alloc : memref<!tpu.dma_semaphore, #tpu.memory_space<semaphore_mem>>
      %dma_start3A_257 = arith.constant 0 : i32
      %dma_start3A_258 = tpu.memref_slice %arg8[%run_scoped3A_176, %dma_start3A_257] : memref<16x128xi32, #tpu.memory_space<vmem>> -> memref<1x128xi32, #tpu.memory_space<vmem>>
      %dma_start3A_259 = tpu.memref_squeeze %dma_start3A_258 : memref<1x128xi32, #tpu.memory_space<vmem>> -> memref<128xi32, #tpu.memory_space<vmem>>
      %dma_start3A_260 = arith.constant 0 : i32
      %dma_start3A_261 = arith.constant 0 : i32
      %dma_start3A_262 = tpu.memref_slice %arg11[%dma_start3A_260, %dma_start3A_261] : memref<10240x128xf32, #tpu.memory_space<vmem_shared>> -> memref<10240x128xf32, #tpu.memory_space<vmem_shared>>
      tpu.enqueue_indirect_dma source(%arg9 : memref<128x128xf32, #tpu.memory_space<vmem>>) target(%dma_start3A_262 : memref<10240x128xf32, #tpu.memory_space<vmem_shared>>) offsets(%dma_start3A_259 : memref<128xi32, #tpu.memory_space<vmem>>) semaphore(%run_scoped3A_256 : memref<!tpu.dma_semaphore, #tpu.memory_space<semaphore_mem>>) {add = true}
      %dma_wait3A_263 = arith.constant 0 : i32
      %dma_wait3A_264 = tpu.memref_slice %arg8[%run_scoped3A_176, %dma_wait3A_263] : memref<16x128xi32, #tpu.memory_space<vmem>> -> memref<1x128xi32, #tpu.memory_space<vmem>>
      %dma_wait3A_265 = tpu.memref_squeeze %dma_wait3A_264 : memref<1x128xi32, #tpu.memory_space<vmem>> -> memref<128xi32, #tpu.memory_space<vmem>>
      %dma_wait3A_266 = arith.constant 0 : i32
      %dma_wait3A_267 = arith.constant 0 : i32
      %dma_wait3A_268 = tpu.memref_slice %arg11[%dma_wait3A_266, %dma_wait3A_267] : memref<10240x128xf32, #tpu.memory_space<vmem_shared>> -> memref<10240x128xf32, #tpu.memory_space<vmem_shared>>
      tpu.wait_indirect_dma semaphore(%run_scoped3A_256 : memref<!tpu.dma_semaphore, #tpu.memory_space<semaphore_mem>>) src(%arg9 : memref<128x128xf32, #tpu.memory_space<vmem>>) dst(%dma_wait3A_268 : memref<10240x128xf32, #tpu.memory_space<vmem_shared>>)
      tpu.yield
    }) : () -> ()
    %dma_start3A_177 = arith.constant 0 : i32
    %dma_start3A_178 = arith.constant 0 : i32
    %dma_start3A_179 = tpu.memref_slice %arg6[%dma_start3A_177, %dma_start3A_178] : memref<16x128xi32, #tpu.memory_space<vmem>> -> memref<1x128xi32, #tpu.memory_space<vmem>>
    %dma_start3A_180 = tpu.memref_squeeze %dma_start3A_179 : memref<1x128xi32, #tpu.memory_space<vmem>> -> memref<128xi32, #tpu.memory_space<vmem>>
    %dma_start3A_181 = arith.constant 0 : i32
    %dma_start3A_182 = arith.constant 0 : i32
    %dma_start3A_183 = tpu.memref_slice %arg2[%dma_start3A_181, %dma_start3A_182] : memref<10240x128xf32, #tpu.memory_space<hbm>> -> memref<10240x128xf32, #tpu.memory_space<hbm>>
    tpu.enqueue_indirect_dma source(%dma_start3A_183 : memref<10240x128xf32, #tpu.memory_space<hbm>>) target(%arg9 : memref<128x128xf32, #tpu.memory_space<vmem>>) offsets(%dma_start3A_180 : memref<128xi32, #tpu.memory_space<vmem>>) semaphore(%arg12 : memref<!tpu.dma_semaphore, #tpu.memory_space<semaphore_mem>>)
    %dma_wait3A_184 = arith.constant 15 : i32
    %dma_wait3A_185 = arith.constant 0 : i32
    %dma_wait3A_186 = tpu.memref_slice %arg7[%dma_wait3A_184, %dma_wait3A_185] : memref<16x128xi32, #tpu.memory_space<vmem>> -> memref<1x128xi32, #tpu.memory_space<vmem>>
    %dma_wait3A_187 = tpu.memref_squeeze %dma_wait3A_186 : memref<1x128xi32, #tpu.memory_space<vmem>> -> memref<128xi32, #tpu.memory_space<vmem>>
    %dma_wait3A_188 = arith.constant 0 : i32
    %dma_wait3A_189 = arith.constant 0 : i32
    %dma_wait3A_190 = tpu.memref_slice %arg2[%dma_wait3A_188, %dma_wait3A_189] : memref<10240x128xf32, #tpu.memory_space<hbm>> -> memref<10240x128xf32, #tpu.memory_space<hbm>>
    tpu.wait_indirect_dma semaphore(%arg13 : memref<!tpu.dma_semaphore, #tpu.memory_space<semaphore_mem>>) src(%dma_wait3A_190 : memref<10240x128xf32, #tpu.memory_space<hbm>>) dst(%arg10 : memref<128x128xf32, #tpu.memory_space<vmem>>)
    %run_scoped3A_191 = arith.constant 15 : i32
    "tpu.region"() ({
      %run_scoped3A_256 = tpu.sem_alloc : memref<!tpu.dma_semaphore, #tpu.memory_space<semaphore_mem>>
      %dma_start3A_257 = arith.constant 0 : i32
      %dma_start3A_258 = tpu.memref_slice %arg8[%run_scoped3A_191, %dma_start3A_257] : memref<16x128xi32, #tpu.memory_space<vmem>> -> memref<1x128xi32, #tpu.memory_space<vmem>>
      %dma_start3A_259 = tpu.memref_squeeze %dma_start3A_258 : memref<1x128xi32, #tpu.memory_space<vmem>> -> memref<128xi32, #tpu.memory_space<vmem>>
      %dma_start3A_260 = arith.constant 0 : i32
      %dma_start3A_261 = arith.constant 0 : i32
      %dma_start3A_262 = tpu.memref_slice %arg11[%dma_start3A_260, %dma_start3A_261] : memref<10240x128xf32, #tpu.memory_space<vmem_shared>> -> memref<10240x128xf32, #tpu.memory_space<vmem_shared>>
      tpu.enqueue_indirect_dma source(%arg10 : memref<128x128xf32, #tpu.memory_space<vmem>>) target(%dma_start3A_262 : memref<10240x128xf32, #tpu.memory_space<vmem_shared>>) offsets(%dma_start3A_259 : memref<128xi32, #tpu.memory_space<vmem>>) semaphore(%run_scoped3A_256 : memref<!tpu.dma_semaphore, #tpu.memory_space<semaphore_mem>>) {add = true}
      %dma_wait3A_263 = arith.constant 0 : i32
      %dma_wait3A_264 = tpu.memref_slice %arg8[%run_scoped3A_191, %dma_wait3A_263] : memref<16x128xi32, #tpu.memory_space<vmem>> -> memref<1x128xi32, #tpu.memory_space<vmem>>
      %dma_wait3A_265 = tpu.memref_squeeze %dma_wait3A_264 : memref<1x128xi32, #tpu.memory_space<vmem>> -> memref<128xi32, #tpu.memory_space<vmem>>
      %dma_wait3A_266 = arith.constant 0 : i32
      %dma_wait3A_267 = arith.constant 0 : i32
      %dma_wait3A_268 = tpu.memref_slice %arg11[%dma_wait3A_266, %dma_wait3A_267] : memref<10240x128xf32, #tpu.memory_space<vmem_shared>> -> memref<10240x128xf32, #tpu.memory_space<vmem_shared>>
      tpu.wait_indirect_dma semaphore(%run_scoped3A_256 : memref<!tpu.dma_semaphore, #tpu.memory_space<semaphore_mem>>) src(%arg10 : memref<128x128xf32, #tpu.memory_space<vmem>>) dst(%dma_wait3A_268 : memref<10240x128xf32, #tpu.memory_space<vmem_shared>>)
      tpu.yield
    }) : () -> ()
    %dma_start3A_192 = arith.constant 1 : i32
    %dma_start3A_193 = arith.constant 0 : i32
    %dma_start3A_194 = tpu.memref_slice %arg6[%dma_start3A_192, %dma_start3A_193] : memref<16x128xi32, #tpu.memory_space<vmem>> -> memref<1x128xi32, #tpu.memory_space<vmem>>
    %dma_start3A_195 = tpu.memref_squeeze %dma_start3A_194 : memref<1x128xi32, #tpu.memory_space<vmem>> -> memref<128xi32, #tpu.memory_space<vmem>>
    %dma_start3A_196 = arith.constant 0 : i32
    %dma_start3A_197 = arith.constant 0 : i32
    %dma_start3A_198 = tpu.memref_slice %arg2[%dma_start3A_196, %dma_start3A_197] : memref<10240x128xf32, #tpu.memory_space<hbm>> -> memref<10240x128xf32, #tpu.memory_space<hbm>>
    tpu.enqueue_indirect_dma source(%dma_start3A_198 : memref<10240x128xf32, #tpu.memory_space<hbm>>) target(%arg10 : memref<128x128xf32, #tpu.memory_space<vmem>>) offsets(%dma_start3A_195 : memref<128xi32, #tpu.memory_space<vmem>>) semaphore(%arg13 : memref<!tpu.dma_semaphore, #tpu.memory_space<semaphore_mem>>)
    %add3A_199 = arith.constant 64 : i32
    %add3A_200 = arith.addi %mul3A_2, %add3A_199 : i32
    "tpu.region"() ({
      %run_scoped3A_256 = tpu.sem_alloc : memref<!tpu.dma_semaphore, #tpu.memory_space<semaphore_mem>>
      %dma_start3A_257 = arith.constant 0 : i32
      %dma_start3A_258 = tpu.memref_slice %arg4[%add3A_200, %dma_start3A_257] : memref<2560x128xi32, #tpu.memory_space<hbm>> -> memref<16x128xi32, #tpu.memory_space<hbm>>
      %dma_start3A_259 = arith.constant 0 : i32
      %dma_start3A_260 = tpu.memref_slice %arg4[%add3A_200, %dma_start3A_259] : memref<2560x128xi32, #tpu.memory_space<hbm>> -> memref<16x128xi32, #tpu.memory_space<hbm>>
      tpu.enqueue_dma source(%dma_start3A_260 : memref<16x128xi32, #tpu.memory_space<hbm>>) target(%arg8 : memref<16x128xi32, #tpu.memory_space<vmem>>) target_semaphore(%run_scoped3A_256 : memref<!tpu.dma_semaphore, #tpu.memory_space<semaphore_mem>>)
      %dma_wait3A_261 = arith.constant 0 : i32
      %dma_wait3A_262 = tpu.memref_slice %arg4[%add3A_200, %dma_wait3A_261] : memref<2560x128xi32, #tpu.memory_space<hbm>> -> memref<16x128xi32, #tpu.memory_space<hbm>>
      %dma_wait3A_263 = arith.constant 0 : i32
      %dma_wait3A_264 = tpu.memref_slice %arg4[%add3A_200, %dma_wait3A_263] : memref<2560x128xi32, #tpu.memory_space<hbm>> -> memref<16x128xi32, #tpu.memory_space<hbm>>
      tpu.wait_dma2 semaphore(%run_scoped3A_256 : memref<!tpu.dma_semaphore, #tpu.memory_space<semaphore_mem>>) src(%dma_wait3A_264 : memref<16x128xi32, #tpu.memory_space<hbm>>) dst(%arg8 : memref<16x128xi32, #tpu.memory_space<vmem>>)
      tpu.yield
    }) : () -> ()
    %scan3A_201 = arith.constant 0 : i32
    %scan3A_202 = arith.constant 0 : i32
    %scan3A_203 = arith.constant 7 : i32
    %scan3A_204 = arith.addi %scan3A_202, %scan3A_203 : i32
    %scan3A_205 = arith.constant 1 : i32
    scf.for %scan3A_256 = %scan3A_202 to %scan3A_204 step %scan3A_205  : i32 {
      %mul3A_257 = arith.constant 2 : i32
      %mul3A_258 = arith.muli %scan3A_256, %mul3A_257 : i32
      %add3A_259 = arith.constant 0 : i32
      %add3A_260 = arith.addi %mul3A_258, %add3A_259 : i32
      %dma_wait3A_261 = arith.constant 0 : i32
      %dma_wait3A_262 = tpu.memref_slice %arg6[%add3A_260, %dma_wait3A_261] : memref<16x128xi32, #tpu.memory_space<vmem>> -> memref<1x128xi32, #tpu.memory_space<vmem>>
      %dma_wait3A_263 = tpu.memref_squeeze %dma_wait3A_262 : memref<1x128xi32, #tpu.memory_space<vmem>> -> memref<128xi32, #tpu.memory_space<vmem>>
      %dma_wait3A_264 = arith.constant 0 : i32
      %dma_wait3A_265 = arith.constant 0 : i32
      %dma_wait3A_266 = tpu.memref_slice %arg2[%dma_wait3A_264, %dma_wait3A_265] : memref<10240x128xf32, #tpu.memory_space<hbm>> -> memref<10240x128xf32, #tpu.memory_space<hbm>>
      tpu.wait_indirect_dma semaphore(%arg12 : memref<!tpu.dma_semaphore, #tpu.memory_space<semaphore_mem>>) src(%dma_wait3A_266 : memref<10240x128xf32, #tpu.memory_space<hbm>>) dst(%arg9 : memref<128x128xf32, #tpu.memory_space<vmem>>)
      "tpu.region"() ({
        %run_scoped3A_293 = tpu.sem_alloc : memref<!tpu.dma_semaphore, #tpu.memory_space<semaphore_mem>>
        %dma_start3A_294 = arith.constant 0 : i32
        %dma_start3A_295 = tpu.memref_slice %arg8[%add3A_260, %dma_start3A_294] : memref<16x128xi32, #tpu.memory_space<vmem>> -> memref<1x128xi32, #tpu.memory_space<vmem>>
        %dma_start3A_296 = tpu.memref_squeeze %dma_start3A_295 : memref<1x128xi32, #tpu.memory_space<vmem>> -> memref<128xi32, #tpu.memory_space<vmem>>
        %dma_start3A_297 = arith.constant 0 : i32
        %dma_start3A_298 = arith.constant 0 : i32
        %dma_start3A_299 = tpu.memref_slice %arg11[%dma_start3A_297, %dma_start3A_298] : memref<10240x128xf32, #tpu.memory_space<vmem_shared>> -> memref<10240x128xf32, #tpu.memory_space<vmem_shared>>
        tpu.enqueue_indirect_dma source(%arg9 : memref<128x128xf32, #tpu.memory_space<vmem>>) target(%dma_start3A_299 : memref<10240x128xf32, #tpu.memory_space<vmem_shared>>) offsets(%dma_start3A_296 : memref<128xi32, #tpu.memory_space<vmem>>) semaphore(%run_scoped3A_293 : memref<!tpu.dma_semaphore, #tpu.memory_space<semaphore_mem>>) {add = true}
        %dma_wait3A_300 = arith.constant 0 : i32
        %dma_wait3A_301 = tpu.memref_slice %arg8[%add3A_260, %dma_wait3A_300] : memref<16x128xi32, #tpu.memory_space<vmem>> -> memref<1x128xi32, #tpu.memory_space<vmem>>
        %dma_wait3A_302 = tpu.memref_squeeze %dma_wait3A_301 : memref<1x128xi32, #tpu.memory_space<vmem>> -> memref<128xi32, #tpu.memory_space<vmem>>
        %dma_wait3A_303 = arith.constant 0 : i32
        %dma_wait3A_304 = arith.constant 0 : i32
        %dma_wait3A_305 = tpu.memref_slice %arg11[%dma_wait3A_303, %dma_wait3A_304] : memref<10240x128xf32, #tpu.memory_space<vmem_shared>> -> memref<10240x128xf32, #tpu.memory_space<vmem_shared>>
        tpu.wait_indirect_dma semaphore(%run_scoped3A_293 : memref<!tpu.dma_semaphore, #tpu.memory_space<semaphore_mem>>) src(%arg9 : memref<128x128xf32, #tpu.memory_space<vmem>>) dst(%dma_wait3A_305 : memref<10240x128xf32, #tpu.memory_space<vmem_shared>>)
        tpu.yield
      }) : () -> ()
      %add3A_267 = arith.constant 2 : i32
      %add3A_268 = arith.addi %add3A_260, %add3A_267 : i32
      %dma_start3A_269 = arith.constant 0 : i32
      %dma_start3A_270 = tpu.memref_slice %arg6[%add3A_268, %dma_start3A_269] : memref<16x128xi32, #tpu.memory_space<vmem>> -> memref<1x128xi32, #tpu.memory_space<vmem>>
      %dma_start3A_271 = tpu.memref_squeeze %dma_start3A_270 : memref<1x128xi32, #tpu.memory_space<vmem>> -> memref<128xi32, #tpu.memory_space<vmem>>
      %dma_start3A_272 = arith.constant 0 : i32
      %dma_start3A_273 = arith.constant 0 : i32
      %dma_start3A_274 = tpu.memref_slice %arg2[%dma_start3A_272, %dma_start3A_273] : memref<10240x128xf32, #tpu.memory_space<hbm>> -> memref<10240x128xf32, #tpu.memory_space<hbm>>
      tpu.enqueue_indirect_dma source(%dma_start3A_274 : memref<10240x128xf32, #tpu.memory_space<hbm>>) target(%arg9 : memref<128x128xf32, #tpu.memory_space<vmem>>) offsets(%dma_start3A_271 : memref<128xi32, #tpu.memory_space<vmem>>) semaphore(%arg12 : memref<!tpu.dma_semaphore, #tpu.memory_space<semaphore_mem>>)
      %mul3A_275 = arith.constant 2 : i32
      %mul3A_276 = arith.muli %scan3A_256, %mul3A_275 : i32
      %add3A_277 = arith.constant 1 : i32
      %add3A_278 = arith.addi %mul3A_276, %add3A_277 : i32
      %dma_wait3A_279 = arith.constant 0 : i32
      %dma_wait3A_280 = tpu.memref_slice %arg6[%add3A_278, %dma_wait3A_279] : memref<16x128xi32, #tpu.memory_space<vmem>> -> memref<1x128xi32, #tpu.memory_space<vmem>>
      %dma_wait3A_281 = tpu.memref_squeeze %dma_wait3A_280 : memref<1x128xi32, #tpu.memory_space<vmem>> -> memref<128xi32, #tpu.memory_space<vmem>>
      %dma_wait3A_282 = arith.constant 0 : i32
      %dma_wait3A_283 = arith.constant 0 : i32
      %dma_wait3A_284 = tpu.memref_slice %arg2[%dma_wait3A_282, %dma_wait3A_283] : memref<10240x128xf32, #tpu.memory_space<hbm>> -> memref<10240x128xf32, #tpu.memory_space<hbm>>
      tpu.wait_indirect_dma semaphore(%arg13 : memref<!tpu.dma_semaphore, #tpu.memory_space<semaphore_mem>>) src(%dma_wait3A_284 : memref<10240x128xf32, #tpu.memory_space<hbm>>) dst(%arg10 : memref<128x128xf32, #tpu.memory_space<vmem>>)
      "tpu.region"() ({
        %run_scoped3A_293 = tpu.sem_alloc : memref<!tpu.dma_semaphore, #tpu.memory_space<semaphore_mem>>
        %dma_start3A_294 = arith.constant 0 : i32
        %dma_start3A_295 = tpu.memref_slice %arg8[%add3A_278, %dma_start3A_294] : memref<16x128xi32, #tpu.memory_space<vmem>> -> memref<1x128xi32, #tpu.memory_space<vmem>>
        %dma_start3A_296 = tpu.memref_squeeze %dma_start3A_295 : memref<1x128xi32, #tpu.memory_space<vmem>> -> memref<128xi32, #tpu.memory_space<vmem>>
        %dma_start3A_297 = arith.constant 0 : i32
        %dma_start3A_298 = arith.constant 0 : i32
        %dma_start3A_299 = tpu.memref_slice %arg11[%dma_start3A_297, %dma_start3A_298] : memref<10240x128xf32, #tpu.memory_space<vmem_shared>> -> memref<10240x128xf32, #tpu.memory_space<vmem_shared>>
        tpu.enqueue_indirect_dma source(%arg10 : memref<128x128xf32, #tpu.memory_space<vmem>>) target(%dma_start3A_299 : memref<10240x128xf32, #tpu.memory_space<vmem_shared>>) offsets(%dma_start3A_296 : memref<128xi32, #tpu.memory_space<vmem>>) semaphore(%run_scoped3A_293 : memref<!tpu.dma_semaphore, #tpu.memory_space<semaphore_mem>>) {add = true}
        %dma_wait3A_300 = arith.constant 0 : i32
        %dma_wait3A_301 = tpu.memref_slice %arg8[%add3A_278, %dma_wait3A_300] : memref<16x128xi32, #tpu.memory_space<vmem>> -> memref<1x128xi32, #tpu.memory_space<vmem>>
        %dma_wait3A_302 = tpu.memref_squeeze %dma_wait3A_301 : memref<1x128xi32, #tpu.memory_space<vmem>> -> memref<128xi32, #tpu.memory_space<vmem>>
        %dma_wait3A_303 = arith.constant 0 : i32
        %dma_wait3A_304 = arith.constant 0 : i32
        %dma_wait3A_305 = tpu.memref_slice %arg11[%dma_wait3A_303, %dma_wait3A_304] : memref<10240x128xf32, #tpu.memory_space<vmem_shared>> -> memref<10240x128xf32, #tpu.memory_space<vmem_shared>>
        tpu.wait_indirect_dma semaphore(%run_scoped3A_293 : memref<!tpu.dma_semaphore, #tpu.memory_space<semaphore_mem>>) src(%arg10 : memref<128x128xf32, #tpu.memory_space<vmem>>) dst(%dma_wait3A_305 : memref<10240x128xf32, #tpu.memory_space<vmem_shared>>)
        tpu.yield
      }) : () -> ()
      %add3A_285 = arith.constant 2 : i32
      %add3A_286 = arith.addi %add3A_278, %add3A_285 : i32
      %dma_start3A_287 = arith.constant 0 : i32
      %dma_start3A_288 = tpu.memref_slice %arg6[%add3A_286, %dma_start3A_287] : memref<16x128xi32, #tpu.memory_space<vmem>> -> memref<1x128xi32, #tpu.memory_space<vmem>>
      %dma_start3A_289 = tpu.memref_squeeze %dma_start3A_288 : memref<1x128xi32, #tpu.memory_space<vmem>> -> memref<128xi32, #tpu.memory_space<vmem>>
      %dma_start3A_290 = arith.constant 0 : i32
      %dma_start3A_291 = arith.constant 0 : i32
      %dma_start3A_292 = tpu.memref_slice %arg2[%dma_start3A_290, %dma_start3A_291] : memref<10240x128xf32, #tpu.memory_space<hbm>> -> memref<10240x128xf32, #tpu.memory_space<hbm>>
      tpu.enqueue_indirect_dma source(%dma_start3A_292 : memref<10240x128xf32, #tpu.memory_space<hbm>>) target(%arg10 : memref<128x128xf32, #tpu.memory_space<vmem>>) offsets(%dma_start3A_289 : memref<128xi32, #tpu.memory_space<vmem>>) semaphore(%arg13 : memref<!tpu.dma_semaphore, #tpu.memory_space<semaphore_mem>>)
    }
    %scan3A_206 = arith.constant 7 : i32
    %dma_wait3A_207 = arith.constant 14 : i32
    %dma_wait3A_208 = arith.constant 0 : i32
    %dma_wait3A_209 = tpu.memref_slice %arg6[%dma_wait3A_207, %dma_wait3A_208] : memref<16x128xi32, #tpu.memory_space<vmem>> -> memref<1x128xi32, #tpu.memory_space<vmem>>
    %dma_wait3A_210 = tpu.memref_squeeze %dma_wait3A_209 : memref<1x128xi32, #tpu.memory_space<vmem>> -> memref<128xi32, #tpu.memory_space<vmem>>
    %dma_wait3A_211 = arith.constant 0 : i32
    %dma_wait3A_212 = arith.constant 0 : i32
    %dma_wait3A_213 = tpu.memref_slice %arg2[%dma_wait3A_211, %dma_wait3A_212] : memref<10240x128xf32, #tpu.memory_space<hbm>> -> memref<10240x128xf32, #tpu.memory_space<hbm>>
    tpu.wait_indirect_dma semaphore(%arg12 : memref<!tpu.dma_semaphore, #tpu.memory_space<semaphore_mem>>) src(%dma_wait3A_213 : memref<10240x128xf32, #tpu.memory_space<hbm>>) dst(%arg9 : memref<128x128xf32, #tpu.memory_space<vmem>>)
    %run_scoped3A_214 = arith.constant 14 : i32
    "tpu.region"() ({
      %run_scoped3A_256 = tpu.sem_alloc : memref<!tpu.dma_semaphore, #tpu.memory_space<semaphore_mem>>
      %dma_start3A_257 = arith.constant 0 : i32
      %dma_start3A_258 = tpu.memref_slice %arg8[%run_scoped3A_214, %dma_start3A_257] : memref<16x128xi32, #tpu.memory_space<vmem>> -> memref<1x128xi32, #tpu.memory_space<vmem>>
      %dma_start3A_259 = tpu.memref_squeeze %dma_start3A_258 : memref<1x128xi32, #tpu.memory_space<vmem>> -> memref<128xi32, #tpu.memory_space<vmem>>
      %dma_start3A_260 = arith.constant 0 : i32
      %dma_start3A_261 = arith.constant 0 : i32
      %dma_start3A_262 = tpu.memref_slice %arg11[%dma_start3A_260, %dma_start3A_261] : memref<10240x128xf32, #tpu.memory_space<vmem_shared>> -> memref<10240x128xf32, #tpu.memory_space<vmem_shared>>
      tpu.enqueue_indirect_dma source(%arg9 : memref<128x128xf32, #tpu.memory_space<vmem>>) target(%dma_start3A_262 : memref<10240x128xf32, #tpu.memory_space<vmem_shared>>) offsets(%dma_start3A_259 : memref<128xi32, #tpu.memory_space<vmem>>) semaphore(%run_scoped3A_256 : memref<!tpu.dma_semaphore, #tpu.memory_space<semaphore_mem>>) {add = true}
      %dma_wait3A_263 = arith.constant 0 : i32
      %dma_wait3A_264 = tpu.memref_slice %arg8[%run_scoped3A_214, %dma_wait3A_263] : memref<16x128xi32, #tpu.memory_space<vmem>> -> memref<1x128xi32, #tpu.memory_space<vmem>>
      %dma_wait3A_265 = tpu.memref_squeeze %dma_wait3A_264 : memref<1x128xi32, #tpu.memory_space<vmem>> -> memref<128xi32, #tpu.memory_space<vmem>>
      %dma_wait3A_266 = arith.constant 0 : i32
      %dma_wait3A_267 = arith.constant 0 : i32
      %dma_wait3A_268 = tpu.memref_slice %arg11[%dma_wait3A_266, %dma_wait3A_267] : memref<10240x128xf32, #tpu.memory_space<vmem_shared>> -> memref<10240x128xf32, #tpu.memory_space<vmem_shared>>
      tpu.wait_indirect_dma semaphore(%run_scoped3A_256 : memref<!tpu.dma_semaphore, #tpu.memory_space<semaphore_mem>>) src(%arg9 : memref<128x128xf32, #tpu.memory_space<vmem>>) dst(%dma_wait3A_268 : memref<10240x128xf32, #tpu.memory_space<vmem_shared>>)
      tpu.yield
    }) : () -> ()
    %dma_start3A_215 = arith.constant 15 : i32
    %dma_start3A_216 = arith.constant 0 : i32
    %dma_start3A_217 = tpu.memref_slice %arg6[%dma_start3A_215, %dma_start3A_216] : memref<16x128xi32, #tpu.memory_space<vmem>> -> memref<1x128xi32, #tpu.memory_space<vmem>>
    %dma_start3A_218 = tpu.memref_squeeze %dma_start3A_217 : memref<1x128xi32, #tpu.memory_space<vmem>> -> memref<128xi32, #tpu.memory_space<vmem>>
    %dma_start3A_219 = arith.constant 0 : i32
    %dma_start3A_220 = arith.constant 0 : i32
    %dma_start3A_221 = tpu.memref_slice %arg2[%dma_start3A_219, %dma_start3A_220] : memref<10240x128xf32, #tpu.memory_space<hbm>> -> memref<10240x128xf32, #tpu.memory_space<hbm>>
    tpu.enqueue_indirect_dma source(%dma_start3A_221 : memref<10240x128xf32, #tpu.memory_space<hbm>>) target(%arg9 : memref<128x128xf32, #tpu.memory_space<vmem>>) offsets(%dma_start3A_218 : memref<128xi32, #tpu.memory_space<vmem>>) semaphore(%arg12 : memref<!tpu.dma_semaphore, #tpu.memory_space<semaphore_mem>>)
    %dma_wait3A_222 = arith.constant 15 : i32
    %dma_wait3A_223 = arith.constant 0 : i32
    %dma_wait3A_224 = tpu.memref_slice %arg6[%dma_wait3A_222, %dma_wait3A_223] : memref<16x128xi32, #tpu.memory_space<vmem>> -> memref<1x128xi32, #tpu.memory_space<vmem>>
    %dma_wait3A_225 = tpu.memref_squeeze %dma_wait3A_224 : memref<1x128xi32, #tpu.memory_space<vmem>> -> memref<128xi32, #tpu.memory_space<vmem>>
    %dma_wait3A_226 = arith.constant 0 : i32
    %dma_wait3A_227 = arith.constant 0 : i32
    %dma_wait3A_228 = tpu.memref_slice %arg2[%dma_wait3A_226, %dma_wait3A_227] : memref<10240x128xf32, #tpu.memory_space<hbm>> -> memref<10240x128xf32, #tpu.memory_space<hbm>>
    tpu.wait_indirect_dma semaphore(%arg13 : memref<!tpu.dma_semaphore, #tpu.memory_space<semaphore_mem>>) src(%dma_wait3A_228 : memref<10240x128xf32, #tpu.memory_space<hbm>>) dst(%arg10 : memref<128x128xf32, #tpu.memory_space<vmem>>)
    %run_scoped3A_229 = arith.constant 15 : i32
    "tpu.region"() ({
      %run_scoped3A_256 = tpu.sem_alloc : memref<!tpu.dma_semaphore, #tpu.memory_space<semaphore_mem>>
      %dma_start3A_257 = arith.constant 0 : i32
      %dma_start3A_258 = tpu.memref_slice %arg8[%run_scoped3A_229, %dma_start3A_257] : memref<16x128xi32, #tpu.memory_space<vmem>> -> memref<1x128xi32, #tpu.memory_space<vmem>>
      %dma_start3A_259 = tpu.memref_squeeze %dma_start3A_258 : memref<1x128xi32, #tpu.memory_space<vmem>> -> memref<128xi32, #tpu.memory_space<vmem>>
      %dma_start3A_260 = arith.constant 0 : i32
      %dma_start3A_261 = arith.constant 0 : i32
      %dma_start3A_262 = tpu.memref_slice %arg11[%dma_start3A_260, %dma_start3A_261] : memref<10240x128xf32, #tpu.memory_space<vmem_shared>> -> memref<10240x128xf32, #tpu.memory_space<vmem_shared>>
      tpu.enqueue_indirect_dma source(%arg10 : memref<128x128xf32, #tpu.memory_space<vmem>>) target(%dma_start3A_262 : memref<10240x128xf32, #tpu.memory_space<vmem_shared>>) offsets(%dma_start3A_259 : memref<128xi32, #tpu.memory_space<vmem>>) semaphore(%run_scoped3A_256 : memref<!tpu.dma_semaphore, #tpu.memory_space<semaphore_mem>>) {add = true}
      %dma_wait3A_263 = arith.constant 0 : i32
      %dma_wait3A_264 = tpu.memref_slice %arg8[%run_scoped3A_229, %dma_wait3A_263] : memref<16x128xi32, #tpu.memory_space<vmem>> -> memref<1x128xi32, #tpu.memory_space<vmem>>
      %dma_wait3A_265 = tpu.memref_squeeze %dma_wait3A_264 : memref<1x128xi32, #tpu.memory_space<vmem>> -> memref<128xi32, #tpu.memory_space<vmem>>
      %dma_wait3A_266 = arith.constant 0 : i32
      %dma_wait3A_267 = arith.constant 0 : i32
      %dma_wait3A_268 = tpu.memref_slice %arg11[%dma_wait3A_266, %dma_wait3A_267] : memref<10240x128xf32, #tpu.memory_space<vmem_shared>> -> memref<10240x128xf32, #tpu.memory_space<vmem_shared>>
      tpu.wait_indirect_dma semaphore(%run_scoped3A_256 : memref<!tpu.dma_semaphore, #tpu.memory_space<semaphore_mem>>) src(%arg10 : memref<128x128xf32, #tpu.memory_space<vmem>>) dst(%dma_wait3A_268 : memref<10240x128xf32, #tpu.memory_space<vmem_shared>>)
      tpu.yield
    }) : () -> ()
    %dma_start3A_230 = arith.constant 15 : i32
    %dma_start3A_231 = arith.constant 0 : i32
    %dma_start3A_232 = tpu.memref_slice %arg6[%dma_start3A_230, %dma_start3A_231] : memref<16x128xi32, #tpu.memory_space<vmem>> -> memref<1x128xi32, #tpu.memory_space<vmem>>
    %dma_start3A_233 = tpu.memref_squeeze %dma_start3A_232 : memref<1x128xi32, #tpu.memory_space<vmem>> -> memref<128xi32, #tpu.memory_space<vmem>>
    %dma_start3A_234 = arith.constant 0 : i32
    %dma_start3A_235 = arith.constant 0 : i32
    %dma_start3A_236 = tpu.memref_slice %arg2[%dma_start3A_234, %dma_start3A_235] : memref<10240x128xf32, #tpu.memory_space<hbm>> -> memref<10240x128xf32, #tpu.memory_space<hbm>>
    tpu.enqueue_indirect_dma source(%dma_start3A_236 : memref<10240x128xf32, #tpu.memory_space<hbm>>) target(%arg10 : memref<128x128xf32, #tpu.memory_space<vmem>>) offsets(%dma_start3A_233 : memref<128xi32, #tpu.memory_space<vmem>>) semaphore(%arg13 : memref<!tpu.dma_semaphore, #tpu.memory_space<semaphore_mem>>)
    %dma_wait3A_237 = arith.constant 0 : i32
    %dma_wait3A_238 = arith.constant 0 : i32
    %dma_wait3A_239 = tpu.memref_slice %arg6[%dma_wait3A_237, %dma_wait3A_238] : memref<16x128xi32, #tpu.memory_space<vmem>> -> memref<1x128xi32, #tpu.memory_space<vmem>>
    %dma_wait3A_240 = tpu.memref_squeeze %dma_wait3A_239 : memref<1x128xi32, #tpu.memory_space<vmem>> -> memref<128xi32, #tpu.memory_space<vmem>>
    %dma_wait3A_241 = arith.constant 0 : i32
    %dma_wait3A_242 = arith.constant 0 : i32
    %dma_wait3A_243 = tpu.memref_slice %arg2[%dma_wait3A_241, %dma_wait3A_242] : memref<10240x128xf32, #tpu.memory_space<hbm>> -> memref<10240x128xf32, #tpu.memory_space<hbm>>
    tpu.wait_indirect_dma semaphore(%arg12 : memref<!tpu.dma_semaphore, #tpu.memory_space<semaphore_mem>>) src(%dma_wait3A_243 : memref<10240x128xf32, #tpu.memory_space<hbm>>) dst(%arg9 : memref<128x128xf32, #tpu.memory_space<vmem>>)
    %dma_wait3A_244 = arith.constant 1 : i32
    %dma_wait3A_245 = arith.constant 0 : i32
    %dma_wait3A_246 = tpu.memref_slice %arg6[%dma_wait3A_244, %dma_wait3A_245] : memref<16x128xi32, #tpu.memory_space<vmem>> -> memref<1x128xi32, #tpu.memory_space<vmem>>
    %dma_wait3A_247 = tpu.memref_squeeze %dma_wait3A_246 : memref<1x128xi32, #tpu.memory_space<vmem>> -> memref<128xi32, #tpu.memory_space<vmem>>
    %dma_wait3A_248 = arith.constant 0 : i32
    %dma_wait3A_249 = arith.constant 0 : i32
    %dma_wait3A_250 = tpu.memref_slice %arg2[%dma_wait3A_248, %dma_wait3A_249] : memref<10240x128xf32, #tpu.memory_space<hbm>> -> memref<10240x128xf32, #tpu.memory_space<hbm>>
    tpu.wait_indirect_dma semaphore(%arg13 : memref<!tpu.dma_semaphore, #tpu.memory_space<semaphore_mem>>) src(%dma_wait3A_250 : memref<10240x128xf32, #tpu.memory_space<hbm>>) dst(%arg10 : memref<128x128xf32, #tpu.memory_space<vmem>>)
    %barrier3A_251 = arith.constant 0 : index
    tpu.barrier barrier_id(%barrier3A_251)
    %mul3A_252 = arith.constant 640 : i32
    %mul3A_253 = arith.muli %arg1, %mul3A_252 : i32
    %mul3A_254 = arith.constant 640 : i32
    %mul3A_255 = arith.muli %arg1, %mul3A_254 : i32
    "tpu.region"() ({
      %run_scoped3A_256 = tpu.sem_alloc : memref<!tpu.dma_semaphore, #tpu.memory_space<semaphore_mem>>
      %dma_start3A_257 = arith.constant 0 : i32
      %dma_start3A_258 = tpu.memref_slice %arg5[%arg0, %mul3A_255, %dma_start3A_257] : memref<2x10240x128xf32, #tpu.memory_space<hbm>> -> memref<1x640x128xf32, #tpu.memory_space<hbm>>
      %dma_start3A_259 = tpu.memref_squeeze %dma_start3A_258 : memref<1x640x128xf32, #tpu.memory_space<hbm>> -> memref<640x128xf32, #tpu.memory_space<hbm>>
      %dma_start3A_260 = arith.constant 0 : i32
      %dma_start3A_261 = tpu.memref_slice %arg11[%mul3A_253, %dma_start3A_260] : memref<10240x128xf32, #tpu.memory_space<vmem_shared>> -> memref<640x128xf32, #tpu.memory_space<vmem_shared>>
      tpu.enqueue_dma source(%dma_start3A_261 : memref<640x128xf32, #tpu.memory_space<vmem_shared>>) target(%dma_start3A_259 : memref<640x128xf32, #tpu.memory_space<hbm>>) target_semaphore(%run_scoped3A_256 : memref<!tpu.dma_semaphore, #tpu.memory_space<semaphore_mem>>)
      %dma_wait3A_262 = arith.constant 0 : i32
      %dma_wait3A_263 = tpu.memref_slice %arg5[%arg0, %mul3A_255, %dma_wait3A_262] : memref<2x10240x128xf32, #tpu.memory_space<hbm>> -> memref<1x640x128xf32, #tpu.memory_space<hbm>>
      %dma_wait3A_264 = tpu.memref_squeeze %dma_wait3A_263 : memref<1x640x128xf32, #tpu.memory_space<hbm>> -> memref<640x128xf32, #tpu.memory_space<hbm>>
      %dma_wait3A_265 = arith.constant 0 : i32
      %dma_wait3A_266 = tpu.memref_slice %arg11[%mul3A_253, %dma_wait3A_265] : memref<10240x128xf32, #tpu.memory_space<vmem_shared>> -> memref<640x128xf32, #tpu.memory_space<vmem_shared>>
      tpu.wait_dma2 semaphore(%run_scoped3A_256 : memref<!tpu.dma_semaphore, #tpu.memory_space<semaphore_mem>>) src(%dma_wait3A_266 : memref<640x128xf32, #tpu.memory_space<vmem_shared>>) dst(%dma_wait3A_264 : memref<640x128xf32, #tpu.memory_space<hbm>>)
      tpu.yield
    }) : () -> ()
    return
  }
}

module attributes {stable_mosaic.version = 14 : i64} {
  func.func @_tc_g1(%arg0: i32, %arg1: memref<2x2048xf32, #tpu.memory_space<vmem>>, %arg2: memref<2048x128xf32, #tpu.memory_space<vmem>>, %arg3: memref<128x128xf32, #tpu.memory_space<vmem>>, %arg4: memref<2048x128xf32, #tpu.memory_space<vmem>>) attributes {dimension_semantics = [#tpu.dimension_semantics<arbitrary>], iteration_bounds = array<i64: 5>, scalar_prefetch = 0 : i64, scratch_operands = 0 : i64, tpu.core_type = #tpu.core_type<tc>, window_params = [{transform_indices = @transform_0, window_bounds = array<i64: 2, 2048>}, {transform_indices = @transform_1, window_bounds = array<i64: 2048, 128>}, {pipeline_mode = #tpu.pipeline_mode<synchronous>, transform_indices = @transform_2, window_bounds = array<i64: 128, 128>}, {transform_indices = @transform_3, window_bounds = array<i64: 2048, 128>}]} {
    %get3A = arith.constant 0 : index
    %get3A_0 = arith.constant 0 : index
    %get3A_1 = vector.load %arg1[%get3A, %get3A_0] : memref<2x2048xf32, #tpu.memory_space<vmem>>, vector<1x2048xf32>
    %get3A_2 = vector.shape_cast %get3A_1 : vector<1x2048xf32> to vector<2048xf32>
    %get3A_3 = arith.constant 1 : index
    %get3A_4 = arith.constant 0 : index
    %get3A_5 = vector.load %arg1[%get3A_3, %get3A_4] : memref<2x2048xf32, #tpu.memory_space<vmem>>, vector<1x2048xf32>
    %get3A_6 = vector.shape_cast %get3A_5 : vector<1x2048xf32> to vector<2048xf32>
    %add3A = arith.addf %get3A_2, %get3A_6 : vector<2048xf32>
    %add3A_7 = arith.constant 1.000000e+00 : f32
    %add3A_8 = vector.broadcast %add3A_7 : f32 to vector<2048xf32>
    %add3A_9 = arith.addf %add3A, %add3A_8 : vector<2048xf32>
    %sqrt3A = math.sqrt %add3A_9 : vector<2048xf32>
    %div3A = arith.constant 1.000000e+00 : f32
    %div3A_10 = vector.broadcast %div3A : f32 to vector<2048xf32>
    %div3A_11 = arith.divf %div3A_10, %sqrt3A : vector<2048xf32>
    %get3A_12 = arith.constant 0 : index
    %get3A_13 = arith.constant 0 : index
    %get3A_14 = vector.load %arg2[%get3A_12, %get3A_13] : memref<2048x128xf32, #tpu.memory_space<vmem>>, vector<2048x128xf32>
    %get3A_15 = arith.constant 0 : index
    %get3A_16 = arith.constant 0 : index
    %get3A_17 = vector.load %arg3[%get3A_15, %get3A_16] : memref<128x128xf32, #tpu.memory_space<vmem>>, vector<128x128xf32>
    %dot_general3A = arith.constant dense<0.000000e+00> : vector<2048x128xf32>
    %dot_general3A_18 = tpu.matmul %get3A_14, %get3A_17, %dot_general3A {dimension_numbers = #tpu.dot_dimension_numbers<[1], [0], [0], [1], [0, 0, 1, 1], [], []>, precision = #tpu.contract_precision<fp32>, transpose_lhs_hint = false} : vector<2048x128xf32>, vector<128x128xf32>, vector<2048x128xf32> -> vector<2048x128xf32>
    %broadcast_in_dim3A = vector.shape_cast %div3A_11 : vector<2048xf32> to vector<2048x1xf32>
    %mul3A = vector.broadcast %broadcast_in_dim3A : vector<2048x1xf32> to vector<2048x128xf32>
    %mul3A_19 = arith.mulf %dot_general3A_18, %mul3A : vector<2048x128xf32>
    %swap3A = arith.constant 0 : index
    %swap3A_20 = arith.constant 0 : index
    %swap3A_21 = vector.load %arg4[%swap3A, %swap3A_20] : memref<2048x128xf32, #tpu.memory_space<vmem>>, vector<2048x128xf32>
    tpu.vector_store %arg4[%swap3A, %swap3A_20], %mul3A_19 {strides = array<i32>} : memref<2048x128xf32, #tpu.memory_space<vmem>>, vector<2048x128xf32>,
    return
  }
  func.func @transform_0(%arg0: i32) -> (i32, i32) {
    %c0_i32 = arith.constant 0 : i32
    %c0_i32_0 = arith.constant 0 : i32
    return %c0_i32, %arg0 : i32, i32
  }
  func.func @transform_1(%arg0: i32) -> (i32, i32) {
    %c0_i32 = arith.constant 0 : i32
    %c0_i32_0 = arith.constant 0 : i32
    return %arg0, %c0_i32 : i32, i32
  }
  func.func @transform_2(%arg0: i32) -> (i32, i32) {
    %c0_i32 = arith.constant 0 : i32
    %c0_i32_0 = arith.constant 0 : i32
    %c0_i32_1 = arith.constant 0 : i32
    return %c0_i32, %c0_i32_0 : i32, i32
  }
  func.func @transform_3(%arg0: i32) -> (i32, i32) {
    %c0_i32 = arith.constant 0 : i32
    %c0_i32_0 = arith.constant 0 : i32
    return %arg0, %c0_i32 : i32, i32
  }
}

module attributes {stable_mosaic.version = 14 : i64} {
  func.func @_tc_mid(%arg0: i32, %arg1: memref<2x2048xf32, #tpu.memory_space<vmem>>, %arg2: memref<2x2048x128xf32, #tpu.memory_space<vmem>>, %arg3: memref<2048x128xf32, #tpu.memory_space<vmem>>, %arg4: memref<128x128xf32, #tpu.memory_space<vmem>>, %arg5: memref<1x128xf32, #tpu.memory_space<vmem>>, %arg6: memref<2048x128xf32, #tpu.memory_space<vmem>>) attributes {dimension_semantics = [#tpu.dimension_semantics<arbitrary>], iteration_bounds = array<i64: 5>, scalar_prefetch = 0 : i64, scratch_operands = 0 : i64, tpu.core_type = #tpu.core_type<tc>, window_params = [{transform_indices = @transform_0, window_bounds = array<i64: 2, 2048>}, {transform_indices = @transform_1, window_bounds = array<i64: 2, 2048, 128>}, {transform_indices = @transform_2, window_bounds = array<i64: 2048, 128>}, {pipeline_mode = #tpu.pipeline_mode<synchronous>, transform_indices = @transform_3, window_bounds = array<i64: 128, 128>}, {pipeline_mode = #tpu.pipeline_mode<synchronous>, transform_indices = @transform_4, window_bounds = array<i64: 1, 128>}, {transform_indices = @transform_5, window_bounds = array<i64: 2048, 128>}]} {
    %get3A = arith.constant 0 : index
    %get3A_0 = arith.constant 0 : index
    %get3A_1 = vector.load %arg1[%get3A, %get3A_0] : memref<2x2048xf32, #tpu.memory_space<vmem>>, vector<1x2048xf32>
    %get3A_2 = vector.shape_cast %get3A_1 : vector<1x2048xf32> to vector<2048xf32>
    %get3A_3 = arith.constant 1 : index
    %get3A_4 = arith.constant 0 : index
    %get3A_5 = vector.load %arg1[%get3A_3, %get3A_4] : memref<2x2048xf32, #tpu.memory_space<vmem>>, vector<1x2048xf32>
    %get3A_6 = vector.shape_cast %get3A_5 : vector<1x2048xf32> to vector<2048xf32>
    %add3A = arith.addf %get3A_2, %get3A_6 : vector<2048xf32>
    %add3A_7 = arith.constant 1.000000e+00 : f32
    %add3A_8 = vector.broadcast %add3A_7 : f32 to vector<2048xf32>
    %add3A_9 = arith.addf %add3A, %add3A_8 : vector<2048xf32>
    %sqrt3A = math.sqrt %add3A_9 : vector<2048xf32>
    %div3A = arith.constant 1.000000e+00 : f32
    %div3A_10 = vector.broadcast %div3A : f32 to vector<2048xf32>
    %div3A_11 = arith.divf %div3A_10, %sqrt3A : vector<2048xf32>
    %get3A_12 = arith.constant 0 : index
    %get3A_13 = arith.constant 0 : index
    %get3A_14 = arith.constant 0 : index
    %get3A_15 = vector.load %arg2[%get3A_12, %get3A_13, %get3A_14] : memref<2x2048x128xf32, #tpu.memory_space<vmem>>, vector<1x2048x128xf32>
    %get3A_16 = vector.shape_cast %get3A_15 : vector<1x2048x128xf32> to vector<2048x128xf32>
    %get3A_17 = arith.constant 1 : index
    %get3A_18 = arith.constant 0 : index
    %get3A_19 = arith.constant 0 : index
    %get3A_20 = vector.load %arg2[%get3A_17, %get3A_18, %get3A_19] : memref<2x2048x128xf32, #tpu.memory_space<vmem>>, vector<1x2048x128xf32>
    %get3A_21 = vector.shape_cast %get3A_20 : vector<1x2048x128xf32> to vector<2048x128xf32>
    %add3A_22 = arith.addf %get3A_16, %get3A_21 : vector<2048x128xf32>
    %get3A_23 = arith.constant 0 : index
    %get3A_24 = arith.constant 0 : index
    %get3A_25 = vector.load %arg3[%get3A_23, %get3A_24] : memref<2048x128xf32, #tpu.memory_space<vmem>>, vector<2048x128xf32>
    %add3A_26 = arith.addf %add3A_22, %get3A_25 : vector<2048x128xf32>
    %broadcast_in_dim3A = vector.shape_cast %div3A_11 : vector<2048xf32> to vector<2048x1xf32>
    %mul3A = vector.broadcast %broadcast_in_dim3A : vector<2048x1xf32> to vector<2048x128xf32>
    %mul3A_27 = arith.mulf %add3A_26, %mul3A : vector<2048x128xf32>
    %get3A_28 = arith.constant 0 : index
    %get3A_29 = arith.constant 0 : index
    %get3A_30 = vector.load %arg5[%get3A_28, %get3A_29] : memref<1x128xf32, #tpu.memory_space<vmem>>, vector<1x128xf32>
    %get3A_31 = vector.shape_cast %get3A_30 : vector<1x128xf32> to vector<128xf32>
    %broadcast_in_dim3A_32 = vector.shape_cast %get3A_31 : vector<128xf32> to vector<1x128xf32>
    %add3A_33 = vector.broadcast %broadcast_in_dim3A_32 : vector<1x128xf32> to vector<2048x128xf32>
    %add3A_34 = arith.addf %mul3A_27, %add3A_33 : vector<2048x128xf32>
    %max3A = arith.constant 0.000000e+00 : f32
    %max3A_35 = vector.broadcast %max3A : f32 to vector<2048x128xf32>
    %max3A_36 = arith.maximumf %add3A_34, %max3A_35 : vector<2048x128xf32>
    %get3A_37 = arith.constant 0 : index
    %get3A_38 = arith.constant 0 : index
    %get3A_39 = vector.load %arg4[%get3A_37, %get3A_38] : memref<128x128xf32, #tpu.memory_space<vmem>>, vector<128x128xf32>
    %dot_general3A = arith.constant dense<0.000000e+00> : vector<2048x128xf32>
    %dot_general3A_40 = tpu.matmul %max3A_36, %get3A_39, %dot_general3A {dimension_numbers = #tpu.dot_dimension_numbers<[1], [0], [0], [1], [0, 0, 1, 1], [], []>, precision = #tpu.contract_precision<fp32>, transpose_lhs_hint = false} : vector<2048x128xf32>, vector<128x128xf32>, vector<2048x128xf32> -> vector<2048x128xf32>
    %broadcast_in_dim3A_41 = vector.shape_cast %div3A_11 : vector<2048xf32> to vector<2048x1xf32>
    %mul3A_42 = vector.broadcast %broadcast_in_dim3A_41 : vector<2048x1xf32> to vector<2048x128xf32>
    %mul3A_43 = arith.mulf %dot_general3A_40, %mul3A_42 : vector<2048x128xf32>
    %swap3A = arith.constant 0 : index
    %swap3A_44 = arith.constant 0 : index
    %swap3A_45 = vector.load %arg6[%swap3A, %swap3A_44] : memref<2048x128xf32, #tpu.memory_space<vmem>>, vector<2048x128xf32>
    tpu.vector_store %arg6[%swap3A, %swap3A_44], %mul3A_43 {strides = array<i32>} : memref<2048x128xf32, #tpu.memory_space<vmem>>, vector<2048x128xf32>,
    return
  }
  func.func @transform_0(%arg0: i32) -> (i32, i32) {
    %c0_i32 = arith.constant 0 : i32
    %c0_i32_0 = arith.constant 0 : i32
    return %c0_i32, %arg0 : i32, i32
  }
  func.func @transform_1(%arg0: i32) -> (i32, i32, i32) {
    %c0_i32 = arith.constant 0 : i32
    %c0_i32_0 = arith.constant 0 : i32
    %c0_i32_1 = arith.constant 0 : i32
    return %c0_i32, %arg0, %c0_i32_0 : i32, i32, i32
  }
  func.func @transform_2(%arg0: i32) -> (i32, i32) {
    %c0_i32 = arith.constant 0 : i32
    %c0_i32_0 = arith.constant 0 : i32
    return %arg0, %c0_i32 : i32, i32
  }
  func.func @transform_3(%arg0: i32) -> (i32, i32) {
    %c0_i32 = arith.constant 0 : i32
    %c0_i32_0 = arith.constant 0 : i32
    %c0_i32_1 = arith.constant 0 : i32
    return %c0_i32, %c0_i32_0 : i32, i32
  }
  func.func @transform_4(%arg0: i32) -> (i32, i32) {
    %c0_i32 = arith.constant 0 : i32
    %c0_i32_0 = arith.constant 0 : i32
    %c0_i32_1 = arith.constant 0 : i32
    return %c0_i32, %c0_i32_0 : i32, i32
  }
  func.func @transform_5(%arg0: i32) -> (i32, i32) {
    %c0_i32 = arith.constant 0 : i32
    %c0_i32_0 = arith.constant 0 : i32
    return %arg0, %c0_i32 : i32, i32
  }
}

module attributes {stable_mosaic.version = 14 : i64} {
  func.func @_tc_final(%arg0: i32, %arg1: memref<2x2048xf32, #tpu.memory_space<vmem>>, %arg2: memref<2x2048x128xf32, #tpu.memory_space<vmem>>, %arg3: memref<2048x128xf32, #tpu.memory_space<vmem>>, %arg4: memref<1x128xf32, #tpu.memory_space<vmem>>, %arg5: memref<1x1x2048xi32, #tpu.memory_space<vmem>>, %arg6: memref<128x128xf32, #tpu.memory_space<vmem>>, %arg7: memref<1x128xf32, #tpu.memory_space<vmem>>, %arg8: memref<128x128xf32, #tpu.memory_space<vmem>>, %arg9: memref<1x128xf32, #tpu.memory_space<vmem>>, %arg10: memref<128x128xf32, #tpu.memory_space<vmem>>, %arg11: memref<1x128xf32, #tpu.memory_space<vmem>>, %arg12: memref<64x128xf32, #tpu.memory_space<vmem>>, %arg13: memref<64x128xf32, #tpu.memory_space<vmem>>, %arg14: memref<64x128xf32, #tpu.memory_space<vmem>>) attributes {dimension_semantics = [#tpu.dimension_semantics<arbitrary>], iteration_bounds = array<i64: 5>, scalar_prefetch = 0 : i64, scratch_operands = 2 : i64, tpu.core_type = #tpu.core_type<tc>, window_params = [{transform_indices = @transform_0, window_bounds = array<i64: 2, 2048>}, {transform_indices = @transform_1, window_bounds = array<i64: 2, 2048, 128>}, {transform_indices = @transform_2, window_bounds = array<i64: 2048, 128>}, {pipeline_mode = #tpu.pipeline_mode<synchronous>, transform_indices = @transform_3, window_bounds = array<i64: 1, 128>}, {transform_indices = @transform_4, window_bounds = array<i64: 1, 1, 2048>}, {pipeline_mode = #tpu.pipeline_mode<synchronous>, transform_indices = @transform_5, window_bounds = array<i64: 128, 128>}, {pipeline_mode = #tpu.pipeline_mode<synchronous>, transform_indices = @transform_6, window_bounds = array<i64: 1, 128>}, {pipeline_mode = #tpu.pipeline_mode<synchronous>, transform_indices = @transform_7, window_bounds = array<i64: 128, 128>}, {pipeline_mode = #tpu.pipeline_mode<synchronous>, transform_indices = @transform_8, window_bounds = array<i64: 1, 128>}, {pipeline_mode = #tpu.pipeline_mode<synchronous>, transform_indices = @transform_9, window_bounds = array<i64: 128, 128>}, {pipeline_mode = #tpu.pipeline_mode<synchronous>, transform_indices = @transform_10, window_bounds = array<i64: 1, 128>}, {pipeline_mode = #tpu.pipeline_mode<synchronous>, transform_indices = @transform_11, window_bounds = array<i64: 64, 128>}]} {
    %get3A = arith.constant 0 : index
    %get3A_0 = arith.constant 0 : index
    %get3A_1 = vector.load %arg1[%get3A, %get3A_0] : memref<2x2048xf32, #tpu.memory_space<vmem>>, vector<1x2048xf32>
    %get3A_2 = vector.shape_cast %get3A_1 : vector<1x2048xf32> to vector<2048xf32>
    %get3A_3 = arith.constant 1 : index
    %get3A_4 = arith.constant 0 : index
    %get3A_5 = vector.load %arg1[%get3A_3, %get3A_4] : memref<2x2048xf32, #tpu.memory_space<vmem>>, vector<1x2048xf32>
    %get3A_6 = vector.shape_cast %get3A_5 : vector<1x2048xf32> to vector<2048xf32>
    %add3A = arith.addf %get3A_2, %get3A_6 : vector<2048xf32>
    %add3A_7 = arith.constant 1.000000e+00 : f32
    %add3A_8 = vector.broadcast %add3A_7 : f32 to vector<2048xf32>
    %add3A_9 = arith.addf %add3A, %add3A_8 : vector<2048xf32>
    %sqrt3A = math.sqrt %add3A_9 : vector<2048xf32>
    %div3A = arith.constant 1.000000e+00 : f32
    %div3A_10 = vector.broadcast %div3A : f32 to vector<2048xf32>
    %div3A_11 = arith.divf %div3A_10, %sqrt3A : vector<2048xf32>
    %get3A_12 = arith.constant 0 : index
    %get3A_13 = arith.constant 0 : index
    %get3A_14 = arith.constant 0 : index
    %get3A_15 = vector.load %arg2[%get3A_12, %get3A_13, %get3A_14] : memref<2x2048x128xf32, #tpu.memory_space<vmem>>, vector<1x2048x128xf32>
    %get3A_16 = vector.shape_cast %get3A_15 : vector<1x2048x128xf32> to vector<2048x128xf32>
    %get3A_17 = arith.constant 1 : index
    %get3A_18 = arith.constant 0 : index
    %get3A_19 = arith.constant 0 : index
    %get3A_20 = vector.load %arg2[%get3A_17, %get3A_18, %get3A_19] : memref<2x2048x128xf32, #tpu.memory_space<vmem>>, vector<1x2048x128xf32>
    %get3A_21 = vector.shape_cast %get3A_20 : vector<1x2048x128xf32> to vector<2048x128xf32>
    %add3A_22 = arith.addf %get3A_16, %get3A_21 : vector<2048x128xf32>
    %get3A_23 = arith.constant 0 : index
    %get3A_24 = arith.constant 0 : index
    %get3A_25 = vector.load %arg3[%get3A_23, %get3A_24] : memref<2048x128xf32, #tpu.memory_space<vmem>>, vector<2048x128xf32>
    %add3A_26 = arith.addf %add3A_22, %get3A_25 : vector<2048x128xf32>
    %broadcast_in_dim3A = vector.shape_cast %div3A_11 : vector<2048xf32> to vector<2048x1xf32>
    %mul3A = vector.broadcast %broadcast_in_dim3A : vector<2048x1xf32> to vector<2048x128xf32>
    %mul3A_27 = arith.mulf %add3A_26, %mul3A : vector<2048x128xf32>
    %get3A_28 = arith.constant 0 : index
    %get3A_29 = arith.constant 0 : index
    %get3A_30 = vector.load %arg4[%get3A_28, %get3A_29] : memref<1x128xf32, #tpu.memory_space<vmem>>, vector<1x128xf32>
    %get3A_31 = vector.shape_cast %get3A_30 : vector<1x128xf32> to vector<128xf32>
    %broadcast_in_dim3A_32 = vector.shape_cast %get3A_31 : vector<128xf32> to vector<1x128xf32>
    %add3A_33 = vector.broadcast %broadcast_in_dim3A_32 : vector<1x128xf32> to vector<2048x128xf32>
    %add3A_34 = arith.addf %mul3A_27, %add3A_33 : vector<2048x128xf32>
    %max3A = arith.constant 0.000000e+00 : f32
    %max3A_35 = vector.broadcast %max3A : f32 to vector<2048x128xf32>
    %max3A_36 = arith.maximumf %add3A_34, %max3A_35 : vector<2048x128xf32>
    %get3A_37 = arith.constant 0 : index
    %get3A_38 = arith.constant 0 : index
    %get3A_39 = arith.constant 0 : index
    %get3A_40 = vector.load %arg5[%get3A_37, %get3A_38, %get3A_39] : memref<1x1x2048xi32, #tpu.memory_space<vmem>>, vector<1x1x2048xi32>
    %get3A_41 = vector.shape_cast %get3A_40 : vector<1x1x2048xi32> to vector<2048xi32>
    %iota3A = tpu.iota {dimensions = array<i32: 0>} : vector<64x2048xi32>
    %broadcast_in_dim3A_42 = vector.shape_cast %get3A_41 : vector<2048xi32> to vector<1x2048xi32>
    %eq3A = vector.broadcast %broadcast_in_dim3A_42 : vector<1x2048xi32> to vector<64x2048xi32>
    %eq3A_43 = arith.cmpi eq, %iota3A, %eq3A : vector<64x2048xi32>
    %convert_element_type3A = arith.extui %eq3A_43 : vector<64x2048xi1> to vector<64x2048xi32>
    %convert_element_type3A_44 = arith.sitofp %convert_element_type3A : vector<64x2048xi32> to vector<64x2048xf32>
    %dot_general3A = arith.constant dense<0.000000e+00> : vector<64x128xf32>
    %dot_general3A_45 = tpu.matmul %convert_element_type3A_44, %max3A_36, %dot_general3A {dimension_numbers = #tpu.dot_dimension_numbers<[1], [0], [0], [1], [0, 0, 1, 1], [], []>, precision = #tpu.contract_precision<fp32>, transpose_lhs_hint = false} : vector<64x2048xf32>, vector<2048x128xf32>, vector<64x128xf32> -> vector<64x128xf32>
    %reduce_sum3A = arith.constant dense<0.000000e+00> : vector<64xf32>
    %reduce_sum3A_46 = vector.multi_reduction <add>, %convert_element_type3A_44, %reduce_sum3A [1] : vector<64x2048xf32> to vector<64xf32>
    %broadcast_in_dim3A_47 = vector.shape_cast %reduce_sum3A_46 : vector<64xf32> to vector<64x1xf32>
    %broadcast_in_dim3A_48 = vector.shape_cast %broadcast_in_dim3A_47 : vector<64x1xf32> to vector<64x1xf32>
    %broadcast_in_dim3A_49 = vector.broadcast %broadcast_in_dim3A_48 : vector<64x1xf32> to vector<64x128xf32>
    %eq3A_50 = arith.constant 0 : i32
    %eq3A_51 = arith.cmpi eq, %arg0, %eq3A_50 : i32
    %convert_element_type3A_52 = arith.extui %eq3A_51 : i1 to i32
    %cond3A = arith.constant 0 : i32
    %cond3A_53 = arith.cmpi ne, %convert_element_type3A_52, %cond3A : i32
    scf.if %cond3A_53 {
      %swap3A = arith.constant 0 : index
      %swap3A_63 = arith.constant 0 : index
      %swap3A_64 = vector.load %arg13[%swap3A, %swap3A_63] : memref<64x128xf32, #tpu.memory_space<vmem>>, vector<64x128xf32>
      tpu.vector_store %arg13[%swap3A, %swap3A_63], %dot_general3A_45 {strides = array<i32>} : memref<64x128xf32, #tpu.memory_space<vmem>>, vector<64x128xf32>,
      %swap3A_65 = arith.constant 0 : index
      %swap3A_66 = arith.constant 0 : index
      %swap3A_67 = vector.load %arg14[%swap3A_65, %swap3A_66] : memref<64x128xf32, #tpu.memory_space<vmem>>, vector<64x128xf32>
      tpu.vector_store %arg14[%swap3A_65, %swap3A_66], %broadcast_in_dim3A_49 {strides = array<i32>} : memref<64x128xf32, #tpu.memory_space<vmem>>, vector<64x128xf32>,
    } else {
    }
    %gt3A = arith.constant 0 : i32
    %gt3A_54 = arith.cmpi sgt, %arg0, %gt3A : i32
    %convert_element_type3A_55 = arith.extui %gt3A_54 : i1 to i32
    %cond3A_56 = arith.constant 0 : i32
    %cond3A_57 = arith.cmpi ne, %convert_element_type3A_55, %cond3A_56 : i32
    scf.if %cond3A_57 {
      %get3A_63 = arith.constant 0 : index
      %get3A_64 = arith.constant 0 : index
      %get3A_65 = vector.load %arg13[%get3A_63, %get3A_64] : memref<64x128xf32, #tpu.memory_space<vmem>>, vector<64x128xf32>
      %add3A_66 = arith.addf %get3A_65, %dot_general3A_45 : vector<64x128xf32>
      %swap3A = arith.constant 0 : index
      %swap3A_67 = arith.constant 0 : index
      %swap3A_68 = vector.load %arg13[%swap3A, %swap3A_67] : memref<64x128xf32, #tpu.memory_space<vmem>>, vector<64x128xf32>
      tpu.vector_store %arg13[%swap3A, %swap3A_67], %add3A_66 {strides = array<i32>} : memref<64x128xf32, #tpu.memory_space<vmem>>, vector<64x128xf32>,
      %get3A_69 = arith.constant 0 : index
      %get3A_70 = arith.constant 0 : index
      %get3A_71 = vector.load %arg14[%get3A_69, %get3A_70] : memref<64x128xf32, #tpu.memory_space<vmem>>, vector<64x128xf32>
      %add3A_72 = arith.addf %get3A_71, %broadcast_in_dim3A_49 : vector<64x128xf32>
      %swap3A_73 = arith.constant 0 : index
      %swap3A_74 = arith.constant 0 : index
      %swap3A_75 = vector.load %arg14[%swap3A_73, %swap3A_74] : memref<64x128xf32, #tpu.memory_space<vmem>>, vector<64x128xf32>
      tpu.vector_store %arg14[%swap3A_73, %swap3A_74], %add3A_72 {strides = array<i32>} : memref<64x128xf32, #tpu.memory_space<vmem>>, vector<64x128xf32>,
    } else {
    }
    %eq3A_58 = arith.constant 4 : i32
    %eq3A_59 = arith.cmpi eq, %arg0, %eq3A_58 : i32
    %convert_element_type3A_60 = arith.extui %eq3A_59 : i1 to i32
    %cond3A_61 = arith.constant 0 : i32
    %cond3A_62 = arith.cmpi ne, %convert_element_type3A_60, %cond3A_61 : i32
    scf.if %cond3A_62 {
      %get3A_63 = arith.constant 0 : index
      %get3A_64 = arith.constant 0 : index
      %get3A_65 = vector.load %arg14[%get3A_63, %get3A_64] : memref<64x128xf32, #tpu.memory_space<vmem>>, vector<64x128xf32>
      %get3A_66 = arith.constant 0 : index
      %get3A_67 = arith.constant 0 : index
      %get3A_68 = vector.load %arg13[%get3A_66, %get3A_67] : memref<64x128xf32, #tpu.memory_space<vmem>>, vector<64x128xf32>
      %max3A_69 = arith.constant 1.000000e+00 : f32
      %max3A_70 = vector.broadcast %max3A_69 : f32 to vector<64x128xf32>
      %max3A_71 = arith.maximumf %get3A_65, %max3A_70 : vector<64x128xf32>
      %div3A_72 = arith.divf %get3A_68, %max3A_71 : vector<64x128xf32>
      %get3A_73 = arith.constant 0 : index
      %get3A_74 = arith.constant 0 : index
      %get3A_75 = vector.load %arg6[%get3A_73, %get3A_74] : memref<128x128xf32, #tpu.memory_space<vmem>>, vector<128x128xf32>
      %dot_general3A_76 = arith.constant dense<0.000000e+00> : vector<64x128xf32>
      %dot_general3A_77 = tpu.matmul %div3A_72, %get3A_75, %dot_general3A_76 {dimension_numbers = #tpu.dot_dimension_numbers<[1], [0], [0], [1], [0, 0, 1, 1], [], []>, precision = #tpu.contract_precision<fp32>, transpose_lhs_hint = false} : vector<64x128xf32>, vector<128x128xf32>, vector<64x128xf32> -> vector<64x128xf32>
      %get3A_78 = arith.constant 0 : index
      %get3A_79 = arith.constant 0 : index
      %get3A_80 = vector.load %arg8[%get3A_78, %get3A_79] : memref<128x128xf32, #tpu.memory_space<vmem>>, vector<128x128xf32>
      %dot_general3A_81 = arith.constant dense<0.000000e+00> : vector<64x128xf32>
      %dot_general3A_82 = tpu.matmul %dot_general3A_77, %get3A_80, %dot_general3A_81 {dimension_numbers = #tpu.dot_dimension_numbers<[1], [0], [0], [1], [0, 0, 1, 1], [], []>, precision = #tpu.contract_precision<fp32>, transpose_lhs_hint = false} : vector<64x128xf32>, vector<128x128xf32>, vector<64x128xf32> -> vector<64x128xf32>
      %get3A_83 = arith.constant 0 : index
      %get3A_84 = arith.constant 0 : index
      %get3A_85 = vector.load %arg7[%get3A_83, %get3A_84] : memref<1x128xf32, #tpu.memory_space<vmem>>, vector<1x128xf32>
      %get3A_86 = arith.constant 0 : index
      %get3A_87 = arith.constant 0 : index
      %get3A_88 = vector.load %arg8[%get3A_86, %get3A_87] : memref<128x128xf32, #tpu.memory_space<vmem>>, vector<128x128xf32>
      %dot_general3A_89 = arith.constant dense<0.000000e+00> : vector<1x128xf32>
      %dot_general3A_90 = tpu.matmul %get3A_85, %get3A_88, %dot_general3A_89 {dimension_numbers = #tpu.dot_dimension_numbers<[1], [0], [0], [1], [0, 0, 1, 1], [], []>, precision = #tpu.contract_precision<fp32>, transpose_lhs_hint = false} : vector<1x128xf32>, vector<128x128xf32>, vector<1x128xf32> -> vector<1x128xf32>
      %get3A_91 = arith.constant 0 : index
      %get3A_92 = arith.constant 0 : index
      %get3A_93 = vector.load %arg9[%get3A_91, %get3A_92] : memref<1x128xf32, #tpu.memory_space<vmem>>, vector<1x128xf32>
      %add3A_94 = arith.addf %dot_general3A_90, %get3A_93 : vector<1x128xf32>
      %gt3A_95 = arith.constant 0.000000e+00 : f32
      %gt3A_96 = vector.broadcast %gt3A_95 : f32 to vector<64x128xf32>
      %gt3A_97 = arith.cmpf ogt, %get3A_65, %gt3A_96 : vector<64x128xf32>
      %jit3A = arith.constant 1.000000e+00 : f32
      %jit3A_98 = arith.constant 0.000000e+00 : f32
      %broadcast_in_dim3A_99 = vector.broadcast %jit3A : f32 to vector<64x128xf32>
      %broadcast_in_dim3A_100 = vector.broadcast %jit3A_98 : f32 to vector<64x128xf32>
      %select_n3A = arith.select %gt3A_97, %broadcast_in_dim3A_99, %broadcast_in_dim3A_100 : vector<64x128xi1>, vector<64x128xf32>
      %mul3A_101 = vector.broadcast %add3A_94 : vector<1x128xf32> to vector<64x128xf32>
      %mul3A_102 = arith.mulf %select_n3A, %mul3A_101 : vector<64x128xf32>
      %add3A_103 = arith.addf %dot_general3A_82, %mul3A_102 : vector<64x128xf32>
      %get3A_104 = arith.constant 0 : index
      %get3A_105 = arith.constant 0 : index
      %get3A_106 = vector.load %arg10[%get3A_104, %get3A_105] : memref<128x128xf32, #tpu.memory_space<vmem>>, vector<128x128xf32>
      %dot_general3A_107 = arith.constant dense<0.000000e+00> : vector<64x128xf32>
      %dot_general3A_108 = tpu.matmul %add3A_103, %get3A_106, %dot_general3A_107 {dimension_numbers = #tpu.dot_dimension_numbers<[1], [0], [0], [1], [0, 0, 1, 1], [], []>, precision = #tpu.contract_precision<fp32>, transpose_lhs_hint = false} : vector<64x128xf32>, vector<128x128xf32>, vector<64x128xf32> -> vector<64x128xf32>
      %get3A_109 = arith.constant 0 : index
      %get3A_110 = arith.constant 0 : index
      %get3A_111 = vector.load %arg11[%get3A_109, %get3A_110] : memref<1x128xf32, #tpu.memory_space<vmem>>, vector<1x128xf32>
      %add3A_112 = vector.broadcast %get3A_111 : vector<1x128xf32> to vector<64x128xf32>
      %add3A_113 = arith.addf %dot_general3A_108, %add3A_112 : vector<64x128xf32>
      %swap3A = arith.constant 0 : index
      %swap3A_114 = arith.constant 0 : index
      %swap3A_115 = vector.load %arg12[%swap3A, %swap3A_114] : memref<64x128xf32, #tpu.memory_space<vmem>>, vector<64x128xf32>
      tpu.vector_store %arg12[%swap3A, %swap3A_114], %add3A_113 {strides = array<i32>} : memref<64x128xf32, #tpu.memory_space<vmem>>, vector<64x128xf32>,
    } else {
    }
    return
  }
  func.func @transform_0(%arg0: i32) -> (i32, i32) {
    %c0_i32 = arith.constant 0 : i32
    %c0_i32_0 = arith.constant 0 : i32
    return %c0_i32, %arg0 : i32, i32
  }
  func.func @transform_1(%arg0: i32) -> (i32, i32, i32) {
    %c0_i32 = arith.constant 0 : i32
    %c0_i32_0 = arith.constant 0 : i32
    %c0_i32_1 = arith.constant 0 : i32
    return %c0_i32, %arg0, %c0_i32_0 : i32, i32, i32
  }
  func.func @transform_2(%arg0: i32) -> (i32, i32) {
    %c0_i32 = arith.constant 0 : i32
    %c0_i32_0 = arith.constant 0 : i32
    return %arg0, %c0_i32 : i32, i32
  }
  func.func @transform_3(%arg0: i32) -> (i32, i32) {
    %c0_i32 = arith.constant 0 : i32
    %c0_i32_0 = arith.constant 0 : i32
    %c0_i32_1 = arith.constant 0 : i32
    return %c0_i32, %c0_i32_0 : i32, i32
  }
  func.func @transform_4(%arg0: i32) -> (i32, i32, i32) {
    %c0_i32 = arith.constant 0 : i32
    %c0_i32_0 = arith.constant 0 : i32
    %c0_i32_1 = arith.constant 0 : i32
    return %arg0, %c0_i32, %c0_i32_0 : i32, i32, i32
  }
  func.func @transform_5(%arg0: i32) -> (i32, i32) {
    %c0_i32 = arith.constant 0 : i32
    %c0_i32_0 = arith.constant 0 : i32
    %c0_i32_1 = arith.constant 0 : i32
    return %c0_i32, %c0_i32_0 : i32, i32
  }
  func.func @transform_6(%arg0: i32) -> (i32, i32) {
    %c0_i32 = arith.constant 0 : i32
    %c0_i32_0 = arith.constant 0 : i32
    %c0_i32_1 = arith.constant 0 : i32
    return %c0_i32, %c0_i32_0 : i32, i32
  }
  func.func @transform_7(%arg0: i32) -> (i32, i32) {
    %c0_i32 = arith.constant 0 : i32
    %c0_i32_0 = arith.constant 0 : i32
    %c0_i32_1 = arith.constant 0 : i32
    return %c0_i32, %c0_i32_0 : i32, i32
  }
  func.func @transform_8(%arg0: i32) -> (i32, i32) {
    %c0_i32 = arith.constant 0 : i32
    %c0_i32_0 = arith.constant 0 : i32
    %c0_i32_1 = arith.constant 0 : i32
    return %c0_i32, %c0_i32_0 : i32, i32
  }
  func.func @transform_9(%arg0: i32) -> (i32, i32) {
    %c0_i32 = arith.constant 0 : i32
    %c0_i32_0 = arith.constant 0 : i32
    %c0_i32_1 = arith.constant 0 : i32
    return %c0_i32, %c0_i32_0 : i32, i32
  }
  func.func @transform_10(%arg0: i32) -> (i32, i32) {
    %c0_i32 = arith.constant 0 : i32
    %c0_i32_0 = arith.constant 0 : i32
    %c0_i32_1 = arith.constant 0 : i32
    return %c0_i32, %c0_i32_0 : i32, i32
  }
  func.func @transform_11(%arg0: i32) -> (i32, i32) {
    %c0_i32 = arith.constant 0 : i32
    %c0_i32_0 = arith.constant 0 : i32
    %c0_i32_1 = arith.constant 0 : i32
    return %c0_i32, %c0_i32_0 : i32, i32
  }
}

</mosaic_0001>

<sc_bundles>
// kernel: kernel.11.cloned.1.call-start
scs
__scs_entry_jumppad:
0x0: {  	(pc) =	sbr.rel $0x88, $3  }
0x1: {  	(tag) =	ssettag $0x0;
	lr =	simm.s32 $0x1  }
0x2: {  	[smem:$0x3F94] =	sst lr;
	_ =	strace $0xD0000000  }
0x3: {  	_ = 	snop  }
0x4: {  	_ = 	snop  }
0x5: {  	_ = 	snop  }
0x6: {  	_ = 	snop  }
0x7: {  	_ = 	snop  }
__scs_overlays_trampoline_lowered:
0x8: {  	[smem:$0x3FA3] =	sst s0  }
0x9: {  	[smem:$0x3FA4] =	sst s1  }
0xa: {  	[smem:$0x3FA5] =	sst s2  }
0xb: {  	[smem:$0x3FA6] =	sst s3  }
0xc: {  	[smem:$0x3FA7] =	sst s4  }
0xd: {  	[smem:$0x3FA8] =	sst s5  }
0xe: {  	[smem:$0x3FA9] =	sst s6  }
0xf: {  	[smem:$0x3FAA] =	sst s7  }
0x10: {  	[smem:$0x3FAB] =	sst s8  }
0x11: {  	[smem:$0x3FAC] =	sst s9;
	s0 =	simm.s32 @!p0 $0x0  }
0x12: {  	s1 =	sld [smem:$0x3F92];
	s0 =	simm.s32 @p0 $0x1  }
0x13: {  	[smem:$0x3FAD] =	sst s0;
	s0 =	simm.s32 @!p1 $0x0  }
0x14: {  	s2 =	sld [smem:$0x3F91];
	s0 =	simm.s32 @p1 $0x1  }
0x15: {  	[smem:$0x3FAE] =	sst s0;
	s0 =	simm.s32 @!p2 $0x0  }
0x16: {  	s3 =	sld [smem:$0x3FDB];
	s0 =	simm.s32 @p2 $0x1  }
0x17: {  	s4 =	simm.s32 $0x1BF5;
	[smem:$0x3FB0] =	sst s0  }
0x18: {  	s0 =	sld [smem:$0x3F93];
	_ =	swait.ge [sflag:s4], $0x0  }
0x19: {  	s7 =	sld [smem:$0x3F94]  }
0x1a: {  	s8 =	sadd.s32 $0xFFFFE003, lr  }
0x1b: {  	s9 =	sadd.s32 $0xFFFFFEF7, lr;
	s5 =	simm.s32 $0xFFFFFFFF;
	p2 =	slt.u32 s8, $0xFFFFF086  }
0x1c: {  	p1 =	slt.u32 s9, $0xF7A;
	s5 =	simm.s32 @!p2 $0x0  }
0x1d: {  	s5 =	simm.s32 @p1 $0x1;
	p0 =	seq.s32 s7, s2  }
0x1e: {  	s7 =	smul.u32 @!p0 $0xF7A, s2;
	p2 =	seq.s32 @!p0 s5, $0x0  }
0x1f: {  	s9 =	smul.u32 $0xF7A, s1;
	s8 =	simm.s32 @!p0 $0x1BF5;
	p2 =	por !p2, p0  }
0x20: {  	[sflag:s8] =	ssyncset.s32 @!p0 $0xFFFFF086;
	s6 =	sadd.s32 @!p0 s3, s7;
	s7 =	simm.s32 @!p0 $0x108  }
0x21: {  	s3 =	sadd.s32 s3, s9;
	s6 =	sadd.s32 @!p0 $0x88, s6;
	s7 =	simm.s32 @p2 $0x1082  }
0x22: {  	[simem:s7], [sflag:s8] =	dma.local @!p0 [hbm:s6], $0xF7A  }
0x23: {  	s9 =	sor.u32 $0xD0000000, s2;
	s6 =	simm.s32 $0x108;
	_ =	swait.ge @!p0 [sflag:s8], $0x0  }
0x24: {  	s3 =	sadd.s32 $0x88, s3;
	s6 =	simm.s32 @!p1 $0x1082;
	[sflag:s4] =	ssyncset.s32 $0xFFFFF086  }
0x25: {  	[simem:s6], [sflag:s4] =	dma.local [hbm:s3], $0xF7A  }
0x26: {  	[smem:$0x3F94] =	sst s1;
	(tag) =	ssettag s2;
	_ =	strace s9  }
0x27: {  	s1 =	sld [smem:$0x3FA4]  }
0x28: {  	s2 =	sld [smem:$0x3FA5]  }
0x29: {  	s4 =	sld [smem:$0x3FA7]  }
0x2a: {  	p0 =	seq.s32 s5, $0x0;
	s5 =	sld [smem:$0x3FA8]  }
0x2b: {  	s6 =	sld [smem:$0x3FA9]  }
0x2c: {  	s7 =	sld [smem:$0x3FAA]  }
0x2d: {  	s3 =	simm.s32 $0x108;
	s8 =	sld [smem:$0x3FAB]  }
0x2e: {  	s3 =	simm.s32 @!p0 $0x1082;
	s9 =	sld [smem:$0x3FAC]  }
0x2f: {  	lr =	sadd.s32 s0, s3;
	s0 =	sld [smem:$0x3FA3]  }
0x30: {  	s3 =	sld [smem:$0x3FA6]  }
0x31: {  	[smem:$0x3FAF] =	sst s10  }
0x32: {  	s10 =	sld [smem:$0x3FAD];
	_ =	sdelay $0x3  }
0x33: {  	p0 =	seq.s32 s10, $0x1;
	s10 =	sld [smem:$0x3FAF];
	_ =	sdelay $0x3  }
0x34: {  	[smem:$0x3FAF] =	sst s10  }
0x35: {  	s10 =	sld [smem:$0x3FAE];
	_ =	sdelay $0x3  }
0x36: {  	p1 =	seq.s32 s10, $0x1;
	s10 =	sld [smem:$0x3FAF];
	_ =	sdelay $0x3  }
0x37: {  	[smem:$0x3FAF] =	sst s10  }
0x38: {  	s10 =	sld [smem:$0x3FB0]  }
0x39: {  	_ = 	snop;
	(pc) =	sbr.ind lr, $3  }
0x3a: {  	_ = 	snop  }
0x3b: {  	_ = 	snop  }
0x3c: {  	p2 =	seq.s32 s10, $0x1;
	s10 =	sld [smem:$0x3FAF]  }
0x3d: {  	_ =	shalt  }
0x3e: {  	_ =	shalt  }
0x3f: {  	_ =	shalt  }
0x40: {  	_ =	shalt  }
0x41: {  	_ =	shalt  }
0x42: {  	_ =	shalt  }
0x43: {  	_ =	shalt  }
0x44: {  	_ =	shalt  }
0x45: {  	_ =	shalt  }
0x46: {  	_ =	shalt  }
0x47: {  	_ =	shalt  }
0x48: {  	_ =	shalt  }
0x49: {  	_ =	shalt  }
0x4a: {  	_ =	shalt  }
0x4b: {  	_ =	shalt  }
0x4c: {  	_ =	shalt  }
0x4d: {  	_ =	shalt  }
0x4e: {  	_ =	shalt  }
0x4f: {  	_ =	shalt  }
0x50: {  	_ =	shalt  }
0x51: {  	_ =	shalt  }
0x52: {  	_ =	shalt  }
0x53: {  	_ =	shalt  }
0x54: {  	_ =	shalt  }
0x55: {  	_ =	shalt  }
0x56: {  	_ =	shalt  }
0x57: {  	_ =	shalt  }
0x58: {  	_ =	shalt  }
0x59: {  	_ =	shalt  }
0x5a: {  	_ =	shalt  }
0x5b: {  	_ =	shalt  }
0x5c: {  	_ =	shalt  }
0x5d: {  	_ =	shalt  }
0x5e: {  	_ =	shalt  }
0x5f: {  	_ =	shalt  }
0x60: {  	_ =	shalt  }
0x61: {  	_ =	shalt  }
0x62: {  	_ =	shalt  }
0x63: {  	_ =	shalt  }
0x64: {  	_ =	shalt  }
0x65: {  	_ =	shalt  }
0x66: {  	_ =	shalt  }
0x67: {  	_ =	shalt  }
0x68: {  	_ =	shalt  }
0x69: {  	_ =	shalt  }
0x6a: {  	_ =	shalt  }
0x6b: {  	_ =	shalt  }
0x6c: {  	_ =	shalt  }
0x6d: {  	_ =	shalt  }
0x6e: {  	_ =	shalt  }
0x6f: {  	_ =	shalt  }
0x70: {  	_ =	shalt  }
0x71: {  	_ =	shalt  }
0x72: {  	_ =	shalt  }
0x73: {  	_ =	shalt  }
0x74: {  	_ =	shalt  }
0x75: {  	_ =	shalt  }
0x76: {  	_ =	shalt  }
0x77: {  	_ =	shalt  }
0x78: {  	_ =	shalt  }
0x79: {  	_ =	shalt  }
0x7a: {  	_ =	shalt  }
0x7b: {  	_ =	shalt  }
0x7c: {  	_ =	shalt  }
0x7d: {  	_ =	shalt  }
0x7e: {  	_ =	shalt  }
0x7f: {  	_ =	shalt  }
0x80: {  	_ =	shalt  }
0x81: {  	_ =	shalt  }
0x82: {  	_ =	shalt  }
0x83: {  	_ =	shalt  }
0x84: {  	_ =	shalt  }
0x85: {  	_ =	shalt  }
0x86: {  	_ =	shalt  }
0x87: {  	_ =	shalt  }
.Lfunc_end0:
.L_simem_size_0:
called_computation.1_lowered:
.L_overlay_start_0:
0x88: {  	s2 =	sld [smem:$0x3FD9]  }
0x89: {  	s3 =	sld [smem:$0x3FFE];
	_ =	sdelay $0x1  }
0x8a: {  	s1 =	srdreg.scid  }
0x8b: {  	s0 =	sand.u32 $0x1, s1  }
0x8c: {  	s16 =	sshll.u32 s0, $0xA;
	s2 =	sadd.s32 s3, s2  }
0x8d: {  	s2 =	sadd.s32 s2, s16  }
0x8e: {  	[smem:$0x3FBB] =	sst s2  }
0x8f: {  	_ = 	snop  }
0x90: {  	(tm) =	ssettm $0x1  }
0x91: {  	s17 =	sld [smem:$0x3FFB];
	_ =	sdelay $0x3  }
0x92: {  	_ =	strace s17  }
0x93: {  	s2 =	sld [smem:$0x3FFC];
	_ =	sdelay $0x3  }
0x94: {  	_ =	strace s2  }
0x95: {  	s2 =	sld [smem:$0x3FFD];
	_ =	sdelay $0x3  }
0x96: {  	_ =	strace s2  }
0x97: {  	_ =	strace $0x8FFFFFFF  }
0x98: {  	s18 =	sld [smem:$0x3FDB];
	_ =	sdelay $0x1  }
0x99: {  	s19 =	simm.s32 $_scs_section_size  }
0x9a: {  	s4 =	simm.s32 $_size__tile_overlayer_lowered;
	s5 =	simm.s32 $_tile_overlayer_lowered  }
0x9b: {  	s22 =	simm.s32 $0x1BFF;
	s21 =	sshll.u32 s5, $0x1;
	s2 =	sadd.s32 s19, s18  }
0x9c: {  	s6 =	simm.s32 $0x0;
	s20 =	sshll.u32 s4, $0x1;
	s4 =	sadd.s32 s21, s2  }
0x9d: {  	[timem:s6], [sflag:s22] =	dma.local [hbm:s4], s20  }
0x9e: {  	_ =	swait.ge [sflag:s22], s20  }
0x9f: {  	s3 =	ssub.s32 $0x0, s20;
	[sflag:s22] =	ssyncset.done $0x0  }
0xa0: {  	[sflag:s22] =	ssyncadd.s32 s3;
	_ =	sdelay $0x1  }
0xa1: {  	s23 =	simm.s32 $0x1B8B  }
0xa2: {  	_ =	swait.ge [sflag:s23], $0x1  }
0xa3: {  	[sflag:s23] =	ssyncset.done $0x0  }
0xa4: {  	s25 =	simm.s32 $0x1B8E;
	s24 =	sld [smem:$0x3FFE];
	[sflag:s23] =	ssyncadd.s32 $0xFFFFFFFF  }
0xa5: {  	s26 =	simm.s32 $execute0_lowered;
	[smem:$0x3FD2] =	sst s25  }
0xa6: {  	s4 =	sshll.u32 s26, $0x1;
	_ =	strace $0x80000049;
	[dreg:$0x1] =	wrdreg $0xFFFFFFFF  }
0xa7: {  	s28 =	simm.s32 $_size_execute0_lowered;
	s2 =	sadd.s32 s2, s4;
	[dreg:$0x0] =	wrdreg $0x0  }
0xa8: {  	s4 =	sshll.u32 s28, $0x1;
	[dreg:$0x2] =	wrdreg s2  }
0xa9: {  	[dreg:$0x3] =	wrdreg s4  }
0xaa: {  	[dreg:$0x4] =	wrdreg $0xC0  }
0xab: {  	_ =	task [dreg:s6], $0x5FFFF  }
0xac: {  	[dreg:$0x1] =	wrdreg $0xFFFFFFFF  }
0xad: {  	[dreg:$0x0] =	wrdreg $0x60  }
0xae: {  	[dreg:$0x2] =	wrdreg s24  }
0xaf: {  	[dreg:$0x3] =	wrdreg $0x98000  }
0xb0: {  	[dreg:$0x4] =	wrdreg $0x9  }
0xb1: {  	_ =	task.clear_ibuf [dreg:s6], $0x5FFFF;
	_ =	strace $0x90000049  }
0xb2: {  	s29 =	simm.s32 $0x9;
	_ =	strace $0x8000004B  }
0xb3: {  	_ =	swait.ge [sflag:s29], $0x1  }
0xb4: {  	[sflag:s29] =	ssyncadd.s32 $0xFFFFFFFF  }
0xb5: {  	_ =	strace $0x9000004B  }
0xb6: {  	_ =	sfence  }
0xb7: {  	s30 =	sld [smem:$0x0];
	_ =	sdelay $0x2  }
0xb8: {  	s31 =	sshll.u32 s1, $0xD;
	s1 =	sshrl.u32 s1, $0x2  }
0xb9: {  	s3 =	sand.u32 $0x4000, s31;
	s1 =	sadd.s32 s1, s30  }
0xba: {  	s0 =	sor.u32 s3, s0;
	s1 =	sshll.u32 s1, $0x11  }
0xbb: {  	s0 =	sor.u32 s1, s0  }
0xbc: {  	s0 =	sadd.s32 $0x8F2B, s0  }
0xbd: {  	[sflag:s0] =	ssyncadd.remote.s32 $0x1  }
0xbe: {  	_ =	sfence.sel $0xFFFF  }
0xbf: {  	[dreg:$0x0] =	wrdreg $0xFFFFFFFF;
	(pc) =	sbr.abs _section_cstart, $3  }
0xc0: {  	[dreg:$0x1] =	wrdreg $0xFFFFFFFF  }
0xc1: {  	_ =	task.clear_ibuf [dreg:s6], $0x2FFFF;
	_ =	strace $0x9FFFFFFF  }
0xc2: {  	(tm) =	ssettm $0x7FFFFFFF  }
0xc3: {  	_ =	shalt  }
tec
execute0_lowered:
.L_overlay_start_1:
0x0: {  	(tag) =	ssettag $0x1  }
0x1: {  	s0 =	rddreg [dreg:$0x0]  }
0x2: {  	s1 =	rddreg [dreg:$0x1];
	s2 =	srdreg.scid  }
0x3: {  	s3 =	simm.s32 $0x0;
	s9 =	stileid.u32;
	s29 =	simm.s32 $0x1  }
0x4: {  	s31 =	simm.s32 $0x2;
	s30 =	simm.s32 $0x900;
	s2 =	sand.u32 $0x1, s2  }
0x5: {  	[smem:$0x7FF] =	sst s3;
	s6 =	smul.u32 $0x14000, s9;
	s4 =	sadd.s32 $0x17200, s0  }
0x6: {  	s7 =	sadd.s32 $0xD200, s0;
	s8 =	smul.u32 $0x50000, s9;
	s9 =	sshll.u32 s9, $0x1  }
0x7: {  	s5 =	smul.u32 $0x140000, s2;
	s11 =	ssub.s32 $0x2, s2;
	s2 =	sor.u32 s2, s9  }
0x8: {  	s28 =	sadd.s32 $0x3200, s0;
	_ =	strace $0x8000004A;
	s14 =	smul.u32 $0x2800, s2  }
0x9: {  	s10 =	sshrl.u32 s11, $0x1;
	s8 =	sshrl.u32 s8, $0x2;
	s2 =	smul.u32 $0x500, s2  }
0xa: {  	s5 =	sadd.s32 s6, s5;
	s12 =	ssub.s32 s11, s10;
	s13 =	sadd.s32 s8, s1  }
0xb: {  	s6 =	simm.s32 $0x1080;
	s10 =	simm.s32 $0x1580;
	s11 =	simm.s32 $0x1600  }
0xc: {  	s5 =	sshrl.u32 s5, $0x3;
	s15 =	sadd.s32 $0x4000, s13;
	[dreg:$0x3] =	wrdreg s13  }
0xd: {  	s16 =	sadd.s32 $0x8000, s13;
	s17 =	sadd.s32 $0xC000, s13;
	[dreg:$0x4] =	wrdreg s15  }
0xe: {  	s8 =	sshrl.u32 s14, $0x3;
	s18 =	sadd.s32 s7, s2;
	[dreg:$0x5] =	wrdreg s16  }
0xf: {  	s2 =	sadd.s32 s28, s2;
	s14 =	simm.s32 $0x1680;
	[dreg:$0x6] =	wrdreg s17  }
0x10: {  	s0 =	sadd.s32 s5, s0;
	s5 =	sadd.s32 $0x10000, s13;
	[dreg:$0x8] =	wrdreg s18  }
0x11: {  	[dreg:$0x9] =	wrdreg s2;
	s19 =	sadd.s32 $0x100, s8;
	s21 =	sadd.s32 $0x200, s8  }
0x12: {  	s23 =	sadd.s32 $0x300, s8;
	s25 =	sadd.s32 $0x400, s8;
	s8 =	simm.s32 $0x1100  }
0x13: {  	s16 =	simm.s32 $0x1200;
	[dreg:$0x7] =	wrdreg s5;
	s20 =	sadd.s32 s7, s19  }
0x14: {  	s15 =	simm.s32 $0x1380;
	s2 =	sadd.s32 s28, s19;
	[dreg:$0xa] =	wrdreg s20  }
0x15: {  	s17 =	simm.s32 $0x1700;
	s22 =	sadd.s32 s7, s21;
	[dreg:$0xb] =	wrdreg s2  }
0x16: {  	s18 =	simm.s32 $0x1780;
	s24 =	sadd.s32 s7, s23;
	[dreg:$0xc] =	wrdreg s22  }
0x17: {  	s26 =	sadd.s32 s7, s25;
	s0 =	sadd.s32 $0x3F200, s0;
	[dreg:$0xe] =	wrdreg s24  }
0x18: {  	s7 =	simm.s32 $0x1300;
	s19 =	simm.s32 $0x1400;
	[dreg:$0x10] =	wrdreg s26  }
0x19: {  	s2 =	sadd.s32 s28, s21;
	[dreg:$0x12] =	wrdreg s0;
	s22 =	simm.s32 $0x1800  }
0x1a: {  	s24 =	simm.s32 $0x80;
	s26 =	simm.s32 $0x1000;
	s20 =	simm.s32 $0x1280  }
0x1b: {  	s21 =	simm.s32 $0x780;
	[dreg:$0xd] =	wrdreg s2;
	s2 =	sadd.s32 s28, s23  }
0x1c: {  	s23 =	simm.s32 $0x3;
	[dreg:$0xf] =	wrdreg s2;
	s2 =	sadd.s32 s28, s25  }
0x1d: {  	s28 =	smax.u32 s12, $0x1;
	s25 =	simm.s32 $0x5800;
	[dreg:$0x11] =	wrdreg s2  }
0x1e: {  	v0 =	vimm.f32 $0.0e+00;
	s12 =	simm.s32 $0x1180;
	[dreg:$0x13] =	wrdreg s28;
	s2 =	simm.s32 $0x0  }
.LBB2_1:
0x1f: {  	s9 =	sand.u32 $0xFE00, s3  }
0x20: {  	s13 =	sand.u32 $0x70, s3;
	s28 =	sshrl.u32 s9, $0x2  }
0x21: {  	s9 =	simm.s32 $0x40;
	s28 =	sor.u32 s13, s28;
	s13 =	simm.s32 $0x0  }
.LBB2_2:
0x22: {  	p0 =	sne.s32 s9, $0xFFC0  }
0x23: {  	[tilespmem:s28+$0x1800] =	vst v0;
	s13 =	sadd.s32 $0x10, s13;
	s28 =	smov.u32 s9;
	s9 =	sadd.s32 $0x40, s9  }
.Ltmp0:
0x24: {  	(pc) =	sbr.rel @p0 .LBB2_2-.Ltmp0, $4  }
0x25: {  	_ = 	snop  }
0x26: {  	s28 =	sand.u32 $0xFE00, s28  }
0x27: {  	s5 =	sand.u32 $0x70, s13;
	s28 =	sshrl.u32 s28, $0x2  }
0x28: {  	s28 =	sor.u32 s5, s28  }
0x29: {  	[tilespmem:s28+$0x1800] =	vst v0;
	s0 =	rddreg [dreg:$0x3]  }
0x2a: {  	[spmem:s0] =	stream.linear.scatter [tilespmem:s22], [sflag:$0x3], $0x4000, $0x38;
	[tilespmem:$0x1D800] =	vst v63  }
0x2b: {  	_ =	swait.ge [sflag:s23], $0x4000  }
0x2c: {  	[sflag:s23] =	ssyncset.done $0x0  }
0x2d: {  	s5 =	rddreg [dreg:$0x4];
	[sflag:s23] =	ssyncadd.s32 $0xFFFFC000  }
0x2e: {  	[spmem:s5] =	stream.linear.scatter [tilespmem:s22], [sflag:$0x3], $0x4000, $0x38;
	[tilespmem:$0x1D800] =	vst v63  }
0x2f: {  	_ =	swait.ge [sflag:s23], $0x4000  }
0x30: {  	[sflag:s23] =	ssyncset.done $0x0  }
0x31: {  	s28 =	rddreg [dreg:$0x5];
	[sflag:s23] =	ssyncadd.s32 $0xFFFFC000  }
0x32: {  	[spmem:s28] =	stream.linear.scatter [tilespmem:s22], [sflag:$0x3], $0x4000, $0x38;
	[tilespmem:$0x1D800] =	vst v63  }
0x33: {  	_ =	swait.ge [sflag:s23], $0x4000  }
0x34: {  	[sflag:s23] =	ssyncset.done $0x0  }
0x35: {  	s0 =	rddreg [dreg:$0x6];
	[sflag:s23] =	ssyncadd.s32 $0xFFFFC000  }
0x36: {  	[spmem:s0] =	stream.linear.scatter [tilespmem:s22], [sflag:$0x3], $0x4000, $0x38;
	[tilespmem:$0x1D800] =	vst v63  }
0x37: {  	_ =	swait.ge [sflag:s23], $0x4000  }
0x38: {  	[sflag:s23] =	ssyncset.done $0x0  }
0x39: {  	s9 =	rddreg [dreg:$0x7];
	[sflag:s23] =	ssyncadd.s32 $0xFFFFC000  }
0x3a: {  	[spmem:s9] =	stream.linear.scatter [tilespmem:s22], [sflag:$0x3], $0x4000, $0x38;
	[tilespmem:$0x1D800] =	vst v63  }
0x3b: {  	_ =	swait.ge [sflag:s23], $0x4000  }
0x3c: {  	[sflag:s23] =	ssyncset.done $0x0  }
0x3d: {  	s13 =	rddreg [dreg:$0x8];
	[sflag:s23] =	ssyncadd.s32 $0xFFFFC000  }
0x3e: {  	[tilespmem:s3], [sflag:$0x3] =	stream.linear.gather [hbm4b:s13+s3], $0x800, $0x38;
	[tilespmem:$0x1D800] =	vst v63  }
0x3f: {  	_ =	swait.ge [sflag:s23], $0x800  }
0x40: {  	[sflag:s23] =	ssyncset.done $0x0  }
0x41: {  	[sflag:s23] =	ssyncadd.s32 $0xFFFFF800  }
0x42: {  	[bflag:$0x0] =	sbarrier.arrive $0xFFFF  }
0x43: {  	[tilespmem:s22], [sflag:$0x1] =	stream.indirect.gather [hbm4b:s4+s24], $0x80, s3, s24, $0xb8;
	[tilespmem:$0x1D800] =	vst v63  }
0x44: {  	_ = 	snop  }
0x45: {  	[tilespmem:s25], [sflag:$0x2] =	stream.indirect.gather [hbm4b:s4+s24], $0x80, s24, s24, $0xb8;
	[tilespmem:$0x1D800] =	vst v63  }
0x46: {  	s28 =	rddreg [dreg:$0x9]  }
0x47: {  	[tilespmem:s26], [sflag:$0x3] =	stream.linear.gather [hbm4b:s28+s3], $0x800, $0x38;
	[tilespmem:$0x1D800] =	vst v63  }
0x48: {  	_ =	swait.ge [sflag:s23], $0x800  }
0x49: {  	[sflag:s23] =	ssyncset.done $0x0  }
0x4a: {  	s13 =	simm.s32 $0x800;
	s0 =	rddreg [dreg:$0xa];
	[sflag:s23] =	ssyncadd.s32 $0xFFFFF800  }
0x4b: {  	[tilespmem:s13], [sflag:$0x3] =	stream.linear.gather [hbm4b:s0+s3], $0x800, $0x38;
	[tilespmem:$0x1D800] =	vst v63  }
0x4c: {  	_ =	swait.ge [sflag:s23], $0x800  }
0x4d: {  	[sflag:s23] =	ssyncset.done $0x0  }
0x4e: {  	[sflag:s23] =	ssyncadd.s32 $0xFFFFF800  }
0x4f: {  	_ =	swait.ge [sflag:s29], $0x4000  }
0x50: {  	[sflag:s29] =	ssyncset.done $0x0  }
0x51: {  	[sflag:s29] =	ssyncadd.s32 $0xFFFFC000  }
0x52: {  	[spmem:s1] =	stream.indirect.scatter.add.f32 [tilespmem:s22], [sflag:$0x3], $0x80, s26, s24, $0xb8;
	[tilespmem:$0x1D800] =	vst v63  }
0x53: {  	_ =	swait.ge [sflag:s23], $0x4000  }
0x54: {  	[sflag:s23] =	ssyncset.done $0x0  }
0x55: {  	s9 =	simm.s32 $0x100;
	[sflag:s23] =	ssyncadd.s32 $0xFFFFC000  }
0x56: {  	[tilespmem:s22], [sflag:$0x1] =	stream.indirect.gather [hbm4b:s4+s24], $0x80, s9, s24, $0xb8;
	[tilespmem:$0x1D800] =	vst v63  }
0x57: {  	_ =	swait.ge [sflag:s31], $0x4000  }
0x58: {  	[sflag:s31] =	ssyncset.done $0x0  }
0x59: {  	[sflag:s31] =	ssyncadd.s32 $0xFFFFC000  }
0x5a: {  	[spmem:s1] =	stream.indirect.scatter.add.f32 [tilespmem:s25], [sflag:$0x3], $0x80, s6, s24, $0xb8;
	[tilespmem:$0x1D800] =	vst v63  }
0x5b: {  	_ =	swait.ge [sflag:s23], $0x4000  }
0x5c: {  	[sflag:s23] =	ssyncset.done $0x0  }
0x5d: {  	s28 =	simm.s32 $0x180;
	[sflag:s23] =	ssyncadd.s32 $0xFFFFC000  }
0x5e: {  	[tilespmem:s25], [sflag:$0x2] =	stream.indirect.gather [hbm4b:s4+s24], $0x80, s28, s24, $0xb8;
	[tilespmem:$0x1D800] =	vst v63  }
0x5f: {  	_ =	swait.ge [sflag:s29], $0x4000  }
0x60: {  	[sflag:s29] =	ssyncset.done $0x0  }
0x61: {  	[sflag:s29] =	ssyncadd.s32 $0xFFFFC000  }
0x62: {  	[spmem:s1] =	stream.indirect.scatter.add.f32 [tilespmem:s22], [sflag:$0x3], $0x80, s8, s24, $0xb8;
	[tilespmem:$0x1D800] =	vst v63  }
0x63: {  	_ =	swait.ge [sflag:s23], $0x4000  }
0x64: {  	[sflag:s23] =	ssyncset.done $0x0  }
0x65: {  	s5 =	simm.s32 $0x200;
	[sflag:s23] =	ssyncadd.s32 $0xFFFFC000  }
0x66: {  	[tilespmem:s22], [sflag:$0x1] =	stream.indirect.gather [hbm4b:s4+s24], $0x80, s5, s24, $0xb8;
	[tilespmem:$0x1D800] =	vst v63  }
0x67: {  	_ =	swait.ge [sflag:s31], $0x4000  }
0x68: {  	[sflag:s31] =	ssyncset.done $0x0  }
0x69: {  	[sflag:s31] =	ssyncadd.s32 $0xFFFFC000  }
0x6a: {  	[spmem:s1] =	stream.indirect.scatter.add.f32 [tilespmem:s25], [sflag:$0x3], $0x80, s12, s24, $0xb8;
	[tilespmem:$0x1D800] =	vst v63  }
0x6b: {  	_ =	swait.ge [sflag:s23], $0x4000  }
0x6c: {  	[sflag:s23] =	ssyncset.done $0x0  }
0x6d: {  	s9 =	simm.s32 $0x280;
	[sflag:s23] =	ssyncadd.s32 $0xFFFFC000  }
0x6e: {  	[tilespmem:s25], [sflag:$0x2] =	stream.indirect.gather [hbm4b:s4+s24], $0x80, s9, s24, $0xb8;
	[tilespmem:$0x1D800] =	vst v63  }
0x6f: {  	_ =	swait.ge [sflag:s29], $0x4000  }
0x70: {  	[sflag:s29] =	ssyncset.done $0x0  }
0x71: {  	[sflag:s29] =	ssyncadd.s32 $0xFFFFC000  }
0x72: {  	[spmem:s1] =	stream.indirect.scatter.add.f32 [tilespmem:s22], [sflag:$0x3], $0x80, s16, s24, $0xb8;
	[tilespmem:$0x1D800] =	vst v63  }
0x73: {  	_ =	swait.ge [sflag:s23], $0x4000  }
0x74: {  	[sflag:s23] =	ssyncset.done $0x0  }
0x75: {  	s28 =	simm.s32 $0x300;
	[sflag:s23] =	ssyncadd.s32 $0xFFFFC000  }
0x76: {  	[tilespmem:s22], [sflag:$0x1] =	stream.indirect.gather [hbm4b:s4+s24], $0x80, s28, s24, $0xb8;
	[tilespmem:$0x1D800] =	vst v63  }
0x77: {  	_ =	swait.ge [sflag:s31], $0x4000  }
0x78: {  	[sflag:s31] =	ssyncset.done $0x0  }
0x79: {  	[sflag:s31] =	ssyncadd.s32 $0xFFFFC000  }
0x7a: {  	[spmem:s1] =	stream.indirect.scatter.add.f32 [tilespmem:s25], [sflag:$0x3], $0x80, s20, s24, $0xb8;
	[tilespmem:$0x1D800] =	vst v63  }
0x7b: {  	_ =	swait.ge [sflag:s23], $0x4000  }
0x7c: {  	[sflag:s23] =	ssyncset.done $0x0  }
0x7d: {  	s5 =	simm.s32 $0x380;
	[sflag:s23] =	ssyncadd.s32 $0xFFFFC000  }
0x7e: {  	[tilespmem:s25], [sflag:$0x2] =	stream.indirect.gather [hbm4b:s4+s24], $0x80, s5, s24, $0xb8;
	[tilespmem:$0x1D800] =	vst v63  }
0x7f: {  	_ =	swait.ge [sflag:s29], $0x4000  }
0x80: {  	[sflag:s29] =	ssyncset.done $0x0  }
0x81: {  	[sflag:s29] =	ssyncadd.s32 $0xFFFFC000  }
0x82: {  	[spmem:s1] =	stream.indirect.scatter.add.f32 [tilespmem:s22], [sflag:$0x3], $0x80, s7, s24, $0xb8;
	[tilespmem:$0x1D800] =	vst v63  }
0x83: {  	_ =	swait.ge [sflag:s23], $0x4000  }
0x84: {  	[sflag:s23] =	ssyncset.done $0x0  }
0x85: {  	s9 =	simm.s32 $0x400;
	[sflag:s23] =	ssyncadd.s32 $0xFFFFC000  }
0x86: {  	[tilespmem:s22], [sflag:$0x1] =	stream.indirect.gather [hbm4b:s4+s24], $0x80, s9, s24, $0xb8;
	[tilespmem:$0x1D800] =	vst v63  }
0x87: {  	_ =	swait.ge [sflag:s31], $0x4000  }
0x88: {  	[sflag:s31] =	ssyncset.done $0x0  }
0x89: {  	[sflag:s31] =	ssyncadd.s32 $0xFFFFC000  }
0x8a: {  	[spmem:s1] =	stream.indirect.scatter.add.f32 [tilespmem:s25], [sflag:$0x3], $0x80, s15, s24, $0xb8;
	[tilespmem:$0x1D800] =	vst v63  }
0x8b: {  	_ =	swait.ge [sflag:s23], $0x4000  }
0x8c: {  	[sflag:s23] =	ssyncset.done $0x0  }
0x8d: {  	s28 =	simm.s32 $0x480;
	[sflag:s23] =	ssyncadd.s32 $0xFFFFC000  }
0x8e: {  	[tilespmem:s25], [sflag:$0x2] =	stream.indirect.gather [hbm4b:s4+s24], $0x80, s28, s24, $0xb8;
	[tilespmem:$0x1D800] =	vst v63  }
0x8f: {  	_ =	swait.ge [sflag:s29], $0x4000  }
0x90: {  	[sflag:s29] =	ssyncset.done $0x0  }
0x91: {  	[sflag:s29] =	ssyncadd.s32 $0xFFFFC000  }
0x92: {  	[spmem:s1] =	stream.indirect.scatter.add.f32 [tilespmem:s22], [sflag:$0x3], $0x80, s19, s24, $0xb8;
	[tilespmem:$0x1D800] =	vst v63  }
0x93: {  	_ =	swait.ge [sflag:s23], $0x4000  }
0x94: {  	[sflag:s23] =	ssyncset.done $0x0  }
0x95: {  	s5 =	simm.s32 $0x500;
	[sflag:s23] =	ssyncadd.s32 $0xFFFFC000  }
0x96: {  	[tilespmem:s22], [sflag:$0x1] =	stream.indirect.gather [hbm4b:s4+s24], $0x80, s5, s24, $0xb8;
	[tilespmem:$0x1D800] =	vst v63  }
0x97: {  	_ =	swait.ge [sflag:s31], $0x4000  }
0x98: {  	[sflag:s31] =	ssyncset.done $0x0  }
0x99: {  	s0 =	simm.s32 $0x1480;
	[sflag:s31] =	ssyncadd.s32 $0xFFFFC000  }
0x9a: {  	[spmem:s1] =	stream.indirect.scatter.add.f32 [tilespmem:s25], [sflag:$0x3], $0x80, s0, s24, $0xb8;
	[tilespmem:$0x1D800] =	vst v63  }
0x9b: {  	_ =	swait.ge [sflag:s23], $0x4000  }
0x9c: {  	[sflag:s23] =	ssyncset.done $0x0  }
0x9d: {  	s9 =	simm.s32 $0x580;
	[sflag:s23] =	ssyncadd.s32 $0xFFFFC000  }
0x9e: {  	[tilespmem:s25], [sflag:$0x2] =	stream.indirect.gather [hbm4b:s4+s24], $0x80, s9, s24, $0xb8;
	[tilespmem:$0x1D800] =	vst v63  }
0x9f: {  	_ =	swait.ge [sflag:s29], $0x4000  }
0xa0: {  	[sflag:s29] =	ssyncset.done $0x0  }
0xa1: {  	s9 =	simm.s32 $0x1500;
	[sflag:s29] =	ssyncadd.s32 $0xFFFFC000  }
0xa2: {  	[spmem:s1] =	stream.indirect.scatter.add.f32 [tilespmem:s22], [sflag:$0x3], $0x80, s9, s24, $0xb8;
	[tilespmem:$0x1D800] =	vst v63  }
0xa3: {  	_ =	swait.ge [sflag:s23], $0x4000  }
0xa4: {  	[sflag:s23] =	ssyncset.done $0x0  }
0xa5: {  	s28 =	simm.s32 $0x600;
	[sflag:s23] =	ssyncadd.s32 $0xFFFFC000  }
0xa6: {  	[tilespmem:s22], [sflag:$0x1] =	stream.indirect.gather [hbm4b:s4+s24], $0x80, s28, s24, $0xb8;
	[tilespmem:$0x1D800] =	vst v63  }
0xa7: {  	_ =	swait.ge [sflag:s31], $0x4000  }
0xa8: {  	[sflag:s31] =	ssyncset.done $0x0  }
0xa9: {  	[sflag:s31] =	ssyncadd.s32 $0xFFFFC000  }
0xaa: {  	[spmem:s1] =	stream.indirect.scatter.add.f32 [tilespmem:s25], [sflag:$0x3], $0x80, s10, s24, $0xb8;
	[tilespmem:$0x1D800] =	vst v63  }
0xab: {  	_ =	swait.ge [sflag:s23], $0x4000  }
0xac: {  	[sflag:s23] =	ssyncset.done $0x0  }
0xad: {  	s28 =	simm.s32 $0x680;
	[sflag:s23] =	ssyncadd.s32 $0xFFFFC000  }
0xae: {  	[tilespmem:s25], [sflag:$0x2] =	stream.indirect.gather [hbm4b:s4+s24], $0x80, s28, s24, $0xb8;
	[tilespmem:$0x1D800] =	vst v63  }
0xaf: {  	_ =	swait.ge [sflag:s29], $0x4000  }
0xb0: {  	[sflag:s29] =	ssyncset.done $0x0  }
0xb1: {  	[sflag:s29] =	ssyncadd.s32 $0xFFFFC000  }
0xb2: {  	[spmem:s1] =	stream.indirect.scatter.add.f32 [tilespmem:s22], [sflag:$0x3], $0x80, s11, s24, $0xb8;
	[tilespmem:$0x1D800] =	vst v63  }
0xb3: {  	_ =	swait.ge [sflag:s23], $0x4000  }
0xb4: {  	[sflag:s23] =	ssyncset.done $0x0  }
0xb5: {  	s28 =	simm.s32 $0x700;
	[sflag:s23] =	ssyncadd.s32 $0xFFFFC000  }
0xb6: {  	[tilespmem:s22], [sflag:$0x1] =	stream.indirect.gather [hbm4b:s4+s24], $0x80, s28, s24, $0xb8;
	[tilespmem:$0x1D800] =	vst v63  }
0xb7: {  	_ =	swait.ge [sflag:s31], $0x4000  }
0xb8: {  	[sflag:s31] =	ssyncset.done $0x0  }
0xb9: {  	[sflag:s31] =	ssyncadd.s32 $0xFFFFC000  }
0xba: {  	[spmem:s1] =	stream.indirect.scatter.add.f32 [tilespmem:s25], [sflag:$0x3], $0x80, s14, s24, $0xb8;
	[tilespmem:$0x1D800] =	vst v63  }
0xbb: {  	_ =	swait.ge [sflag:s23], $0x4000  }
0xbc: {  	[sflag:s23] =	ssyncset.done $0x0  }
0xbd: {  	[sflag:s23] =	ssyncadd.s32 $0xFFFFC000  }
0xbe: {  	[tilespmem:s25], [sflag:$0x2] =	stream.indirect.gather [hbm4b:s4+s24], $0x80, s21, s24, $0xb8;
	[tilespmem:$0x1D800] =	vst v63  }
0xbf: {  	_ =	swait.ge [sflag:s29], $0x4000  }
0xc0: {  	[sflag:s29] =	ssyncset.done $0x0  }
0xc1: {  	[sflag:s29] =	ssyncadd.s32 $0xFFFFC000  }
0xc2: {  	[spmem:s1] =	stream.indirect.scatter.add.f32 [tilespmem:s22], [sflag:$0x3], $0x80, s17, s24, $0xb8;
	[tilespmem:$0x1D800] =	vst v63  }
0xc3: {  	_ =	swait.ge [sflag:s23], $0x4000  }
0xc4: {  	[sflag:s23] =	ssyncset.done $0x0  }
0xc5: {  	[sflag:s23] =	ssyncadd.s32 $0xFFFFC000  }
0xc6: {  	[tilespmem:s22], [sflag:$0x1] =	stream.indirect.gather [hbm4b:s4+s24], $0x80, s13, s24, $0xb8;
	[tilespmem:$0x1D800] =	vst v63  }
0xc7: {  	_ =	swait.ge [sflag:s31], $0x4000  }
0xc8: {  	[sflag:s31] =	ssyncset.done $0x0  }
0xc9: {  	[sflag:s31] =	ssyncadd.s32 $0xFFFFC000  }
0xca: {  	[spmem:s1] =	stream.indirect.scatter.add.f32 [tilespmem:s25], [sflag:$0x3], $0x80, s18, s24, $0xb8;
	[tilespmem:$0x1D800] =	vst v63  }
0xcb: {  	_ =	swait.ge [sflag:s23], $0x4000  }
0xcc: {  	[sflag:s23] =	ssyncset.done $0x0  }
0xcd: {  	s28 =	simm.s32 $0x880;
	[sflag:s23] =	ssyncadd.s32 $0xFFFFC000  }
0xce: {  	[tilespmem:s25], [sflag:$0x2] =	stream.indirect.gather [hbm4b:s4+s24], $0x80, s28, s24, $0xb8;
	[tilespmem:$0x1D800] =	vst v63  }
0xcf: {  	s5 =	rddreg [dreg:$0xb]  }
0xd0: {  	[tilespmem:s26], [sflag:$0x3] =	stream.linear.gather [hbm4b:s5+s3], $0x800, $0x38;
	[tilespmem:$0x1D800] =	vst v63  }
0xd1: {  	_ =	swait.ge [sflag:s23], $0x800  }
0xd2: {  	[sflag:s23] =	ssyncset.done $0x0  }
0xd3: {  	s5 =	rddreg [dreg:$0xc];
	[sflag:s23] =	ssyncadd.s32 $0xFFFFF800  }
0xd4: {  	[tilespmem:s3], [sflag:$0x3] =	stream.linear.gather [hbm4b:s5+s3], $0x800, $0x38;
	[tilespmem:$0x1D800] =	vst v63  }
0xd5: {  	_ =	swait.ge [sflag:s23], $0x800  }
0xd6: {  	[sflag:s23] =	ssyncset.done $0x0  }
0xd7: {  	[sflag:s23] =	ssyncadd.s32 $0xFFFFF800  }
0xd8: {  	_ =	swait.ge [sflag:s29], $0x4000  }
0xd9: {  	[sflag:s29] =	ssyncset.done $0x0  }
0xda: {  	[sflag:s29] =	ssyncadd.s32 $0xFFFFC000  }
0xdb: {  	[spmem:s1] =	stream.indirect.scatter.add.f32 [tilespmem:s22], [sflag:$0x3], $0x80, s26, s24, $0xb8;
	[tilespmem:$0x1D800] =	vst v63  }
0xdc: {  	_ =	swait.ge [sflag:s23], $0x4000  }
0xdd: {  	[sflag:s23] =	ssyncset.done $0x0  }
0xde: {  	[sflag:s23] =	ssyncadd.s32 $0xFFFFC000  }
0xdf: {  	[tilespmem:s22], [sflag:$0x1] =	stream.indirect.gather [hbm4b:s4+s24], $0x80, s30, s24, $0xb8;
	[tilespmem:$0x1D800] =	vst v63  }
0xe0: {  	_ =	swait.ge [sflag:s31], $0x4000  }
0xe1: {  	[sflag:s31] =	ssyncset.done $0x0  }
0xe2: {  	[sflag:s31] =	ssyncadd.s32 $0xFFFFC000  }
0xe3: {  	[spmem:s1] =	stream.indirect.scatter.add.f32 [tilespmem:s25], [sflag:$0x3], $0x80, s6, s24, $0xb8;
	[tilespmem:$0x1D800] =	vst v63  }
0xe4: {  	_ =	swait.ge [sflag:s23], $0x4000  }
0xe5: {  	[sflag:s23] =	ssyncset.done $0x0  }
0xe6: {  	s5 =	simm.s32 $0x980;
	[sflag:s23] =	ssyncadd.s32 $0xFFFFC000  }
0xe7: {  	[tilespmem:s25], [sflag:$0x2] =	stream.indirect.gather [hbm4b:s4+s24], $0x80, s5, s24, $0xb8;
	[tilespmem:$0x1D800] =	vst v63  }
0xe8: {  	_ =	swait.ge [sflag:s29], $0x4000  }
0xe9: {  	[sflag:s29] =	ssyncset.done $0x0  }
0xea: {  	[sflag:s29] =	ssyncadd.s32 $0xFFFFC000  }
0xeb: {  	[spmem:s1] =	stream.indirect.scatter.add.f32 [tilespmem:s22], [sflag:$0x3], $0x80, s8, s24, $0xb8;
	[tilespmem:$0x1D800] =	vst v63  }
0xec: {  	_ =	swait.ge [sflag:s23], $0x4000  }
0xed: {  	[sflag:s23] =	ssyncset.done $0x0  }
0xee: {  	s5 =	simm.s32 $0xA00;
	[sflag:s23] =	ssyncadd.s32 $0xFFFFC000  }
0xef: {  	[tilespmem:s22], [sflag:$0x1] =	stream.indirect.gather [hbm4b:s4+s24], $0x80, s5, s24, $0xb8;
	[tilespmem:$0x1D800] =	vst v63  }
0xf0: {  	_ =	swait.ge [sflag:s31], $0x4000  }
0xf1: {  	[sflag:s31] =	ssyncset.done $0x0  }
0xf2: {  	[sflag:s31] =	ssyncadd.s32 $0xFFFFC000  }
0xf3: {  	[spmem:s1] =	stream.indirect.scatter.add.f32 [tilespmem:s25], [sflag:$0x3], $0x80, s12, s24, $0xb8;
	[tilespmem:$0x1D800] =	vst v63  }
0xf4: {  	_ =	swait.ge [sflag:s23], $0x4000  }
0xf5: {  	[sflag:s23] =	ssyncset.done $0x0  }
0xf6: {  	s5 =	simm.s32 $0xA80;
	[sflag:s23] =	ssyncadd.s32 $0xFFFFC000  }
0xf7: {  	[tilespmem:s25], [sflag:$0x2] =	stream.indirect.gather [hbm4b:s4+s24], $0x80, s5, s24, $0xb8;
	[tilespmem:$0x1D800] =	vst v63  }
0xf8: {  	_ =	swait.ge [sflag:s29], $0x4000  }
0xf9: {  	[sflag:s29] =	ssyncset.done $0x0  }
0xfa: {  	[sflag:s29] =	ssyncadd.s32 $0xFFFFC000  }
0xfb: {  	[spmem:s1] =	stream.indirect.scatter.add.f32 [tilespmem:s22], [sflag:$0x3], $0x80, s16, s24, $0xb8;
	[tilespmem:$0x1D800] =	vst v63  }
0xfc: {  	_ =	swait.ge [sflag:s23], $0x4000  }
0xfd: {  	[sflag:s23] =	ssyncset.done $0x0  }
0xfe: {  	s5 =	simm.s32 $0xB00;
	[sflag:s23] =	ssyncadd.s32 $0xFFFFC000  }
0xff: {  	[tilespmem:s22], [sflag:$0x1] =	stream.indirect.gather [hbm4b:s4+s24], $0x80, s5, s24, $0xb8;
	[tilespmem:$0x1D800] =	vst v63  }
0x100: {  	_ =	swait.ge [sflag:s31], $0x4000  }
0x101: {  	[sflag:s31] =	ssyncset.done $0x0  }
0x102: {  	[sflag:s31] =	ssyncadd.s32 $0xFFFFC000  }
0x103: {  	[spmem:s1] =	stream.indirect.scatter.add.f32 [tilespmem:s25], [sflag:$0x3], $0x80, s20, s24, $0xb8;
	[tilespmem:$0x1D800] =	vst v63  }
0x104: {  	_ =	swait.ge [sflag:s23], $0x4000  }
0x105: {  	[sflag:s23] =	ssyncset.done $0x0  }
0x106: {  	s5 =	simm.s32 $0xB80;
	[sflag:s23] =	ssyncadd.s32 $0xFFFFC000  }
0x107: {  	[tilespmem:s25], [sflag:$0x2] =	stream.indirect.gather [hbm4b:s4+s24], $0x80, s5, s24, $0xb8;
	[tilespmem:$0x1D800] =	vst v63  }
0x108: {  	_ =	swait.ge [sflag:s29], $0x4000  }
0x109: {  	[sflag:s29] =	ssyncset.done $0x0  }
0x10a: {  	[sflag:s29] =	ssyncadd.s32 $0xFFFFC000  }
0x10b: {  	[spmem:s1] =	stream.indirect.scatter.add.f32 [tilespmem:s22], [sflag:$0x3], $0x80, s7, s24, $0xb8;
	[tilespmem:$0x1D800] =	vst v63  }
0x10c: {  	_ =	swait.ge [sflag:s23], $0x4000  }
0x10d: {  	[sflag:s23] =	ssyncset.done $0x0  }
0x10e: {  	s5 =	simm.s32 $0xC00;
	[sflag:s23] =	ssyncadd.s32 $0xFFFFC000  }
0x10f: {  	[tilespmem:s22], [sflag:$0x1] =	stream.indirect.gather [hbm4b:s4+s24], $0x80, s5, s24, $0xb8;
	[tilespmem:$0x1D800] =	vst v63  }
0x110: {  	_ =	swait.ge [sflag:s31], $0x4000  }
0x111: {  	[sflag:s31] =	ssyncset.done $0x0  }
0x112: {  	[sflag:s31] =	ssyncadd.s32 $0xFFFFC000  }
0x113: {  	[spmem:s1] =	stream.indirect.scatter.add.f32 [tilespmem:s25], [sflag:$0x3], $0x80, s15, s24, $0xb8;
	[tilespmem:$0x1D800] =	vst v63  }
0x114: {  	_ =	swait.ge [sflag:s23], $0x4000  }
0x115: {  	[sflag:s23] =	ssyncset.done $0x0  }
0x116: {  	s5 =	simm.s32 $0xC80;
	[sflag:s23] =	ssyncadd.s32 $0xFFFFC000  }
0x117: {  	[tilespmem:s25], [sflag:$0x2] =	stream.indirect.gather [hbm4b:s4+s24], $0x80, s5, s24, $0xb8;
	[tilespmem:$0x1D800] =	vst v63  }
0x118: {  	_ =	swait.ge [sflag:s29], $0x4000  }
0x119: {  	[sflag:s29] =	ssyncset.done $0x0  }
0x11a: {  	[sflag:s29] =	ssyncadd.s32 $0xFFFFC000  }
0x11b: {  	[spmem:s1] =	stream.indirect.scatter.add.f32 [tilespmem:s22], [sflag:$0x3], $0x80, s19, s24, $0xb8;
	[tilespmem:$0x1D800] =	vst v63  }
0x11c: {  	_ =	swait.ge [sflag:s23], $0x4000  }
0x11d: {  	[sflag:s23] =	ssyncset.done $0x0  }
0x11e: {  	s5 =	simm.s32 $0xD00;
	[sflag:s23] =	ssyncadd.s32 $0xFFFFC000  }
0x11f: {  	[tilespmem:s22], [sflag:$0x1] =	stream.indirect.gather [hbm4b:s4+s24], $0x80, s5, s24, $0xb8;
	[tilespmem:$0x1D800] =	vst v63  }
0x120: {  	_ =	swait.ge [sflag:s31], $0x4000  }
0x121: {  	[sflag:s31] =	ssyncset.done $0x0  }
0x122: {  	[sflag:s31] =	ssyncadd.s32 $0xFFFFC000  }
0x123: {  	[spmem:s1] =	stream.indirect.scatter.add.f32 [tilespmem:s25], [sflag:$0x3], $0x80, s0, s24, $0xb8;
	[tilespmem:$0x1D800] =	vst v63  }
0x124: {  	_ =	swait.ge [sflag:s23], $0x4000  }
0x125: {  	[sflag:s23] =	ssyncset.done $0x0  }
0x126: {  	s5 =	simm.s32 $0xD80;
	[sflag:s23] =	ssyncadd.s32 $0xFFFFC000  }
0x127: {  	[tilespmem:s25], [sflag:$0x2] =	stream.indirect.gather [hbm4b:s4+s24], $0x80, s5, s24, $0xb8;
	[tilespmem:$0x1D800] =	vst v63  }
0x128: {  	_ =	swait.ge [sflag:s29], $0x4000  }
0x129: {  	[sflag:s29] =	ssyncset.done $0x0  }
0x12a: {  	[sflag:s29] =	ssyncadd.s32 $0xFFFFC000  }
0x12b: {  	[spmem:s1] =	stream.indirect.scatter.add.f32 [tilespmem:s22], [sflag:$0x3], $0x80, s9, s24, $0xb8;
	[tilespmem:$0x1D800] =	vst v63  }
0x12c: {  	_ =	swait.ge [sflag:s23], $0x4000  }
0x12d: {  	[sflag:s23] =	ssyncset.done $0x0  }
0x12e: {  	s5 =	simm.s32 $0xE00;
	[sflag:s23] =	ssyncadd.s32 $0xFFFFC000  }
0x12f: {  	[tilespmem:s22], [sflag:$0x1] =	stream.indirect.gather [hbm4b:s4+s24], $0x80, s5, s24, $0xb8;
	[tilespmem:$0x1D800] =	vst v63  }
0x130: {  	_ =	swait.ge [sflag:s31], $0x4000  }
0x131: {  	[sflag:s31] =	ssyncset.done $0x0  }
0x132: {  	[sflag:s31] =	ssyncadd.s32 $0xFFFFC000  }
0x133: {  	[spmem:s1] =	stream.indirect.scatter.add.f32 [tilespmem:s25], [sflag:$0x3], $0x80, s10, s24, $0xb8;
	[tilespmem:$0x1D800] =	vst v63  }
0x134: {  	_ =	swait.ge [sflag:s23], $0x4000  }
0x135: {  	[sflag:s23] =	ssyncset.done $0x0  }
0x136: {  	s5 =	simm.s32 $0xE80;
	[sflag:s23] =	ssyncadd.s32 $0xFFFFC000  }
0x137: {  	[tilespmem:s25], [sflag:$0x2] =	stream.indirect.gather [hbm4b:s4+s24], $0x80, s5, s24, $0xb8;
	[tilespmem:$0x1D800] =	vst v63  }
0x138: {  	_ =	swait.ge [sflag:s29], $0x4000  }
0x139: {  	[sflag:s29] =	ssyncset.done $0x0  }
0x13a: {  	[sflag:s29] =	ssyncadd.s32 $0xFFFFC000  }
0x13b: {  	[spmem:s1] =	stream.indirect.scatter.add.f32 [tilespmem:s22], [sflag:$0x3], $0x80, s11, s24, $0xb8;
	[tilespmem:$0x1D800] =	vst v63  }
0x13c: {  	_ =	swait.ge [sflag:s23], $0x4000  }
0x13d: {  	[sflag:s23] =	ssyncset.done $0x0  }
0x13e: {  	s5 =	simm.s32 $0xF00;
	[sflag:s23] =	ssyncadd.s32 $0xFFFFC000  }
0x13f: {  	[tilespmem:s22], [sflag:$0x1] =	stream.indirect.gather [hbm4b:s4+s24], $0x80, s5, s24, $0xb8;
	[tilespmem:$0x1D800] =	vst v63  }
0x140: {  	_ =	swait.ge [sflag:s31], $0x4000  }
0x141: {  	[sflag:s31] =	ssyncset.done $0x0  }
0x142: {  	[sflag:s31] =	ssyncadd.s32 $0xFFFFC000  }
0x143: {  	[spmem:s1] =	stream.indirect.scatter.add.f32 [tilespmem:s25], [sflag:$0x3], $0x80, s14, s24, $0xb8;
	[tilespmem:$0x1D800] =	vst v63  }
0x144: {  	_ =	swait.ge [sflag:s23], $0x4000  }
0x145: {  	[sflag:s23] =	ssyncset.done $0x0  }
0x146: {  	s5 =	simm.s32 $0xF80;
	[sflag:s23] =	ssyncadd.s32 $0xFFFFC000  }
0x147: {  	[tilespmem:s25], [sflag:$0x2] =	stream.indirect.gather [hbm4b:s4+s24], $0x80, s5, s24, $0xb8;
	[tilespmem:$0x1D800] =	vst v63  }
0x148: {  	_ =	swait.ge [sflag:s29], $0x4000  }
0x149: {  	[sflag:s29] =	ssyncset.done $0x0  }
0x14a: {  	[sflag:s29] =	ssyncadd.s32 $0xFFFFC000  }
0x14b: {  	[spmem:s1] =	stream.indirect.scatter.add.f32 [tilespmem:s22], [sflag:$0x3], $0x80, s17, s24, $0xb8;
	[tilespmem:$0x1D800] =	vst v63  }
0x14c: {  	_ =	swait.ge [sflag:s23], $0x4000  }
0x14d: {  	[sflag:s23] =	ssyncset.done $0x0  }
0x14e: {  	[sflag:s23] =	ssyncadd.s32 $0xFFFFC000  }
0x14f: {  	[tilespmem:s22], [sflag:$0x1] =	stream.indirect.gather [hbm4b:s4+s24], $0x80, s3, s24, $0xb8;
	[tilespmem:$0x1D800] =	vst v63  }
0x150: {  	_ =	swait.ge [sflag:s31], $0x4000  }
0x151: {  	[sflag:s31] =	ssyncset.done $0x0  }
0x152: {  	[sflag:s31] =	ssyncadd.s32 $0xFFFFC000  }
0x153: {  	[spmem:s1] =	stream.indirect.scatter.add.f32 [tilespmem:s25], [sflag:$0x3], $0x80, s18, s24, $0xb8;
	[tilespmem:$0x1D800] =	vst v63  }
0x154: {  	_ =	swait.ge [sflag:s23], $0x4000  }
0x155: {  	[sflag:s23] =	ssyncset.done $0x0  }
0x156: {  	[sflag:s23] =	ssyncadd.s32 $0xFFFFC000  }
0x157: {  	[tilespmem:s25], [sflag:$0x2] =	stream.indirect.gather [hbm4b:s4+s24], $0x80, s24, s24, $0xb8;
	[tilespmem:$0x1D800] =	vst v63  }
0x158: {  	s5 =	rddreg [dreg:$0xd]  }
0x159: {  	[tilespmem:s26], [sflag:$0x3] =	stream.linear.gather [hbm4b:s5+s3], $0x800, $0x38;
	[tilespmem:$0x1D800] =	vst v63  }
0x15a: {  	_ =	swait.ge [sflag:s23], $0x800  }
0x15b: {  	[sflag:s23] =	ssyncset.done $0x0  }
0x15c: {  	s5 =	rddreg [dreg:$0xe];
	[sflag:s23] =	ssyncadd.s32 $0xFFFFF800  }
0x15d: {  	[tilespmem:s13], [sflag:$0x3] =	stream.linear.gather [hbm4b:s5+s3], $0x800, $0x38;
	[tilespmem:$0x1D800] =	vst v63  }
0x15e: {  	_ =	swait.ge [sflag:s23], $0x800  }
0x15f: {  	[sflag:s23] =	ssyncset.done $0x0  }
0x160: {  	[sflag:s23] =	ssyncadd.s32 $0xFFFFF800  }
0x161: {  	_ =	swait.ge [sflag:s29], $0x4000  }
0x162: {  	[sflag:s29] =	ssyncset.done $0x0  }
0x163: {  	[sflag:s29] =	ssyncadd.s32 $0xFFFFC000  }
0x164: {  	[spmem:s1] =	stream.indirect.scatter.add.f32 [tilespmem:s22], [sflag:$0x3], $0x80, s26, s24, $0xb8;
	[tilespmem:$0x1D800] =	vst v63  }
0x165: {  	_ =	swait.ge [sflag:s23], $0x4000  }
0x166: {  	[sflag:s23] =	ssyncset.done $0x0  }
0x167: {  	s5 =	simm.s32 $0x100;
	[sflag:s23] =	ssyncadd.s32 $0xFFFFC000  }
0x168: {  	[tilespmem:s22], [sflag:$0x1] =	stream.indirect.gather [hbm4b:s4+s24], $0x80, s5, s24, $0xb8;
	[tilespmem:$0x1D800] =	vst v63  }
0x169: {  	_ =	swait.ge [sflag:s31], $0x4000  }
0x16a: {  	[sflag:s31] =	ssyncset.done $0x0  }
0x16b: {  	[sflag:s31] =	ssyncadd.s32 $0xFFFFC000  }
0x16c: {  	[spmem:s1] =	stream.indirect.scatter.add.f32 [tilespmem:s25], [sflag:$0x3], $0x80, s6, s24, $0xb8;
	[tilespmem:$0x1D800] =	vst v63  }
0x16d: {  	_ =	swait.ge [sflag:s23], $0x4000  }
0x16e: {  	[sflag:s23] =	ssyncset.done $0x0  }
0x16f: {  	s5 =	simm.s32 $0x180;
	[sflag:s23] =	ssyncadd.s32 $0xFFFFC000  }
0x170: {  	[tilespmem:s25], [sflag:$0x2] =	stream.indirect.gather [hbm4b:s4+s24], $0x80, s5, s24, $0xb8;
	[tilespmem:$0x1D800] =	vst v63  }
0x171: {  	_ =	swait.ge [sflag:s29], $0x4000  }
0x172: {  	[sflag:s29] =	ssyncset.done $0x0  }
0x173: {  	[sflag:s29] =	ssyncadd.s32 $0xFFFFC000  }
0x174: {  	[spmem:s1] =	stream.indirect.scatter.add.f32 [tilespmem:s22], [sflag:$0x3], $0x80, s8, s24, $0xb8;
	[tilespmem:$0x1D800] =	vst v63  }
0x175: {  	_ =	swait.ge [sflag:s23], $0x4000  }
0x176: {  	[sflag:s23] =	ssyncset.done $0x0  }
0x177: {  	s5 =	simm.s32 $0x200;
	[sflag:s23] =	ssyncadd.s32 $0xFFFFC000  }
0x178: {  	[tilespmem:s22], [sflag:$0x1] =	stream.indirect.gather [hbm4b:s4+s24], $0x80, s5, s24, $0xb8;
	[tilespmem:$0x1D800] =	vst v63  }
0x179: {  	_ =	swait.ge [sflag:s31], $0x4000  }
0x17a: {  	[sflag:s31] =	ssyncset.done $0x0  }
0x17b: {  	[sflag:s31] =	ssyncadd.s32 $0xFFFFC000  }
0x17c: {  	[spmem:s1] =	stream.indirect.scatter.add.f32 [tilespmem:s25], [sflag:$0x3], $0x80, s12, s24, $0xb8;
	[tilespmem:$0x1D800] =	vst v63  }
0x17d: {  	_ =	swait.ge [sflag:s23], $0x4000  }
0x17e: {  	[sflag:s23] =	ssyncset.done $0x0  }
0x17f: {  	s5 =	simm.s32 $0x280;
	[sflag:s23] =	ssyncadd.s32 $0xFFFFC000  }
0x180: {  	[tilespmem:s25], [sflag:$0x2] =	stream.indirect.gather [hbm4b:s4+s24], $0x80, s5, s24, $0xb8;
	[tilespmem:$0x1D800] =	vst v63  }
0x181: {  	_ =	swait.ge [sflag:s29], $0x4000  }
0x182: {  	[sflag:s29] =	ssyncset.done $0x0  }
0x183: {  	[sflag:s29] =	ssyncadd.s32 $0xFFFFC000  }
0x184: {  	[spmem:s1] =	stream.indirect.scatter.add.f32 [tilespmem:s22], [sflag:$0x3], $0x80, s16, s24, $0xb8;
	[tilespmem:$0x1D800] =	vst v63  }
0x185: {  	_ =	swait.ge [sflag:s23], $0x4000  }
0x186: {  	[sflag:s23] =	ssyncset.done $0x0  }
0x187: {  	s5 =	simm.s32 $0x300;
	[sflag:s23] =	ssyncadd.s32 $0xFFFFC000  }
0x188: {  	[tilespmem:s22], [sflag:$0x1] =	stream.indirect.gather [hbm4b:s4+s24], $0x80, s5, s24, $0xb8;
	[tilespmem:$0x1D800] =	vst v63  }
0x189: {  	_ =	swait.ge [sflag:s31], $0x4000  }
0x18a: {  	[sflag:s31] =	ssyncset.done $0x0  }
0x18b: {  	[sflag:s31] =	ssyncadd.s32 $0xFFFFC000  }
0x18c: {  	[spmem:s1] =	stream.indirect.scatter.add.f32 [tilespmem:s25], [sflag:$0x3], $0x80, s20, s24, $0xb8;
	[tilespmem:$0x1D800] =	vst v63  }
0x18d: {  	_ =	swait.ge [sflag:s23], $0x4000  }
0x18e: {  	[sflag:s23] =	ssyncset.done $0x0  }
0x18f: {  	s5 =	simm.s32 $0x380;
	[sflag:s23] =	ssyncadd.s32 $0xFFFFC000  }
0x190: {  	[tilespmem:s25], [sflag:$0x2] =	stream.indirect.gather [hbm4b:s4+s24], $0x80, s5, s24, $0xb8;
	[tilespmem:$0x1D800] =	vst v63  }
0x191: {  	_ =	swait.ge [sflag:s29], $0x4000  }
0x192: {  	[sflag:s29] =	ssyncset.done $0x0  }
0x193: {  	[sflag:s29] =	ssyncadd.s32 $0xFFFFC000  }
0x194: {  	[spmem:s1] =	stream.indirect.scatter.add.f32 [tilespmem:s22], [sflag:$0x3], $0x80, s7, s24, $0xb8;
	[tilespmem:$0x1D800] =	vst v63  }
0x195: {  	_ =	swait.ge [sflag:s23], $0x4000  }
0x196: {  	[sflag:s23] =	ssyncset.done $0x0  }
0x197: {  	s5 =	simm.s32 $0x400;
	[sflag:s23] =	ssyncadd.s32 $0xFFFFC000  }
0x198: {  	[tilespmem:s22], [sflag:$0x1] =	stream.indirect.gather [hbm4b:s4+s24], $0x80, s5, s24, $0xb8;
	[tilespmem:$0x1D800] =	vst v63  }
0x199: {  	_ =	swait.ge [sflag:s31], $0x4000  }
0x19a: {  	[sflag:s31] =	ssyncset.done $0x0  }
0x19b: {  	[sflag:s31] =	ssyncadd.s32 $0xFFFFC000  }
0x19c: {  	[spmem:s1] =	stream.indirect.scatter.add.f32 [tilespmem:s25], [sflag:$0x3], $0x80, s15, s24, $0xb8;
	[tilespmem:$0x1D800] =	vst v63  }
0x19d: {  	_ =	swait.ge [sflag:s23], $0x4000  }
0x19e: {  	[sflag:s23] =	ssyncset.done $0x0  }
0x19f: {  	s5 =	simm.s32 $0x480;
	[sflag:s23] =	ssyncadd.s32 $0xFFFFC000  }
0x1a0: {  	[tilespmem:s25], [sflag:$0x2] =	stream.indirect.gather [hbm4b:s4+s24], $0x80, s5, s24, $0xb8;
	[tilespmem:$0x1D800] =	vst v63  }
0x1a1: {  	_ =	swait.ge [sflag:s29], $0x4000  }
0x1a2: {  	[sflag:s29] =	ssyncset.done $0x0  }
0x1a3: {  	[sflag:s29] =	ssyncadd.s32 $0xFFFFC000  }
0x1a4: {  	[spmem:s1] =	stream.indirect.scatter.add.f32 [tilespmem:s22], [sflag:$0x3], $0x80, s19, s24, $0xb8;
	[tilespmem:$0x1D800] =	vst v63  }
0x1a5: {  	_ =	swait.ge [sflag:s23], $0x4000  }
0x1a6: {  	[sflag:s23] =	ssyncset.done $0x0  }
0x1a7: {  	s5 =	simm.s32 $0x500;
	[sflag:s23] =	ssyncadd.s32 $0xFFFFC000  }
0x1a8: {  	[tilespmem:s22], [sflag:$0x1] =	stream.indirect.gather [hbm4b:s4+s24], $0x80, s5, s24, $0xb8;
	[tilespmem:$0x1D800] =	vst v63  }
0x1a9: {  	_ =	swait.ge [sflag:s31], $0x4000  }
0x1aa: {  	[sflag:s31] =	ssyncset.done $0x0  }
0x1ab: {  	[sflag:s31] =	ssyncadd.s32 $0xFFFFC000  }
0x1ac: {  	[spmem:s1] =	stream.indirect.scatter.add.f32 [tilespmem:s25], [sflag:$0x3], $0x80, s0, s24, $0xb8;
	[tilespmem:$0x1D800] =	vst v63  }
0x1ad: {  	_ =	swait.ge [sflag:s23], $0x4000  }
0x1ae: {  	[sflag:s23] =	ssyncset.done $0x0  }
0x1af: {  	s5 =	simm.s32 $0x580;
	[sflag:s23] =	ssyncadd.s32 $0xFFFFC000  }
0x1b0: {  	[tilespmem:s25], [sflag:$0x2] =	stream.indirect.gather [hbm4b:s4+s24], $0x80, s5, s24, $0xb8;
	[tilespmem:$0x1D800] =	vst v63  }
0x1b1: {  	_ =	swait.ge [sflag:s29], $0x4000  }
0x1b2: {  	[sflag:s29] =	ssyncset.done $0x0  }
0x1b3: {  	[sflag:s29] =	ssyncadd.s32 $0xFFFFC000  }
0x1b4: {  	[spmem:s1] =	stream.indirect.scatter.add.f32 [tilespmem:s22], [sflag:$0x3], $0x80, s9, s24, $0xb8;
	[tilespmem:$0x1D800] =	vst v63  }
0x1b5: {  	_ =	swait.ge [sflag:s23], $0x4000  }
0x1b6: {  	[sflag:s23] =	ssyncset.done $0x0  }
0x1b7: {  	s5 =	simm.s32 $0x600;
	[sflag:s23] =	ssyncadd.s32 $0xFFFFC000  }
0x1b8: {  	[tilespmem:s22], [sflag:$0x1] =	stream.indirect.gather [hbm4b:s4+s24], $0x80, s5, s24, $0xb8;
	[tilespmem:$0x1D800] =	vst v63  }
0x1b9: {  	_ =	swait.ge [sflag:s31], $0x4000  }
0x1ba: {  	[sflag:s31] =	ssyncset.done $0x0  }
0x1bb: {  	[sflag:s31] =	ssyncadd.s32 $0xFFFFC000  }
0x1bc: {  	[spmem:s1] =	stream.indirect.scatter.add.f32 [tilespmem:s25], [sflag:$0x3], $0x80, s10, s24, $0xb8;
	[tilespmem:$0x1D800] =	vst v63  }
0x1bd: {  	_ =	swait.ge [sflag:s23], $0x4000  }
0x1be: {  	[sflag:s23] =	ssyncset.done $0x0  }
0x1bf: {  	s5 =	simm.s32 $0x680;
	[sflag:s23] =	ssyncadd.s32 $0xFFFFC000  }
0x1c0: {  	[tilespmem:s25], [sflag:$0x2] =	stream.indirect.gather [hbm4b:s4+s24], $0x80, s5, s24, $0xb8;
	[tilespmem:$0x1D800] =	vst v63  }
0x1c1: {  	_ =	swait.ge [sflag:s29], $0x4000  }
0x1c2: {  	[sflag:s29] =	ssyncset.done $0x0  }
0x1c3: {  	[sflag:s29] =	ssyncadd.s32 $0xFFFFC000  }
0x1c4: {  	[spmem:s1] =	stream.indirect.scatter.add.f32 [tilespmem:s22], [sflag:$0x3], $0x80, s11, s24, $0xb8;
	[tilespmem:$0x1D800] =	vst v63  }
0x1c5: {  	_ =	swait.ge [sflag:s23], $0x4000  }
0x1c6: {  	[sflag:s23] =	ssyncset.done $0x0  }
0x1c7: {  	s5 =	simm.s32 $0x700;
	[sflag:s23] =	ssyncadd.s32 $0xFFFFC000  }
0x1c8: {  	[tilespmem:s22], [sflag:$0x1] =	stream.indirect.gather [hbm4b:s4+s24], $0x80, s5, s24, $0xb8;
	[tilespmem:$0x1D800] =	vst v63  }
0x1c9: {  	_ =	swait.ge [sflag:s31], $0x4000  }
0x1ca: {  	[sflag:s31] =	ssyncset.done $0x0  }
0x1cb: {  	[sflag:s31] =	ssyncadd.s32 $0xFFFFC000  }
0x1cc: {  	[spmem:s1] =	stream.indirect.scatter.add.f32 [tilespmem:s25], [sflag:$0x3], $0x80, s14, s24, $0xb8;
	[tilespmem:$0x1D800] =	vst v63  }
0x1cd: {  	_ =	swait.ge [sflag:s23], $0x4000  }
0x1ce: {  	[sflag:s23] =	ssyncset.done $0x0  }
0x1cf: {  	[sflag:s23] =	ssyncadd.s32 $0xFFFFC000  }
0x1d0: {  	[tilespmem:s25], [sflag:$0x2] =	stream.indirect.gather [hbm4b:s4+s24], $0x80, s21, s24, $0xb8;
	[tilespmem:$0x1D800] =	vst v63  }
0x1d1: {  	_ =	swait.ge [sflag:s29], $0x4000  }
0x1d2: {  	[sflag:s29] =	ssyncset.done $0x0  }
0x1d3: {  	[sflag:s29] =	ssyncadd.s32 $0xFFFFC000  }
0x1d4: {  	[spmem:s1] =	stream.indirect.scatter.add.f32 [tilespmem:s22], [sflag:$0x3], $0x80, s17, s24, $0xb8;
	[tilespmem:$0x1D800] =	vst v63  }
0x1d5: {  	_ =	swait.ge [sflag:s23], $0x4000  }
0x1d6: {  	[sflag:s23] =	ssyncset.done $0x0  }
0x1d7: {  	[sflag:s23] =	ssyncadd.s32 $0xFFFFC000  }
0x1d8: {  	[tilespmem:s22], [sflag:$0x1] =	stream.indirect.gather [hbm4b:s4+s24], $0x80, s13, s24, $0xb8;
	[tilespmem:$0x1D800] =	vst v63  }
0x1d9: {  	_ =	swait.ge [sflag:s31], $0x4000  }
0x1da: {  	[sflag:s31] =	ssyncset.done $0x0  }
0x1db: {  	[sflag:s31] =	ssyncadd.s32 $0xFFFFC000  }
0x1dc: {  	[spmem:s1] =	stream.indirect.scatter.add.f32 [tilespmem:s25], [sflag:$0x3], $0x80, s18, s24, $0xb8;
	[tilespmem:$0x1D800] =	vst v63  }
0x1dd: {  	_ =	swait.ge [sflag:s23], $0x4000  }
0x1de: {  	[sflag:s23] =	ssyncset.done $0x0  }
0x1df: {  	[sflag:s23] =	ssyncadd.s32 $0xFFFFC000  }
0x1e0: {  	[tilespmem:s25], [sflag:$0x2] =	stream.indirect.gather [hbm4b:s4+s24], $0x80, s28, s24, $0xb8;
	[tilespmem:$0x1D800] =	vst v63  }
0x1e1: {  	s28 =	rddreg [dreg:$0xf]  }
0x1e2: {  	[tilespmem:s26], [sflag:$0x3] =	stream.linear.gather [hbm4b:s28+s3], $0x800, $0x38;
	[tilespmem:$0x1D800] =	vst v63  }
0x1e3: {  	_ =	swait.ge [sflag:s23], $0x800  }
0x1e4: {  	[sflag:s23] =	ssyncset.done $0x0  }
0x1e5: {  	s13 =	rddreg [dreg:$0x10];
	[sflag:s23] =	ssyncadd.s32 $0xFFFFF800  }
0x1e6: {  	[tilespmem:s3], [sflag:$0x3] =	stream.linear.gather [hbm4b:s13+s3], $0x800, $0x38;
	[tilespmem:$0x1D800] =	vst v63  }
0x1e7: {  	_ =	swait.ge [sflag:s23], $0x800  }
0x1e8: {  	[sflag:s23] =	ssyncset.done $0x0  }
0x1e9: {  	[sflag:s23] =	ssyncadd.s32 $0xFFFFF800  }
0x1ea: {  	_ =	swait.ge [sflag:s29], $0x4000  }
0x1eb: {  	[sflag:s29] =	ssyncset.done $0x0  }
0x1ec: {  	[sflag:s29] =	ssyncadd.s32 $0xFFFFC000  }
0x1ed: {  	[spmem:s1] =	stream.indirect.scatter.add.f32 [tilespmem:s22], [sflag:$0x3], $0x80, s26, s24, $0xb8;
	[tilespmem:$0x1D800] =	vst v63  }
0x1ee: {  	_ =	swait.ge [sflag:s23], $0x4000  }
0x1ef: {  	[sflag:s23] =	ssyncset.done $0x0  }
0x1f0: {  	[sflag:s23] =	ssyncadd.s32 $0xFFFFC000  }
0x1f1: {  	[tilespmem:s22], [sflag:$0x1] =	stream.indirect.gather [hbm4b:s4+s24], $0x80, s30, s24, $0xb8;
	[tilespmem:$0x1D800] =	vst v63  }
0x1f2: {  	_ =	swait.ge [sflag:s31], $0x4000  }
0x1f3: {  	[sflag:s31] =	ssyncset.done $0x0  }
0x1f4: {  	[sflag:s31] =	ssyncadd.s32 $0xFFFFC000  }
0x1f5: {  	[spmem:s1] =	stream.indirect.scatter.add.f32 [tilespmem:s25], [sflag:$0x3], $0x80, s6, s24, $0xb8;
	[tilespmem:$0x1D800] =	vst v63  }
0x1f6: {  	_ =	swait.ge [sflag:s23], $0x4000  }
0x1f7: {  	[sflag:s23] =	ssyncset.done $0x0  }
0x1f8: {  	s28 =	simm.s32 $0x980;
	[sflag:s23] =	ssyncadd.s32 $0xFFFFC000  }
0x1f9: {  	[tilespmem:s25], [sflag:$0x2] =	stream.indirect.gather [hbm4b:s4+s24], $0x80, s28, s24, $0xb8;
	[tilespmem:$0x1D800] =	vst v63  }
0x1fa: {  	_ =	swait.ge [sflag:s29], $0x4000  }
0x1fb: {  	[sflag:s29] =	ssyncset.done $0x0  }
0x1fc: {  	[sflag:s29] =	ssyncadd.s32 $0xFFFFC000  }
0x1fd: {  	[spmem:s1] =	stream.indirect.scatter.add.f32 [tilespmem:s22], [sflag:$0x3], $0x80, s8, s24, $0xb8;
	[tilespmem:$0x1D800] =	vst v63  }
0x1fe: {  	_ =	swait.ge [sflag:s23], $0x4000  }
0x1ff: {  	[sflag:s23] =	ssyncset.done $0x0  }
0x200: {  	s13 =	simm.s32 $0xA00;
	[sflag:s23] =	ssyncadd.s32 $0xFFFFC000  }
0x201: {  	[tilespmem:s22], [sflag:$0x1] =	stream.indirect.gather [hbm4b:s4+s24], $0x80, s13, s24, $0xb8;
	[tilespmem:$0x1D800] =	vst v63  }
0x202: {  	_ =	swait.ge [sflag:s31], $0x4000  }
0x203: {  	[sflag:s31] =	ssyncset.done $0x0  }
0x204: {  	[sflag:s31] =	ssyncadd.s32 $0xFFFFC000  }
0x205: {  	[spmem:s1] =	stream.indirect.scatter.add.f32 [tilespmem:s25], [sflag:$0x3], $0x80, s12, s24, $0xb8;
	[tilespmem:$0x1D800] =	vst v63  }
0x206: {  	_ =	swait.ge [sflag:s23], $0x4000  }
0x207: {  	[sflag:s23] =	ssyncset.done $0x0  }
0x208: {  	s28 =	simm.s32 $0xA80;
	[sflag:s23] =	ssyncadd.s32 $0xFFFFC000  }
0x209: {  	[tilespmem:s25], [sflag:$0x2] =	stream.indirect.gather [hbm4b:s4+s24], $0x80, s28, s24, $0xb8;
	[tilespmem:$0x1D800] =	vst v63  }
0x20a: {  	_ =	swait.ge [sflag:s29], $0x4000  }
0x20b: {  	[sflag:s29] =	ssyncset.done $0x0  }
0x20c: {  	[sflag:s29] =	ssyncadd.s32 $0xFFFFC000  }
0x20d: {  	[spmem:s1] =	stream.indirect.scatter.add.f32 [tilespmem:s22], [sflag:$0x3], $0x80, s16, s24, $0xb8;
	[tilespmem:$0x1D800] =	vst v63  }
0x20e: {  	_ =	swait.ge [sflag:s23], $0x4000  }
0x20f: {  	[sflag:s23] =	ssyncset.done $0x0  }
0x210: {  	s13 =	simm.s32 $0xB00;
	[sflag:s23] =	ssyncadd.s32 $0xFFFFC000  }
0x211: {  	[tilespmem:s22], [sflag:$0x1] =	stream.indirect.gather [hbm4b:s4+s24], $0x80, s13, s24, $0xb8;
	[tilespmem:$0x1D800] =	vst v63  }
0x212: {  	_ =	swait.ge [sflag:s31], $0x4000  }
0x213: {  	[sflag:s31] =	ssyncset.done $0x0  }
0x214: {  	[sflag:s31] =	ssyncadd.s32 $0xFFFFC000  }
0x215: {  	[spmem:s1] =	stream.indirect.scatter.add.f32 [tilespmem:s25], [sflag:$0x3], $0x80, s20, s24, $0xb8;
	[tilespmem:$0x1D800] =	vst v63  }
0x216: {  	_ =	swait.ge [sflag:s23], $0x4000  }
0x217: {  	[sflag:s23] =	ssyncset.done $0x0  }
0x218: {  	s28 =	simm.s32 $0xB80;
	[sflag:s23] =	ssyncadd.s32 $0xFFFFC000  }
0x219: {  	[tilespmem:s25], [sflag:$0x2] =	stream.indirect.gather [hbm4b:s4+s24], $0x80, s28, s24, $0xb8;
	[tilespmem:$0x1D800] =	vst v63  }
0x21a: {  	_ =	swait.ge [sflag:s29], $0x4000  }
0x21b: {  	[sflag:s29] =	ssyncset.done $0x0  }
0x21c: {  	[sflag:s29] =	ssyncadd.s32 $0xFFFFC000  }
0x21d: {  	[spmem:s1] =	stream.indirect.scatter.add.f32 [tilespmem:s22], [sflag:$0x3], $0x80, s7, s24, $0xb8;
	[tilespmem:$0x1D800] =	vst v63  }
0x21e: {  	_ =	swait.ge [sflag:s23], $0x4000  }
0x21f: {  	[sflag:s23] =	ssyncset.done $0x0  }
0x220: {  	s13 =	simm.s32 $0xC00;
	[sflag:s23] =	ssyncadd.s32 $0xFFFFC000  }
0x221: {  	[tilespmem:s22], [sflag:$0x1] =	stream.indirect.gather [hbm4b:s4+s24], $0x80, s13, s24, $0xb8;
	[tilespmem:$0x1D800] =	vst v63  }
0x222: {  	_ =	swait.ge [sflag:s31], $0x4000  }
0x223: {  	[sflag:s31] =	ssyncset.done $0x0  }
0x224: {  	[sflag:s31] =	ssyncadd.s32 $0xFFFFC000  }
0x225: {  	[spmem:s1] =	stream.indirect.scatter.add.f32 [tilespmem:s25], [sflag:$0x3], $0x80, s15, s24, $0xb8;
	[tilespmem:$0x1D800] =	vst v63  }
0x226: {  	_ =	swait.ge [sflag:s23], $0x4000  }
0x227: {  	[sflag:s23] =	ssyncset.done $0x0  }
0x228: {  	s28 =	simm.s32 $0xC80;
	[sflag:s23] =	ssyncadd.s32 $0xFFFFC000  }
0x229: {  	[tilespmem:s25], [sflag:$0x2] =	stream.indirect.gather [hbm4b:s4+s24], $0x80, s28, s24, $0xb8;
	[tilespmem:$0x1D800] =	vst v63  }
0x22a: {  	_ =	swait.ge [sflag:s29], $0x4000  }
0x22b: {  	[sflag:s29] =	ssyncset.done $0x0  }
0x22c: {  	[sflag:s29] =	ssyncadd.s32 $0xFFFFC000  }
0x22d: {  	[spmem:s1] =	stream.indirect.scatter.add.f32 [tilespmem:s22], [sflag:$0x3], $0x80, s19, s24, $0xb8;
	[tilespmem:$0x1D800] =	vst v63  }
0x22e: {  	_ =	swait.ge [sflag:s23], $0x4000  }
0x22f: {  	[sflag:s23] =	ssyncset.done $0x0  }
0x230: {  	s13 =	simm.s32 $0xD00;
	[sflag:s23] =	ssyncadd.s32 $0xFFFFC000  }
0x231: {  	[tilespmem:s22], [sflag:$0x1] =	stream.indirect.gather [hbm4b:s4+s24], $0x80, s13, s24, $0xb8;
	[tilespmem:$0x1D800] =	vst v63  }
0x232: {  	_ =	swait.ge [sflag:s31], $0x4000  }
0x233: {  	[sflag:s31] =	ssyncset.done $0x0  }
0x234: {  	[sflag:s31] =	ssyncadd.s32 $0xFFFFC000  }
0x235: {  	[spmem:s1] =	stream.indirect.scatter.add.f32 [tilespmem:s25], [sflag:$0x3], $0x80, s0, s24, $0xb8;
	[tilespmem:$0x1D800] =	vst v63  }
0x236: {  	_ =	swait.ge [sflag:s23], $0x4000  }
0x237: {  	[sflag:s23] =	ssyncset.done $0x0  }
0x238: {  	s28 =	simm.s32 $0xD80;
	[sflag:s23] =	ssyncadd.s32 $0xFFFFC000  }
0x239: {  	[tilespmem:s25], [sflag:$0x2] =	stream.indirect.gather [hbm4b:s4+s24], $0x80, s28, s24, $0xb8;
	[tilespmem:$0x1D800] =	vst v63  }
0x23a: {  	_ =	swait.ge [sflag:s29], $0x4000  }
0x23b: {  	[sflag:s29] =	ssyncset.done $0x0  }
0x23c: {  	[sflag:s29] =	ssyncadd.s32 $0xFFFFC000  }
0x23d: {  	[spmem:s1] =	stream.indirect.scatter.add.f32 [tilespmem:s22], [sflag:$0x3], $0x80, s9, s24, $0xb8;
	[tilespmem:$0x1D800] =	vst v63  }
0x23e: {  	_ =	swait.ge [sflag:s23], $0x4000  }
0x23f: {  	[sflag:s23] =	ssyncset.done $0x0  }
0x240: {  	s13 =	simm.s32 $0xE00;
	[sflag:s23] =	ssyncadd.s32 $0xFFFFC000  }
0x241: {  	[tilespmem:s22], [sflag:$0x1] =	stream.indirect.gather [hbm4b:s4+s24], $0x80, s13, s24, $0xb8;
	[tilespmem:$0x1D800] =	vst v63  }
0x242: {  	_ =	swait.ge [sflag:s31], $0x4000  }
0x243: {  	[sflag:s31] =	ssyncset.done $0x0  }
0x244: {  	[sflag:s31] =	ssyncadd.s32 $0xFFFFC000  }
0x245: {  	[spmem:s1] =	stream.indirect.scatter.add.f32 [tilespmem:s25], [sflag:$0x3], $0x80, s10, s24, $0xb8;
	[tilespmem:$0x1D800] =	vst v63  }
0x246: {  	_ =	swait.ge [sflag:s23], $0x4000  }
0x247: {  	[sflag:s23] =	ssyncset.done $0x0  }
0x248: {  	s28 =	simm.s32 $0xE80;
	[sflag:s23] =	ssyncadd.s32 $0xFFFFC000  }
0x249: {  	[tilespmem:s25], [sflag:$0x2] =	stream.indirect.gather [hbm4b:s4+s24], $0x80, s28, s24, $0xb8;
	[tilespmem:$0x1D800] =	vst v63  }
0x24a: {  	_ =	swait.ge [sflag:s29], $0x4000  }
0x24b: {  	[sflag:s29] =	ssyncset.done $0x0  }
0x24c: {  	[sflag:s29] =	ssyncadd.s32 $0xFFFFC000  }
0x24d: {  	[spmem:s1] =	stream.indirect.scatter.add.f32 [tilespmem:s22], [sflag:$0x3], $0x80, s11, s24, $0xb8;
	[tilespmem:$0x1D800] =	vst v63  }
0x24e: {  	_ =	swait.ge [sflag:s23], $0x4000  }
0x24f: {  	[sflag:s23] =	ssyncset.done $0x0  }
0x250: {  	s13 =	simm.s32 $0xF00;
	[sflag:s23] =	ssyncadd.s32 $0xFFFFC000  }
0x251: {  	[tilespmem:s22], [sflag:$0x1] =	stream.indirect.gather [hbm4b:s4+s24], $0x80, s13, s24, $0xb8;
	[tilespmem:$0x1D800] =	vst v63  }
0x252: {  	_ =	swait.ge [sflag:s31], $0x4000  }
0x253: {  	[sflag:s31] =	ssyncset.done $0x0  }
0x254: {  	[sflag:s31] =	ssyncadd.s32 $0xFFFFC000  }
0x255: {  	[spmem:s1] =	stream.indirect.scatter.add.f32 [tilespmem:s25], [sflag:$0x3], $0x80, s14, s24, $0xb8;
	[tilespmem:$0x1D800] =	vst v63  }
0x256: {  	_ =	swait.ge [sflag:s23], $0x4000  }
0x257: {  	[sflag:s23] =	ssyncset.done $0x0  }
0x258: {  	s28 =	simm.s32 $0xF80;
	[sflag:s23] =	ssyncadd.s32 $0xFFFFC000  }
0x259: {  	[tilespmem:s25], [sflag:$0x2] =	stream.indirect.gather [hbm4b:s4+s24], $0x80, s28, s24, $0xb8;
	[tilespmem:$0x1D800] =	vst v63  }
0x25a: {  	_ =	swait.ge [sflag:s29], $0x4000  }
0x25b: {  	[sflag:s29] =	ssyncset.done $0x0  }
0x25c: {  	[sflag:s29] =	ssyncadd.s32 $0xFFFFC000  }
0x25d: {  	[spmem:s1] =	stream.indirect.scatter.add.f32 [tilespmem:s22], [sflag:$0x3], $0x80, s17, s24, $0xb8;
	[tilespmem:$0x1D800] =	vst v63  }
0x25e: {  	_ =	swait.ge [sflag:s23], $0x4000  }
0x25f: {  	[sflag:s23] =	ssyncset.done $0x0  }
0x260: {  	[sflag:s23] =	ssyncadd.s32 $0xFFFFC000  }
0x261: {  	[tilespmem:s22], [sflag:$0x1] =	stream.indirect.gather [hbm4b:s4+s24], $0x80, s3, s24, $0xb8;
	[tilespmem:$0x1D800] =	vst v63  }
0x262: {  	_ =	swait.ge [sflag:s31], $0x4000  }
0x263: {  	[sflag:s31] =	ssyncset.done $0x0  }
0x264: {  	[sflag:s31] =	ssyncadd.s32 $0xFFFFC000  }
0x265: {  	[spmem:s1] =	stream.indirect.scatter.add.f32 [tilespmem:s25], [sflag:$0x3], $0x80, s18, s24, $0xb8;
	[tilespmem:$0x1D800] =	vst v63  }
0x266: {  	_ =	swait.ge [sflag:s23], $0x4000  }
0x267: {  	[sflag:s23] =	ssyncset.done $0x0  }
0x268: {  	[sflag:s23] =	ssyncadd.s32 $0xFFFFC000  }
0x269: {  	[tilespmem:s25], [sflag:$0x2] =	stream.indirect.gather [hbm4b:s4+s24], $0x80, s24, s24, $0xb8;
	[tilespmem:$0x1D800] =	vst v63  }
0x26a: {  	s13 =	rddreg [dreg:$0x11]  }
0x26b: {  	[tilespmem:s26], [sflag:$0x3] =	stream.linear.gather [hbm4b:s13+s3], $0x800, $0x38;
	[tilespmem:$0x1D800] =	vst v63  }
0x26c: {  	_ =	swait.ge [sflag:s23], $0x800  }
0x26d: {  	[sflag:s23] =	ssyncset.done $0x0  }
0x26e: {  	[sflag:s23] =	ssyncadd.s32 $0xFFFFF800  }
0x26f: {  	_ =	swait.ge [sflag:s29], $0x4000  }
0x270: {  	[sflag:s29] =	ssyncset.done $0x0  }
0x271: {  	[sflag:s29] =	ssyncadd.s32 $0xFFFFC000  }
0x272: {  	[spmem:s1] =	stream.indirect.scatter.add.f32 [tilespmem:s22], [sflag:$0x3], $0x80, s26, s24, $0xb8;
	[tilespmem:$0x1D800] =	vst v63  }
0x273: {  	_ =	swait.ge [sflag:s23], $0x4000  }
0x274: {  	[sflag:s23] =	ssyncset.done $0x0  }
0x275: {  	s28 =	simm.s32 $0x100;
	[sflag:s23] =	ssyncadd.s32 $0xFFFFC000  }
0x276: {  	[tilespmem:s22], [sflag:$0x1] =	stream.indirect.gather [hbm4b:s4+s24], $0x80, s28, s24, $0xb8;
	[tilespmem:$0x1D800] =	vst v63  }
0x277: {  	_ =	swait.ge [sflag:s31], $0x4000  }
0x278: {  	[sflag:s31] =	ssyncset.done $0x0  }
0x279: {  	[sflag:s31] =	ssyncadd.s32 $0xFFFFC000  }
0x27a: {  	[spmem:s1] =	stream.indirect.scatter.add.f32 [tilespmem:s25], [sflag:$0x3], $0x80, s6, s24, $0xb8;
	[tilespmem:$0x1D800] =	vst v63  }
0x27b: {  	_ =	swait.ge [sflag:s23], $0x4000  }
0x27c: {  	[sflag:s23] =	ssyncset.done $0x0  }
0x27d: {  	s13 =	simm.s32 $0x180;
	[sflag:s23] =	ssyncadd.s32 $0xFFFFC000  }
0x27e: {  	[tilespmem:s25], [sflag:$0x2] =	stream.indirect.gather [hbm4b:s4+s24], $0x80, s13, s24, $0xb8;
	[tilespmem:$0x1D800] =	vst v63  }
0x27f: {  	_ =	swait.ge [sflag:s29], $0x4000  }
0x280: {  	[sflag:s29] =	ssyncset.done $0x0  }
0x281: {  	[sflag:s29] =	ssyncadd.s32 $0xFFFFC000  }
0x282: {  	[spmem:s1] =	stream.indirect.scatter.add.f32 [tilespmem:s22], [sflag:$0x3], $0x80, s8, s24, $0xb8;
	[tilespmem:$0x1D800] =	vst v63  }
0x283: {  	_ =	swait.ge [sflag:s23], $0x4000  }
0x284: {  	[sflag:s23] =	ssyncset.done $0x0  }
0x285: {  	s28 =	simm.s32 $0x200;
	[sflag:s23] =	ssyncadd.s32 $0xFFFFC000  }
0x286: {  	[tilespmem:s22], [sflag:$0x1] =	stream.indirect.gather [hbm4b:s4+s24], $0x80, s28, s24, $0xb8;
	[tilespmem:$0x1D800] =	vst v63  }
0x287: {  	_ =	swait.ge [sflag:s31], $0x4000  }
0x288: {  	[sflag:s31] =	ssyncset.done $0x0  }
0x289: {  	[sflag:s31] =	ssyncadd.s32 $0xFFFFC000  }
0x28a: {  	[spmem:s1] =	stream.indirect.scatter.add.f32 [tilespmem:s25], [sflag:$0x3], $0x80, s12, s24, $0xb8;
	[tilespmem:$0x1D800] =	vst v63  }
0x28b: {  	_ =	swait.ge [sflag:s23], $0x4000  }
0x28c: {  	[sflag:s23] =	ssyncset.done $0x0  }
0x28d: {  	s13 =	simm.s32 $0x280;
	[sflag:s23] =	ssyncadd.s32 $0xFFFFC000  }
0x28e: {  	[tilespmem:s25], [sflag:$0x2] =	stream.indirect.gather [hbm4b:s4+s24], $0x80, s13, s24, $0xb8;
	[tilespmem:$0x1D800] =	vst v63  }
0x28f: {  	_ =	swait.ge [sflag:s29], $0x4000  }
0x290: {  	[sflag:s29] =	ssyncset.done $0x0  }
0x291: {  	[sflag:s29] =	ssyncadd.s32 $0xFFFFC000  }
0x292: {  	[spmem:s1] =	stream.indirect.scatter.add.f32 [tilespmem:s22], [sflag:$0x3], $0x80, s16, s24, $0xb8;
	[tilespmem:$0x1D800] =	vst v63  }
0x293: {  	_ =	swait.ge [sflag:s23], $0x4000  }
0x294: {  	[sflag:s23] =	ssyncset.done $0x0  }
0x295: {  	s28 =	simm.s32 $0x300;
	[sflag:s23] =	ssyncadd.s32 $0xFFFFC000  }
0x296: {  	[tilespmem:s22], [sflag:$0x1] =	stream.indirect.gather [hbm4b:s4+s24], $0x80, s28, s24, $0xb8;
	[tilespmem:$0x1D800] =	vst v63  }
0x297: {  	_ =	swait.ge [sflag:s31], $0x4000  }
0x298: {  	[sflag:s31] =	ssyncset.done $0x0  }
0x299: {  	[sflag:s31] =	ssyncadd.s32 $0xFFFFC000  }
0x29a: {  	[spmem:s1] =	stream.indirect.scatter.add.f32 [tilespmem:s25], [sflag:$0x3], $0x80, s20, s24, $0xb8;
	[tilespmem:$0x1D800] =	vst v63  }
0x29b: {  	_ =	swait.ge [sflag:s23], $0x4000  }
0x29c: {  	[sflag:s23] =	ssyncset.done $0x0  }
0x29d: {  	s13 =	simm.s32 $0x380;
	[sflag:s23] =	ssyncadd.s32 $0xFFFFC000  }
0x29e: {  	[tilespmem:s25], [sflag:$0x2] =	stream.indirect.gather [hbm4b:s4+s24], $0x80, s13, s24, $0xb8;
	[tilespmem:$0x1D800] =	vst v63  }
0x29f: {  	_ =	swait.ge [sflag:s29], $0x4000  }
0x2a0: {  	[sflag:s29] =	ssyncset.done $0x0  }
0x2a1: {  	[sflag:s29] =	ssyncadd.s32 $0xFFFFC000  }
0x2a2: {  	[spmem:s1] =	stream.indirect.scatter.add.f32 [tilespmem:s22], [sflag:$0x3], $0x80, s7, s24, $0xb8;
	[tilespmem:$0x1D800] =	vst v63  }
0x2a3: {  	_ =	swait.ge [sflag:s23], $0x4000  }
0x2a4: {  	[sflag:s23] =	ssyncset.done $0x0  }
0x2a5: {  	s28 =	simm.s32 $0x400;
	[sflag:s23] =	ssyncadd.s32 $0xFFFFC000  }
0x2a6: {  	[tilespmem:s22], [sflag:$0x1] =	stream.indirect.gather [hbm4b:s4+s24], $0x80, s28, s24, $0xb8;
	[tilespmem:$0x1D800] =	vst v63  }
0x2a7: {  	_ =	swait.ge [sflag:s31], $0x4000  }
0x2a8: {  	[sflag:s31] =	ssyncset.done $0x0  }
0x2a9: {  	[sflag:s31] =	ssyncadd.s32 $0xFFFFC000  }
0x2aa: {  	[spmem:s1] =	stream.indirect.scatter.add.f32 [tilespmem:s25], [sflag:$0x3], $0x80, s15, s24, $0xb8;
	[tilespmem:$0x1D800] =	vst v63  }
0x2ab: {  	_ =	swait.ge [sflag:s23], $0x4000  }
0x2ac: {  	[sflag:s23] =	ssyncset.done $0x0  }
0x2ad: {  	s13 =	simm.s32 $0x480;
	[sflag:s23] =	ssyncadd.s32 $0xFFFFC000  }
0x2ae: {  	[tilespmem:s25], [sflag:$0x2] =	stream.indirect.gather [hbm4b:s4+s24], $0x80, s13, s24, $0xb8;
	[tilespmem:$0x1D800] =	vst v63  }
0x2af: {  	_ =	swait.ge [sflag:s29], $0x4000  }
0x2b0: {  	[sflag:s29] =	ssyncset.done $0x0  }
0x2b1: {  	[sflag:s29] =	ssyncadd.s32 $0xFFFFC000  }
0x2b2: {  	[spmem:s1] =	stream.indirect.scatter.add.f32 [tilespmem:s22], [sflag:$0x3], $0x80, s19, s24, $0xb8;
	[tilespmem:$0x1D800] =	vst v63  }
0x2b3: {  	_ =	swait.ge [sflag:s23], $0x4000  }
0x2b4: {  	[sflag:s23] =	ssyncset.done $0x0  }
0x2b5: {  	s28 =	simm.s32 $0x500;
	[sflag:s23] =	ssyncadd.s32 $0xFFFFC000  }
0x2b6: {  	[tilespmem:s22], [sflag:$0x1] =	stream.indirect.gather [hbm4b:s4+s24], $0x80, s28, s24, $0xb8;
	[tilespmem:$0x1D800] =	vst v63  }
0x2b7: {  	_ =	swait.ge [sflag:s31], $0x4000  }
0x2b8: {  	[sflag:s31] =	ssyncset.done $0x0  }
0x2b9: {  	[sflag:s31] =	ssyncadd.s32 $0xFFFFC000  }
0x2ba: {  	[spmem:s1] =	stream.indirect.scatter.add.f32 [tilespmem:s25], [sflag:$0x3], $0x80, s0, s24, $0xb8;
	[tilespmem:$0x1D800] =	vst v63  }
0x2bb: {  	_ =	swait.ge [sflag:s23], $0x4000  }
0x2bc: {  	[sflag:s23] =	ssyncset.done $0x0  }
0x2bd: {  	s5 =	simm.s32 $0x580;
	[sflag:s23] =	ssyncadd.s32 $0xFFFFC000  }
0x2be: {  	[tilespmem:s25], [sflag:$0x2] =	stream.indirect.gather [hbm4b:s4+s24], $0x80, s5, s24, $0xb8;
	[tilespmem:$0x1D800] =	vst v63  }
0x2bf: {  	_ =	swait.ge [sflag:s29], $0x4000  }
0x2c0: {  	[sflag:s29] =	ssyncset.done $0x0  }
0x2c1: {  	[sflag:s29] =	ssyncadd.s32 $0xFFFFC000  }
0x2c2: {  	[spmem:s1] =	stream.indirect.scatter.add.f32 [tilespmem:s22], [sflag:$0x3], $0x80, s9, s24, $0xb8;
	[tilespmem:$0x1D800] =	vst v63  }
0x2c3: {  	_ =	swait.ge [sflag:s23], $0x4000  }
0x2c4: {  	[sflag:s23] =	ssyncset.done $0x0  }
0x2c5: {  	s13 =	simm.s32 $0x600;
	[sflag:s23] =	ssyncadd.s32 $0xFFFFC000  }
0x2c6: {  	[tilespmem:s22], [sflag:$0x1] =	stream.indirect.gather [hbm4b:s4+s24], $0x80, s13, s24, $0xb8;
	[tilespmem:$0x1D800] =	vst v63  }
0x2c7: {  	_ =	swait.ge [sflag:s31], $0x4000  }
0x2c8: {  	[sflag:s31] =	ssyncset.done $0x0  }
0x2c9: {  	[sflag:s31] =	ssyncadd.s32 $0xFFFFC000  }
0x2ca: {  	[spmem:s1] =	stream.indirect.scatter.add.f32 [tilespmem:s25], [sflag:$0x3], $0x80, s10, s24, $0xb8;
	[tilespmem:$0x1D800] =	vst v63  }
0x2cb: {  	_ =	swait.ge [sflag:s23], $0x4000  }
0x2cc: {  	[sflag:s23] =	ssyncset.done $0x0  }
0x2cd: {  	s28 =	simm.s32 $0x680;
	[sflag:s23] =	ssyncadd.s32 $0xFFFFC000  }
0x2ce: {  	[tilespmem:s25], [sflag:$0x2] =	stream.indirect.gather [hbm4b:s4+s24], $0x80, s28, s24, $0xb8;
	[tilespmem:$0x1D800] =	vst v63  }
0x2cf: {  	_ =	swait.ge [sflag:s29], $0x4000  }
0x2d0: {  	[sflag:s29] =	ssyncset.done $0x0  }
0x2d1: {  	[sflag:s29] =	ssyncadd.s32 $0xFFFFC000  }
0x2d2: {  	[spmem:s1] =	stream.indirect.scatter.add.f32 [tilespmem:s22], [sflag:$0x3], $0x80, s11, s24, $0xb8;
	[tilespmem:$0x1D800] =	vst v63  }
0x2d3: {  	_ =	swait.ge [sflag:s23], $0x4000  }
0x2d4: {  	[sflag:s23] =	ssyncset.done $0x0  }
0x2d5: {  	s5 =	simm.s32 $0x700;
	[sflag:s23] =	ssyncadd.s32 $0xFFFFC000  }
0x2d6: {  	[tilespmem:s22], [sflag:$0x1] =	stream.indirect.gather [hbm4b:s4+s24], $0x80, s5, s24, $0xb8;
	[tilespmem:$0x1D800] =	vst v63  }
0x2d7: {  	_ =	swait.ge [sflag:s31], $0x4000  }
0x2d8: {  	[sflag:s31] =	ssyncset.done $0x0  }
0x2d9: {  	[sflag:s31] =	ssyncadd.s32 $0xFFFFC000  }
0x2da: {  	[spmem:s1] =	stream.indirect.scatter.add.f32 [tilespmem:s25], [sflag:$0x3], $0x80, s14, s24, $0xb8;
	[tilespmem:$0x1D800] =	vst v63  }
0x2db: {  	_ =	swait.ge [sflag:s23], $0x4000  }
0x2dc: {  	[sflag:s23] =	ssyncset.done $0x0  }
0x2dd: {  	[sflag:s23] =	ssyncadd.s32 $0xFFFFC000  }
0x2de: {  	[tilespmem:s25], [sflag:$0x2] =	stream.indirect.gather [hbm4b:s4+s24], $0x80, s21, s24, $0xb8;
	[tilespmem:$0x1D800] =	vst v63  }
0x2df: {  	_ =	swait.ge [sflag:s29], $0x4000  }
0x2e0: {  	[sflag:s29] =	ssyncset.done $0x0  }
0x2e1: {  	[sflag:s29] =	ssyncadd.s32 $0xFFFFC000  }
0x2e2: {  	[spmem:s1] =	stream.indirect.scatter.add.f32 [tilespmem:s22], [sflag:$0x3], $0x80, s17, s24, $0xb8;
	[tilespmem:$0x1D800] =	vst v63  }
0x2e3: {  	_ =	swait.ge [sflag:s23], $0x4000  }
0x2e4: {  	[sflag:s23] =	ssyncset.done $0x0  }
0x2e5: {  	[sflag:s23] =	ssyncadd.s32 $0xFFFFC000  }
0x2e6: {  	[tilespmem:s22], [sflag:$0x1] =	stream.indirect.gather [hbm4b:s4+s24], $0x80, s21, s24, $0xb8;
	[tilespmem:$0x1D800] =	vst v63  }
0x2e7: {  	_ =	swait.ge [sflag:s31], $0x4000  }
0x2e8: {  	[sflag:s31] =	ssyncset.done $0x0  }
0x2e9: {  	[sflag:s31] =	ssyncadd.s32 $0xFFFFC000  }
0x2ea: {  	[spmem:s1] =	stream.indirect.scatter.add.f32 [tilespmem:s25], [sflag:$0x3], $0x80, s18, s24, $0xb8;
	[tilespmem:$0x1D800] =	vst v63  }
0x2eb: {  	_ =	swait.ge [sflag:s23], $0x4000  }
0x2ec: {  	[sflag:s23] =	ssyncset.done $0x0  }
0x2ed: {  	[sflag:s23] =	ssyncadd.s32 $0xFFFFC000  }
0x2ee: {  	[tilespmem:s25], [sflag:$0x2] =	stream.indirect.gather [hbm4b:s4+s24], $0x80, s21, s24, $0xb8;
	[tilespmem:$0x1D800] =	vst v63  }
0x2ef: {  	_ =	swait.ge [sflag:s29], $0x4000  }
0x2f0: {  	[sflag:s29] =	ssyncset.done $0x0  }
0x2f1: {  	[sflag:s29] =	ssyncadd.s32 $0xFFFFC000  }
0x2f2: {  	_ =	swait.ge [sflag:s31], $0x4000  }
0x2f3: {  	[sflag:s31] =	ssyncset.done $0x0  }
0x2f4: {  	[sflag:s31] =	ssyncadd.s32 $0xFFFFC000  }
0x2f5: {  	s9 =	stileid.u32;
	[bflag:$0x0] =	sbarrier.arrive $0xFFFF  }
0x2f6: {  	s5 =	sshll.u32 s9, $0x6;
	s13 =	rddreg [dreg:$0x3]  }
0x2f7: {  	s5 =	sor.u32 $0x1C03, s5;
	s0 =	rddreg [dreg:$0x12];
	s28 =	sshrl.u32 s13, $0x3  }
0x2f8: {  	[hbm:s0], [sflag:s5] =	dma.local [spmem:s28], $0x2800  }
0x2f9: {  	_ =	swait.ge [sflag:s23], $0x2800  }
0x2fa: {  	s2 =	sadd.s32 $0x1, s2;
	s28 =	rddreg [dreg:$0x13]  }
0x2fb: {  	p0 =	sne.s32 s2, s28  }
.Ltmp1:
0x2fc: {  	_ = 	snop;
	(pc) =	sbr.rel @p0 .LBB2_1-.Ltmp1, $3  }
0x2fd: {  	_ =	sdelay $0x1  }
0x2fe: {  	[sflag:s23] =	ssyncset.done $0x0  }
0x2ff: {  	[sflag:s23] =	ssyncadd.s32 $0xFFFFD800  }
0x300: {  	_ =	sfence.sel $0x180000  }
0x301: {  	[bflag:$0x0] =	sbarrier.arrive $0xFFFF  }
0x302: {  	_ =	strace $0x9000004A  }
0x303: {  	s0 =	stileid.u32;
	[bflag:$0x2] =	sbarrier.arrive $0xFFFF  }
0x304: {  	p0 =	sne.s32 s0, $0x0;
	s0 =	rddreg [dreg:$0x2]  }
0x305: {  	s0 =	sadd.s32 @!p0 $0x100000, s0  }
0x306: {  	[sflag:s0] =	ssyncadd.tile.s32 @!p0 $0x1;
	_ =	shalt  }
.Lfunc_end2:
_tile_overlayer_lowered:
.L_overlay_start_2:
0x307: {  	(tag) =	ssettag $0x2  }
0x308: {  	s0 =	rddreg [dreg:$0x0];
	s2 =	stileid.u32  }
0x309: {  	s1 =	rddreg [dreg:$0x1];
	p0 =	sne.s32 s2, $0x0  }
0x30a: {  	s3 =	rddreg [dreg:$0x2];
	[bflag:$0x3] =	sbarrier.arrive $0xFFFF;
	s2 =	simm.s32 @!p0 $0x1C03  }
0x30b: {  	[timem:s3], [sflag:s2] =	dma.local @!p0 [hbm:s0], s1  }
0x30c: {  	s0 =	simm.s32 @!p0 $0x3  }
0x30d: {  	_ =	swait.ge @!p0 [sflag:s0], s1  }
0x30e: {  	s1 =	ssub.s32 @!p0 $0x0, s1;
	[sflag:s0] =	ssyncset.done @!p0 $0x0  }
0x30f: {  	[sflag:s0] =	ssyncadd.s32 @!p0 s1  }
0x310: {  	[bflag:$0x3] =	sbarrier.arrive $0xFFFF  }
0x311: {  	_ =	shalt  }

// kernel: kernel.14.cloned.1.call-start
scs
__scs_entry_jumppad:
0x0: {  	(pc) =	sbr.rel $0x88, $3  }
0x1: {  	(tag) =	ssettag $0x0;
	lr =	simm.s32 $0x1  }
0x2: {  	[smem:$0x3F94] =	sst lr;
	_ =	strace $0xD0000000  }
0x3: {  	_ = 	snop  }
0x4: {  	_ = 	snop  }
0x5: {  	_ = 	snop  }
0x6: {  	_ = 	snop  }
0x7: {  	_ = 	snop  }
__scs_overlays_trampoline_lowered:
0x8: {  	[smem:$0x3FA3] =	sst s0  }
0x9: {  	[smem:$0x3FA4] =	sst s1  }
0xa: {  	[smem:$0x3FA5] =	sst s2  }
0xb: {  	[smem:$0x3FA6] =	sst s3  }
0xc: {  	[smem:$0x3FA7] =	sst s4  }
0xd: {  	[smem:$0x3FA8] =	sst s5  }
0xe: {  	[smem:$0x3FA9] =	sst s6  }
0xf: {  	[smem:$0x3FAA] =	sst s7  }
0x10: {  	[smem:$0x3FAB] =	sst s8  }
0x11: {  	[smem:$0x3FAC] =	sst s9;
	s0 =	simm.s32 @!p0 $0x0  }
0x12: {  	s1 =	sld [smem:$0x3F92];
	s0 =	simm.s32 @p0 $0x1  }
0x13: {  	[smem:$0x3FAD] =	sst s0;
	s0 =	simm.s32 @!p1 $0x0  }
0x14: {  	s2 =	sld [smem:$0x3F91];
	s0 =	simm.s32 @p1 $0x1  }
0x15: {  	[smem:$0x3FAE] =	sst s0;
	s0 =	simm.s32 @!p2 $0x0  }
0x16: {  	s3 =	sld [smem:$0x3FDB];
	s0 =	simm.s32 @p2 $0x1  }
0x17: {  	s4 =	simm.s32 $0x1BF5;
	[smem:$0x3FB0] =	sst s0  }
0x18: {  	s0 =	sld [smem:$0x3F93];
	_ =	swait.ge [sflag:s4], $0x0  }
0x19: {  	s7 =	sld [smem:$0x3F94]  }
0x1a: {  	s8 =	sadd.s32 $0xFFFFE003, lr  }
0x1b: {  	s9 =	sadd.s32 $0xFFFFFEF7, lr;
	s5 =	simm.s32 $0xFFFFFFFF;
	p2 =	slt.u32 s8, $0xFFFFF086  }
0x1c: {  	p1 =	slt.u32 s9, $0xF7A;
	s5 =	simm.s32 @!p2 $0x0  }
0x1d: {  	s5 =	simm.s32 @p1 $0x1;
	p0 =	seq.s32 s7, s2  }
0x1e: {  	s7 =	smul.u32 @!p0 $0xF7A, s2;
	p2 =	seq.s32 @!p0 s5, $0x0  }
0x1f: {  	s9 =	smul.u32 $0xF7A, s1;
	s8 =	simm.s32 @!p0 $0x1BF5;
	p2 =	por !p2, p0  }
0x20: {  	[sflag:s8] =	ssyncset.s32 @!p0 $0xFFFFF086;
	s6 =	sadd.s32 @!p0 s3, s7;
	s7 =	simm.s32 @!p0 $0x108  }
0x21: {  	s3 =	sadd.s32 s3, s9;
	s6 =	sadd.s32 @!p0 $0x88, s6;
	s7 =	simm.s32 @p2 $0x1082  }
0x22: {  	[simem:s7], [sflag:s8] =	dma.local @!p0 [hbm:s6], $0xF7A  }
0x23: {  	s9 =	sor.u32 $0xD0000000, s2;
	s6 =	simm.s32 $0x108;
	_ =	swait.ge @!p0 [sflag:s8], $0x0  }
0x24: {  	s3 =	sadd.s32 $0x88, s3;
	s6 =	simm.s32 @!p1 $0x1082;
	[sflag:s4] =	ssyncset.s32 $0xFFFFF086  }
0x25: {  	[simem:s6], [sflag:s4] =	dma.local [hbm:s3], $0xF7A  }
0x26: {  	[smem:$0x3F94] =	sst s1;
	(tag) =	ssettag s2;
	_ =	strace s9  }
0x27: {  	s1 =	sld [smem:$0x3FA4]  }
0x28: {  	s2 =	sld [smem:$0x3FA5]  }
0x29: {  	s4 =	sld [smem:$0x3FA7]  }
0x2a: {  	p0 =	seq.s32 s5, $0x0;
	s5 =	sld [smem:$0x3FA8]  }
0x2b: {  	s6 =	sld [smem:$0x3FA9]  }
0x2c: {  	s7 =	sld [smem:$0x3FAA]  }
0x2d: {  	s3 =	simm.s32 $0x108;
	s8 =	sld [smem:$0x3FAB]  }
0x2e: {  	s3 =	simm.s32 @!p0 $0x1082;
	s9 =	sld [smem:$0x3FAC]  }
0x2f: {  	lr =	sadd.s32 s0, s3;
	s0 =	sld [smem:$0x3FA3]  }
0x30: {  	s3 =	sld [smem:$0x3FA6]  }
0x31: {  	[smem:$0x3FAF] =	sst s10  }
0x32: {  	s10 =	sld [smem:$0x3FAD];
	_ =	sdelay $0x3  }
0x33: {  	p0 =	seq.s32 s10, $0x1;
	s10 =	sld [smem:$0x3FAF];
	_ =	sdelay $0x3  }
0x34: {  	[smem:$0x3FAF] =	sst s10  }
0x35: {  	s10 =	sld [smem:$0x3FAE];
	_ =	sdelay $0x3  }
0x36: {  	p1 =	seq.s32 s10, $0x1;
	s10 =	sld [smem:$0x3FAF];
	_ =	sdelay $0x3  }
0x37: {  	[smem:$0x3FAF] =	sst s10  }
0x38: {  	s10 =	sld [smem:$0x3FB0]  }
0x39: {  	_ = 	snop;
	(pc) =	sbr.ind lr, $3  }
0x3a: {  	_ = 	snop  }
0x3b: {  	_ = 	snop  }
0x3c: {  	p2 =	seq.s32 s10, $0x1;
	s10 =	sld [smem:$0x3FAF]  }
0x3d: {  	_ =	shalt  }
0x3e: {  	_ =	shalt  }
0x3f: {  	_ =	shalt  }
0x40: {  	_ =	shalt  }
0x41: {  	_ =	shalt  }
0x42: {  	_ =	shalt  }
0x43: {  	_ =	shalt  }
0x44: {  	_ =	shalt  }
0x45: {  	_ =	shalt  }
0x46: {  	_ =	shalt  }
0x47: {  	_ =	shalt  }
0x48: {  	_ =	shalt  }
0x49: {  	_ =	shalt  }
0x4a: {  	_ =	shalt  }
0x4b: {  	_ =	shalt  }
0x4c: {  	_ =	shalt  }
0x4d: {  	_ =	shalt  }
0x4e: {  	_ =	shalt  }
0x4f: {  	_ =	shalt  }
0x50: {  	_ =	shalt  }
0x51: {  	_ =	shalt  }
0x52: {  	_ =	shalt  }
0x53: {  	_ =	shalt  }
0x54: {  	_ =	shalt  }
0x55: {  	_ =	shalt  }
0x56: {  	_ =	shalt  }
0x57: {  	_ =	shalt  }
0x58: {  	_ =	shalt  }
0x59: {  	_ =	shalt  }
0x5a: {  	_ =	shalt  }
0x5b: {  	_ =	shalt  }
0x5c: {  	_ =	shalt  }
0x5d: {  	_ =	shalt  }
0x5e: {  	_ =	shalt  }
0x5f: {  	_ =	shalt  }
0x60: {  	_ =	shalt  }
0x61: {  	_ =	shalt  }
0x62: {  	_ =	shalt  }
0x63: {  	_ =	shalt  }
0x64: {  	_ =	shalt  }
0x65: {  	_ =	shalt  }
0x66: {  	_ =	shalt  }
0x67: {  	_ =	shalt  }
0x68: {  	_ =	shalt  }
0x69: {  	_ =	shalt  }
0x6a: {  	_ =	shalt  }
0x6b: {  	_ =	shalt  }
0x6c: {  	_ =	shalt  }
0x6d: {  	_ =	shalt  }
0x6e: {  	_ =	shalt  }
0x6f: {  	_ =	shalt  }
0x70: {  	_ =	shalt  }
0x71: {  	_ =	shalt  }
0x72: {  	_ =	shalt  }
0x73: {  	_ =	shalt  }
0x74: {  	_ =	shalt  }
0x75: {  	_ =	shalt  }
0x76: {  	_ =	shalt  }
0x77: {  	_ =	shalt  }
0x78: {  	_ =	shalt  }
0x79: {  	_ =	shalt  }
0x7a: {  	_ =	shalt  }
0x7b: {  	_ =	shalt  }
0x7c: {  	_ =	shalt  }
0x7d: {  	_ =	shalt  }
0x7e: {  	_ =	shalt  }
0x7f: {  	_ =	shalt  }
0x80: {  	_ =	shalt  }
0x81: {  	_ =	shalt  }
0x82: {  	_ =	shalt  }
0x83: {  	_ =	shalt  }
0x84: {  	_ =	shalt  }
0x85: {  	_ =	shalt  }
0x86: {  	_ =	shalt  }
0x87: {  	_ =	shalt  }
.Lfunc_end0:
.L_simem_size_0:
called_computation.2_lowered:
.L_overlay_start_0:
0x88: {  	s2 =	sld [smem:$0x3FD9]  }
0x89: {  	s3 =	sld [smem:$0x3FFE];
	_ =	sdelay $0x1  }
0x8a: {  	s1 =	srdreg.scid  }
0x8b: {  	s0 =	sand.u32 $0x1, s1  }
0x8c: {  	s16 =	sshll.u32 s0, $0xA;
	s2 =	sadd.s32 s3, s2  }
0x8d: {  	s2 =	sadd.s32 s2, s16  }
0x8e: {  	[smem:$0x3FBB] =	sst s2  }
0x8f: {  	_ = 	snop  }
0x90: {  	(tm) =	ssettm $0x1  }
0x91: {  	s17 =	sld [smem:$0x3FFB];
	_ =	sdelay $0x3  }
0x92: {  	_ =	strace s17  }
0x93: {  	s2 =	sld [smem:$0x3FFC];
	_ =	sdelay $0x3  }
0x94: {  	_ =	strace s2  }
0x95: {  	s2 =	sld [smem:$0x3FFD];
	_ =	sdelay $0x3  }
0x96: {  	_ =	strace s2  }
0x97: {  	_ =	strace $0x8FFFFFFF  }
0x98: {  	s18 =	sld [smem:$0x3FDB];
	_ =	sdelay $0x1  }
0x99: {  	s19 =	simm.s32 $_scs_section_size  }
0x9a: {  	s4 =	simm.s32 $_size__tile_overlayer_lowered;
	s5 =	simm.s32 $_tile_overlayer_lowered  }
0x9b: {  	s22 =	simm.s32 $0x1BFF;
	s21 =	sshll.u32 s5, $0x1;
	s2 =	sadd.s32 s19, s18  }
0x9c: {  	s6 =	simm.s32 $0x0;
	s20 =	sshll.u32 s4, $0x1;
	s4 =	sadd.s32 s21, s2  }
0x9d: {  	[timem:s6], [sflag:s22] =	dma.local [hbm:s4], s20  }
0x9e: {  	_ =	swait.ge [sflag:s22], s20  }
0x9f: {  	s3 =	ssub.s32 $0x0, s20;
	[sflag:s22] =	ssyncset.done $0x0  }
0xa0: {  	[sflag:s22] =	ssyncadd.s32 s3;
	_ =	sdelay $0x1  }
0xa1: {  	s23 =	simm.s32 $0x1B8B  }
0xa2: {  	_ =	swait.ge [sflag:s23], $0x1  }
0xa3: {  	[sflag:s23] =	ssyncset.done $0x0  }
0xa4: {  	s25 =	simm.s32 $0x1B8E;
	s24 =	sld [smem:$0x3FFE];
	[sflag:s23] =	ssyncadd.s32 $0xFFFFFFFF  }
0xa5: {  	s26 =	simm.s32 $execute0_lowered;
	[smem:$0x3FD2] =	sst s25  }
0xa6: {  	s4 =	sshll.u32 s26, $0x1;
	_ =	strace $0x8000004C;
	[dreg:$0x1] =	wrdreg $0xFFFFFFFF  }
0xa7: {  	s28 =	simm.s32 $_size_execute0_lowered;
	s2 =	sadd.s32 s2, s4;
	[dreg:$0x0] =	wrdreg $0x0  }
0xa8: {  	s4 =	sshll.u32 s28, $0x1;
	[dreg:$0x2] =	wrdreg s2  }
0xa9: {  	[dreg:$0x3] =	wrdreg s4  }
0xaa: {  	[dreg:$0x4] =	wrdreg $0xC0  }
0xab: {  	_ =	task [dreg:s6], $0x5FFFF  }
0xac: {  	[dreg:$0x1] =	wrdreg $0xFFFFFFFF  }
0xad: {  	[dreg:$0x0] =	wrdreg $0x60  }
0xae: {  	[dreg:$0x2] =	wrdreg s24  }
0xaf: {  	[dreg:$0x3] =	wrdreg $0x98000  }
0xb0: {  	[dreg:$0x4] =	wrdreg $0x9  }
0xb1: {  	_ =	task.clear_ibuf [dreg:s6], $0x5FFFF;
	_ =	strace $0x9000004C  }
0xb2: {  	s29 =	simm.s32 $0x9;
	_ =	strace $0x8000004E  }
0xb3: {  	_ =	swait.ge [sflag:s29], $0x1  }
0xb4: {  	[sflag:s29] =	ssyncadd.s32 $0xFFFFFFFF  }
0xb5: {  	_ =	strace $0x9000004E  }
0xb6: {  	_ =	sfence  }
0xb7: {  	s30 =	sld [smem:$0x0];
	_ =	sdelay $0x2  }
0xb8: {  	s31 =	sshll.u32 s1, $0xD;
	s1 =	sshrl.u32 s1, $0x2  }
0xb9: {  	s3 =	sand.u32 $0x4000, s31;
	s1 =	sadd.s32 s1, s30  }
0xba: {  	s0 =	sor.u32 s3, s0;
	s1 =	sshll.u32 s1, $0x11  }
0xbb: {  	s0 =	sor.u32 s1, s0  }
0xbc: {  	s0 =	sadd.s32 $0x8F2B, s0  }
0xbd: {  	[sflag:s0] =	ssyncadd.remote.s32 $0x1  }
0xbe: {  	_ =	sfence.sel $0xFFFF  }
0xbf: {  	[dreg:$0x0] =	wrdreg $0xFFFFFFFF;
	(pc) =	sbr.abs _section_cstart, $3  }
0xc0: {  	[dreg:$0x1] =	wrdreg $0xFFFFFFFF  }
0xc1: {  	_ =	task.clear_ibuf [dreg:s6], $0x2FFFF;
	_ =	strace $0x9FFFFFFF  }
0xc2: {  	(tm) =	ssettm $0x7FFFFFFF  }
0xc3: {  	_ =	shalt  }
tec
execute0_lowered:
.L_overlay_start_1:
0x0: {  	(tag) =	ssettag $0x1  }
0x1: {  	s0 =	rddreg [dreg:$0x0]  }
0x2: {  	s1 =	rddreg [dreg:$0x1];
	s2 =	srdreg.scid  }
0x3: {  	s3 =	simm.s32 $0x0;
	s9 =	stileid.u32;
	s29 =	simm.s32 $0x1  }
0x4: {  	s31 =	simm.s32 $0x2;
	s30 =	simm.s32 $0x900;
	s2 =	sand.u32 $0x1, s2  }
0x5: {  	[smem:$0x7FF] =	sst s3;
	s6 =	smul.u32 $0x14000, s9;
	s4 =	sadd.s32 $0x17200, s0  }
0x6: {  	s7 =	sadd.s32 $0xD200, s0;
	s8 =	smul.u32 $0x50000, s9;
	s9 =	sshll.u32 s9, $0x1  }
0x7: {  	s5 =	smul.u32 $0x140000, s2;
	s11 =	ssub.s32 $0x2, s2;
	s2 =	sor.u32 s2, s9  }
0x8: {  	s28 =	sadd.s32 $0x3200, s0;
	_ =	strace $0x8000004D;
	s14 =	smul.u32 $0x2800, s2  }
0x9: {  	s10 =	sshrl.u32 s11, $0x1;
	s8 =	sshrl.u32 s8, $0x2;
	s2 =	smul.u32 $0x500, s2  }
0xa: {  	s5 =	sadd.s32 s6, s5;
	s12 =	ssub.s32 s11, s10;
	s13 =	sadd.s32 s8, s1  }
0xb: {  	s6 =	simm.s32 $0x1080;
	s10 =	simm.s32 $0x1580;
	s11 =	simm.s32 $0x1600  }
0xc: {  	s5 =	sshrl.u32 s5, $0x3;
	s15 =	sadd.s32 $0x4000, s13;
	[dreg:$0x3] =	wrdreg s13  }
0xd: {  	s16 =	sadd.s32 $0x8000, s13;
	s17 =	sadd.s32 $0xC000, s13;
	[dreg:$0x4] =	wrdreg s15  }
0xe: {  	s8 =	sshrl.u32 s14, $0x3;
	s18 =	sadd.s32 s7, s2;
	[dreg:$0x5] =	wrdreg s16  }
0xf: {  	s2 =	sadd.s32 s28, s2;
	s14 =	simm.s32 $0x1680;
	[dreg:$0x6] =	wrdreg s17  }
0x10: {  	s0 =	sadd.s32 s5, s0;
	s5 =	sadd.s32 $0x10000, s13;
	[dreg:$0x8] =	wrdreg s18  }
0x11: {  	[dreg:$0x9] =	wrdreg s2;
	s19 =	sadd.s32 $0x100, s8;
	s21 =	sadd.s32 $0x200, s8  }
0x12: {  	s23 =	sadd.s32 $0x300, s8;
	s25 =	sadd.s32 $0x400, s8;
	s8 =	simm.s32 $0x1100  }
0x13: {  	s16 =	simm.s32 $0x1200;
	[dreg:$0x7] =	wrdreg s5;
	s20 =	sadd.s32 s7, s19  }
0x14: {  	s15 =	simm.s32 $0x1380;
	s2 =	sadd.s32 s28, s19;
	[dreg:$0xa] =	wrdreg s20  }
0x15: {  	s17 =	simm.s32 $0x1700;
	s22 =	sadd.s32 s7, s21;
	[dreg:$0xb] =	wrdreg s2  }
0x16: {  	s18 =	simm.s32 $0x1780;
	s24 =	sadd.s32 s7, s23;
	[dreg:$0xc] =	wrdreg s22  }
0x17: {  	s26 =	sadd.s32 s7, s25;
	s0 =	sadd.s32 $0x3F200, s0;
	[dreg:$0xe] =	wrdreg s24  }
0x18: {  	s7 =	simm.s32 $0x1300;
	s19 =	simm.s32 $0x1400;
	[dreg:$0x10] =	wrdreg s26  }
0x19: {  	s2 =	sadd.s32 s28, s21;
	[dreg:$0x12] =	wrdreg s0;
	s22 =	simm.s32 $0x1800  }
0x1a: {  	s24 =	simm.s32 $0x80;
	s26 =	simm.s32 $0x1000;
	s20 =	simm.s32 $0x1280  }
0x1b: {  	s21 =	simm.s32 $0x780;
	[dreg:$0xd] =	wrdreg s2;
	s2 =	sadd.s32 s28, s23  }
0x1c: {  	s23 =	simm.s32 $0x3;
	[dreg:$0xf] =	wrdreg s2;
	s2 =	sadd.s32 s28, s25  }
0x1d: {  	s28 =	smax.u32 s12, $0x1;
	s25 =	simm.s32 $0x5800;
	[dreg:$0x11] =	wrdreg s2  }
0x1e: {  	v0 =	vimm.f32 $0.0e+00;
	s12 =	simm.s32 $0x1180;
	[dreg:$0x13] =	wrdreg s28;
	s2 =	simm.s32 $0x0  }
.LBB2_1:
0x1f: {  	s9 =	sand.u32 $0xFE00, s3  }
0x20: {  	s13 =	sand.u32 $0x70, s3;
	s28 =	sshrl.u32 s9, $0x2  }
0x21: {  	s9 =	simm.s32 $0x40;
	s28 =	sor.u32 s13, s28;
	s13 =	simm.s32 $0x0  }
.LBB2_2:
0x22: {  	p0 =	sne.s32 s9, $0xFFC0  }
0x23: {  	[tilespmem:s28+$0x1800] =	vst v0;
	s13 =	sadd.s32 $0x10, s13;
	s28 =	smov.u32 s9;
	s9 =	sadd.s32 $0x40, s9  }
.Ltmp0:
0x24: {  	(pc) =	sbr.rel @p0 .LBB2_2-.Ltmp0, $4  }
0x25: {  	_ = 	snop  }
0x26: {  	s28 =	sand.u32 $0xFE00, s28  }
0x27: {  	s5 =	sand.u32 $0x70, s13;
	s28 =	sshrl.u32 s28, $0x2  }
0x28: {  	s28 =	sor.u32 s5, s28  }
0x29: {  	[tilespmem:s28+$0x1800] =	vst v0;
	s0 =	rddreg [dreg:$0x3]  }
0x2a: {  	[spmem:s0] =	stream.linear.scatter [tilespmem:s22], [sflag:$0x3], $0x4000, $0x38;
	[tilespmem:$0x1D800] =	vst v63  }
0x2b: {  	_ =	swait.ge [sflag:s23], $0x4000  }
0x2c: {  	[sflag:s23] =	ssyncset.done $0x0  }
0x2d: {  	s5 =	rddreg [dreg:$0x4];
	[sflag:s23] =	ssyncadd.s32 $0xFFFFC000  }
0x2e: {  	[spmem:s5] =	stream.linear.scatter [tilespmem:s22], [sflag:$0x3], $0x4000, $0x38;
	[tilespmem:$0x1D800] =	vst v63  }
0x2f: {  	_ =	swait.ge [sflag:s23], $0x4000  }
0x30: {  	[sflag:s23] =	ssyncset.done $0x0  }
0x31: {  	s28 =	rddreg [dreg:$0x5];
	[sflag:s23] =	ssyncadd.s32 $0xFFFFC000  }
0x32: {  	[spmem:s28] =	stream.linear.scatter [tilespmem:s22], [sflag:$0x3], $0x4000, $0x38;
	[tilespmem:$0x1D800] =	vst v63  }
0x33: {  	_ =	swait.ge [sflag:s23], $0x4000  }
0x34: {  	[sflag:s23] =	ssyncset.done $0x0  }
0x35: {  	s0 =	rddreg [dreg:$0x6];
	[sflag:s23] =	ssyncadd.s32 $0xFFFFC000  }
0x36: {  	[spmem:s0] =	stream.linear.scatter [tilespmem:s22], [sflag:$0x3], $0x4000, $0x38;
	[tilespmem:$0x1D800] =	vst v63  }
0x37: {  	_ =	swait.ge [sflag:s23], $0x4000  }
0x38: {  	[sflag:s23] =	ssyncset.done $0x0  }
0x39: {  	s9 =	rddreg [dreg:$0x7];
	[sflag:s23] =	ssyncadd.s32 $0xFFFFC000  }
0x3a: {  	[spmem:s9] =	stream.linear.scatter [tilespmem:s22], [sflag:$0x3], $0x4000, $0x38;
	[tilespmem:$0x1D800] =	vst v63  }
0x3b: {  	_ =	swait.ge [sflag:s23], $0x4000  }
0x3c: {  	[sflag:s23] =	ssyncset.done $0x0  }
0x3d: {  	s13 =	rddreg [dreg:$0x8];
	[sflag:s23] =	ssyncadd.s32 $0xFFFFC000  }
0x3e: {  	[tilespmem:s3], [sflag:$0x3] =	stream.linear.gather [hbm4b:s13+s3], $0x800, $0x38;
	[tilespmem:$0x1D800] =	vst v63  }
0x3f: {  	_ =	swait.ge [sflag:s23], $0x800  }
0x40: {  	[sflag:s23] =	ssyncset.done $0x0  }
0x41: {  	[sflag:s23] =	ssyncadd.s32 $0xFFFFF800  }
0x42: {  	[bflag:$0x0] =	sbarrier.arrive $0xFFFF  }
0x43: {  	[tilespmem:s22], [sflag:$0x1] =	stream.indirect.gather [hbm4b:s4+s24], $0x80, s3, s24, $0xb8;
	[tilespmem:$0x1D800] =	vst v63  }
0x44: {  	_ = 	snop  }
0x45: {  	[tilespmem:s25], [sflag:$0x2] =	stream.indirect.gather [hbm4b:s4+s24], $0x80, s24, s24, $0xb8;
	[tilespmem:$0x1D800] =	vst v63  }
0x46: {  	s28 =	rddreg [dreg:$0x9]  }
0x47: {  	[tilespmem:s26], [sflag:$0x3] =	stream.linear.gather [hbm4b:s28+s3], $0x800, $0x38;
	[tilespmem:$0x1D800] =	vst v63  }
0x48: {  	_ =	swait.ge [sflag:s23], $0x800  }
0x49: {  	[sflag:s23] =	ssyncset.done $0x0  }
0x4a: {  	s13 =	simm.s32 $0x800;
	s0 =	rddreg [dreg:$0xa];
	[sflag:s23] =	ssyncadd.s32 $0xFFFFF800  }
0x4b: {  	[tilespmem:s13], [sflag:$0x3] =	stream.linear.gather [hbm4b:s0+s3], $0x800, $0x38;
	[tilespmem:$0x1D800] =	vst v63  }
0x4c: {  	_ =	swait.ge [sflag:s23], $0x800  }
0x4d: {  	[sflag:s23] =	ssyncset.done $0x0  }
0x4e: {  	[sflag:s23] =	ssyncadd.s32 $0xFFFFF800  }
0x4f: {  	_ =	swait.ge [sflag:s29], $0x4000  }
0x50: {  	[sflag:s29] =	ssyncset.done $0x0  }
0x51: {  	[sflag:s29] =	ssyncadd.s32 $0xFFFFC000  }
0x52: {  	[spmem:s1] =	stream.indirect.scatter.add.f32 [tilespmem:s22], [sflag:$0x3], $0x80, s26, s24, $0xb8;
	[tilespmem:$0x1D800] =	vst v63  }
0x53: {  	_ =	swait.ge [sflag:s23], $0x4000  }
0x54: {  	[sflag:s23] =	ssyncset.done $0x0  }
0x55: {  	s9 =	simm.s32 $0x100;
	[sflag:s23] =	ssyncadd.s32 $0xFFFFC000  }
0x56: {  	[tilespmem:s22], [sflag:$0x1] =	stream.indirect.gather [hbm4b:s4+s24], $0x80, s9, s24, $0xb8;
	[tilespmem:$0x1D800] =	vst v63  }
0x57: {  	_ =	swait.ge [sflag:s31], $0x4000  }
0x58: {  	[sflag:s31] =	ssyncset.done $0x0  }
0x59: {  	[sflag:s31] =	ssyncadd.s32 $0xFFFFC000  }
0x5a: {  	[spmem:s1] =	stream.indirect.scatter.add.f32 [tilespmem:s25], [sflag:$0x3], $0x80, s6, s24, $0xb8;
	[tilespmem:$0x1D800] =	vst v63  }
0x5b: {  	_ =	swait.ge [sflag:s23], $0x4000  }
0x5c: {  	[sflag:s23] =	ssyncset.done $0x0  }
0x5d: {  	s28 =	simm.s32 $0x180;
	[sflag:s23] =	ssyncadd.s32 $0xFFFFC000  }
0x5e: {  	[tilespmem:s25], [sflag:$0x2] =	stream.indirect.gather [hbm4b:s4+s24], $0x80, s28, s24, $0xb8;
	[tilespmem:$0x1D800] =	vst v63  }
0x5f: {  	_ =	swait.ge [sflag:s29], $0x4000  }
0x60: {  	[sflag:s29] =	ssyncset.done $0x0  }
0x61: {  	[sflag:s29] =	ssyncadd.s32 $0xFFFFC000  }
0x62: {  	[spmem:s1] =	stream.indirect.scatter.add.f32 [tilespmem:s22], [sflag:$0x3], $0x80, s8, s24, $0xb8;
	[tilespmem:$0x1D800] =	vst v63  }
0x63: {  	_ =	swait.ge [sflag:s23], $0x4000  }
0x64: {  	[sflag:s23] =	ssyncset.done $0x0  }
0x65: {  	s5 =	simm.s32 $0x200;
	[sflag:s23] =	ssyncadd.s32 $0xFFFFC000  }
0x66: {  	[tilespmem:s22], [sflag:$0x1] =	stream.indirect.gather [hbm4b:s4+s24], $0x80, s5, s24, $0xb8;
	[tilespmem:$0x1D800] =	vst v63  }
0x67: {  	_ =	swait.ge [sflag:s31], $0x4000  }
0x68: {  	[sflag:s31] =	ssyncset.done $0x0  }
0x69: {  	[sflag:s31] =	ssyncadd.s32 $0xFFFFC000  }
0x6a: {  	[spmem:s1] =	stream.indirect.scatter.add.f32 [tilespmem:s25], [sflag:$0x3], $0x80, s12, s24, $0xb8;
	[tilespmem:$0x1D800] =	vst v63  }
0x6b: {  	_ =	swait.ge [sflag:s23], $0x4000  }
0x6c: {  	[sflag:s23] =	ssyncset.done $0x0  }
0x6d: {  	s9 =	simm.s32 $0x280;
	[sflag:s23] =	ssyncadd.s32 $0xFFFFC000  }
0x6e: {  	[tilespmem:s25], [sflag:$0x2] =	stream.indirect.gather [hbm4b:s4+s24], $0x80, s9, s24, $0xb8;
	[tilespmem:$0x1D800] =	vst v63  }
0x6f: {  	_ =	swait.ge [sflag:s29], $0x4000  }
0x70: {  	[sflag:s29] =	ssyncset.done $0x0  }
0x71: {  	[sflag:s29] =	ssyncadd.s32 $0xFFFFC000  }
0x72: {  	[spmem:s1] =	stream.indirect.scatter.add.f32 [tilespmem:s22], [sflag:$0x3], $0x80, s16, s24, $0xb8;
	[tilespmem:$0x1D800] =	vst v63  }
0x73: {  	_ =	swait.ge [sflag:s23], $0x4000  }
0x74: {  	[sflag:s23] =	ssyncset.done $0x0  }
0x75: {  	s28 =	simm.s32 $0x300;
	[sflag:s23] =	ssyncadd.s32 $0xFFFFC000  }
0x76: {  	[tilespmem:s22], [sflag:$0x1] =	stream.indirect.gather [hbm4b:s4+s24], $0x80, s28, s24, $0xb8;
	[tilespmem:$0x1D800] =	vst v63  }
0x77: {  	_ =	swait.ge [sflag:s31], $0x4000  }
0x78: {  	[sflag:s31] =	ssyncset.done $0x0  }
0x79: {  	[sflag:s31] =	ssyncadd.s32 $0xFFFFC000  }
0x7a: {  	[spmem:s1] =	stream.indirect.scatter.add.f32 [tilespmem:s25], [sflag:$0x3], $0x80, s20, s24, $0xb8;
	[tilespmem:$0x1D800] =	vst v63  }
0x7b: {  	_ =	swait.ge [sflag:s23], $0x4000  }
0x7c: {  	[sflag:s23] =	ssyncset.done $0x0  }
0x7d: {  	s5 =	simm.s32 $0x380;
	[sflag:s23] =	ssyncadd.s32 $0xFFFFC000  }
0x7e: {  	[tilespmem:s25], [sflag:$0x2] =	stream.indirect.gather [hbm4b:s4+s24], $0x80, s5, s24, $0xb8;
	[tilespmem:$0x1D800] =	vst v63  }
0x7f: {  	_ =	swait.ge [sflag:s29], $0x4000  }
0x80: {  	[sflag:s29] =	ssyncset.done $0x0  }
0x81: {  	[sflag:s29] =	ssyncadd.s32 $0xFFFFC000  }
0x82: {  	[spmem:s1] =	stream.indirect.scatter.add.f32 [tilespmem:s22], [sflag:$0x3], $0x80, s7, s24, $0xb8;
	[tilespmem:$0x1D800] =	vst v63  }
0x83: {  	_ =	swait.ge [sflag:s23], $0x4000  }
0x84: {  	[sflag:s23] =	ssyncset.done $0x0  }
0x85: {  	s9 =	simm.s32 $0x400;
	[sflag:s23] =	ssyncadd.s32 $0xFFFFC000  }
0x86: {  	[tilespmem:s22], [sflag:$0x1] =	stream.indirect.gather [hbm4b:s4+s24], $0x80, s9, s24, $0xb8;
	[tilespmem:$0x1D800] =	vst v63  }
0x87: {  	_ =	swait.ge [sflag:s31], $0x4000  }
0x88: {  	[sflag:s31] =	ssyncset.done $0x0  }
0x89: {  	[sflag:s31] =	ssyncadd.s32 $0xFFFFC000  }
0x8a: {  	[spmem:s1] =	stream.indirect.scatter.add.f32 [tilespmem:s25], [sflag:$0x3], $0x80, s15, s24, $0xb8;
	[tilespmem:$0x1D800] =	vst v63  }
0x8b: {  	_ =	swait.ge [sflag:s23], $0x4000  }
0x8c: {  	[sflag:s23] =	ssyncset.done $0x0  }
0x8d: {  	s28 =	simm.s32 $0x480;
	[sflag:s23] =	ssyncadd.s32 $0xFFFFC000  }
0x8e: {  	[tilespmem:s25], [sflag:$0x2] =	stream.indirect.gather [hbm4b:s4+s24], $0x80, s28, s24, $0xb8;
	[tilespmem:$0x1D800] =	vst v63  }
0x8f: {  	_ =	swait.ge [sflag:s29], $0x4000  }
0x90: {  	[sflag:s29] =	ssyncset.done $0x0  }
0x91: {  	[sflag:s29] =	ssyncadd.s32 $0xFFFFC000  }
0x92: {  	[spmem:s1] =	stream.indirect.scatter.add.f32 [tilespmem:s22], [sflag:$0x3], $0x80, s19, s24, $0xb8;
	[tilespmem:$0x1D800] =	vst v63  }
0x93: {  	_ =	swait.ge [sflag:s23], $0x4000  }
0x94: {  	[sflag:s23] =	ssyncset.done $0x0  }
0x95: {  	s5 =	simm.s32 $0x500;
	[sflag:s23] =	ssyncadd.s32 $0xFFFFC000  }
0x96: {  	[tilespmem:s22], [sflag:$0x1] =	stream.indirect.gather [hbm4b:s4+s24], $0x80, s5, s24, $0xb8;
	[tilespmem:$0x1D800] =	vst v63  }
0x97: {  	_ =	swait.ge [sflag:s31], $0x4000  }
0x98: {  	[sflag:s31] =	ssyncset.done $0x0  }
0x99: {  	s0 =	simm.s32 $0x1480;
	[sflag:s31] =	ssyncadd.s32 $0xFFFFC000  }
0x9a: {  	[spmem:s1] =	stream.indirect.scatter.add.f32 [tilespmem:s25], [sflag:$0x3], $0x80, s0, s24, $0xb8;
	[tilespmem:$0x1D800] =	vst v63  }
0x9b: {  	_ =	swait.ge [sflag:s23], $0x4000  }
0x9c: {  	[sflag:s23] =	ssyncset.done $0x0  }
0x9d: {  	s9 =	simm.s32 $0x580;
	[sflag:s23] =	ssyncadd.s32 $0xFFFFC000  }
0x9e: {  	[tilespmem:s25], [sflag:$0x2] =	stream.indirect.gather [hbm4b:s4+s24], $0x80, s9, s24, $0xb8;
	[tilespmem:$0x1D800] =	vst v63  }
0x9f: {  	_ =	swait.ge [sflag:s29], $0x4000  }
0xa0: {  	[sflag:s29] =	ssyncset.done $0x0  }
0xa1: {  	s9 =	simm.s32 $0x1500;
	[sflag:s29] =	ssyncadd.s32 $0xFFFFC000  }
0xa2: {  	[spmem:s1] =	stream.indirect.scatter.add.f32 [tilespmem:s22], [sflag:$0x3], $0x80, s9, s24, $0xb8;
	[tilespmem:$0x1D800] =	vst v63  }
0xa3: {  	_ =	swait.ge [sflag:s23], $0x4000  }
0xa4: {  	[sflag:s23] =	ssyncset.done $0x0  }
0xa5: {  	s28 =	simm.s32 $0x600;
	[sflag:s23] =	ssyncadd.s32 $0xFFFFC000  }
0xa6: {  	[tilespmem:s22], [sflag:$0x1] =	stream.indirect.gather [hbm4b:s4+s24], $0x80, s28, s24, $0xb8;
	[tilespmem:$0x1D800] =	vst v63  }
0xa7: {  	_ =	swait.ge [sflag:s31], $0x4000  }
0xa8: {  	[sflag:s31] =	ssyncset.done $0x0  }
0xa9: {  	[sflag:s31] =	ssyncadd.s32 $0xFFFFC000  }
0xaa: {  	[spmem:s1] =	stream.indirect.scatter.add.f32 [tilespmem:s25], [sflag:$0x3], $0x80, s10, s24, $0xb8;
	[tilespmem:$0x1D800] =	vst v63  }
0xab: {  	_ =	swait.ge [sflag:s23], $0x4000  }
0xac: {  	[sflag:s23] =	ssyncset.done $0x0  }
0xad: {  	s28 =	simm.s32 $0x680;
	[sflag:s23] =	ssyncadd.s32 $0xFFFFC000  }
0xae: {  	[tilespmem:s25], [sflag:$0x2] =	stream.indirect.gather [hbm4b:s4+s24], $0x80, s28, s24, $0xb8;
	[tilespmem:$0x1D800] =	vst v63  }
0xaf: {  	_ =	swait.ge [sflag:s29], $0x4000  }
0xb0: {  	[sflag:s29] =	ssyncset.done $0x0  }
0xb1: {  	[sflag:s29] =	ssyncadd.s32 $0xFFFFC000  }
0xb2: {  	[spmem:s1] =	stream.indirect.scatter.add.f32 [tilespmem:s22], [sflag:$0x3], $0x80, s11, s24, $0xb8;
	[tilespmem:$0x1D800] =	vst v63  }
0xb3: {  	_ =	swait.ge [sflag:s23], $0x4000  }
0xb4: {  	[sflag:s23] =	ssyncset.done $0x0  }
0xb5: {  	s28 =	simm.s32 $0x700;
	[sflag:s23] =	ssyncadd.s32 $0xFFFFC000  }
0xb6: {  	[tilespmem:s22], [sflag:$0x1] =	stream.indirect.gather [hbm4b:s4+s24], $0x80, s28, s24, $0xb8;
	[tilespmem:$0x1D800] =	vst v63  }
0xb7: {  	_ =	swait.ge [sflag:s31], $0x4000  }
0xb8: {  	[sflag:s31] =	ssyncset.done $0x0  }
0xb9: {  	[sflag:s31] =	ssyncadd.s32 $0xFFFFC000  }
0xba: {  	[spmem:s1] =	stream.indirect.scatter.add.f32 [tilespmem:s25], [sflag:$0x3], $0x80, s14, s24, $0xb8;
	[tilespmem:$0x1D800] =	vst v63  }
0xbb: {  	_ =	swait.ge [sflag:s23], $0x4000  }
0xbc: {  	[sflag:s23] =	ssyncset.done $0x0  }
0xbd: {  	[sflag:s23] =	ssyncadd.s32 $0xFFFFC000  }
0xbe: {  	[tilespmem:s25], [sflag:$0x2] =	stream.indirect.gather [hbm4b:s4+s24], $0x80, s21, s24, $0xb8;
	[tilespmem:$0x1D800] =	vst v63  }
0xbf: {  	_ =	swait.ge [sflag:s29], $0x4000  }
0xc0: {  	[sflag:s29] =	ssyncset.done $0x0  }
0xc1: {  	[sflag:s29] =	ssyncadd.s32 $0xFFFFC000  }
0xc2: {  	[spmem:s1] =	stream.indirect.scatter.add.f32 [tilespmem:s22], [sflag:$0x3], $0x80, s17, s24, $0xb8;
	[tilespmem:$0x1D800] =	vst v63  }
0xc3: {  	_ =	swait.ge [sflag:s23], $0x4000  }
0xc4: {  	[sflag:s23] =	ssyncset.done $0x0  }
0xc5: {  	[sflag:s23] =	ssyncadd.s32 $0xFFFFC000  }
0xc6: {  	[tilespmem:s22], [sflag:$0x1] =	stream.indirect.gather [hbm4b:s4+s24], $0x80, s13, s24, $0xb8;
	[tilespmem:$0x1D800] =	vst v63  }
0xc7: {  	_ =	swait.ge [sflag:s31], $0x4000  }
0xc8: {  	[sflag:s31] =	ssyncset.done $0x0  }
0xc9: {  	[sflag:s31] =	ssyncadd.s32 $0xFFFFC000  }
0xca: {  	[spmem:s1] =	stream.indirect.scatter.add.f32 [tilespmem:s25], [sflag:$0x3], $0x80, s18, s24, $0xb8;
	[tilespmem:$0x1D800] =	vst v63  }
0xcb: {  	_ =	swait.ge [sflag:s23], $0x4000  }
0xcc: {  	[sflag:s23] =	ssyncset.done $0x0  }
0xcd: {  	s28 =	simm.s32 $0x880;
	[sflag:s23] =	ssyncadd.s32 $0xFFFFC000  }
0xce: {  	[tilespmem:s25], [sflag:$0x2] =	stream.indirect.gather [hbm4b:s4+s24], $0x80, s28, s24, $0xb8;
	[tilespmem:$0x1D800] =	vst v63  }
0xcf: {  	s5 =	rddreg [dreg:$0xb]  }
0xd0: {  	[tilespmem:s26], [sflag:$0x3] =	stream.linear.gather [hbm4b:s5+s3], $0x800, $0x38;
	[tilespmem:$0x1D800] =	vst v63  }
0xd1: {  	_ =	swait.ge [sflag:s23], $0x800  }
0xd2: {  	[sflag:s23] =	ssyncset.done $0x0  }
0xd3: {  	s5 =	rddreg [dreg:$0xc];
	[sflag:s23] =	ssyncadd.s32 $0xFFFFF800  }
0xd4: {  	[tilespmem:s3], [sflag:$0x3] =	stream.linear.gather [hbm4b:s5+s3], $0x800, $0x38;
	[tilespmem:$0x1D800] =	vst v63  }
0xd5: {  	_ =	swait.ge [sflag:s23], $0x800  }
0xd6: {  	[sflag:s23] =	ssyncset.done $0x0  }
0xd7: {  	[sflag:s23] =	ssyncadd.s32 $0xFFFFF800  }
0xd8: {  	_ =	swait.ge [sflag:s29], $0x4000  }
0xd9: {  	[sflag:s29] =	ssyncset.done $0x0  }
0xda: {  	[sflag:s29] =	ssyncadd.s32 $0xFFFFC000  }
0xdb: {  	[spmem:s1] =	stream.indirect.scatter.add.f32 [tilespmem:s22], [sflag:$0x3], $0x80, s26, s24, $0xb8;
	[tilespmem:$0x1D800] =	vst v63  }
0xdc: {  	_ =	swait.ge [sflag:s23], $0x4000  }
0xdd: {  	[sflag:s23] =	ssyncset.done $0x0  }
0xde: {  	[sflag:s23] =	ssyncadd.s32 $0xFFFFC000  }
0xdf: {  	[tilespmem:s22], [sflag:$0x1] =	stream.indirect.gather [hbm4b:s4+s24], $0x80, s30, s24, $0xb8;
	[tilespmem:$0x1D800] =	vst v63  }
0xe0: {  	_ =	swait.ge [sflag:s31], $0x4000  }
0xe1: {  	[sflag:s31] =	ssyncset.done $0x0  }
0xe2: {  	[sflag:s31] =	ssyncadd.s32 $0xFFFFC000  }
0xe3: {  	[spmem:s1] =	stream.indirect.scatter.add.f32 [tilespmem:s25], [sflag:$0x3], $0x80, s6, s24, $0xb8;
	[tilespmem:$0x1D800] =	vst v63  }
0xe4: {  	_ =	swait.ge [sflag:s23], $0x4000  }
0xe5: {  	[sflag:s23] =	ssyncset.done $0x0  }
0xe6: {  	s5 =	simm.s32 $0x980;
	[sflag:s23] =	ssyncadd.s32 $0xFFFFC000  }
0xe7: {  	[tilespmem:s25], [sflag:$0x2] =	stream.indirect.gather [hbm4b:s4+s24], $0x80, s5, s24, $0xb8;
	[tilespmem:$0x1D800] =	vst v63  }
0xe8: {  	_ =	swait.ge [sflag:s29], $0x4000  }
0xe9: {  	[sflag:s29] =	ssyncset.done $0x0  }
0xea: {  	[sflag:s29] =	ssyncadd.s32 $0xFFFFC000  }
0xeb: {  	[spmem:s1] =	stream.indirect.scatter.add.f32 [tilespmem:s22], [sflag:$0x3], $0x80, s8, s24, $0xb8;
	[tilespmem:$0x1D800] =	vst v63  }
0xec: {  	_ =	swait.ge [sflag:s23], $0x4000  }
0xed: {  	[sflag:s23] =	ssyncset.done $0x0  }
0xee: {  	s5 =	simm.s32 $0xA00;
	[sflag:s23] =	ssyncadd.s32 $0xFFFFC000  }
0xef: {  	[tilespmem:s22], [sflag:$0x1] =	stream.indirect.gather [hbm4b:s4+s24], $0x80, s5, s24, $0xb8;
	[tilespmem:$0x1D800] =	vst v63  }
0xf0: {  	_ =	swait.ge [sflag:s31], $0x4000  }
0xf1: {  	[sflag:s31] =	ssyncset.done $0x0  }
0xf2: {  	[sflag:s31] =	ssyncadd.s32 $0xFFFFC000  }
0xf3: {  	[spmem:s1] =	stream.indirect.scatter.add.f32 [tilespmem:s25], [sflag:$0x3], $0x80, s12, s24, $0xb8;
	[tilespmem:$0x1D800] =	vst v63  }
0xf4: {  	_ =	swait.ge [sflag:s23], $0x4000  }
0xf5: {  	[sflag:s23] =	ssyncset.done $0x0  }
0xf6: {  	s5 =	simm.s32 $0xA80;
	[sflag:s23] =	ssyncadd.s32 $0xFFFFC000  }
0xf7: {  	[tilespmem:s25], [sflag:$0x2] =	stream.indirect.gather [hbm4b:s4+s24], $0x80, s5, s24, $0xb8;
	[tilespmem:$0x1D800] =	vst v63  }
0xf8: {  	_ =	swait.ge [sflag:s29], $0x4000  }
0xf9: {  	[sflag:s29] =	ssyncset.done $0x0  }
0xfa: {  	[sflag:s29] =	ssyncadd.s32 $0xFFFFC000  }
0xfb: {  	[spmem:s1] =	stream.indirect.scatter.add.f32 [tilespmem:s22], [sflag:$0x3], $0x80, s16, s24, $0xb8;
	[tilespmem:$0x1D800] =	vst v63  }
0xfc: {  	_ =	swait.ge [sflag:s23], $0x4000  }
0xfd: {  	[sflag:s23] =	ssyncset.done $0x0  }
0xfe: {  	s5 =	simm.s32 $0xB00;
	[sflag:s23] =	ssyncadd.s32 $0xFFFFC000  }
0xff: {  	[tilespmem:s22], [sflag:$0x1] =	stream.indirect.gather [hbm4b:s4+s24], $0x80, s5, s24, $0xb8;
	[tilespmem:$0x1D800] =	vst v63  }
0x100: {  	_ =	swait.ge [sflag:s31], $0x4000  }
0x101: {  	[sflag:s31] =	ssyncset.done $0x0  }
0x102: {  	[sflag:s31] =	ssyncadd.s32 $0xFFFFC000  }
0x103: {  	[spmem:s1] =	stream.indirect.scatter.add.f32 [tilespmem:s25], [sflag:$0x3], $0x80, s20, s24, $0xb8;
	[tilespmem:$0x1D800] =	vst v63  }
0x104: {  	_ =	swait.ge [sflag:s23], $0x4000  }
0x105: {  	[sflag:s23] =	ssyncset.done $0x0  }
0x106: {  	s5 =	simm.s32 $0xB80;
	[sflag:s23] =	ssyncadd.s32 $0xFFFFC000  }
0x107: {  	[tilespmem:s25], [sflag:$0x2] =	stream.indirect.gather [hbm4b:s4+s24], $0x80, s5, s24, $0xb8;
	[tilespmem:$0x1D800] =	vst v63  }
0x108: {  	_ =	swait.ge [sflag:s29], $0x4000  }
0x109: {  	[sflag:s29] =	ssyncset.done $0x0  }
0x10a: {  	[sflag:s29] =	ssyncadd.s32 $0xFFFFC000  }
0x10b: {  	[spmem:s1] =	stream.indirect.scatter.add.f32 [tilespmem:s22], [sflag:$0x3], $0x80, s7, s24, $0xb8;
	[tilespmem:$0x1D800] =	vst v63  }
0x10c: {  	_ =	swait.ge [sflag:s23], $0x4000  }
0x10d: {  	[sflag:s23] =	ssyncset.done $0x0  }
0x10e: {  	s5 =	simm.s32 $0xC00;
	[sflag:s23] =	ssyncadd.s32 $0xFFFFC000  }
0x10f: {  	[tilespmem:s22], [sflag:$0x1] =	stream.indirect.gather [hbm4b:s4+s24], $0x80, s5, s24, $0xb8;
	[tilespmem:$0x1D800] =	vst v63  }
0x110: {  	_ =	swait.ge [sflag:s31], $0x4000  }
0x111: {  	[sflag:s31] =	ssyncset.done $0x0  }
0x112: {  	[sflag:s31] =	ssyncadd.s32 $0xFFFFC000  }
0x113: {  	[spmem:s1] =	stream.indirect.scatter.add.f32 [tilespmem:s25], [sflag:$0x3], $0x80, s15, s24, $0xb8;
	[tilespmem:$0x1D800] =	vst v63  }
0x114: {  	_ =	swait.ge [sflag:s23], $0x4000  }
0x115: {  	[sflag:s23] =	ssyncset.done $0x0  }
0x116: {  	s5 =	simm.s32 $0xC80;
	[sflag:s23] =	ssyncadd.s32 $0xFFFFC000  }
0x117: {  	[tilespmem:s25], [sflag:$0x2] =	stream.indirect.gather [hbm4b:s4+s24], $0x80, s5, s24, $0xb8;
	[tilespmem:$0x1D800] =	vst v63  }
0x118: {  	_ =	swait.ge [sflag:s29], $0x4000  }
0x119: {  	[sflag:s29] =	ssyncset.done $0x0  }
0x11a: {  	[sflag:s29] =	ssyncadd.s32 $0xFFFFC000  }
0x11b: {  	[spmem:s1] =	stream.indirect.scatter.add.f32 [tilespmem:s22], [sflag:$0x3], $0x80, s19, s24, $0xb8;
	[tilespmem:$0x1D800] =	vst v63  }
0x11c: {  	_ =	swait.ge [sflag:s23], $0x4000  }
0x11d: {  	[sflag:s23] =	ssyncset.done $0x0  }
0x11e: {  	s5 =	simm.s32 $0xD00;
	[sflag:s23] =	ssyncadd.s32 $0xFFFFC000  }
0x11f: {  	[tilespmem:s22], [sflag:$0x1] =	stream.indirect.gather [hbm4b:s4+s24], $0x80, s5, s24, $0xb8;
	[tilespmem:$0x1D800] =	vst v63  }
0x120: {  	_ =	swait.ge [sflag:s31], $0x4000  }
0x121: {  	[sflag:s31] =	ssyncset.done $0x0  }
0x122: {  	[sflag:s31] =	ssyncadd.s32 $0xFFFFC000  }
0x123: {  	[spmem:s1] =	stream.indirect.scatter.add.f32 [tilespmem:s25], [sflag:$0x3], $0x80, s0, s24, $0xb8;
	[tilespmem:$0x1D800] =	vst v63  }
0x124: {  	_ =	swait.ge [sflag:s23], $0x4000  }
0x125: {  	[sflag:s23] =	ssyncset.done $0x0  }
0x126: {  	s5 =	simm.s32 $0xD80;
	[sflag:s23] =	ssyncadd.s32 $0xFFFFC000  }
0x127: {  	[tilespmem:s25], [sflag:$0x2] =	stream.indirect.gather [hbm4b:s4+s24], $0x80, s5, s24, $0xb8;
	[tilespmem:$0x1D800] =	vst v63  }
0x128: {  	_ =	swait.ge [sflag:s29], $0x4000  }
0x129: {  	[sflag:s29] =	ssyncset.done $0x0  }
0x12a: {  	[sflag:s29] =	ssyncadd.s32 $0xFFFFC000  }
0x12b: {  	[spmem:s1] =	stream.indirect.scatter.add.f32 [tilespmem:s22], [sflag:$0x3], $0x80, s9, s24, $0xb8;
	[tilespmem:$0x1D800] =	vst v63  }
0x12c: {  	_ =	swait.ge [sflag:s23], $0x4000  }
0x12d: {  	[sflag:s23] =	ssyncset.done $0x0  }
0x12e: {  	s5 =	simm.s32 $0xE00;
	[sflag:s23] =	ssyncadd.s32 $0xFFFFC000  }
0x12f: {  	[tilespmem:s22], [sflag:$0x1] =	stream.indirect.gather [hbm4b:s4+s24], $0x80, s5, s24, $0xb8;
	[tilespmem:$0x1D800] =	vst v63  }
0x130: {  	_ =	swait.ge [sflag:s31], $0x4000  }
0x131: {  	[sflag:s31] =	ssyncset.done $0x0  }
0x132: {  	[sflag:s31] =	ssyncadd.s32 $0xFFFFC000  }
0x133: {  	[spmem:s1] =	stream.indirect.scatter.add.f32 [tilespmem:s25], [sflag:$0x3], $0x80, s10, s24, $0xb8;
	[tilespmem:$0x1D800] =	vst v63  }
0x134: {  	_ =	swait.ge [sflag:s23], $0x4000  }
0x135: {  	[sflag:s23] =	ssyncset.done $0x0  }
0x136: {  	s5 =	simm.s32 $0xE80;
	[sflag:s23] =	ssyncadd.s32 $0xFFFFC000  }
0x137: {  	[tilespmem:s25], [sflag:$0x2] =	stream.indirect.gather [hbm4b:s4+s24], $0x80, s5, s24, $0xb8;
	[tilespmem:$0x1D800] =	vst v63  }
0x138: {  	_ =	swait.ge [sflag:s29], $0x4000  }
0x139: {  	[sflag:s29] =	ssyncset.done $0x0  }
0x13a: {  	[sflag:s29] =	ssyncadd.s32 $0xFFFFC000  }
0x13b: {  	[spmem:s1] =	stream.indirect.scatter.add.f32 [tilespmem:s22], [sflag:$0x3], $0x80, s11, s24, $0xb8;
	[tilespmem:$0x1D800] =	vst v63  }
0x13c: {  	_ =	swait.ge [sflag:s23], $0x4000  }
0x13d: {  	[sflag:s23] =	ssyncset.done $0x0  }
0x13e: {  	s5 =	simm.s32 $0xF00;
	[sflag:s23] =	ssyncadd.s32 $0xFFFFC000  }
0x13f: {  	[tilespmem:s22], [sflag:$0x1] =	stream.indirect.gather [hbm4b:s4+s24], $0x80, s5, s24, $0xb8;
	[tilespmem:$0x1D800] =	vst v63  }
0x140: {  	_ =	swait.ge [sflag:s31], $0x4000  }
0x141: {  	[sflag:s31] =	ssyncset.done $0x0  }
0x142: {  	[sflag:s31] =	ssyncadd.s32 $0xFFFFC000  }
0x143: {  	[spmem:s1] =	stream.indirect.scatter.add.f32 [tilespmem:s25], [sflag:$0x3], $0x80, s14, s24, $0xb8;
	[tilespmem:$0x1D800] =	vst v63  }
0x144: {  	_ =	swait.ge [sflag:s23], $0x4000  }
0x145: {  	[sflag:s23] =	ssyncset.done $0x0  }
0x146: {  	s5 =	simm.s32 $0xF80;
	[sflag:s23] =	ssyncadd.s32 $0xFFFFC000  }
0x147: {  	[tilespmem:s25], [sflag:$0x2] =	stream.indirect.gather [hbm4b:s4+s24], $0x80, s5, s24, $0xb8;
	[tilespmem:$0x1D800] =	vst v63  }
0x148: {  	_ =	swait.ge [sflag:s29], $0x4000  }
0x149: {  	[sflag:s29] =	ssyncset.done $0x0  }
0x14a: {  	[sflag:s29] =	ssyncadd.s32 $0xFFFFC000  }
0x14b: {  	[spmem:s1] =	stream.indirect.scatter.add.f32 [tilespmem:s22], [sflag:$0x3], $0x80, s17, s24, $0xb8;
	[tilespmem:$0x1D800] =	vst v63  }
0x14c: {  	_ =	swait.ge [sflag:s23], $0x4000  }
0x14d: {  	[sflag:s23] =	ssyncset.done $0x0  }
0x14e: {  	[sflag:s23] =	ssyncadd.s32 $0xFFFFC000  }
0x14f: {  	[tilespmem:s22], [sflag:$0x1] =	stream.indirect.gather [hbm4b:s4+s24], $0x80, s3, s24, $0xb8;
	[tilespmem:$0x1D800] =	vst v63  }
0x150: {  	_ =	swait.ge [sflag:s31], $0x4000  }
0x151: {  	[sflag:s31] =	ssyncset.done $0x0  }
0x152: {  	[sflag:s31] =	ssyncadd.s32 $0xFFFFC000  }
0x153: {  	[spmem:s1] =	stream.indirect.scatter.add.f32 [tilespmem:s25], [sflag:$0x3], $0x80, s18, s24, $0xb8;
	[tilespmem:$0x1D800] =	vst v63  }
0x154: {  	_ =	swait.ge [sflag:s23], $0x4000  }
0x155: {  	[sflag:s23] =	ssyncset.done $0x0  }
0x156: {  	[sflag:s23] =	ssyncadd.s32 $0xFFFFC000  }
0x157: {  	[tilespmem:s25], [sflag:$0x2] =	stream.indirect.gather [hbm4b:s4+s24], $0x80, s24, s24, $0xb8;
	[tilespmem:$0x1D800] =	vst v63  }
0x158: {  	s5 =	rddreg [dreg:$0xd]  }
0x159: {  	[tilespmem:s26], [sflag:$0x3] =	stream.linear.gather [hbm4b:s5+s3], $0x800, $0x38;
	[tilespmem:$0x1D800] =	vst v63  }
0x15a: {  	_ =	swait.ge [sflag:s23], $0x800  }
0x15b: {  	[sflag:s23] =	ssyncset.done $0x0  }
0x15c: {  	s5 =	rddreg [dreg:$0xe];
	[sflag:s23] =	ssyncadd.s32 $0xFFFFF800  }
0x15d: {  	[tilespmem:s13], [sflag:$0x3] =	stream.linear.gather [hbm4b:s5+s3], $0x800, $0x38;
	[tilespmem:$0x1D800] =	vst v63  }
0x15e: {  	_ =	swait.ge [sflag:s23], $0x800  }
0x15f: {  	[sflag:s23] =	ssyncset.done $0x0  }
0x160: {  	[sflag:s23] =	ssyncadd.s32 $0xFFFFF800  }
0x161: {  	_ =	swait.ge [sflag:s29], $0x4000  }
0x162: {  	[sflag:s29] =	ssyncset.done $0x0  }
0x163: {  	[sflag:s29] =	ssyncadd.s32 $0xFFFFC000  }
0x164: {  	[spmem:s1] =	stream.indirect.scatter.add.f32 [tilespmem:s22], [sflag:$0x3], $0x80, s26, s24, $0xb8;
	[tilespmem:$0x1D800] =	vst v63  }
0x165: {  	_ =	swait.ge [sflag:s23], $0x4000  }
0x166: {  	[sflag:s23] =	ssyncset.done $0x0  }
0x167: {  	s5 =	simm.s32 $0x100;
	[sflag:s23] =	ssyncadd.s32 $0xFFFFC000  }
0x168: {  	[tilespmem:s22], [sflag:$0x1] =	stream.indirect.gather [hbm4b:s4+s24], $0x80, s5, s24, $0xb8;
	[tilespmem:$0x1D800] =	vst v63  }
0x169: {  	_ =	swait.ge [sflag:s31], $0x4000  }
0x16a: {  	[sflag:s31] =	ssyncset.done $0x0  }
0x16b: {  	[sflag:s31] =	ssyncadd.s32 $0xFFFFC000  }
0x16c: {  	[spmem:s1] =	stream.indirect.scatter.add.f32 [tilespmem:s25], [sflag:$0x3], $0x80, s6, s24, $0xb8;
	[tilespmem:$0x1D800] =	vst v63  }
0x16d: {  	_ =	swait.ge [sflag:s23], $0x4000  }
0x16e: {  	[sflag:s23] =	ssyncset.done $0x0  }
0x16f: {  	s5 =	simm.s32 $0x180;
	[sflag:s23] =	ssyncadd.s32 $0xFFFFC000  }
0x170: {  	[tilespmem:s25], [sflag:$0x2] =	stream.indirect.gather [hbm4b:s4+s24], $0x80, s5, s24, $0xb8;
	[tilespmem:$0x1D800] =	vst v63  }
0x171: {  	_ =	swait.ge [sflag:s29], $0x4000  }
0x172: {  	[sflag:s29] =	ssyncset.done $0x0  }
0x173: {  	[sflag:s29] =	ssyncadd.s32 $0xFFFFC000  }
0x174: {  	[spmem:s1] =	stream.indirect.scatter.add.f32 [tilespmem:s22], [sflag:$0x3], $0x80, s8, s24, $0xb8;
	[tilespmem:$0x1D800] =	vst v63  }
0x175: {  	_ =	swait.ge [sflag:s23], $0x4000  }
0x176: {  	[sflag:s23] =	ssyncset.done $0x0  }
0x177: {  	s5 =	simm.s32 $0x200;
	[sflag:s23] =	ssyncadd.s32 $0xFFFFC000  }
0x178: {  	[tilespmem:s22], [sflag:$0x1] =	stream.indirect.gather [hbm4b:s4+s24], $0x80, s5, s24, $0xb8;
	[tilespmem:$0x1D800] =	vst v63  }
0x179: {  	_ =	swait.ge [sflag:s31], $0x4000  }
0x17a: {  	[sflag:s31] =	ssyncset.done $0x0  }
0x17b: {  	[sflag:s31] =	ssyncadd.s32 $0xFFFFC000  }
0x17c: {  	[spmem:s1] =	stream.indirect.scatter.add.f32 [tilespmem:s25], [sflag:$0x3], $0x80, s12, s24, $0xb8;
	[tilespmem:$0x1D800] =	vst v63  }
0x17d: {  	_ =	swait.ge [sflag:s23], $0x4000  }
0x17e: {  	[sflag:s23] =	ssyncset.done $0x0  }
0x17f: {  	s5 =	simm.s32 $0x280;
	[sflag:s23] =	ssyncadd.s32 $0xFFFFC000  }
0x180: {  	[tilespmem:s25], [sflag:$0x2] =	stream.indirect.gather [hbm4b:s4+s24], $0x80, s5, s24, $0xb8;
	[tilespmem:$0x1D800] =	vst v63  }
0x181: {  	_ =	swait.ge [sflag:s29], $0x4000  }
0x182: {  	[sflag:s29] =	ssyncset.done $0x0  }
0x183: {  	[sflag:s29] =	ssyncadd.s32 $0xFFFFC000  }
0x184: {  	[spmem:s1] =	stream.indirect.scatter.add.f32 [tilespmem:s22], [sflag:$0x3], $0x80, s16, s24, $0xb8;
	[tilespmem:$0x1D800] =	vst v63  }
0x185: {  	_ =	swait.ge [sflag:s23], $0x4000  }
0x186: {  	[sflag:s23] =	ssyncset.done $0x0  }
0x187: {  	s5 =	simm.s32 $0x300;
	[sflag:s23] =	ssyncadd.s32 $0xFFFFC000  }
0x188: {  	[tilespmem:s22], [sflag:$0x1] =	stream.indirect.gather [hbm4b:s4+s24], $0x80, s5, s24, $0xb8;
	[tilespmem:$0x1D800] =	vst v63  }
0x189: {  	_ =	swait.ge [sflag:s31], $0x4000  }
0x18a: {  	[sflag:s31] =	ssyncset.done $0x0  }
0x18b: {  	[sflag:s31] =	ssyncadd.s32 $0xFFFFC000  }
0x18c: {  	[spmem:s1] =	stream.indirect.scatter.add.f32 [tilespmem:s25], [sflag:$0x3], $0x80, s20, s24, $0xb8;
	[tilespmem:$0x1D800] =	vst v63  }
0x18d: {  	_ =	swait.ge [sflag:s23], $0x4000  }
0x18e: {  	[sflag:s23] =	ssyncset.done $0x0  }
0x18f: {  	s5 =	simm.s32 $0x380;
	[sflag:s23] =	ssyncadd.s32 $0xFFFFC000  }
0x190: {  	[tilespmem:s25], [sflag:$0x2] =	stream.indirect.gather [hbm4b:s4+s24], $0x80, s5, s24, $0xb8;
	[tilespmem:$0x1D800] =	vst v63  }
0x191: {  	_ =	swait.ge [sflag:s29], $0x4000  }
0x192: {  	[sflag:s29] =	ssyncset.done $0x0  }
0x193: {  	[sflag:s29] =	ssyncadd.s32 $0xFFFFC000  }
0x194: {  	[spmem:s1] =	stream.indirect.scatter.add.f32 [tilespmem:s22], [sflag:$0x3], $0x80, s7, s24, $0xb8;
	[tilespmem:$0x1D800] =	vst v63  }
0x195: {  	_ =	swait.ge [sflag:s23], $0x4000  }
0x196: {  	[sflag:s23] =	ssyncset.done $0x0  }
0x197: {  	s5 =	simm.s32 $0x400;
	[sflag:s23] =	ssyncadd.s32 $0xFFFFC000  }
0x198: {  	[tilespmem:s22], [sflag:$0x1] =	stream.indirect.gather [hbm4b:s4+s24], $0x80, s5, s24, $0xb8;
	[tilespmem:$0x1D800] =	vst v63  }
0x199: {  	_ =	swait.ge [sflag:s31], $0x4000  }
0x19a: {  	[sflag:s31] =	ssyncset.done $0x0  }
0x19b: {  	[sflag:s31] =	ssyncadd.s32 $0xFFFFC000  }
0x19c: {  	[spmem:s1] =	stream.indirect.scatter.add.f32 [tilespmem:s25], [sflag:$0x3], $0x80, s15, s24, $0xb8;
	[tilespmem:$0x1D800] =	vst v63  }
0x19d: {  	_ =	swait.ge [sflag:s23], $0x4000  }
0x19e: {  	[sflag:s23] =	ssyncset.done $0x0  }
0x19f: {  	s5 =	simm.s32 $0x480;
	[sflag:s23] =	ssyncadd.s32 $0xFFFFC000  }
0x1a0: {  	[tilespmem:s25], [sflag:$0x2] =	stream.indirect.gather [hbm4b:s4+s24], $0x80, s5, s24, $0xb8;
	[tilespmem:$0x1D800] =	vst v63  }
0x1a1: {  	_ =	swait.ge [sflag:s29], $0x4000  }
0x1a2: {  	[sflag:s29] =	ssyncset.done $0x0  }
0x1a3: {  	[sflag:s29] =	ssyncadd.s32 $0xFFFFC000  }
0x1a4: {  	[spmem:s1] =	stream.indirect.scatter.add.f32 [tilespmem:s22], [sflag:$0x3], $0x80, s19, s24, $0xb8;
	[tilespmem:$0x1D800] =	vst v63  }
0x1a5: {  	_ =	swait.ge [sflag:s23], $0x4000  }
0x1a6: {  	[sflag:s23] =	ssyncset.done $0x0  }
0x1a7: {  	s5 =	simm.s32 $0x500;
	[sflag:s23] =	ssyncadd.s32 $0xFFFFC000  }
0x1a8: {  	[tilespmem:s22], [sflag:$0x1] =	stream.indirect.gather [hbm4b:s4+s24], $0x80, s5, s24, $0xb8;
	[tilespmem:$0x1D800] =	vst v63  }
0x1a9: {  	_ =	swait.ge [sflag:s31], $0x4000  }
0x1aa: {  	[sflag:s31] =	ssyncset.done $0x0  }
0x1ab: {  	[sflag:s31] =	ssyncadd.s32 $0xFFFFC000  }
0x1ac: {  	[spmem:s1] =	stream.indirect.scatter.add.f32 [tilespmem:s25], [sflag:$0x3], $0x80, s0, s24, $0xb8;
	[tilespmem:$0x1D800] =	vst v63  }
0x1ad: {  	_ =	swait.ge [sflag:s23], $0x4000  }
0x1ae: {  	[sflag:s23] =	ssyncset.done $0x0  }
0x1af: {  	s5 =	simm.s32 $0x580;
	[sflag:s23] =	ssyncadd.s32 $0xFFFFC000  }
0x1b0: {  	[tilespmem:s25], [sflag:$0x2] =	stream.indirect.gather [hbm4b:s4+s24], $0x80, s5, s24, $0xb8;
	[tilespmem:$0x1D800] =	vst v63  }
0x1b1: {  	_ =	swait.ge [sflag:s29], $0x4000  }
0x1b2: {  	[sflag:s29] =	ssyncset.done $0x0  }
0x1b3: {  	[sflag:s29] =	ssyncadd.s32 $0xFFFFC000  }
0x1b4: {  	[spmem:s1] =	stream.indirect.scatter.add.f32 [tilespmem:s22], [sflag:$0x3], $0x80, s9, s24, $0xb8;
	[tilespmem:$0x1D800] =	vst v63  }
0x1b5: {  	_ =	swait.ge [sflag:s23], $0x4000  }
0x1b6: {  	[sflag:s23] =	ssyncset.done $0x0  }
0x1b7: {  	s5 =	simm.s32 $0x600;
	[sflag:s23] =	ssyncadd.s32 $0xFFFFC000  }
0x1b8: {  	[tilespmem:s22], [sflag:$0x1] =	stream.indirect.gather [hbm4b:s4+s24], $0x80, s5, s24, $0xb8;
	[tilespmem:$0x1D800] =	vst v63  }
0x1b9: {  	_ =	swait.ge [sflag:s31], $0x4000  }
0x1ba: {  	[sflag:s31] =	ssyncset.done $0x0  }
0x1bb: {  	[sflag:s31] =	ssyncadd.s32 $0xFFFFC000  }
0x1bc: {  	[spmem:s1] =	stream.indirect.scatter.add.f32 [tilespmem:s25], [sflag:$0x3], $0x80, s10, s24, $0xb8;
	[tilespmem:$0x1D800] =	vst v63  }
0x1bd: {  	_ =	swait.ge [sflag:s23], $0x4000  }
0x1be: {  	[sflag:s23] =	ssyncset.done $0x0  }
0x1bf: {  	s5 =	simm.s32 $0x680;
	[sflag:s23] =	ssyncadd.s32 $0xFFFFC000  }
0x1c0: {  	[tilespmem:s25], [sflag:$0x2] =	stream.indirect.gather [hbm4b:s4+s24], $0x80, s5, s24, $0xb8;
	[tilespmem:$0x1D800] =	vst v63  }
0x1c1: {  	_ =	swait.ge [sflag:s29], $0x4000  }
0x1c2: {  	[sflag:s29] =	ssyncset.done $0x0  }
0x1c3: {  	[sflag:s29] =	ssyncadd.s32 $0xFFFFC000  }
0x1c4: {  	[spmem:s1] =	stream.indirect.scatter.add.f32 [tilespmem:s22], [sflag:$0x3], $0x80, s11, s24, $0xb8;
	[tilespmem:$0x1D800] =	vst v63  }
0x1c5: {  	_ =	swait.ge [sflag:s23], $0x4000  }
0x1c6: {  	[sflag:s23] =	ssyncset.done $0x0  }
0x1c7: {  	s5 =	simm.s32 $0x700;
	[sflag:s23] =	ssyncadd.s32 $0xFFFFC000  }
0x1c8: {  	[tilespmem:s22], [sflag:$0x1] =	stream.indirect.gather [hbm4b:s4+s24], $0x80, s5, s24, $0xb8;
	[tilespmem:$0x1D800] =	vst v63  }
0x1c9: {  	_ =	swait.ge [sflag:s31], $0x4000  }
0x1ca: {  	[sflag:s31] =	ssyncset.done $0x0  }
0x1cb: {  	[sflag:s31] =	ssyncadd.s32 $0xFFFFC000  }
0x1cc: {  	[spmem:s1] =	stream.indirect.scatter.add.f32 [tilespmem:s25], [sflag:$0x3], $0x80, s14, s24, $0xb8;
	[tilespmem:$0x1D800] =	vst v63  }
0x1cd: {  	_ =	swait.ge [sflag:s23], $0x4000  }
0x1ce: {  	[sflag:s23] =	ssyncset.done $0x0  }
0x1cf: {  	[sflag:s23] =	ssyncadd.s32 $0xFFFFC000  }
0x1d0: {  	[tilespmem:s25], [sflag:$0x2] =	stream.indirect.gather [hbm4b:s4+s24], $0x80, s21, s24, $0xb8;
	[tilespmem:$0x1D800] =	vst v63  }
0x1d1: {  	_ =	swait.ge [sflag:s29], $0x4000  }
0x1d2: {  	[sflag:s29] =	ssyncset.done $0x0  }
0x1d3: {  	[sflag:s29] =	ssyncadd.s32 $0xFFFFC000  }
0x1d4: {  	[spmem:s1] =	stream.indirect.scatter.add.f32 [tilespmem:s22], [sflag:$0x3], $0x80, s17, s24, $0xb8;
	[tilespmem:$0x1D800] =	vst v63  }
0x1d5: {  	_ =	swait.ge [sflag:s23], $0x4000  }
0x1d6: {  	[sflag:s23] =	ssyncset.done $0x0  }
0x1d7: {  	[sflag:s23] =	ssyncadd.s32 $0xFFFFC000  }
0x1d8: {  	[tilespmem:s22], [sflag:$0x1] =	stream.indirect.gather [hbm4b:s4+s24], $0x80, s13, s24, $0xb8;
	[tilespmem:$0x1D800] =	vst v63  }
0x1d9: {  	_ =	swait.ge [sflag:s31], $0x4000  }
0x1da: {  	[sflag:s31] =	ssyncset.done $0x0  }
0x1db: {  	[sflag:s31] =	ssyncadd.s32 $0xFFFFC000  }
0x1dc: {  	[spmem:s1] =	stream.indirect.scatter.add.f32 [tilespmem:s25], [sflag:$0x3], $0x80, s18, s24, $0xb8;
	[tilespmem:$0x1D800] =	vst v63  }
0x1dd: {  	_ =	swait.ge [sflag:s23], $0x4000  }
0x1de: {  	[sflag:s23] =	ssyncset.done $0x0  }
0x1df: {  	[sflag:s23] =	ssyncadd.s32 $0xFFFFC000  }
0x1e0: {  	[tilespmem:s25], [sflag:$0x2] =	stream.indirect.gather [hbm4b:s4+s24], $0x80, s28, s24, $0xb8;
	[tilespmem:$0x1D800] =	vst v63  }
0x1e1: {  	s28 =	rddreg [dreg:$0xf]  }
0x1e2: {  	[tilespmem:s26], [sflag:$0x3] =	stream.linear.gather [hbm4b:s28+s3], $0x800, $0x38;
	[tilespmem:$0x1D800] =	vst v63  }
0x1e3: {  	_ =	swait.ge [sflag:s23], $0x800  }
0x1e4: {  	[sflag:s23] =	ssyncset.done $0x0  }
0x1e5: {  	s13 =	rddreg [dreg:$0x10];
	[sflag:s23] =	ssyncadd.s32 $0xFFFFF800  }
0x1e6: {  	[tilespmem:s3], [sflag:$0x3] =	stream.linear.gather [hbm4b:s13+s3], $0x800, $0x38;
	[tilespmem:$0x1D800] =	vst v63  }
0x1e7: {  	_ =	swait.ge [sflag:s23], $0x800  }
0x1e8: {  	[sflag:s23] =	ssyncset.done $0x0  }
0x1e9: {  	[sflag:s23] =	ssyncadd.s32 $0xFFFFF800  }
0x1ea: {  	_ =	swait.ge [sflag:s29], $0x4000  }
0x1eb: {  	[sflag:s29] =	ssyncset.done $0x0  }
0x1ec: {  	[sflag:s29] =	ssyncadd.s32 $0xFFFFC000  }
0x1ed: {  	[spmem:s1] =	stream.indirect.scatter.add.f32 [tilespmem:s22], [sflag:$0x3], $0x80, s26, s24, $0xb8;
	[tilespmem:$0x1D800] =	vst v63  }
0x1ee: {  	_ =	swait.ge [sflag:s23], $0x4000  }
0x1ef: {  	[sflag:s23] =	ssyncset.done $0x0  }
0x1f0: {  	[sflag:s23] =	ssyncadd.s32 $0xFFFFC000  }
0x1f1: {  	[tilespmem:s22], [sflag:$0x1] =	stream.indirect.gather [hbm4b:s4+s24], $0x80, s30, s24, $0xb8;
	[tilespmem:$0x1D800] =	vst v63  }
0x1f2: {  	_ =	swait.ge [sflag:s31], $0x4000  }
0x1f3: {  	[sflag:s31] =	ssyncset.done $0x0  }
0x1f4: {  	[sflag:s31] =	ssyncadd.s32 $0xFFFFC000  }
0x1f5: {  	[spmem:s1] =	stream.indirect.scatter.add.f32 [tilespmem:s25], [sflag:$0x3], $0x80, s6, s24, $0xb8;
	[tilespmem:$0x1D800] =	vst v63  }
0x1f6: {  	_ =	swait.ge [sflag:s23], $0x4000  }
0x1f7: {  	[sflag:s23] =	ssyncset.done $0x0  }
0x1f8: {  	s28 =	simm.s32 $0x980;
	[sflag:s23] =	ssyncadd.s32 $0xFFFFC000  }
0x1f9: {  	[tilespmem:s25], [sflag:$0x2] =	stream.indirect.gather [hbm4b:s4+s24], $0x80, s28, s24, $0xb8;
	[tilespmem:$0x1D800] =	vst v63  }
0x1fa: {  	_ =	swait.ge [sflag:s29], $0x4000  }
0x1fb: {  	[sflag:s29] =	ssyncset.done $0x0  }
0x1fc: {  	[sflag:s29] =	ssyncadd.s32 $0xFFFFC000  }
0x1fd: {  	[spmem:s1] =	stream.indirect.scatter.add.f32 [tilespmem:s22], [sflag:$0x3], $0x80, s8, s24, $0xb8;
	[tilespmem:$0x1D800] =	vst v63  }
0x1fe: {  	_ =	swait.ge [sflag:s23], $0x4000  }
0x1ff: {  	[sflag:s23] =	ssyncset.done $0x0  }
0x200: {  	s13 =	simm.s32 $0xA00;
	[sflag:s23] =	ssyncadd.s32 $0xFFFFC000  }
0x201: {  	[tilespmem:s22], [sflag:$0x1] =	stream.indirect.gather [hbm4b:s4+s24], $0x80, s13, s24, $0xb8;
	[tilespmem:$0x1D800] =	vst v63  }
0x202: {  	_ =	swait.ge [sflag:s31], $0x4000  }
0x203: {  	[sflag:s31] =	ssyncset.done $0x0  }
0x204: {  	[sflag:s31] =	ssyncadd.s32 $0xFFFFC000  }
0x205: {  	[spmem:s1] =	stream.indirect.scatter.add.f32 [tilespmem:s25], [sflag:$0x3], $0x80, s12, s24, $0xb8;
	[tilespmem:$0x1D800] =	vst v63  }
0x206: {  	_ =	swait.ge [sflag:s23], $0x4000  }
0x207: {  	[sflag:s23] =	ssyncset.done $0x0  }
0x208: {  	s28 =	simm.s32 $0xA80;
	[sflag:s23] =	ssyncadd.s32 $0xFFFFC000  }
0x209: {  	[tilespmem:s25], [sflag:$0x2] =	stream.indirect.gather [hbm4b:s4+s24], $0x80, s28, s24, $0xb8;
	[tilespmem:$0x1D800] =	vst v63  }
0x20a: {  	_ =	swait.ge [sflag:s29], $0x4000  }
0x20b: {  	[sflag:s29] =	ssyncset.done $0x0  }
0x20c: {  	[sflag:s29] =	ssyncadd.s32 $0xFFFFC000  }
0x20d: {  	[spmem:s1] =	stream.indirect.scatter.add.f32 [tilespmem:s22], [sflag:$0x3], $0x80, s16, s24, $0xb8;
	[tilespmem:$0x1D800] =	vst v63  }
0x20e: {  	_ =	swait.ge [sflag:s23], $0x4000  }
0x20f: {  	[sflag:s23] =	ssyncset.done $0x0  }
0x210: {  	s13 =	simm.s32 $0xB00;
	[sflag:s23] =	ssyncadd.s32 $0xFFFFC000  }
0x211: {  	[tilespmem:s22], [sflag:$0x1] =	stream.indirect.gather [hbm4b:s4+s24], $0x80, s13, s24, $0xb8;
	[tilespmem:$0x1D800] =	vst v63  }
0x212: {  	_ =	swait.ge [sflag:s31], $0x4000  }
0x213: {  	[sflag:s31] =	ssyncset.done $0x0  }
0x214: {  	[sflag:s31] =	ssyncadd.s32 $0xFFFFC000  }
0x215: {  	[spmem:s1] =	stream.indirect.scatter.add.f32 [tilespmem:s25], [sflag:$0x3], $0x80, s20, s24, $0xb8;
	[tilespmem:$0x1D800] =	vst v63  }
0x216: {  	_ =	swait.ge [sflag:s23], $0x4000  }
0x217: {  	[sflag:s23] =	ssyncset.done $0x0  }
0x218: {  	s28 =	simm.s32 $0xB80;
	[sflag:s23] =	ssyncadd.s32 $0xFFFFC000  }
0x219: {  	[tilespmem:s25], [sflag:$0x2] =	stream.indirect.gather [hbm4b:s4+s24], $0x80, s28, s24, $0xb8;
	[tilespmem:$0x1D800] =	vst v63  }
0x21a: {  	_ =	swait.ge [sflag:s29], $0x4000  }
0x21b: {  	[sflag:s29] =	ssyncset.done $0x0  }
0x21c: {  	[sflag:s29] =	ssyncadd.s32 $0xFFFFC000  }
0x21d: {  	[spmem:s1] =	stream.indirect.scatter.add.f32 [tilespmem:s22], [sflag:$0x3], $0x80, s7, s24, $0xb8;
	[tilespmem:$0x1D800] =	vst v63  }
0x21e: {  	_ =	swait.ge [sflag:s23], $0x4000  }
0x21f: {  	[sflag:s23] =	ssyncset.done $0x0  }
0x220: {  	s13 =	simm.s32 $0xC00;
	[sflag:s23] =	ssyncadd.s32 $0xFFFFC000  }
0x221: {  	[tilespmem:s22], [sflag:$0x1] =	stream.indirect.gather [hbm4b:s4+s24], $0x80, s13, s24, $0xb8;
	[tilespmem:$0x1D800] =	vst v63  }
0x222: {  	_ =	swait.ge [sflag:s31], $0x4000  }
0x223: {  	[sflag:s31] =	ssyncset.done $0x0  }
0x224: {  	[sflag:s31] =	ssyncadd.s32 $0xFFFFC000  }
0x225: {  	[spmem:s1] =	stream.indirect.scatter.add.f32 [tilespmem:s25], [sflag:$0x3], $0x80, s15, s24, $0xb8;
	[tilespmem:$0x1D800] =	vst v63  }
0x226: {  	_ =	swait.ge [sflag:s23], $0x4000  }
0x227: {  	[sflag:s23] =	ssyncset.done $0x0  }
0x228: {  	s28 =	simm.s32 $0xC80;
	[sflag:s23] =	ssyncadd.s32 $0xFFFFC000  }
0x229: {  	[tilespmem:s25], [sflag:$0x2] =	stream.indirect.gather [hbm4b:s4+s24], $0x80, s28, s24, $0xb8;
	[tilespmem:$0x1D800] =	vst v63  }
0x22a: {  	_ =	swait.ge [sflag:s29], $0x4000  }
0x22b: {  	[sflag:s29] =	ssyncset.done $0x0  }
0x22c: {  	[sflag:s29] =	ssyncadd.s32 $0xFFFFC000  }
0x22d: {  	[spmem:s1] =	stream.indirect.scatter.add.f32 [tilespmem:s22], [sflag:$0x3], $0x80, s19, s24, $0xb8;
	[tilespmem:$0x1D800] =	vst v63  }
0x22e: {  	_ =	swait.ge [sflag:s23], $0x4000  }
0x22f: {  	[sflag:s23] =	ssyncset.done $0x0  }
0x230: {  	s13 =	simm.s32 $0xD00;
	[sflag:s23] =	ssyncadd.s32 $0xFFFFC000  }
0x231: {  	[tilespmem:s22], [sflag:$0x1] =	stream.indirect.gather [hbm4b:s4+s24], $0x80, s13, s24, $0xb8;
	[tilespmem:$0x1D800] =	vst v63  }
0x232: {  	_ =	swait.ge [sflag:s31], $0x4000  }
0x233: {  	[sflag:s31] =	ssyncset.done $0x0  }
0x234: {  	[sflag:s31] =	ssyncadd.s32 $0xFFFFC000  }
0x235: {  	[spmem:s1] =	stream.indirect.scatter.add.f32 [tilespmem:s25], [sflag:$0x3], $0x80, s0, s24, $0xb8;
	[tilespmem:$0x1D800] =	vst v63  }
0x236: {  	_ =	swait.ge [sflag:s23], $0x4000  }
0x237: {  	[sflag:s23] =	ssyncset.done $0x0  }
0x238: {  	s28 =	simm.s32 $0xD80;
	[sflag:s23] =	ssyncadd.s32 $0xFFFFC000  }
0x239: {  	[tilespmem:s25], [sflag:$0x2] =	stream.indirect.gather [hbm4b:s4+s24], $0x80, s28, s24, $0xb8;
	[tilespmem:$0x1D800] =	vst v63  }
0x23a: {  	_ =	swait.ge [sflag:s29], $0x4000  }
0x23b: {  	[sflag:s29] =	ssyncset.done $0x0  }
0x23c: {  	[sflag:s29] =	ssyncadd.s32 $0xFFFFC000  }
0x23d: {  	[spmem:s1] =	stream.indirect.scatter.add.f32 [tilespmem:s22], [sflag:$0x3], $0x80, s9, s24, $0xb8;
	[tilespmem:$0x1D800] =	vst v63  }
0x23e: {  	_ =	swait.ge [sflag:s23], $0x4000  }
0x23f: {  	[sflag:s23] =	ssyncset.done $0x0  }
0x240: {  	s13 =	simm.s32 $0xE00;
	[sflag:s23] =	ssyncadd.s32 $0xFFFFC000  }
0x241: {  	[tilespmem:s22], [sflag:$0x1] =	stream.indirect.gather [hbm4b:s4+s24], $0x80, s13, s24, $0xb8;
	[tilespmem:$0x1D800] =	vst v63  }
0x242: {  	_ =	swait.ge [sflag:s31], $0x4000  }
0x243: {  	[sflag:s31] =	ssyncset.done $0x0  }
0x244: {  	[sflag:s31] =	ssyncadd.s32 $0xFFFFC000  }
0x245: {  	[spmem:s1] =	stream.indirect.scatter.add.f32 [tilespmem:s25], [sflag:$0x3], $0x80, s10, s24, $0xb8;
	[tilespmem:$0x1D800] =	vst v63  }
0x246: {  	_ =	swait.ge [sflag:s23], $0x4000  }
0x247: {  	[sflag:s23] =	ssyncset.done $0x0  }
0x248: {  	s28 =	simm.s32 $0xE80;
	[sflag:s23] =	ssyncadd.s32 $0xFFFFC000  }
0x249: {  	[tilespmem:s25], [sflag:$0x2] =	stream.indirect.gather [hbm4b:s4+s24], $0x80, s28, s24, $0xb8;
	[tilespmem:$0x1D800] =	vst v63  }
0x24a: {  	_ =	swait.ge [sflag:s29], $0x4000  }
0x24b: {  	[sflag:s29] =	ssyncset.done $0x0  }
0x24c: {  	[sflag:s29] =	ssyncadd.s32 $0xFFFFC000  }
0x24d: {  	[spmem:s1] =	stream.indirect.scatter.add.f32 [tilespmem:s22], [sflag:$0x3], $0x80, s11, s24, $0xb8;
	[tilespmem:$0x1D800] =	vst v63  }
0x24e: {  	_ =	swait.ge [sflag:s23], $0x4000  }
0x24f: {  	[sflag:s23] =	ssyncset.done $0x0  }
0x250: {  	s13 =	simm.s32 $0xF00;
	[sflag:s23] =	ssyncadd.s32 $0xFFFFC000  }
0x251: {  	[tilespmem:s22], [sflag:$0x1] =	stream.indirect.gather [hbm4b:s4+s24], $0x80, s13, s24, $0xb8;
	[tilespmem:$0x1D800] =	vst v63  }
0x252: {  	_ =	swait.ge [sflag:s31], $0x4000  }
0x253: {  	[sflag:s31] =	ssyncset.done $0x0  }
0x254: {  	[sflag:s31] =	ssyncadd.s32 $0xFFFFC000  }
0x255: {  	[spmem:s1] =	stream.indirect.scatter.add.f32 [tilespmem:s25], [sflag:$0x3], $0x80, s14, s24, $0xb8;
	[tilespmem:$0x1D800] =	vst v63  }
0x256: {  	_ =	swait.ge [sflag:s23], $0x4000  }
0x257: {  	[sflag:s23] =	ssyncset.done $0x0  }
0x258: {  	s28 =	simm.s32 $0xF80;
	[sflag:s23] =	ssyncadd.s32 $0xFFFFC000  }
0x259: {  	[tilespmem:s25], [sflag:$0x2] =	stream.indirect.gather [hbm4b:s4+s24], $0x80, s28, s24, $0xb8;
	[tilespmem:$0x1D800] =	vst v63  }
0x25a: {  	_ =	swait.ge [sflag:s29], $0x4000  }
0x25b: {  	[sflag:s29] =	ssyncset.done $0x0  }
0x25c: {  	[sflag:s29] =	ssyncadd.s32 $0xFFFFC000  }
0x25d: {  	[spmem:s1] =	stream.indirect.scatter.add.f32 [tilespmem:s22], [sflag:$0x3], $0x80, s17, s24, $0xb8;
	[tilespmem:$0x1D800] =	vst v63  }
0x25e: {  	_ =	swait.ge [sflag:s23], $0x4000  }
0x25f: {  	[sflag:s23] =	ssyncset.done $0x0  }
0x260: {  	[sflag:s23] =	ssyncadd.s32 $0xFFFFC000  }
0x261: {  	[tilespmem:s22], [sflag:$0x1] =	stream.indirect.gather [hbm4b:s4+s24], $0x80, s3, s24, $0xb8;
	[tilespmem:$0x1D800] =	vst v63  }
0x262: {  	_ =	swait.ge [sflag:s31], $0x4000  }
0x263: {  	[sflag:s31] =	ssyncset.done $0x0  }
0x264: {  	[sflag:s31] =	ssyncadd.s32 $0xFFFFC000  }
0x265: {  	[spmem:s1] =	stream.indirect.scatter.add.f32 [tilespmem:s25], [sflag:$0x3], $0x80, s18, s24, $0xb8;
	[tilespmem:$0x1D800] =	vst v63  }
0x266: {  	_ =	swait.ge [sflag:s23], $0x4000  }
0x267: {  	[sflag:s23] =	ssyncset.done $0x0  }
0x268: {  	[sflag:s23] =	ssyncadd.s32 $0xFFFFC000  }
0x269: {  	[tilespmem:s25], [sflag:$0x2] =	stream.indirect.gather [hbm4b:s4+s24], $0x80, s24, s24, $0xb8;
	[tilespmem:$0x1D800] =	vst v63  }
0x26a: {  	s13 =	rddreg [dreg:$0x11]  }
0x26b: {  	[tilespmem:s26], [sflag:$0x3] =	stream.linear.gather [hbm4b:s13+s3], $0x800, $0x38;
	[tilespmem:$0x1D800] =	vst v63  }
0x26c: {  	_ =	swait.ge [sflag:s23], $0x800  }
0x26d: {  	[sflag:s23] =	ssyncset.done $0x0  }
0x26e: {  	[sflag:s23] =	ssyncadd.s32 $0xFFFFF800  }
0x26f: {  	_ =	swait.ge [sflag:s29], $0x4000  }
0x270: {  	[sflag:s29] =	ssyncset.done $0x0  }
0x271: {  	[sflag:s29] =	ssyncadd.s32 $0xFFFFC000  }
0x272: {  	[spmem:s1] =	stream.indirect.scatter.add.f32 [tilespmem:s22], [sflag:$0x3], $0x80, s26, s24, $0xb8;
	[tilespmem:$0x1D800] =	vst v63  }
0x273: {  	_ =	swait.ge [sflag:s23], $0x4000  }
0x274: {  	[sflag:s23] =	ssyncset.done $0x0  }
0x275: {  	s28 =	simm.s32 $0x100;
	[sflag:s23] =	ssyncadd.s32 $0xFFFFC000  }
0x276: {  	[tilespmem:s22], [sflag:$0x1] =	stream.indirect.gather [hbm4b:s4+s24], $0x80, s28, s24, $0xb8;
	[tilespmem:$0x1D800] =	vst v63  }
0x277: {  	_ =	swait.ge [sflag:s31], $0x4000  }
0x278: {  	[sflag:s31] =	ssyncset.done $0x0  }
0x279: {  	[sflag:s31] =	ssyncadd.s32 $0xFFFFC000  }
0x27a: {  	[spmem:s1] =	stream.indirect.scatter.add.f32 [tilespmem:s25], [sflag:$0x3], $0x80, s6, s24, $0xb8;
	[tilespmem:$0x1D800] =	vst v63  }
0x27b: {  	_ =	swait.ge [sflag:s23], $0x4000  }
0x27c: {  	[sflag:s23] =	ssyncset.done $0x0  }
0x27d: {  	s13 =	simm.s32 $0x180;
	[sflag:s23] =	ssyncadd.s32 $0xFFFFC000  }
0x27e: {  	[tilespmem:s25], [sflag:$0x2] =	stream.indirect.gather [hbm4b:s4+s24], $0x80, s13, s24, $0xb8;
	[tilespmem:$0x1D800] =	vst v63  }
0x27f: {  	_ =	swait.ge [sflag:s29], $0x4000  }
0x280: {  	[sflag:s29] =	ssyncset.done $0x0  }
0x281: {  	[sflag:s29] =	ssyncadd.s32 $0xFFFFC000  }
0x282: {  	[spmem:s1] =	stream.indirect.scatter.add.f32 [tilespmem:s22], [sflag:$0x3], $0x80, s8, s24, $0xb8;
	[tilespmem:$0x1D800] =	vst v63  }
0x283: {  	_ =	swait.ge [sflag:s23], $0x4000  }
0x284: {  	[sflag:s23] =	ssyncset.done $0x0  }
0x285: {  	s28 =	simm.s32 $0x200;
	[sflag:s23] =	ssyncadd.s32 $0xFFFFC000  }
0x286: {  	[tilespmem:s22], [sflag:$0x1] =	stream.indirect.gather [hbm4b:s4+s24], $0x80, s28, s24, $0xb8;
	[tilespmem:$0x1D800] =	vst v63  }
0x287: {  	_ =	swait.ge [sflag:s31], $0x4000  }
0x288: {  	[sflag:s31] =	ssyncset.done $0x0  }
0x289: {  	[sflag:s31] =	ssyncadd.s32 $0xFFFFC000  }
0x28a: {  	[spmem:s1] =	stream.indirect.scatter.add.f32 [tilespmem:s25], [sflag:$0x3], $0x80, s12, s24, $0xb8;
	[tilespmem:$0x1D800] =	vst v63  }
0x28b: {  	_ =	swait.ge [sflag:s23], $0x4000  }
0x28c: {  	[sflag:s23] =	ssyncset.done $0x0  }
0x28d: {  	s13 =	simm.s32 $0x280;
	[sflag:s23] =	ssyncadd.s32 $0xFFFFC000  }
0x28e: {  	[tilespmem:s25], [sflag:$0x2] =	stream.indirect.gather [hbm4b:s4+s24], $0x80, s13, s24, $0xb8;
	[tilespmem:$0x1D800] =	vst v63  }
0x28f: {  	_ =	swait.ge [sflag:s29], $0x4000  }
0x290: {  	[sflag:s29] =	ssyncset.done $0x0  }
0x291: {  	[sflag:s29] =	ssyncadd.s32 $0xFFFFC000  }
0x292: {  	[spmem:s1] =	stream.indirect.scatter.add.f32 [tilespmem:s22], [sflag:$0x3], $0x80, s16, s24, $0xb8;
	[tilespmem:$0x1D800] =	vst v63  }
0x293: {  	_ =	swait.ge [sflag:s23], $0x4000  }
0x294: {  	[sflag:s23] =	ssyncset.done $0x0  }
0x295: {  	s28 =	simm.s32 $0x300;
	[sflag:s23] =	ssyncadd.s32 $0xFFFFC000  }
0x296: {  	[tilespmem:s22], [sflag:$0x1] =	stream.indirect.gather [hbm4b:s4+s24], $0x80, s28, s24, $0xb8;
	[tilespmem:$0x1D800] =	vst v63  }
0x297: {  	_ =	swait.ge [sflag:s31], $0x4000  }
0x298: {  	[sflag:s31] =	ssyncset.done $0x0  }
0x299: {  	[sflag:s31] =	ssyncadd.s32 $0xFFFFC000  }
0x29a: {  	[spmem:s1] =	stream.indirect.scatter.add.f32 [tilespmem:s25], [sflag:$0x3], $0x80, s20, s24, $0xb8;
	[tilespmem:$0x1D800] =	vst v63  }
0x29b: {  	_ =	swait.ge [sflag:s23], $0x4000  }
0x29c: {  	[sflag:s23] =	ssyncset.done $0x0  }
0x29d: {  	s13 =	simm.s32 $0x380;
	[sflag:s23] =	ssyncadd.s32 $0xFFFFC000  }
0x29e: {  	[tilespmem:s25], [sflag:$0x2] =	stream.indirect.gather [hbm4b:s4+s24], $0x80, s13, s24, $0xb8;
	[tilespmem:$0x1D800] =	vst v63  }
0x29f: {  	_ =	swait.ge [sflag:s29], $0x4000  }
0x2a0: {  	[sflag:s29] =	ssyncset.done $0x0  }
0x2a1: {  	[sflag:s29] =	ssyncadd.s32 $0xFFFFC000  }
0x2a2: {  	[spmem:s1] =	stream.indirect.scatter.add.f32 [tilespmem:s22], [sflag:$0x3], $0x80, s7, s24, $0xb8;
	[tilespmem:$0x1D800] =	vst v63  }
0x2a3: {  	_ =	swait.ge [sflag:s23], $0x4000  }
0x2a4: {  	[sflag:s23] =	ssyncset.done $0x0  }
0x2a5: {  	s28 =	simm.s32 $0x400;
	[sflag:s23] =	ssyncadd.s32 $0xFFFFC000  }
0x2a6: {  	[tilespmem:s22], [sflag:$0x1] =	stream.indirect.gather [hbm4b:s4+s24], $0x80, s28, s24, $0xb8;
	[tilespmem:$0x1D800] =	vst v63  }
0x2a7: {  	_ =	swait.ge [sflag:s31], $0x4000  }
0x2a8: {  	[sflag:s31] =	ssyncset.done $0x0  }
0x2a9: {  	[sflag:s31] =	ssyncadd.s32 $0xFFFFC000  }
0x2aa: {  	[spmem:s1] =	stream.indirect.scatter.add.f32 [tilespmem:s25], [sflag:$0x3], $0x80, s15, s24, $0xb8;
	[tilespmem:$0x1D800] =	vst v63  }
0x2ab: {  	_ =	swait.ge [sflag:s23], $0x4000  }
0x2ac: {  	[sflag:s23] =	ssyncset.done $0x0  }
0x2ad: {  	s13 =	simm.s32 $0x480;
	[sflag:s23] =	ssyncadd.s32 $0xFFFFC000  }
0x2ae: {  	[tilespmem:s25], [sflag:$0x2] =	stream.indirect.gather [hbm4b:s4+s24], $0x80, s13, s24, $0xb8;
	[tilespmem:$0x1D800] =	vst v63  }
0x2af: {  	_ =	swait.ge [sflag:s29], $0x4000  }
0x2b0: {  	[sflag:s29] =	ssyncset.done $0x0  }
0x2b1: {  	[sflag:s29] =	ssyncadd.s32 $0xFFFFC000  }
0x2b2: {  	[spmem:s1] =	stream.indirect.scatter.add.f32 [tilespmem:s22], [sflag:$0x3], $0x80, s19, s24, $0xb8;
	[tilespmem:$0x1D800] =	vst v63  }
0x2b3: {  	_ =	swait.ge [sflag:s23], $0x4000  }
0x2b4: {  	[sflag:s23] =	ssyncset.done $0x0  }
0x2b5: {  	s28 =	simm.s32 $0x500;
	[sflag:s23] =	ssyncadd.s32 $0xFFFFC000  }
0x2b6: {  	[tilespmem:s22], [sflag:$0x1] =	stream.indirect.gather [hbm4b:s4+s24], $0x80, s28, s24, $0xb8;
	[tilespmem:$0x1D800] =	vst v63  }
0x2b7: {  	_ =	swait.ge [sflag:s31], $0x4000  }
0x2b8: {  	[sflag:s31] =	ssyncset.done $0x0  }
0x2b9: {  	[sflag:s31] =	ssyncadd.s32 $0xFFFFC000  }
0x2ba: {  	[spmem:s1] =	stream.indirect.scatter.add.f32 [tilespmem:s25], [sflag:$0x3], $0x80, s0, s24, $0xb8;
	[tilespmem:$0x1D800] =	vst v63  }
0x2bb: {  	_ =	swait.ge [sflag:s23], $0x4000  }
0x2bc: {  	[sflag:s23] =	ssyncset.done $0x0  }
0x2bd: {  	s5 =	simm.s32 $0x580;
	[sflag:s23] =	ssyncadd.s32 $0xFFFFC000  }
0x2be: {  	[tilespmem:s25], [sflag:$0x2] =	stream.indirect.gather [hbm4b:s4+s24], $0x80, s5, s24, $0xb8;
	[tilespmem:$0x1D800] =	vst v63  }
0x2bf: {  	_ =	swait.ge [sflag:s29], $0x4000  }
0x2c0: {  	[sflag:s29] =	ssyncset.done $0x0  }
0x2c1: {  	[sflag:s29] =	ssyncadd.s32 $0xFFFFC000  }
0x2c2: {  	[spmem:s1] =	stream.indirect.scatter.add.f32 [tilespmem:s22], [sflag:$0x3], $0x80, s9, s24, $0xb8;
	[tilespmem:$0x1D800] =	vst v63  }
0x2c3: {  	_ =	swait.ge [sflag:s23], $0x4000  }
0x2c4: {  	[sflag:s23] =	ssyncset.done $0x0  }
0x2c5: {  	s13 =	simm.s32 $0x600;
	[sflag:s23] =	ssyncadd.s32 $0xFFFFC000  }
0x2c6: {  	[tilespmem:s22], [sflag:$0x1] =	stream.indirect.gather [hbm4b:s4+s24], $0x80, s13, s24, $0xb8;
	[tilespmem:$0x1D800] =	vst v63  }
0x2c7: {  	_ =	swait.ge [sflag:s31], $0x4000  }
0x2c8: {  	[sflag:s31] =	ssyncset.done $0x0  }
0x2c9: {  	[sflag:s31] =	ssyncadd.s32 $0xFFFFC000  }
0x2ca: {  	[spmem:s1] =	stream.indirect.scatter.add.f32 [tilespmem:s25], [sflag:$0x3], $0x80, s10, s24, $0xb8;
	[tilespmem:$0x1D800] =	vst v63  }
0x2cb: {  	_ =	swait.ge [sflag:s23], $0x4000  }
0x2cc: {  	[sflag:s23] =	ssyncset.done $0x0  }
0x2cd: {  	s28 =	simm.s32 $0x680;
	[sflag:s23] =	ssyncadd.s32 $0xFFFFC000  }
0x2ce: {  	[tilespmem:s25], [sflag:$0x2] =	stream.indirect.gather [hbm4b:s4+s24], $0x80, s28, s24, $0xb8;
	[tilespmem:$0x1D800] =	vst v63  }
0x2cf: {  	_ =	swait.ge [sflag:s29], $0x4000  }
0x2d0: {  	[sflag:s29] =	ssyncset.done $0x0  }
0x2d1: {  	[sflag:s29] =	ssyncadd.s32 $0xFFFFC000  }
0x2d2: {  	[spmem:s1] =	stream.indirect.scatter.add.f32 [tilespmem:s22], [sflag:$0x3], $0x80, s11, s24, $0xb8;
	[tilespmem:$0x1D800] =	vst v63  }
0x2d3: {  	_ =	swait.ge [sflag:s23], $0x4000  }
0x2d4: {  	[sflag:s23] =	ssyncset.done $0x0  }
0x2d5: {  	s5 =	simm.s32 $0x700;
	[sflag:s23] =	ssyncadd.s32 $0xFFFFC000  }
0x2d6: {  	[tilespmem:s22], [sflag:$0x1] =	stream.indirect.gather [hbm4b:s4+s24], $0x80, s5, s24, $0xb8;
	[tilespmem:$0x1D800] =	vst v63  }
0x2d7: {  	_ =	swait.ge [sflag:s31], $0x4000  }
0x2d8: {  	[sflag:s31] =	ssyncset.done $0x0  }
0x2d9: {  	[sflag:s31] =	ssyncadd.s32 $0xFFFFC000  }
0x2da: {  	[spmem:s1] =	stream.indirect.scatter.add.f32 [tilespmem:s25], [sflag:$0x3], $0x80, s14, s24, $0xb8;
	[tilespmem:$0x1D800] =	vst v63  }
0x2db: {  	_ =	swait.ge [sflag:s23], $0x4000  }
0x2dc: {  	[sflag:s23] =	ssyncset.done $0x0  }
0x2dd: {  	[sflag:s23] =	ssyncadd.s32 $0xFFFFC000  }
0x2de: {  	[tilespmem:s25], [sflag:$0x2] =	stream.indirect.gather [hbm4b:s4+s24], $0x80, s21, s24, $0xb8;
	[tilespmem:$0x1D800] =	vst v63  }
0x2df: {  	_ =	swait.ge [sflag:s29], $0x4000  }
0x2e0: {  	[sflag:s29] =	ssyncset.done $0x0  }
0x2e1: {  	[sflag:s29] =	ssyncadd.s32 $0xFFFFC000  }
0x2e2: {  	[spmem:s1] =	stream.indirect.scatter.add.f32 [tilespmem:s22], [sflag:$0x3], $0x80, s17, s24, $0xb8;
	[tilespmem:$0x1D800] =	vst v63  }
0x2e3: {  	_ =	swait.ge [sflag:s23], $0x4000  }
0x2e4: {  	[sflag:s23] =	ssyncset.done $0x0  }
0x2e5: {  	[sflag:s23] =	ssyncadd.s32 $0xFFFFC000  }
0x2e6: {  	[tilespmem:s22], [sflag:$0x1] =	stream.indirect.gather [hbm4b:s4+s24], $0x80, s21, s24, $0xb8;
	[tilespmem:$0x1D800] =	vst v63  }
0x2e7: {  	_ =	swait.ge [sflag:s31], $0x4000  }
0x2e8: {  	[sflag:s31] =	ssyncset.done $0x0  }
0x2e9: {  	[sflag:s31] =	ssyncadd.s32 $0xFFFFC000  }
0x2ea: {  	[spmem:s1] =	stream.indirect.scatter.add.f32 [tilespmem:s25], [sflag:$0x3], $0x80, s18, s24, $0xb8;
	[tilespmem:$0x1D800] =	vst v63  }
0x2eb: {  	_ =	swait.ge [sflag:s23], $0x4000  }
0x2ec: {  	[sflag:s23] =	ssyncset.done $0x0  }
0x2ed: {  	[sflag:s23] =	ssyncadd.s32 $0xFFFFC000  }
0x2ee: {  	[tilespmem:s25], [sflag:$0x2] =	stream.indirect.gather [hbm4b:s4+s24], $0x80, s21, s24, $0xb8;
	[tilespmem:$0x1D800] =	vst v63  }
0x2ef: {  	_ =	swait.ge [sflag:s29], $0x4000  }
0x2f0: {  	[sflag:s29] =	ssyncset.done $0x0  }
0x2f1: {  	[sflag:s29] =	ssyncadd.s32 $0xFFFFC000  }
0x2f2: {  	_ =	swait.ge [sflag:s31], $0x4000  }
0x2f3: {  	[sflag:s31] =	ssyncset.done $0x0  }
0x2f4: {  	[sflag:s31] =	ssyncadd.s32 $0xFFFFC000  }
0x2f5: {  	s9 =	stileid.u32;
	[bflag:$0x0] =	sbarrier.arrive $0xFFFF  }
0x2f6: {  	s5 =	sshll.u32 s9, $0x6;
	s13 =	rddreg [dreg:$0x3]  }
0x2f7: {  	s5 =	sor.u32 $0x1C03, s5;
	s0 =	rddreg [dreg:$0x12];
	s28 =	sshrl.u32 s13, $0x3  }
0x2f8: {  	[hbm:s0], [sflag:s5] =	dma.local [spmem:s28], $0x2800  }
0x2f9: {  	_ =	swait.ge [sflag:s23], $0x2800  }
0x2fa: {  	s2 =	sadd.s32 $0x1, s2;
	s28 =	rddreg [dreg:$0x13]  }
0x2fb: {  	p0 =	sne.s32 s2, s28  }
.Ltmp1:
0x2fc: {  	_ = 	snop;
	(pc) =	sbr.rel @p0 .LBB2_1-.Ltmp1, $3  }
0x2fd: {  	_ =	sdelay $0x1  }
0x2fe: {  	[sflag:s23] =	ssyncset.done $0x0  }
0x2ff: {  	[sflag:s23] =	ssyncadd.s32 $0xFFFFD800  }
0x300: {  	_ =	sfence.sel $0x180000  }
0x301: {  	[bflag:$0x0] =	sbarrier.arrive $0xFFFF  }
0x302: {  	_ =	strace $0x9000004D  }
0x303: {  	s0 =	stileid.u32;
	[bflag:$0x2] =	sbarrier.arrive $0xFFFF  }
0x304: {  	p0 =	sne.s32 s0, $0x0;
	s0 =	rddreg [dreg:$0x2]  }
0x305: {  	s0 =	sadd.s32 @!p0 $0x100000, s0  }
0x306: {  	[sflag:s0] =	ssyncadd.tile.s32 @!p0 $0x1;
	_ =	shalt  }
.Lfunc_end2:
_tile_overlayer_lowered:
.L_overlay_start_2:
0x307: {  	(tag) =	ssettag $0x2  }
0x308: {  	s0 =	rddreg [dreg:$0x0];
	s2 =	stileid.u32  }
0x309: {  	s1 =	rddreg [dreg:$0x1];
	p0 =	sne.s32 s2, $0x0  }
0x30a: {  	s3 =	rddreg [dreg:$0x2];
	[bflag:$0x3] =	sbarrier.arrive $0xFFFF;
	s2 =	simm.s32 @!p0 $0x1C03  }
0x30b: {  	[timem:s3], [sflag:s2] =	dma.local @!p0 [hbm:s0], s1  }
0x30c: {  	s0 =	simm.s32 @!p0 $0x3  }
0x30d: {  	_ =	swait.ge @!p0 [sflag:s0], s1  }
0x30e: {  	s1 =	ssub.s32 @!p0 $0x0, s1;
	[sflag:s0] =	ssyncset.done @!p0 $0x0  }
0x30f: {  	[sflag:s0] =	ssyncadd.s32 @!p0 s1  }
0x310: {  	[bflag:$0x3] =	sbarrier.arrive $0xFFFF  }
0x311: {  	_ =	shalt  }

// kernel: kernel.8.cloned.1.call-start
scs
__scs_entry_jumppad:
0x0: {  	(pc) =	sbr.rel $0x88, $3  }
0x1: {  	(tag) =	ssettag $0x0;
	lr =	simm.s32 $0x1  }
0x2: {  	[smem:$0x3F94] =	sst lr;
	_ =	strace $0xD0000000  }
0x3: {  	_ = 	snop  }
0x4: {  	_ = 	snop  }
0x5: {  	_ = 	snop  }
0x6: {  	_ = 	snop  }
0x7: {  	_ = 	snop  }
__scs_overlays_trampoline_lowered:
0x8: {  	[smem:$0x3FA3] =	sst s0  }
0x9: {  	[smem:$0x3FA4] =	sst s1  }
0xa: {  	[smem:$0x3FA5] =	sst s2  }
0xb: {  	[smem:$0x3FA6] =	sst s3  }
0xc: {  	[smem:$0x3FA7] =	sst s4  }
0xd: {  	[smem:$0x3FA8] =	sst s5  }
0xe: {  	[smem:$0x3FA9] =	sst s6  }
0xf: {  	[smem:$0x3FAA] =	sst s7  }
0x10: {  	[smem:$0x3FAB] =	sst s8  }
0x11: {  	[smem:$0x3FAC] =	sst s9;
	s0 =	simm.s32 @!p0 $0x0  }
0x12: {  	s1 =	sld [smem:$0x3F92];
	s0 =	simm.s32 @p0 $0x1  }
0x13: {  	[smem:$0x3FAD] =	sst s0;
	s0 =	simm.s32 @!p1 $0x0  }
0x14: {  	s2 =	sld [smem:$0x3F91];
	s0 =	simm.s32 @p1 $0x1  }
0x15: {  	[smem:$0x3FAE] =	sst s0;
	s0 =	simm.s32 @!p2 $0x0  }
0x16: {  	s3 =	sld [smem:$0x3FDB];
	s0 =	simm.s32 @p2 $0x1  }
0x17: {  	s4 =	simm.s32 $0x1BF5;
	[smem:$0x3FB0] =	sst s0  }
0x18: {  	s0 =	sld [smem:$0x3F93];
	_ =	swait.ge [sflag:s4], $0x0  }
0x19: {  	s7 =	sld [smem:$0x3F94]  }
0x1a: {  	s8 =	sadd.s32 $0xFFFFE003, lr  }
0x1b: {  	s9 =	sadd.s32 $0xFFFFFEF7, lr;
	s5 =	simm.s32 $0xFFFFFFFF;
	p2 =	slt.u32 s8, $0xFFFFF086  }
0x1c: {  	p1 =	slt.u32 s9, $0xF7A;
	s5 =	simm.s32 @!p2 $0x0  }
0x1d: {  	s5 =	simm.s32 @p1 $0x1;
	p0 =	seq.s32 s7, s2  }
0x1e: {  	s7 =	smul.u32 @!p0 $0xF7A, s2;
	p2 =	seq.s32 @!p0 s5, $0x0  }
0x1f: {  	s9 =	smul.u32 $0xF7A, s1;
	s8 =	simm.s32 @!p0 $0x1BF5;
	p2 =	por !p2, p0  }
0x20: {  	[sflag:s8] =	ssyncset.s32 @!p0 $0xFFFFF086;
	s6 =	sadd.s32 @!p0 s3, s7;
	s7 =	simm.s32 @!p0 $0x108  }
0x21: {  	s3 =	sadd.s32 s3, s9;
	s6 =	sadd.s32 @!p0 $0x88, s6;
	s7 =	simm.s32 @p2 $0x1082  }
0x22: {  	[simem:s7], [sflag:s8] =	dma.local @!p0 [hbm:s6], $0xF7A  }
0x23: {  	s9 =	sor.u32 $0xD0000000, s2;
	s6 =	simm.s32 $0x108;
	_ =	swait.ge @!p0 [sflag:s8], $0x0  }
0x24: {  	s3 =	sadd.s32 $0x88, s3;
	s6 =	simm.s32 @!p1 $0x1082;
	[sflag:s4] =	ssyncset.s32 $0xFFFFF086  }
0x25: {  	[simem:s6], [sflag:s4] =	dma.local [hbm:s3], $0xF7A  }
0x26: {  	[smem:$0x3F94] =	sst s1;
	(tag) =	ssettag s2;
	_ =	strace s9  }
0x27: {  	s1 =	sld [smem:$0x3FA4]  }
0x28: {  	s2 =	sld [smem:$0x3FA5]  }
0x29: {  	s4 =	sld [smem:$0x3FA7]  }
0x2a: {  	p0 =	seq.s32 s5, $0x0;
	s5 =	sld [smem:$0x3FA8]  }
0x2b: {  	s6 =	sld [smem:$0x3FA9]  }
0x2c: {  	s7 =	sld [smem:$0x3FAA]  }
0x2d: {  	s3 =	simm.s32 $0x108;
	s8 =	sld [smem:$0x3FAB]  }
0x2e: {  	s3 =	simm.s32 @!p0 $0x1082;
	s9 =	sld [smem:$0x3FAC]  }
0x2f: {  	lr =	sadd.s32 s0, s3;
	s0 =	sld [smem:$0x3FA3]  }
0x30: {  	s3 =	sld [smem:$0x3FA6]  }
0x31: {  	[smem:$0x3FAF] =	sst s10  }
0x32: {  	s10 =	sld [smem:$0x3FAD];
	_ =	sdelay $0x3  }
0x33: {  	p0 =	seq.s32 s10, $0x1;
	s10 =	sld [smem:$0x3FAF];
	_ =	sdelay $0x3  }
0x34: {  	[smem:$0x3FAF] =	sst s10  }
0x35: {  	s10 =	sld [smem:$0x3FAE];
	_ =	sdelay $0x3  }
0x36: {  	p1 =	seq.s32 s10, $0x1;
	s10 =	sld [smem:$0x3FAF];
	_ =	sdelay $0x3  }
0x37: {  	[smem:$0x3FAF] =	sst s10  }
0x38: {  	s10 =	sld [smem:$0x3FB0]  }
0x39: {  	_ = 	snop;
	(pc) =	sbr.ind lr, $3  }
0x3a: {  	_ = 	snop  }
0x3b: {  	_ = 	snop  }
0x3c: {  	p2 =	seq.s32 s10, $0x1;
	s10 =	sld [smem:$0x3FAF]  }
0x3d: {  	_ =	shalt  }
0x3e: {  	_ =	shalt  }
0x3f: {  	_ =	shalt  }
0x40: {  	_ =	shalt  }
0x41: {  	_ =	shalt  }
0x42: {  	_ =	shalt  }
0x43: {  	_ =	shalt  }
0x44: {  	_ =	shalt  }
0x45: {  	_ =	shalt  }
0x46: {  	_ =	shalt  }
0x47: {  	_ =	shalt  }
0x48: {  	_ =	shalt  }
0x49: {  	_ =	shalt  }
0x4a: {  	_ =	shalt  }
0x4b: {  	_ =	shalt  }
0x4c: {  	_ =	shalt  }
0x4d: {  	_ =	shalt  }
0x4e: {  	_ =	shalt  }
0x4f: {  	_ =	shalt  }
0x50: {  	_ =	shalt  }
0x51: {  	_ =	shalt  }
0x52: {  	_ =	shalt  }
0x53: {  	_ =	shalt  }
0x54: {  	_ =	shalt  }
0x55: {  	_ =	shalt  }
0x56: {  	_ =	shalt  }
0x57: {  	_ =	shalt  }
0x58: {  	_ =	shalt  }
0x59: {  	_ =	shalt  }
0x5a: {  	_ =	shalt  }
0x5b: {  	_ =	shalt  }
0x5c: {  	_ =	shalt  }
0x5d: {  	_ =	shalt  }
0x5e: {  	_ =	shalt  }
0x5f: {  	_ =	shalt  }
0x60: {  	_ =	shalt  }
0x61: {  	_ =	shalt  }
0x62: {  	_ =	shalt  }
0x63: {  	_ =	shalt  }
0x64: {  	_ =	shalt  }
0x65: {  	_ =	shalt  }
0x66: {  	_ =	shalt  }
0x67: {  	_ =	shalt  }
0x68: {  	_ =	shalt  }
0x69: {  	_ =	shalt  }
0x6a: {  	_ =	shalt  }
0x6b: {  	_ =	shalt  }
0x6c: {  	_ =	shalt  }
0x6d: {  	_ =	shalt  }
0x6e: {  	_ =	shalt  }
0x6f: {  	_ =	shalt  }
0x70: {  	_ =	shalt  }
0x71: {  	_ =	shalt  }
0x72: {  	_ =	shalt  }
0x73: {  	_ =	shalt  }
0x74: {  	_ =	shalt  }
0x75: {  	_ =	shalt  }
0x76: {  	_ =	shalt  }
0x77: {  	_ =	shalt  }
0x78: {  	_ =	shalt  }
0x79: {  	_ =	shalt  }
0x7a: {  	_ =	shalt  }
0x7b: {  	_ =	shalt  }
0x7c: {  	_ =	shalt  }
0x7d: {  	_ =	shalt  }
0x7e: {  	_ =	shalt  }
0x7f: {  	_ =	shalt  }
0x80: {  	_ =	shalt  }
0x81: {  	_ =	shalt  }
0x82: {  	_ =	shalt  }
0x83: {  	_ =	shalt  }
0x84: {  	_ =	shalt  }
0x85: {  	_ =	shalt  }
0x86: {  	_ =	shalt  }
0x87: {  	_ =	shalt  }
.Lfunc_end0:
.L_simem_size_0:
called_computation_lowered:
.L_overlay_start_0:
0x88: {  	s2 =	sld [smem:$0x3FD9]  }
0x89: {  	s3 =	sld [smem:$0x3FFE];
	_ =	sdelay $0x1  }
0x8a: {  	s1 =	srdreg.scid  }
0x8b: {  	s0 =	sand.u32 $0x1, s1  }
0x8c: {  	s16 =	sshll.u32 s0, $0xA;
	s2 =	sadd.s32 s3, s2  }
0x8d: {  	s2 =	sadd.s32 s2, s16  }
0x8e: {  	[smem:$0x3FBB] =	sst s2  }
0x8f: {  	_ = 	snop  }
0x90: {  	(tm) =	ssettm $0x1  }
0x91: {  	s17 =	sld [smem:$0x3FFB];
	_ =	sdelay $0x3  }
0x92: {  	_ =	strace s17  }
0x93: {  	s2 =	sld [smem:$0x3FFC];
	_ =	sdelay $0x3  }
0x94: {  	_ =	strace s2  }
0x95: {  	s2 =	sld [smem:$0x3FFD];
	_ =	sdelay $0x3  }
0x96: {  	_ =	strace s2  }
0x97: {  	_ =	strace $0x8FFFFFFF  }
0x98: {  	s18 =	sld [smem:$0x3FDB];
	_ =	sdelay $0x1  }
0x99: {  	s19 =	simm.s32 $_scs_section_size  }
0x9a: {  	s4 =	simm.s32 $_size__tile_overlayer_lowered;
	s5 =	simm.s32 $_tile_overlayer_lowered  }
0x9b: {  	s22 =	simm.s32 $0x1BFF;
	s21 =	sshll.u32 s5, $0x1;
	s2 =	sadd.s32 s19, s18  }
0x9c: {  	s6 =	simm.s32 $0x0;
	s20 =	sshll.u32 s4, $0x1;
	s4 =	sadd.s32 s21, s2  }
0x9d: {  	[timem:s6], [sflag:s22] =	dma.local [hbm:s4], s20  }
0x9e: {  	_ =	swait.ge [sflag:s22], s20  }
0x9f: {  	s3 =	ssub.s32 $0x0, s20;
	[sflag:s22] =	ssyncset.done $0x0  }
0xa0: {  	[sflag:s22] =	ssyncadd.s32 s3;
	_ =	sdelay $0x1  }
0xa1: {  	s23 =	simm.s32 $0x1B8B  }
0xa2: {  	_ =	swait.ge [sflag:s23], $0x1  }
0xa3: {  	[sflag:s23] =	ssyncset.done $0x0  }
0xa4: {  	s25 =	simm.s32 $0x1B8E;
	s24 =	sld [smem:$0x3FFE];
	[sflag:s23] =	ssyncadd.s32 $0xFFFFFFFF  }
0xa5: {  	s26 =	simm.s32 $execute0_lowered;
	[smem:$0x3FD2] =	sst s25  }
0xa6: {  	s4 =	sshll.u32 s26, $0x1;
	_ =	strace $0x80000046;
	[dreg:$0x1] =	wrdreg $0xFFFFFFFF  }
0xa7: {  	s28 =	simm.s32 $_size_execute0_lowered;
	s2 =	sadd.s32 s2, s4;
	[dreg:$0x0] =	wrdreg $0x0  }
0xa8: {  	s4 =	sshll.u32 s28, $0x1;
	[dreg:$0x2] =	wrdreg s2  }
0xa9: {  	[dreg:$0x3] =	wrdreg s4  }
0xaa: {  	[dreg:$0x4] =	wrdreg $0xC0  }
0xab: {  	_ =	task [dreg:s6], $0x5FFFF  }
0xac: {  	[dreg:$0x1] =	wrdreg $0xFFFFFFFF  }
0xad: {  	[dreg:$0x0] =	wrdreg $0x60  }
0xae: {  	[dreg:$0x2] =	wrdreg s24  }
0xaf: {  	[dreg:$0x3] =	wrdreg $0x2B000  }
0xb0: {  	[dreg:$0x4] =	wrdreg $0x9  }
0xb1: {  	_ =	task.clear_ibuf [dreg:s6], $0x5FFFF;
	_ =	strace $0x90000046  }
0xb2: {  	s29 =	simm.s32 $0x9;
	_ =	strace $0x80000048  }
0xb3: {  	_ =	swait.ge [sflag:s29], $0x1  }
0xb4: {  	[sflag:s29] =	ssyncadd.s32 $0xFFFFFFFF  }
0xb5: {  	_ =	strace $0x90000048  }
0xb6: {  	_ =	sfence  }
0xb7: {  	s30 =	sld [smem:$0x0];
	_ =	sdelay $0x2  }
0xb8: {  	s31 =	sshll.u32 s1, $0xD;
	s1 =	sshrl.u32 s1, $0x2  }
0xb9: {  	s3 =	sand.u32 $0x4000, s31;
	s1 =	sadd.s32 s1, s30  }
0xba: {  	s0 =	sor.u32 s3, s0;
	s1 =	sshll.u32 s1, $0x11  }
0xbb: {  	s0 =	sor.u32 s1, s0  }
0xbc: {  	s0 =	sadd.s32 $0x8F2B, s0  }
0xbd: {  	[sflag:s0] =	ssyncadd.remote.s32 $0x1  }
0xbe: {  	_ =	sfence.sel $0xFFFF  }
0xbf: {  	[dreg:$0x0] =	wrdreg $0xFFFFFFFF;
	(pc) =	sbr.abs _section_cstart, $3  }
0xc0: {  	[dreg:$0x1] =	wrdreg $0xFFFFFFFF  }
0xc1: {  	_ =	task.clear_ibuf [dreg:s6], $0x2FFFF;
	_ =	strace $0x9FFFFFFF  }
0xc2: {  	(tm) =	ssettm $0x7FFFFFFF  }
0xc3: {  	_ =	shalt  }
tec
execute0_lowered:
.L_overlay_start_1:
0x0: {  	(tag) =	ssettag $0x1  }
0x1: {  	s4 =	rddreg [dreg:$0x0]  }
0x2: {  	s2 =	rddreg [dreg:$0x1]  }
0x3: {  	s3 =	srdreg.scid;
	s1 =	stileid.u32  }
0x4: {  	s0 =	rddreg [dreg:$0x2];
	s10 =	simm.s32 $0x80;
	s11 =	simm.s32 $0x2800  }
0x5: {  	s14 =	simm.s32 $0x20;
	s15 =	simm.s32 $0x10;
	s16 =	simm.s32 $0x0  }
0x6: {  	s5 =	sand.u32 $0x1, s3;
	s6 =	sshll.u32 s1, $0x1;
	s7 =	smul.u32 $0x500, s1  }
0x7: {  	s3 =	simm.s32 $0x0;
	s30 =	smul.u32 $0xA00, s1;
	s12 =	sshll.u32 s1, $0x6  }
0x8: {  	s6 =	sor.u32 s5, s6;
	[smem:$0x7FF] =	sst s3;
	s8 =	sshll.u32 s5, $0x7  }
0x9: {  	s5 =	ssub.s32 $0x2, s5;
	s12 =	sor.u32 $0x1C01, s12;
	s6 =	smul.u32 $0x500, s6  }
0xa: {  	_ =	strace $0x80000047;
	s7 =	sor.u32 s8, s7;
	s31 =	sshrl.u32 s5, $0x1  }
0xb: {  	s8 =	sshrl.u32 s30, $0x2;
	s7 =	sshrl.u32 s7, $0x3;
	s9 =	ssub.s32 s5, s31  }
0xc: {  	s6 =	sadd.s32 s6, s4;
	s7 =	sadd.s32 s7, s4;
	s4 =	sadd.s32 s8, s2  }
0xd: {  	s8 =	simm.s32 $0x2880;
	s5 =	sadd.s32 $0x3200, s6;
	s6 =	sadd.s32 $0x17200, s7  }
0xe: {  	v0 =	vimm.f32 $0.0e+00;
	v1 =	vimm.f32 $1.000000000e+00;
	s7 =	smax.u32 s9, $0x1;
	s9 =	simm.s32 $0x1;
	s13 =	sshrl.u32 s4, $0x3  }
.LBB2_1:
0xf: {  	[tilespmem:$0x2880] =	vst v0  }
0x10: {  	[tilespmem:$0x2890] =	vst v0  }
0x11: {  	[tilespmem:$0x28A0] =	vst v0  }
0x12: {  	[tilespmem:$0x28B0] =	vst v0  }
0x13: {  	[tilespmem:$0x28C0] =	vst v0  }
0x14: {  	[tilespmem:$0x28D0] =	vst v0  }
0x15: {  	[tilespmem:$0x28E0] =	vst v0  }
0x16: {  	[tilespmem:$0x28F0] =	vst v0  }
0x17: {  	[tilespmem:$0x2900] =	vst v0  }
0x18: {  	[tilespmem:$0x2910] =	vst v0  }
0x19: {  	[tilespmem:$0x2920] =	vst v0  }
0x1a: {  	[tilespmem:$0x2930] =	vst v0  }
0x1b: {  	[tilespmem:$0x2940] =	vst v0  }
0x1c: {  	[tilespmem:$0x2950] =	vst v0  }
0x1d: {  	[tilespmem:$0x2960] =	vst v0  }
0x1e: {  	[tilespmem:$0x2970] =	vst v0  }
0x1f: {  	[tilespmem:$0x2980] =	vst v0  }
0x20: {  	[tilespmem:$0x2990] =	vst v0  }
0x21: {  	[tilespmem:$0x29A0] =	vst v0  }
0x22: {  	[tilespmem:$0x29B0] =	vst v0  }
0x23: {  	[tilespmem:$0x29C0] =	vst v0  }
0x24: {  	[tilespmem:$0x29D0] =	vst v0  }
0x25: {  	[tilespmem:$0x29E0] =	vst v0  }
0x26: {  	[tilespmem:$0x29F0] =	vst v0  }
0x27: {  	[tilespmem:$0x2A00] =	vst v0  }
0x28: {  	[tilespmem:$0x2A10] =	vst v0  }
0x29: {  	[tilespmem:$0x2A20] =	vst v0  }
0x2a: {  	[tilespmem:$0x2A30] =	vst v0  }
0x2b: {  	[tilespmem:$0x2A40] =	vst v0  }
0x2c: {  	[tilespmem:$0x2A50] =	vst v0  }
0x2d: {  	[tilespmem:$0x2A60] =	vst v0  }
0x2e: {  	[tilespmem:$0x2A70] =	vst v0  }
0x2f: {  	[tilespmem:$0x2A80] =	vst v0  }
0x30: {  	[tilespmem:$0x2A90] =	vst v0  }
0x31: {  	[tilespmem:$0x2AA0] =	vst v0  }
0x32: {  	[tilespmem:$0x2AB0] =	vst v0  }
0x33: {  	[tilespmem:$0x2AC0] =	vst v0  }
0x34: {  	[tilespmem:$0x2AD0] =	vst v0  }
0x35: {  	[tilespmem:$0x2AE0] =	vst v0  }
0x36: {  	[tilespmem:$0x2AF0] =	vst v0  }
0x37: {  	[tilespmem:$0x2800] =	vst v1  }
0x38: {  	[tilespmem:$0x2810] =	vst v1  }
0x39: {  	[tilespmem:$0x2820] =	vst v1  }
0x3a: {  	[tilespmem:$0x2830] =	vst v1  }
0x3b: {  	[tilespmem:$0x2840] =	vst v1  }
0x3c: {  	[tilespmem:$0x2850] =	vst v1  }
0x3d: {  	[tilespmem:$0x2860] =	vst v1  }
0x3e: {  	[tilespmem:$0x2870] =	vst v1  }
0x3f: {  	[spmem:s4] =	stream.linear.scatter [tilespmem:s8], [sflag:$0x1], $0x280, $0x38;
	[tilespmem:$0x2D80] =	vst v63  }
0x40: {  	_ =	swait.ge [sflag:s9], $0x280  }
0x41: {  	[sflag:s9] =	ssyncset.done $0x0  }
0x42: {  	[sflag:s9] =	ssyncadd.s32 $0xFFFFFD80  }
0x43: {  	[tilespmem:s3], [sflag:$0x1] =	stream.linear.gather [hbm4b:s5+s3], $0x2800, $0x38;
	[tilespmem:$0x2D80] =	vst v63  }
0x44: {  	_ =	swait.ge [sflag:s9], $0x2800  }
0x45: {  	[sflag:s9] =	ssyncset.done $0x0  }
0x46: {  	[sflag:s9] =	ssyncadd.s32 $0xFFFFD800  }
0x47: {  	s17 =	simm.s32 $0x0;
	[bflag:$0x0] =	sbarrier.arrive $0xFFFF  }
0x48: {  	[spmem:s2] =	stream.indirect.scatter.add.f32 [tilespmem:s11], [sflag:$0x1], $0x1, s17, s10, $0xb8;
	[tilespmem:$0x2D80] =	vst v63  }
0x49: {  	_ =	swait.ge [sflag:s9], $0x80  }
0x4a: {  	s17 =	simm.s32 $0x200;
	[sflag:s9] =	ssyncset.done $0x0  }
.LBB2_2:
0x4b: {  	s18 =	sshra.s32 s17, $0x2;
	[sflag:s9] =	ssyncadd.s32 $0xFFFFFF80;
	p0 =	sne.s32 s17, $0x9E00  }
0x4c: {  	[spmem:s2] =	stream.indirect.scatter.add.f32 [tilespmem:s11], [sflag:$0x1], $0x1, s18, s10, $0xb8;
	[tilespmem:$0x2D80] =	vst v63  }
.Ltmp0:
0x4d: {  	_ = 	snop;
	(pc) =	sbr.rel @p0 .LBB2_2-.Ltmp0, $4  }
0x4e: {  	_ = 	snop  }
0x4f: {  	s17 =	sadd.s32 $0x200, s17  }
0x50: {  	_ =	swait.ge [sflag:s9], $0x80  }
0x51: {  	[sflag:s9] =	ssyncset.done $0x0  }
0x52: {  	s16 =	sadd.s32 $0x1, s16  }
0x53: {  	[sflag:s9] =	ssyncadd.s32 $0xFFFFFF80;
	p0 =	sne.s32 s16, s7  }
.Ltmp1:
0x54: {  	[bflag:$0x0] =	sbarrier.arrive $0xFFFF;
	(pc) =	sbr.rel @p0 .LBB2_1-.Ltmp1, $4  }
0x55: {  	[hbm:s6@s14], [sflag:s12] =	dma.strided [spmem:s13@s15], $0x50, s9, $0x10   }
0x56: {  	_ =	swait.ge [sflag:s9], $0x50  }
0x57: {  	[sflag:s9] =	ssyncset.done $0x0  }
0x58: {  	[sflag:s9] =	ssyncadd.s32 $0xFFFFFFB0  }
0x59: {  	_ =	sfence.sel $0x180000  }
0x5a: {  	[bflag:$0x0] =	sbarrier.arrive $0xFFFF  }
0x5b: {  	p0 =	sne.s32 s1, $0x0;
	_ =	strace $0x90000047  }
0x5c: {  	s0 =	sadd.s32 @!p0 $0x100000, s0;
	[bflag:$0x2] =	sbarrier.arrive $0xFFFF  }
0x5d: {  	[sflag:s0] =	ssyncadd.tile.s32 @!p0 $0x1;
	_ =	shalt  }
.Lfunc_end2:
_tile_overlayer_lowered:
.L_overlay_start_2:
0x5e: {  	(tag) =	ssettag $0x2  }
0x5f: {  	s0 =	rddreg [dreg:$0x0];
	s2 =	stileid.u32  }
0x60: {  	s1 =	rddreg [dreg:$0x1];
	p0 =	sne.s32 s2, $0x0  }
0x61: {  	s3 =	rddreg [dreg:$0x2];
	[bflag:$0x3] =	sbarrier.arrive $0xFFFF;
	s2 =	simm.s32 @!p0 $0x1C01  }
0x62: {  	[timem:s3], [sflag:s2] =	dma.local @!p0 [hbm:s0], s1  }
0x63: {  	s0 =	simm.s32 @!p0 $0x1  }
0x64: {  	_ =	swait.ge @!p0 [sflag:s0], s1  }
0x65: {  	s1 =	ssub.s32 @!p0 $0x0, s1;
	[sflag:s0] =	ssyncset.done @!p0 $0x0  }
0x66: {  	[sflag:s0] =	ssyncadd.s32 @!p0 s1  }
0x67: {  	[bflag:$0x3] =	sbarrier.arrive $0xFFFF  }
0x68: {  	_ =	shalt  }

</sc_bundles>
